<compile_context>
chip_gen: v7x
topology: tpu7x:2x2x1
jax: 0.10.2.dev20260603
libtpu: 0.0.44.dev20260713+nightly
codegen_flags: <defaults>
</compile_context>

<pallas_src>
import functools

import jax
import jax.numpy as jnp
from jax import lax
from jax.experimental import pallas as pl
from jax.experimental.pallas import tpu as pltpu
from jax.experimental.pallas import tpu_sc as plsc




_ROWS = 16


def _topk_body(k, s_ref, o_ref):
    blk = s_ref[...]
    n = blk.shape[1]
    blk_t = jnp.transpose(blk, (1, 0))
    ii = lax.broadcasted_iota(jnp.int32, (n, n), 0)
    jj = lax.broadcasted_iota(jnp.int32, (n, n), 1)
    jlt = jj < ii
    rr = lax.broadcasted_iota(jnp.int32, (n, k), 1)
    ivals = lax.broadcasted_iota(jnp.int32, (n, k), 0)
    for r in range(_ROWS):
        row = blk[r:r + 1, :]
        col = blk_t[:, r:r + 1]
        win = (row > col) | ((row == col) & jlt)
        rank = jnp.sum(win.astype(jnp.int32), axis=1, keepdims=True)
        onehot = rank == rr
        o_ref[r:r + 1, :] = jnp.sum(
            jnp.where(onehot, ivals, 0), axis=0, keepdims=True)


def _topk_indices(scores, k):
    b, n = scores.shape
    return pl.pallas_call(
        functools.partial(_topk_body, k),
        grid=(b // _ROWS,),
        in_specs=[pl.BlockSpec((_ROWS, n), lambda i: (i, 0))],
        out_specs=pl.BlockSpec((_ROWS, k), lambda i: (i, 0)),
        out_shape=jax.ShapeDtypeStruct((b, k), jnp.int32),
    )(scores)



_CHUNK = 64


def _sc_gather_add(idx, patches_flat, pos_table, k, d):
    b, _ = idx.shape
    n_pos = pos_table.shape[0]
    n_chunks = k // _CHUNK
    mesh = plsc.VectorSubcoreMesh(core_axis_name="c", subcore_axis_name="s")

    @functools.partial(
        pl.kernel,
        mesh=mesh,
        out_type=jax.ShapeDtypeStruct((b * k, d), jnp.float32),
        scratch_types=[
            pltpu.VMEM((k,), jnp.int32),
            pltpu.VMEM((n_chunks, _CHUNK), jnp.int32),
            pltpu.VMEM((n_chunks, _CHUNK), jnp.int32),
            pltpu.VMEM((_CHUNK, d), jnp.float32),
            pltpu.VMEM((_CHUNK, d), jnp.float32),
            pltpu.SemaphoreType.DMA,
            pltpu.SemaphoreType.DMA,
            pltpu.SemaphoreType.DMA,
            pltpu.SemaphoreType.DMA,
        ],
    )
    def sc_kernel(idx_hbm, patches_hbm, pos_hbm, out_hbm,
                  idxrow_v, fidx_v, pidx_v, pbuf, qbuf, sp, sq, sw1, sw2):
        half = _CHUNK // 2
        sid = lax.axis_index("s")
        wid = sid * 2 + lax.axis_index("c")

        pltpu.sync_copy(idx_hbm.at[wid], idxrow_v)
        base = wid * 1024
        for c in range(k // 16):
            v = idxrow_v[pl.ds(c * 16, 16)]
            g = c // (_CHUNK // 16)
            r = (c % (_CHUNK // 16)) * 16
            fidx_v[g, pl.ds(r, 16)] = v + base
            pidx_v[g, pl.ds(r, 16)] = v + 1

        def start_p(g):
            cp = pltpu.make_async_copy(patches_hbm.at[fidx_v.at[g]], pbuf, sp)
            cp.start()
            return cp

        def start_q(g):
            cq = pltpu.make_async_copy(pos_hbm.at[pidx_v.at[g]], qbuf, sq)
            cq.start()
            return cq

        for g in range(n_chunks):
            cp = start_p(g)
            cq = start_q(g)
            cp.wait()
            cq.wait()

            def body(r, carry):
                for c in range(d // 16):
                    sl = pl.ds(c * 16, 16)
                    plsc.addupdate(pbuf.at[r, sl], qbuf[r, sl])
                return carry

            lax.fori_loop(0, _CHUNK, body, 0)
            pltpu.sync_copy(pbuf, out_hbm.at[pl.ds(wid * k + g * _CHUNK, _CHUNK)])

    return sc_kernel(idx, patches_flat, pos_table)




def kernel(magno_patches, vit_positional_embedding, scores):
    b, n, d = magno_patches.shape
    k = n // 4
    idx = _topk_indices(scores, k)
    patches_flat = magno_patches.reshape(b * n, d)
    pos_table = vit_positional_embedding.reshape(n + 1, d)
    out = _sc_gather_add(idx, patches_flat, pos_table, k, d)
    return out.reshape(b, k, d)

# --- scband reference (transcript-rebuilt; emitter-appended) ---
"""Pipeline reference for scband-top-kpatch-selector-44470091382864 (READ-ONLY COPY).

The authoritative reference and input builder live on the scoring server;
editing this copy changes nothing except your own understanding.
"""

import jax, jax.numpy as jnp
import numpy as np

PATCH_PERCENTAGE = 0.25


def setup_inputs(seed: int = 0) -> dict:
    key = jax.random.key(seed)
    k1, k2, k3 = jax.random.split(key, 3)
    magno_patches = jax.random.normal(k1, (32, 1024, 768), dtype=jnp.float32)
    vit_positional_embedding = jax.random.normal(k2, (1, 1025, 768), dtype=jnp.float32)
    scores = jax.random.normal(k3, (32, 1024), dtype=jnp.float32)
    return {
        "magno_patches": magno_patches,
        "vit_positional_embedding": vit_positional_embedding,
        "scores": scores,
    }


def reference(magno_patches, vit_positional_embedding, scores):
    B, N, D = magno_patches.shape
    k = int(N * PATCH_PERCENTAGE)
    # top-k patch indices per batch element
    _, top_k_indices = jax.lax.top_k(scores, k)  # (B, k)
    idx = top_k_indices[:, :, None]  # (B, k, 1)
    # gather selected patches
    selected_patches = jnp.take_along_axis(
        magno_patches, jnp.broadcast_to(idx, (B, k, D)), axis=1
    )
    # drop the CLS positional embedding, gather pos embeds at same indices
    pos_embed_patches = vit_positional_embedding[:, 1:, :]  # (1, N, E)
    E = pos_embed_patches.shape[-1]
    pos_b = jnp.broadcast_to(pos_embed_patches, (B, N, E))
    selected_pos_embed = jnp.take_along_axis(
        pos_b, jnp.broadcast_to(idx, (B, k, E)), axis=1
    )
    return selected_patches + selected_pos_embed

if __name__ == "__main__":
    import jax
    _d = setup_inputs()
    print(jax.jit(kernel)(*tuple(_d.values())))

</pallas_src>

<mosaic_0001>
#map = affine_map<(d0, d1) -> (0, 0)>
module attributes {stable_mosaic.version = 14 : i64} {
  func.func @sc_kernel(%arg0: i32, %arg1: i32, %arg2: memref<32x256xi32, #tpu.memory_space<hbm>>, %arg3: memref<32768x768xf32, #tpu.memory_space<hbm>>, %arg4: memref<1025x768xf32, #tpu.memory_space<hbm>>, %arg5: memref<8192x768xf32, #tpu.memory_space<hbm>>, %arg6: memref<256xi32, #tpu.memory_space<vmem>>, %arg7: memref<4x64xi32, #tpu.memory_space<vmem>>, %arg8: memref<4x64xi32, #tpu.memory_space<vmem>>, %arg9: memref<64x768xf32, #tpu.memory_space<vmem>>, %arg10: memref<64x768xf32, #tpu.memory_space<vmem>>, %arg11: memref<!tpu.dma_semaphore, #tpu.memory_space<semaphore_mem>>, %arg12: memref<!tpu.dma_semaphore, #tpu.memory_space<semaphore_mem>>, %arg13: memref<!tpu.dma_semaphore, #tpu.memory_space<semaphore_mem>>, %arg14: memref<!tpu.dma_semaphore, #tpu.memory_space<semaphore_mem>>) attributes {dimension_semantics = [#tpu.dimension_semantics<core_parallel>, #tpu.dimension_semantics<subcore_parallel>], iteration_bounds = array<i64: 2, 16>, scalar_prefetch = 0 : i64, scratch_operands = 9 : i64, tpu.core_type = #tpu.core_type<sc_vector_subcore>, window_params = [{transform_indices = #map}, {transform_indices = #map}, {transform_indices = #map}, {transform_indices = #map}]} {
    %mul3A = arith.constant 2 : i32
    %mul3A_0 = arith.muli %arg1, %mul3A : i32
    %add3A = arith.addi %mul3A_0, %arg0 : i32
    "tpu.region"() ({
      %run_scoped3A = tpu.sem_alloc : memref<!tpu.dma_semaphore, #tpu.memory_space<semaphore_mem>>
      %dma_start3A_470 = arith.constant 0 : i32
      %dma_start3A_471 = tpu.memref_slice %arg2[%add3A, %dma_start3A_470] : memref<32x256xi32, #tpu.memory_space<hbm>> -> memref<1x256xi32, #tpu.memory_space<hbm>>
      %dma_start3A_472 = tpu.memref_squeeze %dma_start3A_471 : memref<1x256xi32, #tpu.memory_space<hbm>> -> memref<256xi32, #tpu.memory_space<hbm>>
      %dma_start3A_473 = arith.constant 0 : i32
      %dma_start3A_474 = tpu.memref_slice %arg2[%add3A, %dma_start3A_473] : memref<32x256xi32, #tpu.memory_space<hbm>> -> memref<1x256xi32, #tpu.memory_space<hbm>>
      %dma_start3A_475 = tpu.memref_squeeze %dma_start3A_474 : memref<1x256xi32, #tpu.memory_space<hbm>> -> memref<256xi32, #tpu.memory_space<hbm>>
      tpu.enqueue_dma source(%dma_start3A_475 : memref<256xi32, #tpu.memory_space<hbm>>) target(%arg6 : memref<256xi32, #tpu.memory_space<vmem>>) target_semaphore(%run_scoped3A : memref<!tpu.dma_semaphore, #tpu.memory_space<semaphore_mem>>)
      %dma_wait3A_476 = arith.constant 0 : i32
      %dma_wait3A_477 = tpu.memref_slice %arg2[%add3A, %dma_wait3A_476] : memref<32x256xi32, #tpu.memory_space<hbm>> -> memref<1x256xi32, #tpu.memory_space<hbm>>
      %dma_wait3A_478 = tpu.memref_squeeze %dma_wait3A_477 : memref<1x256xi32, #tpu.memory_space<hbm>> -> memref<256xi32, #tpu.memory_space<hbm>>
      %dma_wait3A_479 = arith.constant 0 : i32
      %dma_wait3A_480 = tpu.memref_slice %arg2[%add3A, %dma_wait3A_479] : memref<32x256xi32, #tpu.memory_space<hbm>> -> memref<1x256xi32, #tpu.memory_space<hbm>>
      %dma_wait3A_481 = tpu.memref_squeeze %dma_wait3A_480 : memref<1x256xi32, #tpu.memory_space<hbm>> -> memref<256xi32, #tpu.memory_space<hbm>>
      tpu.wait_dma2 semaphore(%run_scoped3A : memref<!tpu.dma_semaphore, #tpu.memory_space<semaphore_mem>>) src(%dma_wait3A_481 : memref<256xi32, #tpu.memory_space<hbm>>) dst(%arg6 : memref<256xi32, #tpu.memory_space<vmem>>)
      tpu.yield
    }) : () -> ()
    %mul3A_1 = arith.constant 1024 : i32
    %mul3A_2 = arith.muli %add3A, %mul3A_1 : i32
    %get3A = arith.constant 0 : index
    %get3A_3 = tpu.vector_load %arg6[%get3A] {strides = array<i32>} : memref<256xi32, #tpu.memory_space<vmem>>, vector<16xi32>,
    %get3A_4 = vector.shape_cast %get3A_3 : vector<16xi32> to vector<16xi32>
    %add3A_5 = vector.broadcast %mul3A_2 : i32 to vector<16xi32>
    %add3A_6 = arith.addi %get3A_4, %add3A_5 : vector<16xi32>
    %swap3A = arith.constant 0 : i32
    %swap3A_7 = arith.index_cast %swap3A : i32 to index
    %swap3A_8 = arith.constant 0 : index
    %swap3A_9 = tpu.vector_load %arg7[%swap3A_7, %swap3A_8] {strides = array<i32>} : memref<4x64xi32, #tpu.memory_space<vmem>>, vector<1x16xi32>,
    %swap3A_10 = vector.shape_cast %swap3A_9 : vector<1x16xi32> to vector<16xi32>
    %swap3A_11 = vector.shape_cast %add3A_6 : vector<16xi32> to vector<1x16xi32>
    tpu.vector_store %arg7[%swap3A_7, %swap3A_8], %swap3A_11 {strides = array<i32>} : memref<4x64xi32, #tpu.memory_space<vmem>>, vector<1x16xi32>,
    %add3A_12 = arith.constant 1 : i32
    %add3A_13 = vector.broadcast %add3A_12 : i32 to vector<16xi32>
    %add3A_14 = arith.addi %get3A_4, %add3A_13 : vector<16xi32>
    %swap3A_15 = arith.constant 0 : i32
    %swap3A_16 = arith.index_cast %swap3A_15 : i32 to index
    %swap3A_17 = arith.constant 0 : index
    %swap3A_18 = tpu.vector_load %arg8[%swap3A_16, %swap3A_17] {strides = array<i32>} : memref<4x64xi32, #tpu.memory_space<vmem>>, vector<1x16xi32>,
    %swap3A_19 = vector.shape_cast %swap3A_18 : vector<1x16xi32> to vector<16xi32>
    %swap3A_20 = vector.shape_cast %add3A_14 : vector<16xi32> to vector<1x16xi32>
    tpu.vector_store %arg8[%swap3A_16, %swap3A_17], %swap3A_20 {strides = array<i32>} : memref<4x64xi32, #tpu.memory_space<vmem>>, vector<1x16xi32>,
    %get3A_21 = arith.constant 16 : index
    %get3A_22 = tpu.vector_load %arg6[%get3A_21] {strides = array<i32>} : memref<256xi32, #tpu.memory_space<vmem>>, vector<16xi32>,
    %get3A_23 = vector.shape_cast %get3A_22 : vector<16xi32> to vector<16xi32>
    %add3A_24 = vector.broadcast %mul3A_2 : i32 to vector<16xi32>
    %add3A_25 = arith.addi %get3A_23, %add3A_24 : vector<16xi32>
    %swap3A_26 = arith.constant 0 : i32
    %swap3A_27 = arith.index_cast %swap3A_26 : i32 to index
    %swap3A_28 = arith.constant 16 : index
    %swap3A_29 = tpu.vector_load %arg7[%swap3A_27, %swap3A_28] {strides = array<i32>} : memref<4x64xi32, #tpu.memory_space<vmem>>, vector<1x16xi32>,
    %swap3A_30 = vector.shape_cast %swap3A_29 : vector<1x16xi32> to vector<16xi32>
    %swap3A_31 = vector.shape_cast %add3A_25 : vector<16xi32> to vector<1x16xi32>
    tpu.vector_store %arg7[%swap3A_27, %swap3A_28], %swap3A_31 {strides = array<i32>} : memref<4x64xi32, #tpu.memory_space<vmem>>, vector<1x16xi32>,
    %add3A_32 = arith.constant 1 : i32
    %add3A_33 = vector.broadcast %add3A_32 : i32 to vector<16xi32>
    %add3A_34 = arith.addi %get3A_23, %add3A_33 : vector<16xi32>
    %swap3A_35 = arith.constant 0 : i32
    %swap3A_36 = arith.index_cast %swap3A_35 : i32 to index
    %swap3A_37 = arith.constant 16 : index
    %swap3A_38 = tpu.vector_load %arg8[%swap3A_36, %swap3A_37] {strides = array<i32>} : memref<4x64xi32, #tpu.memory_space<vmem>>, vector<1x16xi32>,
    %swap3A_39 = vector.shape_cast %swap3A_38 : vector<1x16xi32> to vector<16xi32>
    %swap3A_40 = vector.shape_cast %add3A_34 : vector<16xi32> to vector<1x16xi32>
    tpu.vector_store %arg8[%swap3A_36, %swap3A_37], %swap3A_40 {strides = array<i32>} : memref<4x64xi32, #tpu.memory_space<vmem>>, vector<1x16xi32>,
    %get3A_41 = arith.constant 32 : index
    %get3A_42 = tpu.vector_load %arg6[%get3A_41] {strides = array<i32>} : memref<256xi32, #tpu.memory_space<vmem>>, vector<16xi32>,
    %get3A_43 = vector.shape_cast %get3A_42 : vector<16xi32> to vector<16xi32>
    %add3A_44 = vector.broadcast %mul3A_2 : i32 to vector<16xi32>
    %add3A_45 = arith.addi %get3A_43, %add3A_44 : vector<16xi32>
    %swap3A_46 = arith.constant 0 : i32
    %swap3A_47 = arith.index_cast %swap3A_46 : i32 to index
    %swap3A_48 = arith.constant 32 : index
    %swap3A_49 = tpu.vector_load %arg7[%swap3A_47, %swap3A_48] {strides = array<i32>} : memref<4x64xi32, #tpu.memory_space<vmem>>, vector<1x16xi32>,
    %swap3A_50 = vector.shape_cast %swap3A_49 : vector<1x16xi32> to vector<16xi32>
    %swap3A_51 = vector.shape_cast %add3A_45 : vector<16xi32> to vector<1x16xi32>
    tpu.vector_store %arg7[%swap3A_47, %swap3A_48], %swap3A_51 {strides = array<i32>} : memref<4x64xi32, #tpu.memory_space<vmem>>, vector<1x16xi32>,
    %add3A_52 = arith.constant 1 : i32
    %add3A_53 = vector.broadcast %add3A_52 : i32 to vector<16xi32>
    %add3A_54 = arith.addi %get3A_43, %add3A_53 : vector<16xi32>
    %swap3A_55 = arith.constant 0 : i32
    %swap3A_56 = arith.index_cast %swap3A_55 : i32 to index
    %swap3A_57 = arith.constant 32 : index
    %swap3A_58 = tpu.vector_load %arg8[%swap3A_56, %swap3A_57] {strides = array<i32>} : memref<4x64xi32, #tpu.memory_space<vmem>>, vector<1x16xi32>,
    %swap3A_59 = vector.shape_cast %swap3A_58 : vector<1x16xi32> to vector<16xi32>
    %swap3A_60 = vector.shape_cast %add3A_54 : vector<16xi32> to vector<1x16xi32>
    tpu.vector_store %arg8[%swap3A_56, %swap3A_57], %swap3A_60 {strides = array<i32>} : memref<4x64xi32, #tpu.memory_space<vmem>>, vector<1x16xi32>,
    %get3A_61 = arith.constant 48 : index
    %get3A_62 = tpu.vector_load %arg6[%get3A_61] {strides = array<i32>} : memref<256xi32, #tpu.memory_space<vmem>>, vector<16xi32>,
    %get3A_63 = vector.shape_cast %get3A_62 : vector<16xi32> to vector<16xi32>
    %add3A_64 = vector.broadcast %mul3A_2 : i32 to vector<16xi32>
    %add3A_65 = arith.addi %get3A_63, %add3A_64 : vector<16xi32>
    %swap3A_66 = arith.constant 0 : i32
    %swap3A_67 = arith.index_cast %swap3A_66 : i32 to index
    %swap3A_68 = arith.constant 48 : index
    %swap3A_69 = tpu.vector_load %arg7[%swap3A_67, %swap3A_68] {strides = array<i32>} : memref<4x64xi32, #tpu.memory_space<vmem>>, vector<1x16xi32>,
    %swap3A_70 = vector.shape_cast %swap3A_69 : vector<1x16xi32> to vector<16xi32>
    %swap3A_71 = vector.shape_cast %add3A_65 : vector<16xi32> to vector<1x16xi32>
    tpu.vector_store %arg7[%swap3A_67, %swap3A_68], %swap3A_71 {strides = array<i32>} : memref<4x64xi32, #tpu.memory_space<vmem>>, vector<1x16xi32>,
    %add3A_72 = arith.constant 1 : i32
    %add3A_73 = vector.broadcast %add3A_72 : i32 to vector<16xi32>
    %add3A_74 = arith.addi %get3A_63, %add3A_73 : vector<16xi32>
    %swap3A_75 = arith.constant 0 : i32
    %swap3A_76 = arith.index_cast %swap3A_75 : i32 to index
    %swap3A_77 = arith.constant 48 : index
    %swap3A_78 = tpu.vector_load %arg8[%swap3A_76, %swap3A_77] {strides = array<i32>} : memref<4x64xi32, #tpu.memory_space<vmem>>, vector<1x16xi32>,
    %swap3A_79 = vector.shape_cast %swap3A_78 : vector<1x16xi32> to vector<16xi32>
    %swap3A_80 = vector.shape_cast %add3A_74 : vector<16xi32> to vector<1x16xi32>
    tpu.vector_store %arg8[%swap3A_76, %swap3A_77], %swap3A_80 {strides = array<i32>} : memref<4x64xi32, #tpu.memory_space<vmem>>, vector<1x16xi32>,
    %get3A_81 = arith.constant 64 : index
    %get3A_82 = tpu.vector_load %arg6[%get3A_81] {strides = array<i32>} : memref<256xi32, #tpu.memory_space<vmem>>, vector<16xi32>,
    %get3A_83 = vector.shape_cast %get3A_82 : vector<16xi32> to vector<16xi32>
    %add3A_84 = vector.broadcast %mul3A_2 : i32 to vector<16xi32>
    %add3A_85 = arith.addi %get3A_83, %add3A_84 : vector<16xi32>
    %swap3A_86 = arith.constant 1 : i32
    %swap3A_87 = arith.index_cast %swap3A_86 : i32 to index
    %swap3A_88 = arith.constant 0 : index
    %swap3A_89 = tpu.vector_load %arg7[%swap3A_87, %swap3A_88] {strides = array<i32>} : memref<4x64xi32, #tpu.memory_space<vmem>>, vector<1x16xi32>,
    %swap3A_90 = vector.shape_cast %swap3A_89 : vector<1x16xi32> to vector<16xi32>
    %swap3A_91 = vector.shape_cast %add3A_85 : vector<16xi32> to vector<1x16xi32>
    tpu.vector_store %arg7[%swap3A_87, %swap3A_88], %swap3A_91 {strides = array<i32>} : memref<4x64xi32, #tpu.memory_space<vmem>>, vector<1x16xi32>,
    %add3A_92 = arith.constant 1 : i32
    %add3A_93 = vector.broadcast %add3A_92 : i32 to vector<16xi32>
    %add3A_94 = arith.addi %get3A_83, %add3A_93 : vector<16xi32>
    %swap3A_95 = arith.constant 1 : i32
    %swap3A_96 = arith.index_cast %swap3A_95 : i32 to index
    %swap3A_97 = arith.constant 0 : index
    %swap3A_98 = tpu.vector_load %arg8[%swap3A_96, %swap3A_97] {strides = array<i32>} : memref<4x64xi32, #tpu.memory_space<vmem>>, vector<1x16xi32>,
    %swap3A_99 = vector.shape_cast %swap3A_98 : vector<1x16xi32> to vector<16xi32>
    %swap3A_100 = vector.shape_cast %add3A_94 : vector<16xi32> to vector<1x16xi32>
    tpu.vector_store %arg8[%swap3A_96, %swap3A_97], %swap3A_100 {strides = array<i32>} : memref<4x64xi32, #tpu.memory_space<vmem>>, vector<1x16xi32>,
    %get3A_101 = arith.constant 80 : index
    %get3A_102 = tpu.vector_load %arg6[%get3A_101] {strides = array<i32>} : memref<256xi32, #tpu.memory_space<vmem>>, vector<16xi32>,
    %get3A_103 = vector.shape_cast %get3A_102 : vector<16xi32> to vector<16xi32>
    %add3A_104 = vector.broadcast %mul3A_2 : i32 to vector<16xi32>
    %add3A_105 = arith.addi %get3A_103, %add3A_104 : vector<16xi32>
    %swap3A_106 = arith.constant 1 : i32
    %swap3A_107 = arith.index_cast %swap3A_106 : i32 to index
    %swap3A_108 = arith.constant 16 : index
    %swap3A_109 = tpu.vector_load %arg7[%swap3A_107, %swap3A_108] {strides = array<i32>} : memref<4x64xi32, #tpu.memory_space<vmem>>, vector<1x16xi32>,
    %swap3A_110 = vector.shape_cast %swap3A_109 : vector<1x16xi32> to vector<16xi32>
    %swap3A_111 = vector.shape_cast %add3A_105 : vector<16xi32> to vector<1x16xi32>
    tpu.vector_store %arg7[%swap3A_107, %swap3A_108], %swap3A_111 {strides = array<i32>} : memref<4x64xi32, #tpu.memory_space<vmem>>, vector<1x16xi32>,
    %add3A_112 = arith.constant 1 : i32
    %add3A_113 = vector.broadcast %add3A_112 : i32 to vector<16xi32>
    %add3A_114 = arith.addi %get3A_103, %add3A_113 : vector<16xi32>
    %swap3A_115 = arith.constant 1 : i32
    %swap3A_116 = arith.index_cast %swap3A_115 : i32 to index
    %swap3A_117 = arith.constant 16 : index
    %swap3A_118 = tpu.vector_load %arg8[%swap3A_116, %swap3A_117] {strides = array<i32>} : memref<4x64xi32, #tpu.memory_space<vmem>>, vector<1x16xi32>,
    %swap3A_119 = vector.shape_cast %swap3A_118 : vector<1x16xi32> to vector<16xi32>
    %swap3A_120 = vector.shape_cast %add3A_114 : vector<16xi32> to vector<1x16xi32>
    tpu.vector_store %arg8[%swap3A_116, %swap3A_117], %swap3A_120 {strides = array<i32>} : memref<4x64xi32, #tpu.memory_space<vmem>>, vector<1x16xi32>,
    %get3A_121 = arith.constant 96 : index
    %get3A_122 = tpu.vector_load %arg6[%get3A_121] {strides = array<i32>} : memref<256xi32, #tpu.memory_space<vmem>>, vector<16xi32>,
    %get3A_123 = vector.shape_cast %get3A_122 : vector<16xi32> to vector<16xi32>
    %add3A_124 = vector.broadcast %mul3A_2 : i32 to vector<16xi32>
    %add3A_125 = arith.addi %get3A_123, %add3A_124 : vector<16xi32>
    %swap3A_126 = arith.constant 1 : i32
    %swap3A_127 = arith.index_cast %swap3A_126 : i32 to index
    %swap3A_128 = arith.constant 32 : index
    %swap3A_129 = tpu.vector_load %arg7[%swap3A_127, %swap3A_128] {strides = array<i32>} : memref<4x64xi32, #tpu.memory_space<vmem>>, vector<1x16xi32>,
    %swap3A_130 = vector.shape_cast %swap3A_129 : vector<1x16xi32> to vector<16xi32>
    %swap3A_131 = vector.shape_cast %add3A_125 : vector<16xi32> to vector<1x16xi32>
    tpu.vector_store %arg7[%swap3A_127, %swap3A_128], %swap3A_131 {strides = array<i32>} : memref<4x64xi32, #tpu.memory_space<vmem>>, vector<1x16xi32>,
    %add3A_132 = arith.constant 1 : i32
    %add3A_133 = vector.broadcast %add3A_132 : i32 to vector<16xi32>
    %add3A_134 = arith.addi %get3A_123, %add3A_133 : vector<16xi32>
    %swap3A_135 = arith.constant 1 : i32
    %swap3A_136 = arith.index_cast %swap3A_135 : i32 to index
    %swap3A_137 = arith.constant 32 : index
    %swap3A_138 = tpu.vector_load %arg8[%swap3A_136, %swap3A_137] {strides = array<i32>} : memref<4x64xi32, #tpu.memory_space<vmem>>, vector<1x16xi32>,
    %swap3A_139 = vector.shape_cast %swap3A_138 : vector<1x16xi32> to vector<16xi32>
    %swap3A_140 = vector.shape_cast %add3A_134 : vector<16xi32> to vector<1x16xi32>
    tpu.vector_store %arg8[%swap3A_136, %swap3A_137], %swap3A_140 {strides = array<i32>} : memref<4x64xi32, #tpu.memory_space<vmem>>, vector<1x16xi32>,
    %get3A_141 = arith.constant 112 : index
    %get3A_142 = tpu.vector_load %arg6[%get3A_141] {strides = array<i32>} : memref<256xi32, #tpu.memory_space<vmem>>, vector<16xi32>,
    %get3A_143 = vector.shape_cast %get3A_142 : vector<16xi32> to vector<16xi32>
    %add3A_144 = vector.broadcast %mul3A_2 : i32 to vector<16xi32>
    %add3A_145 = arith.addi %get3A_143, %add3A_144 : vector<16xi32>
    %swap3A_146 = arith.constant 1 : i32
    %swap3A_147 = arith.index_cast %swap3A_146 : i32 to index
    %swap3A_148 = arith.constant 48 : index
    %swap3A_149 = tpu.vector_load %arg7[%swap3A_147, %swap3A_148] {strides = array<i32>} : memref<4x64xi32, #tpu.memory_space<vmem>>, vector<1x16xi32>,
    %swap3A_150 = vector.shape_cast %swap3A_149 : vector<1x16xi32> to vector<16xi32>
    %swap3A_151 = vector.shape_cast %add3A_145 : vector<16xi32> to vector<1x16xi32>
    tpu.vector_store %arg7[%swap3A_147, %swap3A_148], %swap3A_151 {strides = array<i32>} : memref<4x64xi32, #tpu.memory_space<vmem>>, vector<1x16xi32>,
    %add3A_152 = arith.constant 1 : i32
    %add3A_153 = vector.broadcast %add3A_152 : i32 to vector<16xi32>
    %add3A_154 = arith.addi %get3A_143, %add3A_153 : vector<16xi32>
    %swap3A_155 = arith.constant 1 : i32
    %swap3A_156 = arith.index_cast %swap3A_155 : i32 to index
    %swap3A_157 = arith.constant 48 : index
    %swap3A_158 = tpu.vector_load %arg8[%swap3A_156, %swap3A_157] {strides = array<i32>} : memref<4x64xi32, #tpu.memory_space<vmem>>, vector<1x16xi32>,
    %swap3A_159 = vector.shape_cast %swap3A_158 : vector<1x16xi32> to vector<16xi32>
    %swap3A_160 = vector.shape_cast %add3A_154 : vector<16xi32> to vector<1x16xi32>
    tpu.vector_store %arg8[%swap3A_156, %swap3A_157], %swap3A_160 {strides = array<i32>} : memref<4x64xi32, #tpu.memory_space<vmem>>, vector<1x16xi32>,
    %get3A_161 = arith.constant 128 : index
    %get3A_162 = tpu.vector_load %arg6[%get3A_161] {strides = array<i32>} : memref<256xi32, #tpu.memory_space<vmem>>, vector<16xi32>,
    %get3A_163 = vector.shape_cast %get3A_162 : vector<16xi32> to vector<16xi32>
    %add3A_164 = vector.broadcast %mul3A_2 : i32 to vector<16xi32>
    %add3A_165 = arith.addi %get3A_163, %add3A_164 : vector<16xi32>
    %swap3A_166 = arith.constant 2 : i32
    %swap3A_167 = arith.index_cast %swap3A_166 : i32 to index
    %swap3A_168 = arith.constant 0 : index
    %swap3A_169 = tpu.vector_load %arg7[%swap3A_167, %swap3A_168] {strides = array<i32>} : memref<4x64xi32, #tpu.memory_space<vmem>>, vector<1x16xi32>,
    %swap3A_170 = vector.shape_cast %swap3A_169 : vector<1x16xi32> to vector<16xi32>
    %swap3A_171 = vector.shape_cast %add3A_165 : vector<16xi32> to vector<1x16xi32>
    tpu.vector_store %arg7[%swap3A_167, %swap3A_168], %swap3A_171 {strides = array<i32>} : memref<4x64xi32, #tpu.memory_space<vmem>>, vector<1x16xi32>,
    %add3A_172 = arith.constant 1 : i32
    %add3A_173 = vector.broadcast %add3A_172 : i32 to vector<16xi32>
    %add3A_174 = arith.addi %get3A_163, %add3A_173 : vector<16xi32>
    %swap3A_175 = arith.constant 2 : i32
    %swap3A_176 = arith.index_cast %swap3A_175 : i32 to index
    %swap3A_177 = arith.constant 0 : index
    %swap3A_178 = tpu.vector_load %arg8[%swap3A_176, %swap3A_177] {strides = array<i32>} : memref<4x64xi32, #tpu.memory_space<vmem>>, vector<1x16xi32>,
    %swap3A_179 = vector.shape_cast %swap3A_178 : vector<1x16xi32> to vector<16xi32>
    %swap3A_180 = vector.shape_cast %add3A_174 : vector<16xi32> to vector<1x16xi32>
    tpu.vector_store %arg8[%swap3A_176, %swap3A_177], %swap3A_180 {strides = array<i32>} : memref<4x64xi32, #tpu.memory_space<vmem>>, vector<1x16xi32>,
    %get3A_181 = arith.constant 144 : index
    %get3A_182 = tpu.vector_load %arg6[%get3A_181] {strides = array<i32>} : memref<256xi32, #tpu.memory_space<vmem>>, vector<16xi32>,
    %get3A_183 = vector.shape_cast %get3A_182 : vector<16xi32> to vector<16xi32>
    %add3A_184 = vector.broadcast %mul3A_2 : i32 to vector<16xi32>
    %add3A_185 = arith.addi %get3A_183, %add3A_184 : vector<16xi32>
    %swap3A_186 = arith.constant 2 : i32
    %swap3A_187 = arith.index_cast %swap3A_186 : i32 to index
    %swap3A_188 = arith.constant 16 : index
    %swap3A_189 = tpu.vector_load %arg7[%swap3A_187, %swap3A_188] {strides = array<i32>} : memref<4x64xi32, #tpu.memory_space<vmem>>, vector<1x16xi32>,
    %swap3A_190 = vector.shape_cast %swap3A_189 : vector<1x16xi32> to vector<16xi32>
    %swap3A_191 = vector.shape_cast %add3A_185 : vector<16xi32> to vector<1x16xi32>
    tpu.vector_store %arg7[%swap3A_187, %swap3A_188], %swap3A_191 {strides = array<i32>} : memref<4x64xi32, #tpu.memory_space<vmem>>, vector<1x16xi32>,
    %add3A_192 = arith.constant 1 : i32
    %add3A_193 = vector.broadcast %add3A_192 : i32 to vector<16xi32>
    %add3A_194 = arith.addi %get3A_183, %add3A_193 : vector<16xi32>
    %swap3A_195 = arith.constant 2 : i32
    %swap3A_196 = arith.index_cast %swap3A_195 : i32 to index
    %swap3A_197 = arith.constant 16 : index
    %swap3A_198 = tpu.vector_load %arg8[%swap3A_196, %swap3A_197] {strides = array<i32>} : memref<4x64xi32, #tpu.memory_space<vmem>>, vector<1x16xi32>,
    %swap3A_199 = vector.shape_cast %swap3A_198 : vector<1x16xi32> to vector<16xi32>
    %swap3A_200 = vector.shape_cast %add3A_194 : vector<16xi32> to vector<1x16xi32>
    tpu.vector_store %arg8[%swap3A_196, %swap3A_197], %swap3A_200 {strides = array<i32>} : memref<4x64xi32, #tpu.memory_space<vmem>>, vector<1x16xi32>,
    %get3A_201 = arith.constant 160 : index
    %get3A_202 = tpu.vector_load %arg6[%get3A_201] {strides = array<i32>} : memref<256xi32, #tpu.memory_space<vmem>>, vector<16xi32>,
    %get3A_203 = vector.shape_cast %get3A_202 : vector<16xi32> to vector<16xi32>
    %add3A_204 = vector.broadcast %mul3A_2 : i32 to vector<16xi32>
    %add3A_205 = arith.addi %get3A_203, %add3A_204 : vector<16xi32>
    %swap3A_206 = arith.constant 2 : i32
    %swap3A_207 = arith.index_cast %swap3A_206 : i32 to index
    %swap3A_208 = arith.constant 32 : index
    %swap3A_209 = tpu.vector_load %arg7[%swap3A_207, %swap3A_208] {strides = array<i32>} : memref<4x64xi32, #tpu.memory_space<vmem>>, vector<1x16xi32>,
    %swap3A_210 = vector.shape_cast %swap3A_209 : vector<1x16xi32> to vector<16xi32>
    %swap3A_211 = vector.shape_cast %add3A_205 : vector<16xi32> to vector<1x16xi32>
    tpu.vector_store %arg7[%swap3A_207, %swap3A_208], %swap3A_211 {strides = array<i32>} : memref<4x64xi32, #tpu.memory_space<vmem>>, vector<1x16xi32>,
    %add3A_212 = arith.constant 1 : i32
    %add3A_213 = vector.broadcast %add3A_212 : i32 to vector<16xi32>
    %add3A_214 = arith.addi %get3A_203, %add3A_213 : vector<16xi32>
    %swap3A_215 = arith.constant 2 : i32
    %swap3A_216 = arith.index_cast %swap3A_215 : i32 to index
    %swap3A_217 = arith.constant 32 : index
    %swap3A_218 = tpu.vector_load %arg8[%swap3A_216, %swap3A_217] {strides = array<i32>} : memref<4x64xi32, #tpu.memory_space<vmem>>, vector<1x16xi32>,
    %swap3A_219 = vector.shape_cast %swap3A_218 : vector<1x16xi32> to vector<16xi32>
    %swap3A_220 = vector.shape_cast %add3A_214 : vector<16xi32> to vector<1x16xi32>
    tpu.vector_store %arg8[%swap3A_216, %swap3A_217], %swap3A_220 {strides = array<i32>} : memref<4x64xi32, #tpu.memory_space<vmem>>, vector<1x16xi32>,
    %get3A_221 = arith.constant 176 : index
    %get3A_222 = tpu.vector_load %arg6[%get3A_221] {strides = array<i32>} : memref<256xi32, #tpu.memory_space<vmem>>, vector<16xi32>,
    %get3A_223 = vector.shape_cast %get3A_222 : vector<16xi32> to vector<16xi32>
    %add3A_224 = vector.broadcast %mul3A_2 : i32 to vector<16xi32>
    %add3A_225 = arith.addi %get3A_223, %add3A_224 : vector<16xi32>
    %swap3A_226 = arith.constant 2 : i32
    %swap3A_227 = arith.index_cast %swap3A_226 : i32 to index
    %swap3A_228 = arith.constant 48 : index
    %swap3A_229 = tpu.vector_load %arg7[%swap3A_227, %swap3A_228] {strides = array<i32>} : memref<4x64xi32, #tpu.memory_space<vmem>>, vector<1x16xi32>,
    %swap3A_230 = vector.shape_cast %swap3A_229 : vector<1x16xi32> to vector<16xi32>
    %swap3A_231 = vector.shape_cast %add3A_225 : vector<16xi32> to vector<1x16xi32>
    tpu.vector_store %arg7[%swap3A_227, %swap3A_228], %swap3A_231 {strides = array<i32>} : memref<4x64xi32, #tpu.memory_space<vmem>>, vector<1x16xi32>,
    %add3A_232 = arith.constant 1 : i32
    %add3A_233 = vector.broadcast %add3A_232 : i32 to vector<16xi32>
    %add3A_234 = arith.addi %get3A_223, %add3A_233 : vector<16xi32>
    %swap3A_235 = arith.constant 2 : i32
    %swap3A_236 = arith.index_cast %swap3A_235 : i32 to index
    %swap3A_237 = arith.constant 48 : index
    %swap3A_238 = tpu.vector_load %arg8[%swap3A_236, %swap3A_237] {strides = array<i32>} : memref<4x64xi32, #tpu.memory_space<vmem>>, vector<1x16xi32>,
    %swap3A_239 = vector.shape_cast %swap3A_238 : vector<1x16xi32> to vector<16xi32>
    %swap3A_240 = vector.shape_cast %add3A_234 : vector<16xi32> to vector<1x16xi32>
    tpu.vector_store %arg8[%swap3A_236, %swap3A_237], %swap3A_240 {strides = array<i32>} : memref<4x64xi32, #tpu.memory_space<vmem>>, vector<1x16xi32>,
    %get3A_241 = arith.constant 192 : index
    %get3A_242 = tpu.vector_load %arg6[%get3A_241] {strides = array<i32>} : memref<256xi32, #tpu.memory_space<vmem>>, vector<16xi32>,
    %get3A_243 = vector.shape_cast %get3A_242 : vector<16xi32> to vector<16xi32>
    %add3A_244 = vector.broadcast %mul3A_2 : i32 to vector<16xi32>
    %add3A_245 = arith.addi %get3A_243, %add3A_244 : vector<16xi32>
    %swap3A_246 = arith.constant 3 : i32
    %swap3A_247 = arith.index_cast %swap3A_246 : i32 to index
    %swap3A_248 = arith.constant 0 : index
    %swap3A_249 = tpu.vector_load %arg7[%swap3A_247, %swap3A_248] {strides = array<i32>} : memref<4x64xi32, #tpu.memory_space<vmem>>, vector<1x16xi32>,
    %swap3A_250 = vector.shape_cast %swap3A_249 : vector<1x16xi32> to vector<16xi32>
    %swap3A_251 = vector.shape_cast %add3A_245 : vector<16xi32> to vector<1x16xi32>
    tpu.vector_store %arg7[%swap3A_247, %swap3A_248], %swap3A_251 {strides = array<i32>} : memref<4x64xi32, #tpu.memory_space<vmem>>, vector<1x16xi32>,
    %add3A_252 = arith.constant 1 : i32
    %add3A_253 = vector.broadcast %add3A_252 : i32 to vector<16xi32>
    %add3A_254 = arith.addi %get3A_243, %add3A_253 : vector<16xi32>
    %swap3A_255 = arith.constant 3 : i32
    %swap3A_256 = arith.index_cast %swap3A_255 : i32 to index
    %swap3A_257 = arith.constant 0 : index
    %swap3A_258 = tpu.vector_load %arg8[%swap3A_256, %swap3A_257] {strides = array<i32>} : memref<4x64xi32, #tpu.memory_space<vmem>>, vector<1x16xi32>,
    %swap3A_259 = vector.shape_cast %swap3A_258 : vector<1x16xi32> to vector<16xi32>
    %swap3A_260 = vector.shape_cast %add3A_254 : vector<16xi32> to vector<1x16xi32>
    tpu.vector_store %arg8[%swap3A_256, %swap3A_257], %swap3A_260 {strides = array<i32>} : memref<4x64xi32, #tpu.memory_space<vmem>>, vector<1x16xi32>,
    %get3A_261 = arith.constant 208 : index
    %get3A_262 = tpu.vector_load %arg6[%get3A_261] {strides = array<i32>} : memref<256xi32, #tpu.memory_space<vmem>>, vector<16xi32>,
    %get3A_263 = vector.shape_cast %get3A_262 : vector<16xi32> to vector<16xi32>
    %add3A_264 = vector.broadcast %mul3A_2 : i32 to vector<16xi32>
    %add3A_265 = arith.addi %get3A_263, %add3A_264 : vector<16xi32>
    %swap3A_266 = arith.constant 3 : i32
    %swap3A_267 = arith.index_cast %swap3A_266 : i32 to index
    %swap3A_268 = arith.constant 16 : index
    %swap3A_269 = tpu.vector_load %arg7[%swap3A_267, %swap3A_268] {strides = array<i32>} : memref<4x64xi32, #tpu.memory_space<vmem>>, vector<1x16xi32>,
    %swap3A_270 = vector.shape_cast %swap3A_269 : vector<1x16xi32> to vector<16xi32>
    %swap3A_271 = vector.shape_cast %add3A_265 : vector<16xi32> to vector<1x16xi32>
    tpu.vector_store %arg7[%swap3A_267, %swap3A_268], %swap3A_271 {strides = array<i32>} : memref<4x64xi32, #tpu.memory_space<vmem>>, vector<1x16xi32>,
    %add3A_272 = arith.constant 1 : i32
    %add3A_273 = vector.broadcast %add3A_272 : i32 to vector<16xi32>
    %add3A_274 = arith.addi %get3A_263, %add3A_273 : vector<16xi32>
    %swap3A_275 = arith.constant 3 : i32
    %swap3A_276 = arith.index_cast %swap3A_275 : i32 to index
    %swap3A_277 = arith.constant 16 : index
    %swap3A_278 = tpu.vector_load %arg8[%swap3A_276, %swap3A_277] {strides = array<i32>} : memref<4x64xi32, #tpu.memory_space<vmem>>, vector<1x16xi32>,
    %swap3A_279 = vector.shape_cast %swap3A_278 : vector<1x16xi32> to vector<16xi32>
    %swap3A_280 = vector.shape_cast %add3A_274 : vector<16xi32> to vector<1x16xi32>
    tpu.vector_store %arg8[%swap3A_276, %swap3A_277], %swap3A_280 {strides = array<i32>} : memref<4x64xi32, #tpu.memory_space<vmem>>, vector<1x16xi32>,
    %get3A_281 = arith.constant 224 : index
    %get3A_282 = tpu.vector_load %arg6[%get3A_281] {strides = array<i32>} : memref<256xi32, #tpu.memory_space<vmem>>, vector<16xi32>,
    %get3A_283 = vector.shape_cast %get3A_282 : vector<16xi32> to vector<16xi32>
    %add3A_284 = vector.broadcast %mul3A_2 : i32 to vector<16xi32>
    %add3A_285 = arith.addi %get3A_283, %add3A_284 : vector<16xi32>
    %swap3A_286 = arith.constant 3 : i32
    %swap3A_287 = arith.index_cast %swap3A_286 : i32 to index
    %swap3A_288 = arith.constant 32 : index
    %swap3A_289 = tpu.vector_load %arg7[%swap3A_287, %swap3A_288] {strides = array<i32>} : memref<4x64xi32, #tpu.memory_space<vmem>>, vector<1x16xi32>,
    %swap3A_290 = vector.shape_cast %swap3A_289 : vector<1x16xi32> to vector<16xi32>
    %swap3A_291 = vector.shape_cast %add3A_285 : vector<16xi32> to vector<1x16xi32>
    tpu.vector_store %arg7[%swap3A_287, %swap3A_288], %swap3A_291 {strides = array<i32>} : memref<4x64xi32, #tpu.memory_space<vmem>>, vector<1x16xi32>,
    %add3A_292 = arith.constant 1 : i32
    %add3A_293 = vector.broadcast %add3A_292 : i32 to vector<16xi32>
    %add3A_294 = arith.addi %get3A_283, %add3A_293 : vector<16xi32>
    %swap3A_295 = arith.constant 3 : i32
    %swap3A_296 = arith.index_cast %swap3A_295 : i32 to index
    %swap3A_297 = arith.constant 32 : index
    %swap3A_298 = tpu.vector_load %arg8[%swap3A_296, %swap3A_297] {strides = array<i32>} : memref<4x64xi32, #tpu.memory_space<vmem>>, vector<1x16xi32>,
    %swap3A_299 = vector.shape_cast %swap3A_298 : vector<1x16xi32> to vector<16xi32>
    %swap3A_300 = vector.shape_cast %add3A_294 : vector<16xi32> to vector<1x16xi32>
    tpu.vector_store %arg8[%swap3A_296, %swap3A_297], %swap3A_300 {strides = array<i32>} : memref<4x64xi32, #tpu.memory_space<vmem>>, vector<1x16xi32>,
    %get3A_301 = arith.constant 240 : index
    %get3A_302 = tpu.vector_load %arg6[%get3A_301] {strides = array<i32>} : memref<256xi32, #tpu.memory_space<vmem>>, vector<16xi32>,
    %get3A_303 = vector.shape_cast %get3A_302 : vector<16xi32> to vector<16xi32>
    %add3A_304 = vector.broadcast %mul3A_2 : i32 to vector<16xi32>
    %add3A_305 = arith.addi %get3A_303, %add3A_304 : vector<16xi32>
    %swap3A_306 = arith.constant 3 : i32
    %swap3A_307 = arith.index_cast %swap3A_306 : i32 to index
    %swap3A_308 = arith.constant 48 : index
    %swap3A_309 = tpu.vector_load %arg7[%swap3A_307, %swap3A_308] {strides = array<i32>} : memref<4x64xi32, #tpu.memory_space<vmem>>, vector<1x16xi32>,
    %swap3A_310 = vector.shape_cast %swap3A_309 : vector<1x16xi32> to vector<16xi32>
    %swap3A_311 = vector.shape_cast %add3A_305 : vector<16xi32> to vector<1x16xi32>
    tpu.vector_store %arg7[%swap3A_307, %swap3A_308], %swap3A_311 {strides = array<i32>} : memref<4x64xi32, #tpu.memory_space<vmem>>, vector<1x16xi32>,
    %add3A_312 = arith.constant 1 : i32
    %add3A_313 = vector.broadcast %add3A_312 : i32 to vector<16xi32>
    %add3A_314 = arith.addi %get3A_303, %add3A_313 : vector<16xi32>
    %swap3A_315 = arith.constant 3 : i32
    %swap3A_316 = arith.index_cast %swap3A_315 : i32 to index
    %swap3A_317 = arith.constant 48 : index
    %swap3A_318 = tpu.vector_load %arg8[%swap3A_316, %swap3A_317] {strides = array<i32>} : memref<4x64xi32, #tpu.memory_space<vmem>>, vector<1x16xi32>,
    %swap3A_319 = vector.shape_cast %swap3A_318 : vector<1x16xi32> to vector<16xi32>
    %swap3A_320 = vector.shape_cast %add3A_314 : vector<16xi32> to vector<1x16xi32>
    tpu.vector_store %arg8[%swap3A_316, %swap3A_317], %swap3A_320 {strides = array<i32>} : memref<4x64xi32, #tpu.memory_space<vmem>>, vector<1x16xi32>,
    %dma_start3A = arith.constant 0 : i32
    %dma_start3A_321 = arith.constant 0 : i32
    %dma_start3A_322 = tpu.memref_slice %arg7[%dma_start3A, %dma_start3A_321] : memref<4x64xi32, #tpu.memory_space<vmem>> -> memref<1x64xi32, #tpu.memory_space<vmem>>
    %dma_start3A_323 = tpu.memref_squeeze %dma_start3A_322 : memref<1x64xi32, #tpu.memory_space<vmem>> -> memref<64xi32, #tpu.memory_space<vmem>>
    %dma_start3A_324 = arith.constant 0 : i32
    %dma_start3A_325 = arith.constant 0 : i32
    %dma_start3A_326 = tpu.memref_slice %arg3[%dma_start3A_324, %dma_start3A_325] : memref<32768x768xf32, #tpu.memory_space<hbm>> -> memref<32768x768xf32, #tpu.memory_space<hbm>>
    tpu.enqueue_indirect_dma source(%dma_start3A_326 : memref<32768x768xf32, #tpu.memory_space<hbm>>) target(%arg9 : memref<64x768xf32, #tpu.memory_space<vmem>>) offsets(%dma_start3A_323 : memref<64xi32, #tpu.memory_space<vmem>>) semaphore(%arg11 : memref<!tpu.dma_semaphore, #tpu.memory_space<semaphore_mem>>)
    %dma_start3A_327 = arith.constant 0 : i32
    %dma_start3A_328 = arith.constant 0 : i32
    %dma_start3A_329 = tpu.memref_slice %arg8[%dma_start3A_327, %dma_start3A_328] : memref<4x64xi32, #tpu.memory_space<vmem>> -> memref<1x64xi32, #tpu.memory_space<vmem>>
    %dma_start3A_330 = tpu.memref_squeeze %dma_start3A_329 : memref<1x64xi32, #tpu.memory_space<vmem>> -> memref<64xi32, #tpu.memory_space<vmem>>
    %dma_start3A_331 = arith.constant 0 : i32
    %dma_start3A_332 = arith.constant 0 : i32
    %dma_start3A_333 = tpu.memref_slice %arg4[%dma_start3A_331, %dma_start3A_332] : memref<1025x768xf32, #tpu.memory_space<hbm>> -> memref<1025x768xf32, #tpu.memory_space<hbm>>
    tpu.enqueue_indirect_dma source(%dma_start3A_333 : memref<1025x768xf32, #tpu.memory_space<hbm>>) target(%arg10 : memref<64x768xf32, #tpu.memory_space<vmem>>) offsets(%dma_start3A_330 : memref<64xi32, #tpu.memory_space<vmem>>) semaphore(%arg12 : memref<!tpu.dma_semaphore, #tpu.memory_space<semaphore_mem>>)
    %dma_wait3A = arith.constant 0 : i32
    %dma_wait3A_334 = arith.constant 0 : i32
    %dma_wait3A_335 = tpu.memref_slice %arg7[%dma_wait3A, %dma_wait3A_334] : memref<4x64xi32, #tpu.memory_space<vmem>> -> memref<1x64xi32, #tpu.memory_space<vmem>>
    %dma_wait3A_336 = tpu.memref_squeeze %dma_wait3A_335 : memref<1x64xi32, #tpu.memory_space<vmem>> -> memref<64xi32, #tpu.memory_space<vmem>>
    %dma_wait3A_337 = arith.constant 0 : i32
    %dma_wait3A_338 = arith.constant 0 : i32
    %dma_wait3A_339 = tpu.memref_slice %arg3[%dma_wait3A_337, %dma_wait3A_338] : memref<32768x768xf32, #tpu.memory_space<hbm>> -> memref<32768x768xf32, #tpu.memory_space<hbm>>
    tpu.wait_indirect_dma semaphore(%arg11 : memref<!tpu.dma_semaphore, #tpu.memory_space<semaphore_mem>>) src(%dma_wait3A_339 : memref<32768x768xf32, #tpu.memory_space<hbm>>) dst(%arg9 : memref<64x768xf32, #tpu.memory_space<vmem>>)
    %dma_wait3A_340 = arith.constant 0 : i32
    %dma_wait3A_341 = arith.constant 0 : i32
    %dma_wait3A_342 = tpu.memref_slice %arg8[%dma_wait3A_340, %dma_wait3A_341] : memref<4x64xi32, #tpu.memory_space<vmem>> -> memref<1x64xi32, #tpu.memory_space<vmem>>
    %dma_wait3A_343 = tpu.memref_squeeze %dma_wait3A_342 : memref<1x64xi32, #tpu.memory_space<vmem>> -> memref<64xi32, #tpu.memory_space<vmem>>
    %dma_wait3A_344 = arith.constant 0 : i32
    %dma_wait3A_345 = arith.constant 0 : i32
    %dma_wait3A_346 = tpu.memref_slice %arg4[%dma_wait3A_344, %dma_wait3A_345] : memref<1025x768xf32, #tpu.memory_space<hbm>> -> memref<1025x768xf32, #tpu.memory_space<hbm>>
    tpu.wait_indirect_dma semaphore(%arg12 : memref<!tpu.dma_semaphore, #tpu.memory_space<semaphore_mem>>) src(%dma_wait3A_346 : memref<1025x768xf32, #tpu.memory_space<hbm>>) dst(%arg10 : memref<64x768xf32, #tpu.memory_space<vmem>>)
    %scan3A = arith.constant 0 : i32
    %scan3A_347 = arith.constant 0 : i32
    %scan3A_348 = arith.constant 64 : i32
    %scan3A_349 = arith.addi %scan3A_347, %scan3A_348 : i32
    %scan3A_350 = arith.constant 1 : i32
    scf.for %scan3A_470 = %scan3A_347 to %scan3A_349 step %scan3A_350  : i32 {
      %get3A_471 = arith.index_cast %scan3A_470 : i32 to index
      %get3A_472 = arith.constant 0 : index
      %get3A_473 = tpu.vector_load %arg10[%get3A_471, %get3A_472] {strides = array<i32>} : memref<64x768xf32, #tpu.memory_space<vmem>>, vector<1x16xf32>,
      %get3A_474 = vector.shape_cast %get3A_473 : vector<1x16xf32> to vector<16xf32>
      %swap3A_475 = arith.index_cast %scan3A_470 : i32 to index
      %swap3A_476 = arith.constant 0 : index
      %swap3A_477 = tpu.vector_load %arg9[%swap3A_475, %swap3A_476] {strides = array<i32>} : memref<64x768xf32, #tpu.memory_space<vmem>>, vector<1x16xf32>,
      %swap3A_478 = vector.shape_cast %swap3A_477 : vector<1x16xf32> to vector<16xf32>
      %swap3A_479 = vector.shape_cast %get3A_474 : vector<16xf32> to vector<1x16xf32>
      tpu.vector_store %arg9[%swap3A_475, %swap3A_476], %swap3A_479 {add = true, strides = array<i32>} : memref<64x768xf32, #tpu.memory_space<vmem>>, vector<1x16xf32>,
      %get3A_480 = arith.index_cast %scan3A_470 : i32 to index
      %get3A_481 = arith.constant 16 : index
      %get3A_482 = tpu.vector_load %arg10[%get3A_480, %get3A_481] {strides = array<i32>} : memref<64x768xf32, #tpu.memory_space<vmem>>, vector<1x16xf32>,
      %get3A_483 = vector.shape_cast %get3A_482 : vector<1x16xf32> to vector<16xf32>
      %swap3A_484 = arith.index_cast %scan3A_470 : i32 to index
      %swap3A_485 = arith.constant 16 : index
      %swap3A_486 = tpu.vector_load %arg9[%swap3A_484, %swap3A_485] {strides = array<i32>} : memref<64x768xf32, #tpu.memory_space<vmem>>, vector<1x16xf32>,
      %swap3A_487 = vector.shape_cast %swap3A_486 : vector<1x16xf32> to vector<16xf32>
      %swap3A_488 = vector.shape_cast %get3A_483 : vector<16xf32> to vector<1x16xf32>
      tpu.vector_store %arg9[%swap3A_484, %swap3A_485], %swap3A_488 {add = true, strides = array<i32>} : memref<64x768xf32, #tpu.memory_space<vmem>>, vector<1x16xf32>,
      %get3A_489 = arith.index_cast %scan3A_470 : i32 to index
      %get3A_490 = arith.constant 32 : index
      %get3A_491 = tpu.vector_load %arg10[%get3A_489, %get3A_490] {strides = array<i32>} : memref<64x768xf32, #tpu.memory_space<vmem>>, vector<1x16xf32>,
      %get3A_492 = vector.shape_cast %get3A_491 : vector<1x16xf32> to vector<16xf32>
      %swap3A_493 = arith.index_cast %scan3A_470 : i32 to index
      %swap3A_494 = arith.constant 32 : index
      %swap3A_495 = tpu.vector_load %arg9[%swap3A_493, %swap3A_494] {strides = array<i32>} : memref<64x768xf32, #tpu.memory_space<vmem>>, vector<1x16xf32>,
      %swap3A_496 = vector.shape_cast %swap3A_495 : vector<1x16xf32> to vector<16xf32>
      %swap3A_497 = vector.shape_cast %get3A_492 : vector<16xf32> to vector<1x16xf32>
      tpu.vector_store %arg9[%swap3A_493, %swap3A_494], %swap3A_497 {add = true, strides = array<i32>} : memref<64x768xf32, #tpu.memory_space<vmem>>, vector<1x16xf32>,
      %get3A_498 = arith.index_cast %scan3A_470 : i32 to index
      %get3A_499 = arith.constant 48 : index
      %get3A_500 = tpu.vector_load %arg10[%get3A_498, %get3A_499] {strides = array<i32>} : memref<64x768xf32, #tpu.memory_space<vmem>>, vector<1x16xf32>,
      %get3A_501 = vector.shape_cast %get3A_500 : vector<1x16xf32> to vector<16xf32>
      %swap3A_502 = arith.index_cast %scan3A_470 : i32 to index
      %swap3A_503 = arith.constant 48 : index
      %swap3A_504 = tpu.vector_load %arg9[%swap3A_502, %swap3A_503] {strides = array<i32>} : memref<64x768xf32, #tpu.memory_space<vmem>>, vector<1x16xf32>,
      %swap3A_505 = vector.shape_cast %swap3A_504 : vector<1x16xf32> to vector<16xf32>
      %swap3A_506 = vector.shape_cast %get3A_501 : vector<16xf32> to vector<1x16xf32>
      tpu.vector_store %arg9[%swap3A_502, %swap3A_503], %swap3A_506 {add = true, strides = array<i32>} : memref<64x768xf32, #tpu.memory_space<vmem>>, vector<1x16xf32>,
      %get3A_507 = arith.index_cast %scan3A_470 : i32 to index
      %get3A_508 = arith.constant 64 : index
      %get3A_509 = tpu.vector_load %arg10[%get3A_507, %get3A_508] {strides = array<i32>} : memref<64x768xf32, #tpu.memory_space<vmem>>, vector<1x16xf32>,
      %get3A_510 = vector.shape_cast %get3A_509 : vector<1x16xf32> to vector<16xf32>
      %swap3A_511 = arith.index_cast %scan3A_470 : i32 to index
      %swap3A_512 = arith.constant 64 : index
      %swap3A_513 = tpu.vector_load %arg9[%swap3A_511, %swap3A_512] {strides = array<i32>} : memref<64x768xf32, #tpu.memory_space<vmem>>, vector<1x16xf32>,
      %swap3A_514 = vector.shape_cast %swap3A_513 : vector<1x16xf32> to vector<16xf32>
      %swap3A_515 = vector.shape_cast %get3A_510 : vector<16xf32> to vector<1x16xf32>
      tpu.vector_store %arg9[%swap3A_511, %swap3A_512], %swap3A_515 {add = true, strides = array<i32>} : memref<64x768xf32, #tpu.memory_space<vmem>>, vector<1x16xf32>,
      %get3A_516 = arith.index_cast %scan3A_470 : i32 to index
      %get3A_517 = arith.constant 80 : index
      %get3A_518 = tpu.vector_load %arg10[%get3A_516, %get3A_517] {strides = array<i32>} : memref<64x768xf32, #tpu.memory_space<vmem>>, vector<1x16xf32>,
      %get3A_519 = vector.shape_cast %get3A_518 : vector<1x16xf32> to vector<16xf32>
      %swap3A_520 = arith.index_cast %scan3A_470 : i32 to index
      %swap3A_521 = arith.constant 80 : index
      %swap3A_522 = tpu.vector_load %arg9[%swap3A_520, %swap3A_521] {strides = array<i32>} : memref<64x768xf32, #tpu.memory_space<vmem>>, vector<1x16xf32>,
      %swap3A_523 = vector.shape_cast %swap3A_522 : vector<1x16xf32> to vector<16xf32>
      %swap3A_524 = vector.shape_cast %get3A_519 : vector<16xf32> to vector<1x16xf32>
      tpu.vector_store %arg9[%swap3A_520, %swap3A_521], %swap3A_524 {add = true, strides = array<i32>} : memref<64x768xf32, #tpu.memory_space<vmem>>, vector<1x16xf32>,
      %get3A_525 = arith.index_cast %scan3A_470 : i32 to index
      %get3A_526 = arith.constant 96 : index
      %get3A_527 = tpu.vector_load %arg10[%get3A_525, %get3A_526] {strides = array<i32>} : memref<64x768xf32, #tpu.memory_space<vmem>>, vector<1x16xf32>,
      %get3A_528 = vector.shape_cast %get3A_527 : vector<1x16xf32> to vector<16xf32>
      %swap3A_529 = arith.index_cast %scan3A_470 : i32 to index
      %swap3A_530 = arith.constant 96 : index
      %swap3A_531 = tpu.vector_load %arg9[%swap3A_529, %swap3A_530] {strides = array<i32>} : memref<64x768xf32, #tpu.memory_space<vmem>>, vector<1x16xf32>,
      %swap3A_532 = vector.shape_cast %swap3A_531 : vector<1x16xf32> to vector<16xf32>
      %swap3A_533 = vector.shape_cast %get3A_528 : vector<16xf32> to vector<1x16xf32>
      tpu.vector_store %arg9[%swap3A_529, %swap3A_530], %swap3A_533 {add = true, strides = array<i32>} : memref<64x768xf32, #tpu.memory_space<vmem>>, vector<1x16xf32>,
      %get3A_534 = arith.index_cast %scan3A_470 : i32 to index
      %get3A_535 = arith.constant 112 : index
      %get3A_536 = tpu.vector_load %arg10[%get3A_534, %get3A_535] {strides = array<i32>} : memref<64x768xf32, #tpu.memory_space<vmem>>, vector<1x16xf32>,
      %get3A_537 = vector.shape_cast %get3A_536 : vector<1x16xf32> to vector<16xf32>
      %swap3A_538 = arith.index_cast %scan3A_470 : i32 to index
      %swap3A_539 = arith.constant 112 : index
      %swap3A_540 = tpu.vector_load %arg9[%swap3A_538, %swap3A_539] {strides = array<i32>} : memref<64x768xf32, #tpu.memory_space<vmem>>, vector<1x16xf32>,
      %swap3A_541 = vector.shape_cast %swap3A_540 : vector<1x16xf32> to vector<16xf32>
      %swap3A_542 = vector.shape_cast %get3A_537 : vector<16xf32> to vector<1x16xf32>
      tpu.vector_store %arg9[%swap3A_538, %swap3A_539], %swap3A_542 {add = true, strides = array<i32>} : memref<64x768xf32, #tpu.memory_space<vmem>>, vector<1x16xf32>,
      %get3A_543 = arith.index_cast %scan3A_470 : i32 to index
      %get3A_544 = arith.constant 128 : index
      %get3A_545 = tpu.vector_load %arg10[%get3A_543, %get3A_544] {strides = array<i32>} : memref<64x768xf32, #tpu.memory_space<vmem>>, vector<1x16xf32>,
      %get3A_546 = vector.shape_cast %get3A_545 : vector<1x16xf32> to vector<16xf32>
      %swap3A_547 = arith.index_cast %scan3A_470 : i32 to index
      %swap3A_548 = arith.constant 128 : index
      %swap3A_549 = tpu.vector_load %arg9[%swap3A_547, %swap3A_548] {strides = array<i32>} : memref<64x768xf32, #tpu.memory_space<vmem>>, vector<1x16xf32>,
      %swap3A_550 = vector.shape_cast %swap3A_549 : vector<1x16xf32> to vector<16xf32>
      %swap3A_551 = vector.shape_cast %get3A_546 : vector<16xf32> to vector<1x16xf32>
      tpu.vector_store %arg9[%swap3A_547, %swap3A_548], %swap3A_551 {add = true, strides = array<i32>} : memref<64x768xf32, #tpu.memory_space<vmem>>, vector<1x16xf32>,
      %get3A_552 = arith.index_cast %scan3A_470 : i32 to index
      %get3A_553 = arith.constant 144 : index
      %get3A_554 = tpu.vector_load %arg10[%get3A_552, %get3A_553] {strides = array<i32>} : memref<64x768xf32, #tpu.memory_space<vmem>>, vector<1x16xf32>,
      %get3A_555 = vector.shape_cast %get3A_554 : vector<1x16xf32> to vector<16xf32>
      %swap3A_556 = arith.index_cast %scan3A_470 : i32 to index
      %swap3A_557 = arith.constant 144 : index
      %swap3A_558 = tpu.vector_load %arg9[%swap3A_556, %swap3A_557] {strides = array<i32>} : memref<64x768xf32, #tpu.memory_space<vmem>>, vector<1x16xf32>,
      %swap3A_559 = vector.shape_cast %swap3A_558 : vector<1x16xf32> to vector<16xf32>
      %swap3A_560 = vector.shape_cast %get3A_555 : vector<16xf32> to vector<1x16xf32>
      tpu.vector_store %arg9[%swap3A_556, %swap3A_557], %swap3A_560 {add = true, strides = array<i32>} : memref<64x768xf32, #tpu.memory_space<vmem>>, vector<1x16xf32>,
      %get3A_561 = arith.index_cast %scan3A_470 : i32 to index
      %get3A_562 = arith.constant 160 : index
      %get3A_563 = tpu.vector_load %arg10[%get3A_561, %get3A_562] {strides = array<i32>} : memref<64x768xf32, #tpu.memory_space<vmem>>, vector<1x16xf32>,
      %get3A_564 = vector.shape_cast %get3A_563 : vector<1x16xf32> to vector<16xf32>
      %swap3A_565 = arith.index_cast %scan3A_470 : i32 to index
      %swap3A_566 = arith.constant 160 : index
      %swap3A_567 = tpu.vector_load %arg9[%swap3A_565, %swap3A_566] {strides = array<i32>} : memref<64x768xf32, #tpu.memory_space<vmem>>, vector<1x16xf32>,
      %swap3A_568 = vector.shape_cast %swap3A_567 : vector<1x16xf32> to vector<16xf32>
      %swap3A_569 = vector.shape_cast %get3A_564 : vector<16xf32> to vector<1x16xf32>
      tpu.vector_store %arg9[%swap3A_565, %swap3A_566], %swap3A_569 {add = true, strides = array<i32>} : memref<64x768xf32, #tpu.memory_space<vmem>>, vector<1x16xf32>,
      %get3A_570 = arith.index_cast %scan3A_470 : i32 to index
      %get3A_571 = arith.constant 176 : index
      %get3A_572 = tpu.vector_load %arg10[%get3A_570, %get3A_571] {strides = array<i32>} : memref<64x768xf32, #tpu.memory_space<vmem>>, vector<1x16xf32>,
      %get3A_573 = vector.shape_cast %get3A_572 : vector<1x16xf32> to vector<16xf32>
      %swap3A_574 = arith.index_cast %scan3A_470 : i32 to index
      %swap3A_575 = arith.constant 176 : index
      %swap3A_576 = tpu.vector_load %arg9[%swap3A_574, %swap3A_575] {strides = array<i32>} : memref<64x768xf32, #tpu.memory_space<vmem>>, vector<1x16xf32>,
      %swap3A_577 = vector.shape_cast %swap3A_576 : vector<1x16xf32> to vector<16xf32>
      %swap3A_578 = vector.shape_cast %get3A_573 : vector<16xf32> to vector<1x16xf32>
      tpu.vector_store %arg9[%swap3A_574, %swap3A_575], %swap3A_578 {add = true, strides = array<i32>} : memref<64x768xf32, #tpu.memory_space<vmem>>, vector<1x16xf32>,
      %get3A_579 = arith.index_cast %scan3A_470 : i32 to index
      %get3A_580 = arith.constant 192 : index
      %get3A_581 = tpu.vector_load %arg10[%get3A_579, %get3A_580] {strides = array<i32>} : memref<64x768xf32, #tpu.memory_space<vmem>>, vector<1x16xf32>,
      %get3A_582 = vector.shape_cast %get3A_581 : vector<1x16xf32> to vector<16xf32>
      %swap3A_583 = arith.index_cast %scan3A_470 : i32 to index
      %swap3A_584 = arith.constant 192 : index
      %swap3A_585 = tpu.vector_load %arg9[%swap3A_583, %swap3A_584] {strides = array<i32>} : memref<64x768xf32, #tpu.memory_space<vmem>>, vector<1x16xf32>,
      %swap3A_586 = vector.shape_cast %swap3A_585 : vector<1x16xf32> to vector<16xf32>
      %swap3A_587 = vector.shape_cast %get3A_582 : vector<16xf32> to vector<1x16xf32>
      tpu.vector_store %arg9[%swap3A_583, %swap3A_584], %swap3A_587 {add = true, strides = array<i32>} : memref<64x768xf32, #tpu.memory_space<vmem>>, vector<1x16xf32>,
      %get3A_588 = arith.index_cast %scan3A_470 : i32 to index
      %get3A_589 = arith.constant 208 : index
      %get3A_590 = tpu.vector_load %arg10[%get3A_588, %get3A_589] {strides = array<i32>} : memref<64x768xf32, #tpu.memory_space<vmem>>, vector<1x16xf32>,
      %get3A_591 = vector.shape_cast %get3A_590 : vector<1x16xf32> to vector<16xf32>
      %swap3A_592 = arith.index_cast %scan3A_470 : i32 to index
      %swap3A_593 = arith.constant 208 : index
      %swap3A_594 = tpu.vector_load %arg9[%swap3A_592, %swap3A_593] {strides = array<i32>} : memref<64x768xf32, #tpu.memory_space<vmem>>, vector<1x16xf32>,
      %swap3A_595 = vector.shape_cast %swap3A_594 : vector<1x16xf32> to vector<16xf32>
      %swap3A_596 = vector.shape_cast %get3A_591 : vector<16xf32> to vector<1x16xf32>
      tpu.vector_store %arg9[%swap3A_592, %swap3A_593], %swap3A_596 {add = true, strides = array<i32>} : memref<64x768xf32, #tpu.memory_space<vmem>>, vector<1x16xf32>,
      %get3A_597 = arith.index_cast %scan3A_470 : i32 to index
      %get3A_598 = arith.constant 224 : index
      %get3A_599 = tpu.vector_load %arg10[%get3A_597, %get3A_598] {strides = array<i32>} : memref<64x768xf32, #tpu.memory_space<vmem>>, vector<1x16xf32>,
      %get3A_600 = vector.shape_cast %get3A_599 : vector<1x16xf32> to vector<16xf32>
      %swap3A_601 = arith.index_cast %scan3A_470 : i32 to index
      %swap3A_602 = arith.constant 224 : index
      %swap3A_603 = tpu.vector_load %arg9[%swap3A_601, %swap3A_602] {strides = array<i32>} : memref<64x768xf32, #tpu.memory_space<vmem>>, vector<1x16xf32>,
      %swap3A_604 = vector.shape_cast %swap3A_603 : vector<1x16xf32> to vector<16xf32>
      %swap3A_605 = vector.shape_cast %get3A_600 : vector<16xf32> to vector<1x16xf32>
      tpu.vector_store %arg9[%swap3A_601, %swap3A_602], %swap3A_605 {add = true, strides = array<i32>} : memref<64x768xf32, #tpu.memory_space<vmem>>, vector<1x16xf32>,
      %get3A_606 = arith.index_cast %scan3A_470 : i32 to index
      %get3A_607 = arith.constant 240 : index
      %get3A_608 = tpu.vector_load %arg10[%get3A_606, %get3A_607] {strides = array<i32>} : memref<64x768xf32, #tpu.memory_space<vmem>>, vector<1x16xf32>,
      %get3A_609 = vector.shape_cast %get3A_608 : vector<1x16xf32> to vector<16xf32>
      %swap3A_610 = arith.index_cast %scan3A_470 : i32 to index
      %swap3A_611 = arith.constant 240 : index
      %swap3A_612 = tpu.vector_load %arg9[%swap3A_610, %swap3A_611] {strides = array<i32>} : memref<64x768xf32, #tpu.memory_space<vmem>>, vector<1x16xf32>,
      %swap3A_613 = vector.shape_cast %swap3A_612 : vector<1x16xf32> to vector<16xf32>
      %swap3A_614 = vector.shape_cast %get3A_609 : vector<16xf32> to vector<1x16xf32>
      tpu.vector_store %arg9[%swap3A_610, %swap3A_611], %swap3A_614 {add = true, strides = array<i32>} : memref<64x768xf32, #tpu.memory_space<vmem>>, vector<1x16xf32>,
      %get3A_615 = arith.index_cast %scan3A_470 : i32 to index
      %get3A_616 = arith.constant 256 : index
      %get3A_617 = tpu.vector_load %arg10[%get3A_615, %get3A_616] {strides = array<i32>} : memref<64x768xf32, #tpu.memory_space<vmem>>, vector<1x16xf32>,
      %get3A_618 = vector.shape_cast %get3A_617 : vector<1x16xf32> to vector<16xf32>
      %swap3A_619 = arith.index_cast %scan3A_470 : i32 to index
      %swap3A_620 = arith.constant 256 : index
      %swap3A_621 = tpu.vector_load %arg9[%swap3A_619, %swap3A_620] {strides = array<i32>} : memref<64x768xf32, #tpu.memory_space<vmem>>, vector<1x16xf32>,
      %swap3A_622 = vector.shape_cast %swap3A_621 : vector<1x16xf32> to vector<16xf32>
      %swap3A_623 = vector.shape_cast %get3A_618 : vector<16xf32> to vector<1x16xf32>
      tpu.vector_store %arg9[%swap3A_619, %swap3A_620], %swap3A_623 {add = true, strides = array<i32>} : memref<64x768xf32, #tpu.memory_space<vmem>>, vector<1x16xf32>,
      %get3A_624 = arith.index_cast %scan3A_470 : i32 to index
      %get3A_625 = arith.constant 272 : index
      %get3A_626 = tpu.vector_load %arg10[%get3A_624, %get3A_625] {strides = array<i32>} : memref<64x768xf32, #tpu.memory_space<vmem>>, vector<1x16xf32>,
      %get3A_627 = vector.shape_cast %get3A_626 : vector<1x16xf32> to vector<16xf32>
      %swap3A_628 = arith.index_cast %scan3A_470 : i32 to index
      %swap3A_629 = arith.constant 272 : index
      %swap3A_630 = tpu.vector_load %arg9[%swap3A_628, %swap3A_629] {strides = array<i32>} : memref<64x768xf32, #tpu.memory_space<vmem>>, vector<1x16xf32>,
      %swap3A_631 = vector.shape_cast %swap3A_630 : vector<1x16xf32> to vector<16xf32>
      %swap3A_632 = vector.shape_cast %get3A_627 : vector<16xf32> to vector<1x16xf32>
      tpu.vector_store %arg9[%swap3A_628, %swap3A_629], %swap3A_632 {add = true, strides = array<i32>} : memref<64x768xf32, #tpu.memory_space<vmem>>, vector<1x16xf32>,
      %get3A_633 = arith.index_cast %scan3A_470 : i32 to index
      %get3A_634 = arith.constant 288 : index
      %get3A_635 = tpu.vector_load %arg10[%get3A_633, %get3A_634] {strides = array<i32>} : memref<64x768xf32, #tpu.memory_space<vmem>>, vector<1x16xf32>,
      %get3A_636 = vector.shape_cast %get3A_635 : vector<1x16xf32> to vector<16xf32>
      %swap3A_637 = arith.index_cast %scan3A_470 : i32 to index
      %swap3A_638 = arith.constant 288 : index
      %swap3A_639 = tpu.vector_load %arg9[%swap3A_637, %swap3A_638] {strides = array<i32>} : memref<64x768xf32, #tpu.memory_space<vmem>>, vector<1x16xf32>,
      %swap3A_640 = vector.shape_cast %swap3A_639 : vector<1x16xf32> to vector<16xf32>
      %swap3A_641 = vector.shape_cast %get3A_636 : vector<16xf32> to vector<1x16xf32>
      tpu.vector_store %arg9[%swap3A_637, %swap3A_638], %swap3A_641 {add = true, strides = array<i32>} : memref<64x768xf32, #tpu.memory_space<vmem>>, vector<1x16xf32>,
      %get3A_642 = arith.index_cast %scan3A_470 : i32 to index
      %get3A_643 = arith.constant 304 : index
      %get3A_644 = tpu.vector_load %arg10[%get3A_642, %get3A_643] {strides = array<i32>} : memref<64x768xf32, #tpu.memory_space<vmem>>, vector<1x16xf32>,
      %get3A_645 = vector.shape_cast %get3A_644 : vector<1x16xf32> to vector<16xf32>
      %swap3A_646 = arith.index_cast %scan3A_470 : i32 to index
      %swap3A_647 = arith.constant 304 : index
      %swap3A_648 = tpu.vector_load %arg9[%swap3A_646, %swap3A_647] {strides = array<i32>} : memref<64x768xf32, #tpu.memory_space<vmem>>, vector<1x16xf32>,
      %swap3A_649 = vector.shape_cast %swap3A_648 : vector<1x16xf32> to vector<16xf32>
      %swap3A_650 = vector.shape_cast %get3A_645 : vector<16xf32> to vector<1x16xf32>
      tpu.vector_store %arg9[%swap3A_646, %swap3A_647], %swap3A_650 {add = true, strides = array<i32>} : memref<64x768xf32, #tpu.memory_space<vmem>>, vector<1x16xf32>,
      %get3A_651 = arith.index_cast %scan3A_470 : i32 to index
      %get3A_652 = arith.constant 320 : index
      %get3A_653 = tpu.vector_load %arg10[%get3A_651, %get3A_652] {strides = array<i32>} : memref<64x768xf32, #tpu.memory_space<vmem>>, vector<1x16xf32>,
      %get3A_654 = vector.shape_cast %get3A_653 : vector<1x16xf32> to vector<16xf32>
      %swap3A_655 = arith.index_cast %scan3A_470 : i32 to index
      %swap3A_656 = arith.constant 320 : index
      %swap3A_657 = tpu.vector_load %arg9[%swap3A_655, %swap3A_656] {strides = array<i32>} : memref<64x768xf32, #tpu.memory_space<vmem>>, vector<1x16xf32>,
      %swap3A_658 = vector.shape_cast %swap3A_657 : vector<1x16xf32> to vector<16xf32>
      %swap3A_659 = vector.shape_cast %get3A_654 : vector<16xf32> to vector<1x16xf32>
      tpu.vector_store %arg9[%swap3A_655, %swap3A_656], %swap3A_659 {add = true, strides = array<i32>} : memref<64x768xf32, #tpu.memory_space<vmem>>, vector<1x16xf32>,
      %get3A_660 = arith.index_cast %scan3A_470 : i32 to index
      %get3A_661 = arith.constant 336 : index
      %get3A_662 = tpu.vector_load %arg10[%get3A_660, %get3A_661] {strides = array<i32>} : memref<64x768xf32, #tpu.memory_space<vmem>>, vector<1x16xf32>,
      %get3A_663 = vector.shape_cast %get3A_662 : vector<1x16xf32> to vector<16xf32>
      %swap3A_664 = arith.index_cast %scan3A_470 : i32 to index
      %swap3A_665 = arith.constant 336 : index
      %swap3A_666 = tpu.vector_load %arg9[%swap3A_664, %swap3A_665] {strides = array<i32>} : memref<64x768xf32, #tpu.memory_space<vmem>>, vector<1x16xf32>,
      %swap3A_667 = vector.shape_cast %swap3A_666 : vector<1x16xf32> to vector<16xf32>
      %swap3A_668 = vector.shape_cast %get3A_663 : vector<16xf32> to vector<1x16xf32>
      tpu.vector_store %arg9[%swap3A_664, %swap3A_665], %swap3A_668 {add = true, strides = array<i32>} : memref<64x768xf32, #tpu.memory_space<vmem>>, vector<1x16xf32>,
      %get3A_669 = arith.index_cast %scan3A_470 : i32 to index
      %get3A_670 = arith.constant 352 : index
      %get3A_671 = tpu.vector_load %arg10[%get3A_669, %get3A_670] {strides = array<i32>} : memref<64x768xf32, #tpu.memory_space<vmem>>, vector<1x16xf32>,
      %get3A_672 = vector.shape_cast %get3A_671 : vector<1x16xf32> to vector<16xf32>
      %swap3A_673 = arith.index_cast %scan3A_470 : i32 to index
      %swap3A_674 = arith.constant 352 : index
      %swap3A_675 = tpu.vector_load %arg9[%swap3A_673, %swap3A_674] {strides = array<i32>} : memref<64x768xf32, #tpu.memory_space<vmem>>, vector<1x16xf32>,
      %swap3A_676 = vector.shape_cast %swap3A_675 : vector<1x16xf32> to vector<16xf32>
      %swap3A_677 = vector.shape_cast %get3A_672 : vector<16xf32> to vector<1x16xf32>
      tpu.vector_store %arg9[%swap3A_673, %swap3A_674], %swap3A_677 {add = true, strides = array<i32>} : memref<64x768xf32, #tpu.memory_space<vmem>>, vector<1x16xf32>,
      %get3A_678 = arith.index_cast %scan3A_470 : i32 to index
      %get3A_679 = arith.constant 368 : index
      %get3A_680 = tpu.vector_load %arg10[%get3A_678, %get3A_679] {strides = array<i32>} : memref<64x768xf32, #tpu.memory_space<vmem>>, vector<1x16xf32>,
      %get3A_681 = vector.shape_cast %get3A_680 : vector<1x16xf32> to vector<16xf32>
      %swap3A_682 = arith.index_cast %scan3A_470 : i32 to index
      %swap3A_683 = arith.constant 368 : index
      %swap3A_684 = tpu.vector_load %arg9[%swap3A_682, %swap3A_683] {strides = array<i32>} : memref<64x768xf32, #tpu.memory_space<vmem>>, vector<1x16xf32>,
      %swap3A_685 = vector.shape_cast %swap3A_684 : vector<1x16xf32> to vector<16xf32>
      %swap3A_686 = vector.shape_cast %get3A_681 : vector<16xf32> to vector<1x16xf32>
      tpu.vector_store %arg9[%swap3A_682, %swap3A_683], %swap3A_686 {add = true, strides = array<i32>} : memref<64x768xf32, #tpu.memory_space<vmem>>, vector<1x16xf32>,
      %get3A_687 = arith.index_cast %scan3A_470 : i32 to index
      %get3A_688 = arith.constant 384 : index
      %get3A_689 = tpu.vector_load %arg10[%get3A_687, %get3A_688] {strides = array<i32>} : memref<64x768xf32, #tpu.memory_space<vmem>>, vector<1x16xf32>,
      %get3A_690 = vector.shape_cast %get3A_689 : vector<1x16xf32> to vector<16xf32>
      %swap3A_691 = arith.index_cast %scan3A_470 : i32 to index
      %swap3A_692 = arith.constant 384 : index
      %swap3A_693 = tpu.vector_load %arg9[%swap3A_691, %swap3A_692] {strides = array<i32>} : memref<64x768xf32, #tpu.memory_space<vmem>>, vector<1x16xf32>,
      %swap3A_694 = vector.shape_cast %swap3A_693 : vector<1x16xf32> to vector<16xf32>
      %swap3A_695 = vector.shape_cast %get3A_690 : vector<16xf32> to vector<1x16xf32>
      tpu.vector_store %arg9[%swap3A_691, %swap3A_692], %swap3A_695 {add = true, strides = array<i32>} : memref<64x768xf32, #tpu.memory_space<vmem>>, vector<1x16xf32>,
      %get3A_696 = arith.index_cast %scan3A_470 : i32 to index
      %get3A_697 = arith.constant 400 : index
      %get3A_698 = tpu.vector_load %arg10[%get3A_696, %get3A_697] {strides = array<i32>} : memref<64x768xf32, #tpu.memory_space<vmem>>, vector<1x16xf32>,
      %get3A_699 = vector.shape_cast %get3A_698 : vector<1x16xf32> to vector<16xf32>
      %swap3A_700 = arith.index_cast %scan3A_470 : i32 to index
      %swap3A_701 = arith.constant 400 : index
      %swap3A_702 = tpu.vector_load %arg9[%swap3A_700, %swap3A_701] {strides = array<i32>} : memref<64x768xf32, #tpu.memory_space<vmem>>, vector<1x16xf32>,
      %swap3A_703 = vector.shape_cast %swap3A_702 : vector<1x16xf32> to vector<16xf32>
      %swap3A_704 = vector.shape_cast %get3A_699 : vector<16xf32> to vector<1x16xf32>
      tpu.vector_store %arg9[%swap3A_700, %swap3A_701], %swap3A_704 {add = true, strides = array<i32>} : memref<64x768xf32, #tpu.memory_space<vmem>>, vector<1x16xf32>,
      %get3A_705 = arith.index_cast %scan3A_470 : i32 to index
      %get3A_706 = arith.constant 416 : index
      %get3A_707 = tpu.vector_load %arg10[%get3A_705, %get3A_706] {strides = array<i32>} : memref<64x768xf32, #tpu.memory_space<vmem>>, vector<1x16xf32>,
      %get3A_708 = vector.shape_cast %get3A_707 : vector<1x16xf32> to vector<16xf32>
      %swap3A_709 = arith.index_cast %scan3A_470 : i32 to index
      %swap3A_710 = arith.constant 416 : index
      %swap3A_711 = tpu.vector_load %arg9[%swap3A_709, %swap3A_710] {strides = array<i32>} : memref<64x768xf32, #tpu.memory_space<vmem>>, vector<1x16xf32>,
      %swap3A_712 = vector.shape_cast %swap3A_711 : vector<1x16xf32> to vector<16xf32>
      %swap3A_713 = vector.shape_cast %get3A_708 : vector<16xf32> to vector<1x16xf32>
      tpu.vector_store %arg9[%swap3A_709, %swap3A_710], %swap3A_713 {add = true, strides = array<i32>} : memref<64x768xf32, #tpu.memory_space<vmem>>, vector<1x16xf32>,
      %get3A_714 = arith.index_cast %scan3A_470 : i32 to index
      %get3A_715 = arith.constant 432 : index
      %get3A_716 = tpu.vector_load %arg10[%get3A_714, %get3A_715] {strides = array<i32>} : memref<64x768xf32, #tpu.memory_space<vmem>>, vector<1x16xf32>,
      %get3A_717 = vector.shape_cast %get3A_716 : vector<1x16xf32> to vector<16xf32>
      %swap3A_718 = arith.index_cast %scan3A_470 : i32 to index
      %swap3A_719 = arith.constant 432 : index
      %swap3A_720 = tpu.vector_load %arg9[%swap3A_718, %swap3A_719] {strides = array<i32>} : memref<64x768xf32, #tpu.memory_space<vmem>>, vector<1x16xf32>,
      %swap3A_721 = vector.shape_cast %swap3A_720 : vector<1x16xf32> to vector<16xf32>
      %swap3A_722 = vector.shape_cast %get3A_717 : vector<16xf32> to vector<1x16xf32>
      tpu.vector_store %arg9[%swap3A_718, %swap3A_719], %swap3A_722 {add = true, strides = array<i32>} : memref<64x768xf32, #tpu.memory_space<vmem>>, vector<1x16xf32>,
      %get3A_723 = arith.index_cast %scan3A_470 : i32 to index
      %get3A_724 = arith.constant 448 : index
      %get3A_725 = tpu.vector_load %arg10[%get3A_723, %get3A_724] {strides = array<i32>} : memref<64x768xf32, #tpu.memory_space<vmem>>, vector<1x16xf32>,
      %get3A_726 = vector.shape_cast %get3A_725 : vector<1x16xf32> to vector<16xf32>
      %swap3A_727 = arith.index_cast %scan3A_470 : i32 to index
      %swap3A_728 = arith.constant 448 : index
      %swap3A_729 = tpu.vector_load %arg9[%swap3A_727, %swap3A_728] {strides = array<i32>} : memref<64x768xf32, #tpu.memory_space<vmem>>, vector<1x16xf32>,
      %swap3A_730 = vector.shape_cast %swap3A_729 : vector<1x16xf32> to vector<16xf32>
      %swap3A_731 = vector.shape_cast %get3A_726 : vector<16xf32> to vector<1x16xf32>
      tpu.vector_store %arg9[%swap3A_727, %swap3A_728], %swap3A_731 {add = true, strides = array<i32>} : memref<64x768xf32, #tpu.memory_space<vmem>>, vector<1x16xf32>,
      %get3A_732 = arith.index_cast %scan3A_470 : i32 to index
      %get3A_733 = arith.constant 464 : index
      %get3A_734 = tpu.vector_load %arg10[%get3A_732, %get3A_733] {strides = array<i32>} : memref<64x768xf32, #tpu.memory_space<vmem>>, vector<1x16xf32>,
      %get3A_735 = vector.shape_cast %get3A_734 : vector<1x16xf32> to vector<16xf32>
      %swap3A_736 = arith.index_cast %scan3A_470 : i32 to index
      %swap3A_737 = arith.constant 464 : index
      %swap3A_738 = tpu.vector_load %arg9[%swap3A_736, %swap3A_737] {strides = array<i32>} : memref<64x768xf32, #tpu.memory_space<vmem>>, vector<1x16xf32>,
      %swap3A_739 = vector.shape_cast %swap3A_738 : vector<1x16xf32> to vector<16xf32>
      %swap3A_740 = vector.shape_cast %get3A_735 : vector<16xf32> to vector<1x16xf32>
      tpu.vector_store %arg9[%swap3A_736, %swap3A_737], %swap3A_740 {add = true, strides = array<i32>} : memref<64x768xf32, #tpu.memory_space<vmem>>, vector<1x16xf32>,
      %get3A_741 = arith.index_cast %scan3A_470 : i32 to index
      %get3A_742 = arith.constant 480 : index
      %get3A_743 = tpu.vector_load %arg10[%get3A_741, %get3A_742] {strides = array<i32>} : memref<64x768xf32, #tpu.memory_space<vmem>>, vector<1x16xf32>,
      %get3A_744 = vector.shape_cast %get3A_743 : vector<1x16xf32> to vector<16xf32>
      %swap3A_745 = arith.index_cast %scan3A_470 : i32 to index
      %swap3A_746 = arith.constant 480 : index
      %swap3A_747 = tpu.vector_load %arg9[%swap3A_745, %swap3A_746] {strides = array<i32>} : memref<64x768xf32, #tpu.memory_space<vmem>>, vector<1x16xf32>,
      %swap3A_748 = vector.shape_cast %swap3A_747 : vector<1x16xf32> to vector<16xf32>
      %swap3A_749 = vector.shape_cast %get3A_744 : vector<16xf32> to vector<1x16xf32>
      tpu.vector_store %arg9[%swap3A_745, %swap3A_746], %swap3A_749 {add = true, strides = array<i32>} : memref<64x768xf32, #tpu.memory_space<vmem>>, vector<1x16xf32>,
      %get3A_750 = arith.index_cast %scan3A_470 : i32 to index
      %get3A_751 = arith.constant 496 : index
      %get3A_752 = tpu.vector_load %arg10[%get3A_750, %get3A_751] {strides = array<i32>} : memref<64x768xf32, #tpu.memory_space<vmem>>, vector<1x16xf32>,
      %get3A_753 = vector.shape_cast %get3A_752 : vector<1x16xf32> to vector<16xf32>
      %swap3A_754 = arith.index_cast %scan3A_470 : i32 to index
      %swap3A_755 = arith.constant 496 : index
      %swap3A_756 = tpu.vector_load %arg9[%swap3A_754, %swap3A_755] {strides = array<i32>} : memref<64x768xf32, #tpu.memory_space<vmem>>, vector<1x16xf32>,
      %swap3A_757 = vector.shape_cast %swap3A_756 : vector<1x16xf32> to vector<16xf32>
      %swap3A_758 = vector.shape_cast %get3A_753 : vector<16xf32> to vector<1x16xf32>
      tpu.vector_store %arg9[%swap3A_754, %swap3A_755], %swap3A_758 {add = true, strides = array<i32>} : memref<64x768xf32, #tpu.memory_space<vmem>>, vector<1x16xf32>,
      %get3A_759 = arith.index_cast %scan3A_470 : i32 to index
      %get3A_760 = arith.constant 512 : index
      %get3A_761 = tpu.vector_load %arg10[%get3A_759, %get3A_760] {strides = array<i32>} : memref<64x768xf32, #tpu.memory_space<vmem>>, vector<1x16xf32>,
      %get3A_762 = vector.shape_cast %get3A_761 : vector<1x16xf32> to vector<16xf32>
      %swap3A_763 = arith.index_cast %scan3A_470 : i32 to index
      %swap3A_764 = arith.constant 512 : index
      %swap3A_765 = tpu.vector_load %arg9[%swap3A_763, %swap3A_764] {strides = array<i32>} : memref<64x768xf32, #tpu.memory_space<vmem>>, vector<1x16xf32>,
      %swap3A_766 = vector.shape_cast %swap3A_765 : vector<1x16xf32> to vector<16xf32>
      %swap3A_767 = vector.shape_cast %get3A_762 : vector<16xf32> to vector<1x16xf32>
      tpu.vector_store %arg9[%swap3A_763, %swap3A_764], %swap3A_767 {add = true, strides = array<i32>} : memref<64x768xf32, #tpu.memory_space<vmem>>, vector<1x16xf32>,
      %get3A_768 = arith.index_cast %scan3A_470 : i32 to index
      %get3A_769 = arith.constant 528 : index
      %get3A_770 = tpu.vector_load %arg10[%get3A_768, %get3A_769] {strides = array<i32>} : memref<64x768xf32, #tpu.memory_space<vmem>>, vector<1x16xf32>,
      %get3A_771 = vector.shape_cast %get3A_770 : vector<1x16xf32> to vector<16xf32>
      %swap3A_772 = arith.index_cast %scan3A_470 : i32 to index
      %swap3A_773 = arith.constant 528 : index
      %swap3A_774 = tpu.vector_load %arg9[%swap3A_772, %swap3A_773] {strides = array<i32>} : memref<64x768xf32, #tpu.memory_space<vmem>>, vector<1x16xf32>,
      %swap3A_775 = vector.shape_cast %swap3A_774 : vector<1x16xf32> to vector<16xf32>
      %swap3A_776 = vector.shape_cast %get3A_771 : vector<16xf32> to vector<1x16xf32>
      tpu.vector_store %arg9[%swap3A_772, %swap3A_773], %swap3A_776 {add = true, strides = array<i32>} : memref<64x768xf32, #tpu.memory_space<vmem>>, vector<1x16xf32>,
      %get3A_777 = arith.index_cast %scan3A_470 : i32 to index
      %get3A_778 = arith.constant 544 : index
      %get3A_779 = tpu.vector_load %arg10[%get3A_777, %get3A_778] {strides = array<i32>} : memref<64x768xf32, #tpu.memory_space<vmem>>, vector<1x16xf32>,
      %get3A_780 = vector.shape_cast %get3A_779 : vector<1x16xf32> to vector<16xf32>
      %swap3A_781 = arith.index_cast %scan3A_470 : i32 to index
      %swap3A_782 = arith.constant 544 : index
      %swap3A_783 = tpu.vector_load %arg9[%swap3A_781, %swap3A_782] {strides = array<i32>} : memref<64x768xf32, #tpu.memory_space<vmem>>, vector<1x16xf32>,
      %swap3A_784 = vector.shape_cast %swap3A_783 : vector<1x16xf32> to vector<16xf32>
      %swap3A_785 = vector.shape_cast %get3A_780 : vector<16xf32> to vector<1x16xf32>
      tpu.vector_store %arg9[%swap3A_781, %swap3A_782], %swap3A_785 {add = true, strides = array<i32>} : memref<64x768xf32, #tpu.memory_space<vmem>>, vector<1x16xf32>,
      %get3A_786 = arith.index_cast %scan3A_470 : i32 to index
      %get3A_787 = arith.constant 560 : index
      %get3A_788 = tpu.vector_load %arg10[%get3A_786, %get3A_787] {strides = array<i32>} : memref<64x768xf32, #tpu.memory_space<vmem>>, vector<1x16xf32>,
      %get3A_789 = vector.shape_cast %get3A_788 : vector<1x16xf32> to vector<16xf32>
      %swap3A_790 = arith.index_cast %scan3A_470 : i32 to index
      %swap3A_791 = arith.constant 560 : index
      %swap3A_792 = tpu.vector_load %arg9[%swap3A_790, %swap3A_791] {strides = array<i32>} : memref<64x768xf32, #tpu.memory_space<vmem>>, vector<1x16xf32>,
      %swap3A_793 = vector.shape_cast %swap3A_792 : vector<1x16xf32> to vector<16xf32>
      %swap3A_794 = vector.shape_cast %get3A_789 : vector<16xf32> to vector<1x16xf32>
      tpu.vector_store %arg9[%swap3A_790, %swap3A_791], %swap3A_794 {add = true, strides = array<i32>} : memref<64x768xf32, #tpu.memory_space<vmem>>, vector<1x16xf32>,
      %get3A_795 = arith.index_cast %scan3A_470 : i32 to index
      %get3A_796 = arith.constant 576 : index
      %get3A_797 = tpu.vector_load %arg10[%get3A_795, %get3A_796] {strides = array<i32>} : memref<64x768xf32, #tpu.memory_space<vmem>>, vector<1x16xf32>,
      %get3A_798 = vector.shape_cast %get3A_797 : vector<1x16xf32> to vector<16xf32>
      %swap3A_799 = arith.index_cast %scan3A_470 : i32 to index
      %swap3A_800 = arith.constant 576 : index
      %swap3A_801 = tpu.vector_load %arg9[%swap3A_799, %swap3A_800] {strides = array<i32>} : memref<64x768xf32, #tpu.memory_space<vmem>>, vector<1x16xf32>,
      %swap3A_802 = vector.shape_cast %swap3A_801 : vector<1x16xf32> to vector<16xf32>
      %swap3A_803 = vector.shape_cast %get3A_798 : vector<16xf32> to vector<1x16xf32>
      tpu.vector_store %arg9[%swap3A_799, %swap3A_800], %swap3A_803 {add = true, strides = array<i32>} : memref<64x768xf32, #tpu.memory_space<vmem>>, vector<1x16xf32>,
      %get3A_804 = arith.index_cast %scan3A_470 : i32 to index
      %get3A_805 = arith.constant 592 : index
      %get3A_806 = tpu.vector_load %arg10[%get3A_804, %get3A_805] {strides = array<i32>} : memref<64x768xf32, #tpu.memory_space<vmem>>, vector<1x16xf32>,
      %get3A_807 = vector.shape_cast %get3A_806 : vector<1x16xf32> to vector<16xf32>
      %swap3A_808 = arith.index_cast %scan3A_470 : i32 to index
      %swap3A_809 = arith.constant 592 : index
      %swap3A_810 = tpu.vector_load %arg9[%swap3A_808, %swap3A_809] {strides = array<i32>} : memref<64x768xf32, #tpu.memory_space<vmem>>, vector<1x16xf32>,
      %swap3A_811 = vector.shape_cast %swap3A_810 : vector<1x16xf32> to vector<16xf32>
      %swap3A_812 = vector.shape_cast %get3A_807 : vector<16xf32> to vector<1x16xf32>
      tpu.vector_store %arg9[%swap3A_808, %swap3A_809], %swap3A_812 {add = true, strides = array<i32>} : memref<64x768xf32, #tpu.memory_space<vmem>>, vector<1x16xf32>,
      %get3A_813 = arith.index_cast %scan3A_470 : i32 to index
      %get3A_814 = arith.constant 608 : index
      %get3A_815 = tpu.vector_load %arg10[%get3A_813, %get3A_814] {strides = array<i32>} : memref<64x768xf32, #tpu.memory_space<vmem>>, vector<1x16xf32>,
      %get3A_816 = vector.shape_cast %get3A_815 : vector<1x16xf32> to vector<16xf32>
      %swap3A_817 = arith.index_cast %scan3A_470 : i32 to index
      %swap3A_818 = arith.constant 608 : index
      %swap3A_819 = tpu.vector_load %arg9[%swap3A_817, %swap3A_818] {strides = array<i32>} : memref<64x768xf32, #tpu.memory_space<vmem>>, vector<1x16xf32>,
      %swap3A_820 = vector.shape_cast %swap3A_819 : vector<1x16xf32> to vector<16xf32>
      %swap3A_821 = vector.shape_cast %get3A_816 : vector<16xf32> to vector<1x16xf32>
      tpu.vector_store %arg9[%swap3A_817, %swap3A_818], %swap3A_821 {add = true, strides = array<i32>} : memref<64x768xf32, #tpu.memory_space<vmem>>, vector<1x16xf32>,
      %get3A_822 = arith.index_cast %scan3A_470 : i32 to index
      %get3A_823 = arith.constant 624 : index
      %get3A_824 = tpu.vector_load %arg10[%get3A_822, %get3A_823] {strides = array<i32>} : memref<64x768xf32, #tpu.memory_space<vmem>>, vector<1x16xf32>,
      %get3A_825 = vector.shape_cast %get3A_824 : vector<1x16xf32> to vector<16xf32>
      %swap3A_826 = arith.index_cast %scan3A_470 : i32 to index
      %swap3A_827 = arith.constant 624 : index
      %swap3A_828 = tpu.vector_load %arg9[%swap3A_826, %swap3A_827] {strides = array<i32>} : memref<64x768xf32, #tpu.memory_space<vmem>>, vector<1x16xf32>,
      %swap3A_829 = vector.shape_cast %swap3A_828 : vector<1x16xf32> to vector<16xf32>
      %swap3A_830 = vector.shape_cast %get3A_825 : vector<16xf32> to vector<1x16xf32>
      tpu.vector_store %arg9[%swap3A_826, %swap3A_827], %swap3A_830 {add = true, strides = array<i32>} : memref<64x768xf32, #tpu.memory_space<vmem>>, vector<1x16xf32>,
      %get3A_831 = arith.index_cast %scan3A_470 : i32 to index
      %get3A_832 = arith.constant 640 : index
      %get3A_833 = tpu.vector_load %arg10[%get3A_831, %get3A_832] {strides = array<i32>} : memref<64x768xf32, #tpu.memory_space<vmem>>, vector<1x16xf32>,
      %get3A_834 = vector.shape_cast %get3A_833 : vector<1x16xf32> to vector<16xf32>
      %swap3A_835 = arith.index_cast %scan3A_470 : i32 to index
      %swap3A_836 = arith.constant 640 : index
      %swap3A_837 = tpu.vector_load %arg9[%swap3A_835, %swap3A_836] {strides = array<i32>} : memref<64x768xf32, #tpu.memory_space<vmem>>, vector<1x16xf32>,
      %swap3A_838 = vector.shape_cast %swap3A_837 : vector<1x16xf32> to vector<16xf32>
      %swap3A_839 = vector.shape_cast %get3A_834 : vector<16xf32> to vector<1x16xf32>
      tpu.vector_store %arg9[%swap3A_835, %swap3A_836], %swap3A_839 {add = true, strides = array<i32>} : memref<64x768xf32, #tpu.memory_space<vmem>>, vector<1x16xf32>,
      %get3A_840 = arith.index_cast %scan3A_470 : i32 to index
      %get3A_841 = arith.constant 656 : index
      %get3A_842 = tpu.vector_load %arg10[%get3A_840, %get3A_841] {strides = array<i32>} : memref<64x768xf32, #tpu.memory_space<vmem>>, vector<1x16xf32>,
      %get3A_843 = vector.shape_cast %get3A_842 : vector<1x16xf32> to vector<16xf32>
      %swap3A_844 = arith.index_cast %scan3A_470 : i32 to index
      %swap3A_845 = arith.constant 656 : index
      %swap3A_846 = tpu.vector_load %arg9[%swap3A_844, %swap3A_845] {strides = array<i32>} : memref<64x768xf32, #tpu.memory_space<vmem>>, vector<1x16xf32>,
      %swap3A_847 = vector.shape_cast %swap3A_846 : vector<1x16xf32> to vector<16xf32>
      %swap3A_848 = vector.shape_cast %get3A_843 : vector<16xf32> to vector<1x16xf32>
      tpu.vector_store %arg9[%swap3A_844, %swap3A_845], %swap3A_848 {add = true, strides = array<i32>} : memref<64x768xf32, #tpu.memory_space<vmem>>, vector<1x16xf32>,
      %get3A_849 = arith.index_cast %scan3A_470 : i32 to index
      %get3A_850 = arith.constant 672 : index
      %get3A_851 = tpu.vector_load %arg10[%get3A_849, %get3A_850] {strides = array<i32>} : memref<64x768xf32, #tpu.memory_space<vmem>>, vector<1x16xf32>,
      %get3A_852 = vector.shape_cast %get3A_851 : vector<1x16xf32> to vector<16xf32>
      %swap3A_853 = arith.index_cast %scan3A_470 : i32 to index
      %swap3A_854 = arith.constant 672 : index
      %swap3A_855 = tpu.vector_load %arg9[%swap3A_853, %swap3A_854] {strides = array<i32>} : memref<64x768xf32, #tpu.memory_space<vmem>>, vector<1x16xf32>,
      %swap3A_856 = vector.shape_cast %swap3A_855 : vector<1x16xf32> to vector<16xf32>
      %swap3A_857 = vector.shape_cast %get3A_852 : vector<16xf32> to vector<1x16xf32>
      tpu.vector_store %arg9[%swap3A_853, %swap3A_854], %swap3A_857 {add = true, strides = array<i32>} : memref<64x768xf32, #tpu.memory_space<vmem>>, vector<1x16xf32>,
      %get3A_858 = arith.index_cast %scan3A_470 : i32 to index
      %get3A_859 = arith.constant 688 : index
      %get3A_860 = tpu.vector_load %arg10[%get3A_858, %get3A_859] {strides = array<i32>} : memref<64x768xf32, #tpu.memory_space<vmem>>, vector<1x16xf32>,
      %get3A_861 = vector.shape_cast %get3A_860 : vector<1x16xf32> to vector<16xf32>
      %swap3A_862 = arith.index_cast %scan3A_470 : i32 to index
      %swap3A_863 = arith.constant 688 : index
      %swap3A_864 = tpu.vector_load %arg9[%swap3A_862, %swap3A_863] {strides = array<i32>} : memref<64x768xf32, #tpu.memory_space<vmem>>, vector<1x16xf32>,
      %swap3A_865 = vector.shape_cast %swap3A_864 : vector<1x16xf32> to vector<16xf32>
      %swap3A_866 = vector.shape_cast %get3A_861 : vector<16xf32> to vector<1x16xf32>
      tpu.vector_store %arg9[%swap3A_862, %swap3A_863], %swap3A_866 {add = true, strides = array<i32>} : memref<64x768xf32, #tpu.memory_space<vmem>>, vector<1x16xf32>,
      %get3A_867 = arith.index_cast %scan3A_470 : i32 to index
      %get3A_868 = arith.constant 704 : index
      %get3A_869 = tpu.vector_load %arg10[%get3A_867, %get3A_868] {strides = array<i32>} : memref<64x768xf32, #tpu.memory_space<vmem>>, vector<1x16xf32>,
      %get3A_870 = vector.shape_cast %get3A_869 : vector<1x16xf32> to vector<16xf32>
      %swap3A_871 = arith.index_cast %scan3A_470 : i32 to index
      %swap3A_872 = arith.constant 704 : index
      %swap3A_873 = tpu.vector_load %arg9[%swap3A_871, %swap3A_872] {strides = array<i32>} : memref<64x768xf32, #tpu.memory_space<vmem>>, vector<1x16xf32>,
      %swap3A_874 = vector.shape_cast %swap3A_873 : vector<1x16xf32> to vector<16xf32>
      %swap3A_875 = vector.shape_cast %get3A_870 : vector<16xf32> to vector<1x16xf32>
      tpu.vector_store %arg9[%swap3A_871, %swap3A_872], %swap3A_875 {add = true, strides = array<i32>} : memref<64x768xf32, #tpu.memory_space<vmem>>, vector<1x16xf32>,
      %get3A_876 = arith.index_cast %scan3A_470 : i32 to index
      %get3A_877 = arith.constant 720 : index
      %get3A_878 = tpu.vector_load %arg10[%get3A_876, %get3A_877] {strides = array<i32>} : memref<64x768xf32, #tpu.memory_space<vmem>>, vector<1x16xf32>,
      %get3A_879 = vector.shape_cast %get3A_878 : vector<1x16xf32> to vector<16xf32>
      %swap3A_880 = arith.index_cast %scan3A_470 : i32 to index
      %swap3A_881 = arith.constant 720 : index
      %swap3A_882 = tpu.vector_load %arg9[%swap3A_880, %swap3A_881] {strides = array<i32>} : memref<64x768xf32, #tpu.memory_space<vmem>>, vector<1x16xf32>,
      %swap3A_883 = vector.shape_cast %swap3A_882 : vector<1x16xf32> to vector<16xf32>
      %swap3A_884 = vector.shape_cast %get3A_879 : vector<16xf32> to vector<1x16xf32>
      tpu.vector_store %arg9[%swap3A_880, %swap3A_881], %swap3A_884 {add = true, strides = array<i32>} : memref<64x768xf32, #tpu.memory_space<vmem>>, vector<1x16xf32>,
      %get3A_885 = arith.index_cast %scan3A_470 : i32 to index
      %get3A_886 = arith.constant 736 : index
      %get3A_887 = tpu.vector_load %arg10[%get3A_885, %get3A_886] {strides = array<i32>} : memref<64x768xf32, #tpu.memory_space<vmem>>, vector<1x16xf32>,
      %get3A_888 = vector.shape_cast %get3A_887 : vector<1x16xf32> to vector<16xf32>
      %swap3A_889 = arith.index_cast %scan3A_470 : i32 to index
      %swap3A_890 = arith.constant 736 : index
      %swap3A_891 = tpu.vector_load %arg9[%swap3A_889, %swap3A_890] {strides = array<i32>} : memref<64x768xf32, #tpu.memory_space<vmem>>, vector<1x16xf32>,
      %swap3A_892 = vector.shape_cast %swap3A_891 : vector<1x16xf32> to vector<16xf32>
      %swap3A_893 = vector.shape_cast %get3A_888 : vector<16xf32> to vector<1x16xf32>
      tpu.vector_store %arg9[%swap3A_889, %swap3A_890], %swap3A_893 {add = true, strides = array<i32>} : memref<64x768xf32, #tpu.memory_space<vmem>>, vector<1x16xf32>,
      %get3A_894 = arith.index_cast %scan3A_470 : i32 to index
      %get3A_895 = arith.constant 752 : index
      %get3A_896 = tpu.vector_load %arg10[%get3A_894, %get3A_895] {strides = array<i32>} : memref<64x768xf32, #tpu.memory_space<vmem>>, vector<1x16xf32>,
      %get3A_897 = vector.shape_cast %get3A_896 : vector<1x16xf32> to vector<16xf32>
      %swap3A_898 = arith.index_cast %scan3A_470 : i32 to index
      %swap3A_899 = arith.constant 752 : index
      %swap3A_900 = tpu.vector_load %arg9[%swap3A_898, %swap3A_899] {strides = array<i32>} : memref<64x768xf32, #tpu.memory_space<vmem>>, vector<1x16xf32>,
      %swap3A_901 = vector.shape_cast %swap3A_900 : vector<1x16xf32> to vector<16xf32>
      %swap3A_902 = vector.shape_cast %get3A_897 : vector<16xf32> to vector<1x16xf32>
      tpu.vector_store %arg9[%swap3A_898, %swap3A_899], %swap3A_902 {add = true, strides = array<i32>} : memref<64x768xf32, #tpu.memory_space<vmem>>, vector<1x16xf32>,
    }
    %scan3A_351 = arith.constant 64 : i32
    %mul3A_352 = arith.constant 256 : i32
    %mul3A_353 = arith.muli %add3A, %mul3A_352 : i32
    %add3A_354 = arith.constant 0 : i32
    %add3A_355 = arith.addi %mul3A_353, %add3A_354 : i32
    "tpu.region"() ({
      %run_scoped3A = tpu.sem_alloc : memref<!tpu.dma_semaphore, #tpu.memory_space<semaphore_mem>>
      %dma_start3A_470 = arith.constant 0 : i32
      %dma_start3A_471 = tpu.memref_slice %arg5[%add3A_355, %dma_start3A_470] : memref<8192x768xf32, #tpu.memory_space<hbm>> -> memref<64x768xf32, #tpu.memory_space<hbm>>
      %dma_start3A_472 = arith.constant 0 : i32
      %dma_start3A_473 = tpu.memref_slice %arg5[%add3A_355, %dma_start3A_472] : memref<8192x768xf32, #tpu.memory_space<hbm>> -> memref<64x768xf32, #tpu.memory_space<hbm>>
      tpu.enqueue_dma source(%arg9 : memref<64x768xf32, #tpu.memory_space<vmem>>) target(%dma_start3A_473 : memref<64x768xf32, #tpu.memory_space<hbm>>) target_semaphore(%run_scoped3A : memref<!tpu.dma_semaphore, #tpu.memory_space<semaphore_mem>>)
      %dma_wait3A_474 = arith.constant 0 : i32
      %dma_wait3A_475 = tpu.memref_slice %arg5[%add3A_355, %dma_wait3A_474] : memref<8192x768xf32, #tpu.memory_space<hbm>> -> memref<64x768xf32, #tpu.memory_space<hbm>>
      %dma_wait3A_476 = arith.constant 0 : i32
      %dma_wait3A_477 = tpu.memref_slice %arg5[%add3A_355, %dma_wait3A_476] : memref<8192x768xf32, #tpu.memory_space<hbm>> -> memref<64x768xf32, #tpu.memory_space<hbm>>
      tpu.wait_dma2 semaphore(%run_scoped3A : memref<!tpu.dma_semaphore, #tpu.memory_space<semaphore_mem>>) src(%arg9 : memref<64x768xf32, #tpu.memory_space<vmem>>) dst(%dma_wait3A_477 : memref<64x768xf32, #tpu.memory_space<hbm>>)
      tpu.yield
    }) : () -> ()
    %dma_start3A_356 = arith.constant 1 : i32
    %dma_start3A_357 = arith.constant 0 : i32
    %dma_start3A_358 = tpu.memref_slice %arg7[%dma_start3A_356, %dma_start3A_357] : memref<4x64xi32, #tpu.memory_space<vmem>> -> memref<1x64xi32, #tpu.memory_space<vmem>>
    %dma_start3A_359 = tpu.memref_squeeze %dma_start3A_358 : memref<1x64xi32, #tpu.memory_space<vmem>> -> memref<64xi32, #tpu.memory_space<vmem>>
    %dma_start3A_360 = arith.constant 0 : i32
    %dma_start3A_361 = arith.constant 0 : i32
    %dma_start3A_362 = tpu.memref_slice %arg3[%dma_start3A_360, %dma_start3A_361] : memref<32768x768xf32, #tpu.memory_space<hbm>> -> memref<32768x768xf32, #tpu.memory_space<hbm>>
    tpu.enqueue_indirect_dma source(%dma_start3A_362 : memref<32768x768xf32, #tpu.memory_space<hbm>>) target(%arg9 : memref<64x768xf32, #tpu.memory_space<vmem>>) offsets(%dma_start3A_359 : memref<64xi32, #tpu.memory_space<vmem>>) semaphore(%arg11 : memref<!tpu.dma_semaphore, #tpu.memory_space<semaphore_mem>>)
    %dma_start3A_363 = arith.constant 1 : i32
    %dma_start3A_364 = arith.constant 0 : i32
    %dma_start3A_365 = tpu.memref_slice %arg8[%dma_start3A_363, %dma_start3A_364] : memref<4x64xi32, #tpu.memory_space<vmem>> -> memref<1x64xi32, #tpu.memory_space<vmem>>
    %dma_start3A_366 = tpu.memref_squeeze %dma_start3A_365 : memref<1x64xi32, #tpu.memory_space<vmem>> -> memref<64xi32, #tpu.memory_space<vmem>>
    %dma_start3A_367 = arith.constant 0 : i32
    %dma_start3A_368 = arith.constant 0 : i32
    %dma_start3A_369 = tpu.memref_slice %arg4[%dma_start3A_367, %dma_start3A_368] : memref<1025x768xf32, #tpu.memory_space<hbm>> -> memref<1025x768xf32, #tpu.memory_space<hbm>>
    tpu.enqueue_indirect_dma source(%dma_start3A_369 : memref<1025x768xf32, #tpu.memory_space<hbm>>) target(%arg10 : memref<64x768xf32, #tpu.memory_space<vmem>>) offsets(%dma_start3A_366 : memref<64xi32, #tpu.memory_space<vmem>>) semaphore(%arg12 : memref<!tpu.dma_semaphore, #tpu.memory_space<semaphore_mem>>)
    %dma_wait3A_370 = arith.constant 1 : i32
    %dma_wait3A_371 = arith.constant 0 : i32
    %dma_wait3A_372 = tpu.memref_slice %arg7[%dma_wait3A_370, %dma_wait3A_371] : memref<4x64xi32, #tpu.memory_space<vmem>> -> memref<1x64xi32, #tpu.memory_space<vmem>>
    %dma_wait3A_373 = tpu.memref_squeeze %dma_wait3A_372 : memref<1x64xi32, #tpu.memory_space<vmem>> -> memref<64xi32, #tpu.memory_space<vmem>>
    %dma_wait3A_374 = arith.constant 0 : i32
    %dma_wait3A_375 = arith.constant 0 : i32
    %dma_wait3A_376 = tpu.memref_slice %arg3[%dma_wait3A_374, %dma_wait3A_375] : memref<32768x768xf32, #tpu.memory_space<hbm>> -> memref<32768x768xf32, #tpu.memory_space<hbm>>
    tpu.wait_indirect_dma semaphore(%arg11 : memref<!tpu.dma_semaphore, #tpu.memory_space<semaphore_mem>>) src(%dma_wait3A_376 : memref<32768x768xf32, #tpu.memory_space<hbm>>) dst(%arg9 : memref<64x768xf32, #tpu.memory_space<vmem>>)
    %dma_wait3A_377 = arith.constant 1 : i32
    %dma_wait3A_378 = arith.constant 0 : i32
    %dma_wait3A_379 = tpu.memref_slice %arg8[%dma_wait3A_377, %dma_wait3A_378] : memref<4x64xi32, #tpu.memory_space<vmem>> -> memref<1x64xi32, #tpu.memory_space<vmem>>
    %dma_wait3A_380 = tpu.memref_squeeze %dma_wait3A_379 : memref<1x64xi32, #tpu.memory_space<vmem>> -> memref<64xi32, #tpu.memory_space<vmem>>
    %dma_wait3A_381 = arith.constant 0 : i32
    %dma_wait3A_382 = arith.constant 0 : i32
    %dma_wait3A_383 = tpu.memref_slice %arg4[%dma_wait3A_381, %dma_wait3A_382] : memref<1025x768xf32, #tpu.memory_space<hbm>> -> memref<1025x768xf32, #tpu.memory_space<hbm>>
    tpu.wait_indirect_dma semaphore(%arg12 : memref<!tpu.dma_semaphore, #tpu.memory_space<semaphore_mem>>) src(%dma_wait3A_383 : memref<1025x768xf32, #tpu.memory_space<hbm>>) dst(%arg10 : memref<64x768xf32, #tpu.memory_space<vmem>>)
    %scan3A_384 = arith.constant 0 : i32
    %scan3A_385 = arith.constant 0 : i32
    %scan3A_386 = arith.constant 64 : i32
    %scan3A_387 = arith.addi %scan3A_385, %scan3A_386 : i32
    %scan3A_388 = arith.constant 1 : i32
    scf.for %scan3A_470 = %scan3A_385 to %scan3A_387 step %scan3A_388  : i32 {
      %get3A_471 = arith.index_cast %scan3A_470 : i32 to index
      %get3A_472 = arith.constant 0 : index
      %get3A_473 = tpu.vector_load %arg10[%get3A_471, %get3A_472] {strides = array<i32>} : memref<64x768xf32, #tpu.memory_space<vmem>>, vector<1x16xf32>,
      %get3A_474 = vector.shape_cast %get3A_473 : vector<1x16xf32> to vector<16xf32>
      %swap3A_475 = arith.index_cast %scan3A_470 : i32 to index
      %swap3A_476 = arith.constant 0 : index
      %swap3A_477 = tpu.vector_load %arg9[%swap3A_475, %swap3A_476] {strides = array<i32>} : memref<64x768xf32, #tpu.memory_space<vmem>>, vector<1x16xf32>,
      %swap3A_478 = vector.shape_cast %swap3A_477 : vector<1x16xf32> to vector<16xf32>
      %swap3A_479 = vector.shape_cast %get3A_474 : vector<16xf32> to vector<1x16xf32>
      tpu.vector_store %arg9[%swap3A_475, %swap3A_476], %swap3A_479 {add = true, strides = array<i32>} : memref<64x768xf32, #tpu.memory_space<vmem>>, vector<1x16xf32>,
      %get3A_480 = arith.index_cast %scan3A_470 : i32 to index
      %get3A_481 = arith.constant 16 : index
      %get3A_482 = tpu.vector_load %arg10[%get3A_480, %get3A_481] {strides = array<i32>} : memref<64x768xf32, #tpu.memory_space<vmem>>, vector<1x16xf32>,
      %get3A_483 = vector.shape_cast %get3A_482 : vector<1x16xf32> to vector<16xf32>
      %swap3A_484 = arith.index_cast %scan3A_470 : i32 to index
      %swap3A_485 = arith.constant 16 : index
      %swap3A_486 = tpu.vector_load %arg9[%swap3A_484, %swap3A_485] {strides = array<i32>} : memref<64x768xf32, #tpu.memory_space<vmem>>, vector<1x16xf32>,
      %swap3A_487 = vector.shape_cast %swap3A_486 : vector<1x16xf32> to vector<16xf32>
      %swap3A_488 = vector.shape_cast %get3A_483 : vector<16xf32> to vector<1x16xf32>
      tpu.vector_store %arg9[%swap3A_484, %swap3A_485], %swap3A_488 {add = true, strides = array<i32>} : memref<64x768xf32, #tpu.memory_space<vmem>>, vector<1x16xf32>,
      %get3A_489 = arith.index_cast %scan3A_470 : i32 to index
      %get3A_490 = arith.constant 32 : index
      %get3A_491 = tpu.vector_load %arg10[%get3A_489, %get3A_490] {strides = array<i32>} : memref<64x768xf32, #tpu.memory_space<vmem>>, vector<1x16xf32>,
      %get3A_492 = vector.shape_cast %get3A_491 : vector<1x16xf32> to vector<16xf32>
      %swap3A_493 = arith.index_cast %scan3A_470 : i32 to index
      %swap3A_494 = arith.constant 32 : index
      %swap3A_495 = tpu.vector_load %arg9[%swap3A_493, %swap3A_494] {strides = array<i32>} : memref<64x768xf32, #tpu.memory_space<vmem>>, vector<1x16xf32>,
      %swap3A_496 = vector.shape_cast %swap3A_495 : vector<1x16xf32> to vector<16xf32>
      %swap3A_497 = vector.shape_cast %get3A_492 : vector<16xf32> to vector<1x16xf32>
      tpu.vector_store %arg9[%swap3A_493, %swap3A_494], %swap3A_497 {add = true, strides = array<i32>} : memref<64x768xf32, #tpu.memory_space<vmem>>, vector<1x16xf32>,
      %get3A_498 = arith.index_cast %scan3A_470 : i32 to index
      %get3A_499 = arith.constant 48 : index
      %get3A_500 = tpu.vector_load %arg10[%get3A_498, %get3A_499] {strides = array<i32>} : memref<64x768xf32, #tpu.memory_space<vmem>>, vector<1x16xf32>,
      %get3A_501 = vector.shape_cast %get3A_500 : vector<1x16xf32> to vector<16xf32>
      %swap3A_502 = arith.index_cast %scan3A_470 : i32 to index
      %swap3A_503 = arith.constant 48 : index
      %swap3A_504 = tpu.vector_load %arg9[%swap3A_502, %swap3A_503] {strides = array<i32>} : memref<64x768xf32, #tpu.memory_space<vmem>>, vector<1x16xf32>,
      %swap3A_505 = vector.shape_cast %swap3A_504 : vector<1x16xf32> to vector<16xf32>
      %swap3A_506 = vector.shape_cast %get3A_501 : vector<16xf32> to vector<1x16xf32>
      tpu.vector_store %arg9[%swap3A_502, %swap3A_503], %swap3A_506 {add = true, strides = array<i32>} : memref<64x768xf32, #tpu.memory_space<vmem>>, vector<1x16xf32>,
      %get3A_507 = arith.index_cast %scan3A_470 : i32 to index
      %get3A_508 = arith.constant 64 : index
      %get3A_509 = tpu.vector_load %arg10[%get3A_507, %get3A_508] {strides = array<i32>} : memref<64x768xf32, #tpu.memory_space<vmem>>, vector<1x16xf32>,
      %get3A_510 = vector.shape_cast %get3A_509 : vector<1x16xf32> to vector<16xf32>
      %swap3A_511 = arith.index_cast %scan3A_470 : i32 to index
      %swap3A_512 = arith.constant 64 : index
      %swap3A_513 = tpu.vector_load %arg9[%swap3A_511, %swap3A_512] {strides = array<i32>} : memref<64x768xf32, #tpu.memory_space<vmem>>, vector<1x16xf32>,
      %swap3A_514 = vector.shape_cast %swap3A_513 : vector<1x16xf32> to vector<16xf32>
      %swap3A_515 = vector.shape_cast %get3A_510 : vector<16xf32> to vector<1x16xf32>
      tpu.vector_store %arg9[%swap3A_511, %swap3A_512], %swap3A_515 {add = true, strides = array<i32>} : memref<64x768xf32, #tpu.memory_space<vmem>>, vector<1x16xf32>,
      %get3A_516 = arith.index_cast %scan3A_470 : i32 to index
      %get3A_517 = arith.constant 80 : index
      %get3A_518 = tpu.vector_load %arg10[%get3A_516, %get3A_517] {strides = array<i32>} : memref<64x768xf32, #tpu.memory_space<vmem>>, vector<1x16xf32>,
      %get3A_519 = vector.shape_cast %get3A_518 : vector<1x16xf32> to vector<16xf32>
      %swap3A_520 = arith.index_cast %scan3A_470 : i32 to index
      %swap3A_521 = arith.constant 80 : index
      %swap3A_522 = tpu.vector_load %arg9[%swap3A_520, %swap3A_521] {strides = array<i32>} : memref<64x768xf32, #tpu.memory_space<vmem>>, vector<1x16xf32>,
      %swap3A_523 = vector.shape_cast %swap3A_522 : vector<1x16xf32> to vector<16xf32>
      %swap3A_524 = vector.shape_cast %get3A_519 : vector<16xf32> to vector<1x16xf32>
      tpu.vector_store %arg9[%swap3A_520, %swap3A_521], %swap3A_524 {add = true, strides = array<i32>} : memref<64x768xf32, #tpu.memory_space<vmem>>, vector<1x16xf32>,
      %get3A_525 = arith.index_cast %scan3A_470 : i32 to index
      %get3A_526 = arith.constant 96 : index
      %get3A_527 = tpu.vector_load %arg10[%get3A_525, %get3A_526] {strides = array<i32>} : memref<64x768xf32, #tpu.memory_space<vmem>>, vector<1x16xf32>,
      %get3A_528 = vector.shape_cast %get3A_527 : vector<1x16xf32> to vector<16xf32>
      %swap3A_529 = arith.index_cast %scan3A_470 : i32 to index
      %swap3A_530 = arith.constant 96 : index
      %swap3A_531 = tpu.vector_load %arg9[%swap3A_529, %swap3A_530] {strides = array<i32>} : memref<64x768xf32, #tpu.memory_space<vmem>>, vector<1x16xf32>,
      %swap3A_532 = vector.shape_cast %swap3A_531 : vector<1x16xf32> to vector<16xf32>
      %swap3A_533 = vector.shape_cast %get3A_528 : vector<16xf32> to vector<1x16xf32>
      tpu.vector_store %arg9[%swap3A_529, %swap3A_530], %swap3A_533 {add = true, strides = array<i32>} : memref<64x768xf32, #tpu.memory_space<vmem>>, vector<1x16xf32>,
      %get3A_534 = arith.index_cast %scan3A_470 : i32 to index
      %get3A_535 = arith.constant 112 : index
      %get3A_536 = tpu.vector_load %arg10[%get3A_534, %get3A_535] {strides = array<i32>} : memref<64x768xf32, #tpu.memory_space<vmem>>, vector<1x16xf32>,
      %get3A_537 = vector.shape_cast %get3A_536 : vector<1x16xf32> to vector<16xf32>
      %swap3A_538 = arith.index_cast %scan3A_470 : i32 to index
      %swap3A_539 = arith.constant 112 : index
      %swap3A_540 = tpu.vector_load %arg9[%swap3A_538, %swap3A_539] {strides = array<i32>} : memref<64x768xf32, #tpu.memory_space<vmem>>, vector<1x16xf32>,
      %swap3A_541 = vector.shape_cast %swap3A_540 : vector<1x16xf32> to vector<16xf32>
      %swap3A_542 = vector.shape_cast %get3A_537 : vector<16xf32> to vector<1x16xf32>
      tpu.vector_store %arg9[%swap3A_538, %swap3A_539], %swap3A_542 {add = true, strides = array<i32>} : memref<64x768xf32, #tpu.memory_space<vmem>>, vector<1x16xf32>,
      %get3A_543 = arith.index_cast %scan3A_470 : i32 to index
      %get3A_544 = arith.constant 128 : index
      %get3A_545 = tpu.vector_load %arg10[%get3A_543, %get3A_544] {strides = array<i32>} : memref<64x768xf32, #tpu.memory_space<vmem>>, vector<1x16xf32>,
      %get3A_546 = vector.shape_cast %get3A_545 : vector<1x16xf32> to vector<16xf32>
      %swap3A_547 = arith.index_cast %scan3A_470 : i32 to index
      %swap3A_548 = arith.constant 128 : index
      %swap3A_549 = tpu.vector_load %arg9[%swap3A_547, %swap3A_548] {strides = array<i32>} : memref<64x768xf32, #tpu.memory_space<vmem>>, vector<1x16xf32>,
      %swap3A_550 = vector.shape_cast %swap3A_549 : vector<1x16xf32> to vector<16xf32>
      %swap3A_551 = vector.shape_cast %get3A_546 : vector<16xf32> to vector<1x16xf32>
      tpu.vector_store %arg9[%swap3A_547, %swap3A_548], %swap3A_551 {add = true, strides = array<i32>} : memref<64x768xf32, #tpu.memory_space<vmem>>, vector<1x16xf32>,
      %get3A_552 = arith.index_cast %scan3A_470 : i32 to index
      %get3A_553 = arith.constant 144 : index
      %get3A_554 = tpu.vector_load %arg10[%get3A_552, %get3A_553] {strides = array<i32>} : memref<64x768xf32, #tpu.memory_space<vmem>>, vector<1x16xf32>,
      %get3A_555 = vector.shape_cast %get3A_554 : vector<1x16xf32> to vector<16xf32>
      %swap3A_556 = arith.index_cast %scan3A_470 : i32 to index
      %swap3A_557 = arith.constant 144 : index
      %swap3A_558 = tpu.vector_load %arg9[%swap3A_556, %swap3A_557] {strides = array<i32>} : memref<64x768xf32, #tpu.memory_space<vmem>>, vector<1x16xf32>,
      %swap3A_559 = vector.shape_cast %swap3A_558 : vector<1x16xf32> to vector<16xf32>
      %swap3A_560 = vector.shape_cast %get3A_555 : vector<16xf32> to vector<1x16xf32>
      tpu.vector_store %arg9[%swap3A_556, %swap3A_557], %swap3A_560 {add = true, strides = array<i32>} : memref<64x768xf32, #tpu.memory_space<vmem>>, vector<1x16xf32>,
      %get3A_561 = arith.index_cast %scan3A_470 : i32 to index
      %get3A_562 = arith.constant 160 : index
      %get3A_563 = tpu.vector_load %arg10[%get3A_561, %get3A_562] {strides = array<i32>} : memref<64x768xf32, #tpu.memory_space<vmem>>, vector<1x16xf32>,
      %get3A_564 = vector.shape_cast %get3A_563 : vector<1x16xf32> to vector<16xf32>
      %swap3A_565 = arith.index_cast %scan3A_470 : i32 to index
      %swap3A_566 = arith.constant 160 : index
      %swap3A_567 = tpu.vector_load %arg9[%swap3A_565, %swap3A_566] {strides = array<i32>} : memref<64x768xf32, #tpu.memory_space<vmem>>, vector<1x16xf32>,
      %swap3A_568 = vector.shape_cast %swap3A_567 : vector<1x16xf32> to vector<16xf32>
      %swap3A_569 = vector.shape_cast %get3A_564 : vector<16xf32> to vector<1x16xf32>
      tpu.vector_store %arg9[%swap3A_565, %swap3A_566], %swap3A_569 {add = true, strides = array<i32>} : memref<64x768xf32, #tpu.memory_space<vmem>>, vector<1x16xf32>,
      %get3A_570 = arith.index_cast %scan3A_470 : i32 to index
      %get3A_571 = arith.constant 176 : index
      %get3A_572 = tpu.vector_load %arg10[%get3A_570, %get3A_571] {strides = array<i32>} : memref<64x768xf32, #tpu.memory_space<vmem>>, vector<1x16xf32>,
      %get3A_573 = vector.shape_cast %get3A_572 : vector<1x16xf32> to vector<16xf32>
      %swap3A_574 = arith.index_cast %scan3A_470 : i32 to index
      %swap3A_575 = arith.constant 176 : index
      %swap3A_576 = tpu.vector_load %arg9[%swap3A_574, %swap3A_575] {strides = array<i32>} : memref<64x768xf32, #tpu.memory_space<vmem>>, vector<1x16xf32>,
      %swap3A_577 = vector.shape_cast %swap3A_576 : vector<1x16xf32> to vector<16xf32>
      %swap3A_578 = vector.shape_cast %get3A_573 : vector<16xf32> to vector<1x16xf32>
      tpu.vector_store %arg9[%swap3A_574, %swap3A_575], %swap3A_578 {add = true, strides = array<i32>} : memref<64x768xf32, #tpu.memory_space<vmem>>, vector<1x16xf32>,
      %get3A_579 = arith.index_cast %scan3A_470 : i32 to index
      %get3A_580 = arith.constant 192 : index
      %get3A_581 = tpu.vector_load %arg10[%get3A_579, %get3A_580] {strides = array<i32>} : memref<64x768xf32, #tpu.memory_space<vmem>>, vector<1x16xf32>,
      %get3A_582 = vector.shape_cast %get3A_581 : vector<1x16xf32> to vector<16xf32>
      %swap3A_583 = arith.index_cast %scan3A_470 : i32 to index
      %swap3A_584 = arith.constant 192 : index
      %swap3A_585 = tpu.vector_load %arg9[%swap3A_583, %swap3A_584] {strides = array<i32>} : memref<64x768xf32, #tpu.memory_space<vmem>>, vector<1x16xf32>,
      %swap3A_586 = vector.shape_cast %swap3A_585 : vector<1x16xf32> to vector<16xf32>
      %swap3A_587 = vector.shape_cast %get3A_582 : vector<16xf32> to vector<1x16xf32>
      tpu.vector_store %arg9[%swap3A_583, %swap3A_584], %swap3A_587 {add = true, strides = array<i32>} : memref<64x768xf32, #tpu.memory_space<vmem>>, vector<1x16xf32>,
      %get3A_588 = arith.index_cast %scan3A_470 : i32 to index
      %get3A_589 = arith.constant 208 : index
      %get3A_590 = tpu.vector_load %arg10[%get3A_588, %get3A_589] {strides = array<i32>} : memref<64x768xf32, #tpu.memory_space<vmem>>, vector<1x16xf32>,
      %get3A_591 = vector.shape_cast %get3A_590 : vector<1x16xf32> to vector<16xf32>
      %swap3A_592 = arith.index_cast %scan3A_470 : i32 to index
      %swap3A_593 = arith.constant 208 : index
      %swap3A_594 = tpu.vector_load %arg9[%swap3A_592, %swap3A_593] {strides = array<i32>} : memref<64x768xf32, #tpu.memory_space<vmem>>, vector<1x16xf32>,
      %swap3A_595 = vector.shape_cast %swap3A_594 : vector<1x16xf32> to vector<16xf32>
      %swap3A_596 = vector.shape_cast %get3A_591 : vector<16xf32> to vector<1x16xf32>
      tpu.vector_store %arg9[%swap3A_592, %swap3A_593], %swap3A_596 {add = true, strides = array<i32>} : memref<64x768xf32, #tpu.memory_space<vmem>>, vector<1x16xf32>,
      %get3A_597 = arith.index_cast %scan3A_470 : i32 to index
      %get3A_598 = arith.constant 224 : index
      %get3A_599 = tpu.vector_load %arg10[%get3A_597, %get3A_598] {strides = array<i32>} : memref<64x768xf32, #tpu.memory_space<vmem>>, vector<1x16xf32>,
      %get3A_600 = vector.shape_cast %get3A_599 : vector<1x16xf32> to vector<16xf32>
      %swap3A_601 = arith.index_cast %scan3A_470 : i32 to index
      %swap3A_602 = arith.constant 224 : index
      %swap3A_603 = tpu.vector_load %arg9[%swap3A_601, %swap3A_602] {strides = array<i32>} : memref<64x768xf32, #tpu.memory_space<vmem>>, vector<1x16xf32>,
      %swap3A_604 = vector.shape_cast %swap3A_603 : vector<1x16xf32> to vector<16xf32>
      %swap3A_605 = vector.shape_cast %get3A_600 : vector<16xf32> to vector<1x16xf32>
      tpu.vector_store %arg9[%swap3A_601, %swap3A_602], %swap3A_605 {add = true, strides = array<i32>} : memref<64x768xf32, #tpu.memory_space<vmem>>, vector<1x16xf32>,
      %get3A_606 = arith.index_cast %scan3A_470 : i32 to index
      %get3A_607 = arith.constant 240 : index
      %get3A_608 = tpu.vector_load %arg10[%get3A_606, %get3A_607] {strides = array<i32>} : memref<64x768xf32, #tpu.memory_space<vmem>>, vector<1x16xf32>,
      %get3A_609 = vector.shape_cast %get3A_608 : vector<1x16xf32> to vector<16xf32>
      %swap3A_610 = arith.index_cast %scan3A_470 : i32 to index
      %swap3A_611 = arith.constant 240 : index
      %swap3A_612 = tpu.vector_load %arg9[%swap3A_610, %swap3A_611] {strides = array<i32>} : memref<64x768xf32, #tpu.memory_space<vmem>>, vector<1x16xf32>,
      %swap3A_613 = vector.shape_cast %swap3A_612 : vector<1x16xf32> to vector<16xf32>
      %swap3A_614 = vector.shape_cast %get3A_609 : vector<16xf32> to vector<1x16xf32>
      tpu.vector_store %arg9[%swap3A_610, %swap3A_611], %swap3A_614 {add = true, strides = array<i32>} : memref<64x768xf32, #tpu.memory_space<vmem>>, vector<1x16xf32>,
      %get3A_615 = arith.index_cast %scan3A_470 : i32 to index
      %get3A_616 = arith.constant 256 : index
      %get3A_617 = tpu.vector_load %arg10[%get3A_615, %get3A_616] {strides = array<i32>} : memref<64x768xf32, #tpu.memory_space<vmem>>, vector<1x16xf32>,
      %get3A_618 = vector.shape_cast %get3A_617 : vector<1x16xf32> to vector<16xf32>
      %swap3A_619 = arith.index_cast %scan3A_470 : i32 to index
      %swap3A_620 = arith.constant 256 : index
      %swap3A_621 = tpu.vector_load %arg9[%swap3A_619, %swap3A_620] {strides = array<i32>} : memref<64x768xf32, #tpu.memory_space<vmem>>, vector<1x16xf32>,
      %swap3A_622 = vector.shape_cast %swap3A_621 : vector<1x16xf32> to vector<16xf32>
      %swap3A_623 = vector.shape_cast %get3A_618 : vector<16xf32> to vector<1x16xf32>
      tpu.vector_store %arg9[%swap3A_619, %swap3A_620], %swap3A_623 {add = true, strides = array<i32>} : memref<64x768xf32, #tpu.memory_space<vmem>>, vector<1x16xf32>,
      %get3A_624 = arith.index_cast %scan3A_470 : i32 to index
      %get3A_625 = arith.constant 272 : index
      %get3A_626 = tpu.vector_load %arg10[%get3A_624, %get3A_625] {strides = array<i32>} : memref<64x768xf32, #tpu.memory_space<vmem>>, vector<1x16xf32>,
      %get3A_627 = vector.shape_cast %get3A_626 : vector<1x16xf32> to vector<16xf32>
      %swap3A_628 = arith.index_cast %scan3A_470 : i32 to index
      %swap3A_629 = arith.constant 272 : index
      %swap3A_630 = tpu.vector_load %arg9[%swap3A_628, %swap3A_629] {strides = array<i32>} : memref<64x768xf32, #tpu.memory_space<vmem>>, vector<1x16xf32>,
      %swap3A_631 = vector.shape_cast %swap3A_630 : vector<1x16xf32> to vector<16xf32>
      %swap3A_632 = vector.shape_cast %get3A_627 : vector<16xf32> to vector<1x16xf32>
      tpu.vector_store %arg9[%swap3A_628, %swap3A_629], %swap3A_632 {add = true, strides = array<i32>} : memref<64x768xf32, #tpu.memory_space<vmem>>, vector<1x16xf32>,
      %get3A_633 = arith.index_cast %scan3A_470 : i32 to index
      %get3A_634 = arith.constant 288 : index
      %get3A_635 = tpu.vector_load %arg10[%get3A_633, %get3A_634] {strides = array<i32>} : memref<64x768xf32, #tpu.memory_space<vmem>>, vector<1x16xf32>,
      %get3A_636 = vector.shape_cast %get3A_635 : vector<1x16xf32> to vector<16xf32>
      %swap3A_637 = arith.index_cast %scan3A_470 : i32 to index
      %swap3A_638 = arith.constant 288 : index
      %swap3A_639 = tpu.vector_load %arg9[%swap3A_637, %swap3A_638] {strides = array<i32>} : memref<64x768xf32, #tpu.memory_space<vmem>>, vector<1x16xf32>,
      %swap3A_640 = vector.shape_cast %swap3A_639 : vector<1x16xf32> to vector<16xf32>
      %swap3A_641 = vector.shape_cast %get3A_636 : vector<16xf32> to vector<1x16xf32>
      tpu.vector_store %arg9[%swap3A_637, %swap3A_638], %swap3A_641 {add = true, strides = array<i32>} : memref<64x768xf32, #tpu.memory_space<vmem>>, vector<1x16xf32>,
      %get3A_642 = arith.index_cast %scan3A_470 : i32 to index
      %get3A_643 = arith.constant 304 : index
      %get3A_644 = tpu.vector_load %arg10[%get3A_642, %get3A_643] {strides = array<i32>} : memref<64x768xf32, #tpu.memory_space<vmem>>, vector<1x16xf32>,
      %get3A_645 = vector.shape_cast %get3A_644 : vector<1x16xf32> to vector<16xf32>
      %swap3A_646 = arith.index_cast %scan3A_470 : i32 to index
      %swap3A_647 = arith.constant 304 : index
      %swap3A_648 = tpu.vector_load %arg9[%swap3A_646, %swap3A_647] {strides = array<i32>} : memref<64x768xf32, #tpu.memory_space<vmem>>, vector<1x16xf32>,
      %swap3A_649 = vector.shape_cast %swap3A_648 : vector<1x16xf32> to vector<16xf32>
      %swap3A_650 = vector.shape_cast %get3A_645 : vector<16xf32> to vector<1x16xf32>
      tpu.vector_store %arg9[%swap3A_646, %swap3A_647], %swap3A_650 {add = true, strides = array<i32>} : memref<64x768xf32, #tpu.memory_space<vmem>>, vector<1x16xf32>,
      %get3A_651 = arith.index_cast %scan3A_470 : i32 to index
      %get3A_652 = arith.constant 320 : index
      %get3A_653 = tpu.vector_load %arg10[%get3A_651, %get3A_652] {strides = array<i32>} : memref<64x768xf32, #tpu.memory_space<vmem>>, vector<1x16xf32>,
      %get3A_654 = vector.shape_cast %get3A_653 : vector<1x16xf32> to vector<16xf32>
      %swap3A_655 = arith.index_cast %scan3A_470 : i32 to index
      %swap3A_656 = arith.constant 320 : index
      %swap3A_657 = tpu.vector_load %arg9[%swap3A_655, %swap3A_656] {strides = array<i32>} : memref<64x768xf32, #tpu.memory_space<vmem>>, vector<1x16xf32>,
      %swap3A_658 = vector.shape_cast %swap3A_657 : vector<1x16xf32> to vector<16xf32>
      %swap3A_659 = vector.shape_cast %get3A_654 : vector<16xf32> to vector<1x16xf32>
      tpu.vector_store %arg9[%swap3A_655, %swap3A_656], %swap3A_659 {add = true, strides = array<i32>} : memref<64x768xf32, #tpu.memory_space<vmem>>, vector<1x16xf32>,
      %get3A_660 = arith.index_cast %scan3A_470 : i32 to index
      %get3A_661 = arith.constant 336 : index
      %get3A_662 = tpu.vector_load %arg10[%get3A_660, %get3A_661] {strides = array<i32>} : memref<64x768xf32, #tpu.memory_space<vmem>>, vector<1x16xf32>,
      %get3A_663 = vector.shape_cast %get3A_662 : vector<1x16xf32> to vector<16xf32>
      %swap3A_664 = arith.index_cast %scan3A_470 : i32 to index
      %swap3A_665 = arith.constant 336 : index
      %swap3A_666 = tpu.vector_load %arg9[%swap3A_664, %swap3A_665] {strides = array<i32>} : memref<64x768xf32, #tpu.memory_space<vmem>>, vector<1x16xf32>,
      %swap3A_667 = vector.shape_cast %swap3A_666 : vector<1x16xf32> to vector<16xf32>
      %swap3A_668 = vector.shape_cast %get3A_663 : vector<16xf32> to vector<1x16xf32>
      tpu.vector_store %arg9[%swap3A_664, %swap3A_665], %swap3A_668 {add = true, strides = array<i32>} : memref<64x768xf32, #tpu.memory_space<vmem>>, vector<1x16xf32>,
      %get3A_669 = arith.index_cast %scan3A_470 : i32 to index
      %get3A_670 = arith.constant 352 : index
      %get3A_671 = tpu.vector_load %arg10[%get3A_669, %get3A_670] {strides = array<i32>} : memref<64x768xf32, #tpu.memory_space<vmem>>, vector<1x16xf32>,
      %get3A_672 = vector.shape_cast %get3A_671 : vector<1x16xf32> to vector<16xf32>
      %swap3A_673 = arith.index_cast %scan3A_470 : i32 to index
      %swap3A_674 = arith.constant 352 : index
      %swap3A_675 = tpu.vector_load %arg9[%swap3A_673, %swap3A_674] {strides = array<i32>} : memref<64x768xf32, #tpu.memory_space<vmem>>, vector<1x16xf32>,
      %swap3A_676 = vector.shape_cast %swap3A_675 : vector<1x16xf32> to vector<16xf32>
      %swap3A_677 = vector.shape_cast %get3A_672 : vector<16xf32> to vector<1x16xf32>
      tpu.vector_store %arg9[%swap3A_673, %swap3A_674], %swap3A_677 {add = true, strides = array<i32>} : memref<64x768xf32, #tpu.memory_space<vmem>>, vector<1x16xf32>,
      %get3A_678 = arith.index_cast %scan3A_470 : i32 to index
      %get3A_679 = arith.constant 368 : index
      %get3A_680 = tpu.vector_load %arg10[%get3A_678, %get3A_679] {strides = array<i32>} : memref<64x768xf32, #tpu.memory_space<vmem>>, vector<1x16xf32>,
      %get3A_681 = vector.shape_cast %get3A_680 : vector<1x16xf32> to vector<16xf32>
      %swap3A_682 = arith.index_cast %scan3A_470 : i32 to index
      %swap3A_683 = arith.constant 368 : index
      %swap3A_684 = tpu.vector_load %arg9[%swap3A_682, %swap3A_683] {strides = array<i32>} : memref<64x768xf32, #tpu.memory_space<vmem>>, vector<1x16xf32>,
      %swap3A_685 = vector.shape_cast %swap3A_684 : vector<1x16xf32> to vector<16xf32>
      %swap3A_686 = vector.shape_cast %get3A_681 : vector<16xf32> to vector<1x16xf32>
      tpu.vector_store %arg9[%swap3A_682, %swap3A_683], %swap3A_686 {add = true, strides = array<i32>} : memref<64x768xf32, #tpu.memory_space<vmem>>, vector<1x16xf32>,
      %get3A_687 = arith.index_cast %scan3A_470 : i32 to index
      %get3A_688 = arith.constant 384 : index
      %get3A_689 = tpu.vector_load %arg10[%get3A_687, %get3A_688] {strides = array<i32>} : memref<64x768xf32, #tpu.memory_space<vmem>>, vector<1x16xf32>,
      %get3A_690 = vector.shape_cast %get3A_689 : vector<1x16xf32> to vector<16xf32>
      %swap3A_691 = arith.index_cast %scan3A_470 : i32 to index
      %swap3A_692 = arith.constant 384 : index
      %swap3A_693 = tpu.vector_load %arg9[%swap3A_691, %swap3A_692] {strides = array<i32>} : memref<64x768xf32, #tpu.memory_space<vmem>>, vector<1x16xf32>,
      %swap3A_694 = vector.shape_cast %swap3A_693 : vector<1x16xf32> to vector<16xf32>
      %swap3A_695 = vector.shape_cast %get3A_690 : vector<16xf32> to vector<1x16xf32>
      tpu.vector_store %arg9[%swap3A_691, %swap3A_692], %swap3A_695 {add = true, strides = array<i32>} : memref<64x768xf32, #tpu.memory_space<vmem>>, vector<1x16xf32>,
      %get3A_696 = arith.index_cast %scan3A_470 : i32 to index
      %get3A_697 = arith.constant 400 : index
      %get3A_698 = tpu.vector_load %arg10[%get3A_696, %get3A_697] {strides = array<i32>} : memref<64x768xf32, #tpu.memory_space<vmem>>, vector<1x16xf32>,
      %get3A_699 = vector.shape_cast %get3A_698 : vector<1x16xf32> to vector<16xf32>
      %swap3A_700 = arith.index_cast %scan3A_470 : i32 to index
      %swap3A_701 = arith.constant 400 : index
      %swap3A_702 = tpu.vector_load %arg9[%swap3A_700, %swap3A_701] {strides = array<i32>} : memref<64x768xf32, #tpu.memory_space<vmem>>, vector<1x16xf32>,
      %swap3A_703 = vector.shape_cast %swap3A_702 : vector<1x16xf32> to vector<16xf32>
      %swap3A_704 = vector.shape_cast %get3A_699 : vector<16xf32> to vector<1x16xf32>
      tpu.vector_store %arg9[%swap3A_700, %swap3A_701], %swap3A_704 {add = true, strides = array<i32>} : memref<64x768xf32, #tpu.memory_space<vmem>>, vector<1x16xf32>,
      %get3A_705 = arith.index_cast %scan3A_470 : i32 to index
      %get3A_706 = arith.constant 416 : index
      %get3A_707 = tpu.vector_load %arg10[%get3A_705, %get3A_706] {strides = array<i32>} : memref<64x768xf32, #tpu.memory_space<vmem>>, vector<1x16xf32>,
      %get3A_708 = vector.shape_cast %get3A_707 : vector<1x16xf32> to vector<16xf32>
      %swap3A_709 = arith.index_cast %scan3A_470 : i32 to index
      %swap3A_710 = arith.constant 416 : index
      %swap3A_711 = tpu.vector_load %arg9[%swap3A_709, %swap3A_710] {strides = array<i32>} : memref<64x768xf32, #tpu.memory_space<vmem>>, vector<1x16xf32>,
      %swap3A_712 = vector.shape_cast %swap3A_711 : vector<1x16xf32> to vector<16xf32>
      %swap3A_713 = vector.shape_cast %get3A_708 : vector<16xf32> to vector<1x16xf32>
      tpu.vector_store %arg9[%swap3A_709, %swap3A_710], %swap3A_713 {add = true, strides = array<i32>} : memref<64x768xf32, #tpu.memory_space<vmem>>, vector<1x16xf32>,
      %get3A_714 = arith.index_cast %scan3A_470 : i32 to index
      %get3A_715 = arith.constant 432 : index
      %get3A_716 = tpu.vector_load %arg10[%get3A_714, %get3A_715] {strides = array<i32>} : memref<64x768xf32, #tpu.memory_space<vmem>>, vector<1x16xf32>,
      %get3A_717 = vector.shape_cast %get3A_716 : vector<1x16xf32> to vector<16xf32>
      %swap3A_718 = arith.index_cast %scan3A_470 : i32 to index
      %swap3A_719 = arith.constant 432 : index
      %swap3A_720 = tpu.vector_load %arg9[%swap3A_718, %swap3A_719] {strides = array<i32>} : memref<64x768xf32, #tpu.memory_space<vmem>>, vector<1x16xf32>,
      %swap3A_721 = vector.shape_cast %swap3A_720 : vector<1x16xf32> to vector<16xf32>
      %swap3A_722 = vector.shape_cast %get3A_717 : vector<16xf32> to vector<1x16xf32>
      tpu.vector_store %arg9[%swap3A_718, %swap3A_719], %swap3A_722 {add = true, strides = array<i32>} : memref<64x768xf32, #tpu.memory_space<vmem>>, vector<1x16xf32>,
      %get3A_723 = arith.index_cast %scan3A_470 : i32 to index
      %get3A_724 = arith.constant 448 : index
      %get3A_725 = tpu.vector_load %arg10[%get3A_723, %get3A_724] {strides = array<i32>} : memref<64x768xf32, #tpu.memory_space<vmem>>, vector<1x16xf32>,
      %get3A_726 = vector.shape_cast %get3A_725 : vector<1x16xf32> to vector<16xf32>
      %swap3A_727 = arith.index_cast %scan3A_470 : i32 to index
      %swap3A_728 = arith.constant 448 : index
      %swap3A_729 = tpu.vector_load %arg9[%swap3A_727, %swap3A_728] {strides = array<i32>} : memref<64x768xf32, #tpu.memory_space<vmem>>, vector<1x16xf32>,
      %swap3A_730 = vector.shape_cast %swap3A_729 : vector<1x16xf32> to vector<16xf32>
      %swap3A_731 = vector.shape_cast %get3A_726 : vector<16xf32> to vector<1x16xf32>
      tpu.vector_store %arg9[%swap3A_727, %swap3A_728], %swap3A_731 {add = true, strides = array<i32>} : memref<64x768xf32, #tpu.memory_space<vmem>>, vector<1x16xf32>,
      %get3A_732 = arith.index_cast %scan3A_470 : i32 to index
      %get3A_733 = arith.constant 464 : index
      %get3A_734 = tpu.vector_load %arg10[%get3A_732, %get3A_733] {strides = array<i32>} : memref<64x768xf32, #tpu.memory_space<vmem>>, vector<1x16xf32>,
      %get3A_735 = vector.shape_cast %get3A_734 : vector<1x16xf32> to vector<16xf32>
      %swap3A_736 = arith.index_cast %scan3A_470 : i32 to index
      %swap3A_737 = arith.constant 464 : index
      %swap3A_738 = tpu.vector_load %arg9[%swap3A_736, %swap3A_737] {strides = array<i32>} : memref<64x768xf32, #tpu.memory_space<vmem>>, vector<1x16xf32>,
      %swap3A_739 = vector.shape_cast %swap3A_738 : vector<1x16xf32> to vector<16xf32>
      %swap3A_740 = vector.shape_cast %get3A_735 : vector<16xf32> to vector<1x16xf32>
      tpu.vector_store %arg9[%swap3A_736, %swap3A_737], %swap3A_740 {add = true, strides = array<i32>} : memref<64x768xf32, #tpu.memory_space<vmem>>, vector<1x16xf32>,
      %get3A_741 = arith.index_cast %scan3A_470 : i32 to index
      %get3A_742 = arith.constant 480 : index
      %get3A_743 = tpu.vector_load %arg10[%get3A_741, %get3A_742] {strides = array<i32>} : memref<64x768xf32, #tpu.memory_space<vmem>>, vector<1x16xf32>,
      %get3A_744 = vector.shape_cast %get3A_743 : vector<1x16xf32> to vector<16xf32>
      %swap3A_745 = arith.index_cast %scan3A_470 : i32 to index
      %swap3A_746 = arith.constant 480 : index
      %swap3A_747 = tpu.vector_load %arg9[%swap3A_745, %swap3A_746] {strides = array<i32>} : memref<64x768xf32, #tpu.memory_space<vmem>>, vector<1x16xf32>,
      %swap3A_748 = vector.shape_cast %swap3A_747 : vector<1x16xf32> to vector<16xf32>
      %swap3A_749 = vector.shape_cast %get3A_744 : vector<16xf32> to vector<1x16xf32>
      tpu.vector_store %arg9[%swap3A_745, %swap3A_746], %swap3A_749 {add = true, strides = array<i32>} : memref<64x768xf32, #tpu.memory_space<vmem>>, vector<1x16xf32>,
      %get3A_750 = arith.index_cast %scan3A_470 : i32 to index
      %get3A_751 = arith.constant 496 : index
      %get3A_752 = tpu.vector_load %arg10[%get3A_750, %get3A_751] {strides = array<i32>} : memref<64x768xf32, #tpu.memory_space<vmem>>, vector<1x16xf32>,
      %get3A_753 = vector.shape_cast %get3A_752 : vector<1x16xf32> to vector<16xf32>
      %swap3A_754 = arith.index_cast %scan3A_470 : i32 to index
      %swap3A_755 = arith.constant 496 : index
      %swap3A_756 = tpu.vector_load %arg9[%swap3A_754, %swap3A_755] {strides = array<i32>} : memref<64x768xf32, #tpu.memory_space<vmem>>, vector<1x16xf32>,
      %swap3A_757 = vector.shape_cast %swap3A_756 : vector<1x16xf32> to vector<16xf32>
      %swap3A_758 = vector.shape_cast %get3A_753 : vector<16xf32> to vector<1x16xf32>
      tpu.vector_store %arg9[%swap3A_754, %swap3A_755], %swap3A_758 {add = true, strides = array<i32>} : memref<64x768xf32, #tpu.memory_space<vmem>>, vector<1x16xf32>,
      %get3A_759 = arith.index_cast %scan3A_470 : i32 to index
      %get3A_760 = arith.constant 512 : index
      %get3A_761 = tpu.vector_load %arg10[%get3A_759, %get3A_760] {strides = array<i32>} : memref<64x768xf32, #tpu.memory_space<vmem>>, vector<1x16xf32>,
      %get3A_762 = vector.shape_cast %get3A_761 : vector<1x16xf32> to vector<16xf32>
      %swap3A_763 = arith.index_cast %scan3A_470 : i32 to index
      %swap3A_764 = arith.constant 512 : index
      %swap3A_765 = tpu.vector_load %arg9[%swap3A_763, %swap3A_764] {strides = array<i32>} : memref<64x768xf32, #tpu.memory_space<vmem>>, vector<1x16xf32>,
      %swap3A_766 = vector.shape_cast %swap3A_765 : vector<1x16xf32> to vector<16xf32>
      %swap3A_767 = vector.shape_cast %get3A_762 : vector<16xf32> to vector<1x16xf32>
      tpu.vector_store %arg9[%swap3A_763, %swap3A_764], %swap3A_767 {add = true, strides = array<i32>} : memref<64x768xf32, #tpu.memory_space<vmem>>, vector<1x16xf32>,
      %get3A_768 = arith.index_cast %scan3A_470 : i32 to index
      %get3A_769 = arith.constant 528 : index
      %get3A_770 = tpu.vector_load %arg10[%get3A_768, %get3A_769] {strides = array<i32>} : memref<64x768xf32, #tpu.memory_space<vmem>>, vector<1x16xf32>,
      %get3A_771 = vector.shape_cast %get3A_770 : vector<1x16xf32> to vector<16xf32>
      %swap3A_772 = arith.index_cast %scan3A_470 : i32 to index
      %swap3A_773 = arith.constant 528 : index
      %swap3A_774 = tpu.vector_load %arg9[%swap3A_772, %swap3A_773] {strides = array<i32>} : memref<64x768xf32, #tpu.memory_space<vmem>>, vector<1x16xf32>,
      %swap3A_775 = vector.shape_cast %swap3A_774 : vector<1x16xf32> to vector<16xf32>
      %swap3A_776 = vector.shape_cast %get3A_771 : vector<16xf32> to vector<1x16xf32>
      tpu.vector_store %arg9[%swap3A_772, %swap3A_773], %swap3A_776 {add = true, strides = array<i32>} : memref<64x768xf32, #tpu.memory_space<vmem>>, vector<1x16xf32>,
      %get3A_777 = arith.index_cast %scan3A_470 : i32 to index
      %get3A_778 = arith.constant 544 : index
      %get3A_779 = tpu.vector_load %arg10[%get3A_777, %get3A_778] {strides = array<i32>} : memref<64x768xf32, #tpu.memory_space<vmem>>, vector<1x16xf32>,
      %get3A_780 = vector.shape_cast %get3A_779 : vector<1x16xf32> to vector<16xf32>
      %swap3A_781 = arith.index_cast %scan3A_470 : i32 to index
      %swap3A_782 = arith.constant 544 : index
      %swap3A_783 = tpu.vector_load %arg9[%swap3A_781, %swap3A_782] {strides = array<i32>} : memref<64x768xf32, #tpu.memory_space<vmem>>, vector<1x16xf32>,
      %swap3A_784 = vector.shape_cast %swap3A_783 : vector<1x16xf32> to vector<16xf32>
      %swap3A_785 = vector.shape_cast %get3A_780 : vector<16xf32> to vector<1x16xf32>
      tpu.vector_store %arg9[%swap3A_781, %swap3A_782], %swap3A_785 {add = true, strides = array<i32>} : memref<64x768xf32, #tpu.memory_space<vmem>>, vector<1x16xf32>,
      %get3A_786 = arith.index_cast %scan3A_470 : i32 to index
      %get3A_787 = arith.constant 560 : index
      %get3A_788 = tpu.vector_load %arg10[%get3A_786, %get3A_787] {strides = array<i32>} : memref<64x768xf32, #tpu.memory_space<vmem>>, vector<1x16xf32>,
      %get3A_789 = vector.shape_cast %get3A_788 : vector<1x16xf32> to vector<16xf32>
      %swap3A_790 = arith.index_cast %scan3A_470 : i32 to index
      %swap3A_791 = arith.constant 560 : index
      %swap3A_792 = tpu.vector_load %arg9[%swap3A_790, %swap3A_791] {strides = array<i32>} : memref<64x768xf32, #tpu.memory_space<vmem>>, vector<1x16xf32>,
      %swap3A_793 = vector.shape_cast %swap3A_792 : vector<1x16xf32> to vector<16xf32>
      %swap3A_794 = vector.shape_cast %get3A_789 : vector<16xf32> to vector<1x16xf32>
      tpu.vector_store %arg9[%swap3A_790, %swap3A_791], %swap3A_794 {add = true, strides = array<i32>} : memref<64x768xf32, #tpu.memory_space<vmem>>, vector<1x16xf32>,
      %get3A_795 = arith.index_cast %scan3A_470 : i32 to index
      %get3A_796 = arith.constant 576 : index
      %get3A_797 = tpu.vector_load %arg10[%get3A_795, %get3A_796] {strides = array<i32>} : memref<64x768xf32, #tpu.memory_space<vmem>>, vector<1x16xf32>,
      %get3A_798 = vector.shape_cast %get3A_797 : vector<1x16xf32> to vector<16xf32>
      %swap3A_799 = arith.index_cast %scan3A_470 : i32 to index
      %swap3A_800 = arith.constant 576 : index
      %swap3A_801 = tpu.vector_load %arg9[%swap3A_799, %swap3A_800] {strides = array<i32>} : memref<64x768xf32, #tpu.memory_space<vmem>>, vector<1x16xf32>,
      %swap3A_802 = vector.shape_cast %swap3A_801 : vector<1x16xf32> to vector<16xf32>
      %swap3A_803 = vector.shape_cast %get3A_798 : vector<16xf32> to vector<1x16xf32>
      tpu.vector_store %arg9[%swap3A_799, %swap3A_800], %swap3A_803 {add = true, strides = array<i32>} : memref<64x768xf32, #tpu.memory_space<vmem>>, vector<1x16xf32>,
      %get3A_804 = arith.index_cast %scan3A_470 : i32 to index
      %get3A_805 = arith.constant 592 : index
      %get3A_806 = tpu.vector_load %arg10[%get3A_804, %get3A_805] {strides = array<i32>} : memref<64x768xf32, #tpu.memory_space<vmem>>, vector<1x16xf32>,
      %get3A_807 = vector.shape_cast %get3A_806 : vector<1x16xf32> to vector<16xf32>
      %swap3A_808 = arith.index_cast %scan3A_470 : i32 to index
      %swap3A_809 = arith.constant 592 : index
      %swap3A_810 = tpu.vector_load %arg9[%swap3A_808, %swap3A_809] {strides = array<i32>} : memref<64x768xf32, #tpu.memory_space<vmem>>, vector<1x16xf32>,
      %swap3A_811 = vector.shape_cast %swap3A_810 : vector<1x16xf32> to vector<16xf32>
      %swap3A_812 = vector.shape_cast %get3A_807 : vector<16xf32> to vector<1x16xf32>
      tpu.vector_store %arg9[%swap3A_808, %swap3A_809], %swap3A_812 {add = true, strides = array<i32>} : memref<64x768xf32, #tpu.memory_space<vmem>>, vector<1x16xf32>,
      %get3A_813 = arith.index_cast %scan3A_470 : i32 to index
      %get3A_814 = arith.constant 608 : index
      %get3A_815 = tpu.vector_load %arg10[%get3A_813, %get3A_814] {strides = array<i32>} : memref<64x768xf32, #tpu.memory_space<vmem>>, vector<1x16xf32>,
      %get3A_816 = vector.shape_cast %get3A_815 : vector<1x16xf32> to vector<16xf32>
      %swap3A_817 = arith.index_cast %scan3A_470 : i32 to index
      %swap3A_818 = arith.constant 608 : index
      %swap3A_819 = tpu.vector_load %arg9[%swap3A_817, %swap3A_818] {strides = array<i32>} : memref<64x768xf32, #tpu.memory_space<vmem>>, vector<1x16xf32>,
      %swap3A_820 = vector.shape_cast %swap3A_819 : vector<1x16xf32> to vector<16xf32>
      %swap3A_821 = vector.shape_cast %get3A_816 : vector<16xf32> to vector<1x16xf32>
      tpu.vector_store %arg9[%swap3A_817, %swap3A_818], %swap3A_821 {add = true, strides = array<i32>} : memref<64x768xf32, #tpu.memory_space<vmem>>, vector<1x16xf32>,
      %get3A_822 = arith.index_cast %scan3A_470 : i32 to index
      %get3A_823 = arith.constant 624 : index
      %get3A_824 = tpu.vector_load %arg10[%get3A_822, %get3A_823] {strides = array<i32>} : memref<64x768xf32, #tpu.memory_space<vmem>>, vector<1x16xf32>,
      %get3A_825 = vector.shape_cast %get3A_824 : vector<1x16xf32> to vector<16xf32>
      %swap3A_826 = arith.index_cast %scan3A_470 : i32 to index
      %swap3A_827 = arith.constant 624 : index
      %swap3A_828 = tpu.vector_load %arg9[%swap3A_826, %swap3A_827] {strides = array<i32>} : memref<64x768xf32, #tpu.memory_space<vmem>>, vector<1x16xf32>,
      %swap3A_829 = vector.shape_cast %swap3A_828 : vector<1x16xf32> to vector<16xf32>
      %swap3A_830 = vector.shape_cast %get3A_825 : vector<16xf32> to vector<1x16xf32>
      tpu.vector_store %arg9[%swap3A_826, %swap3A_827], %swap3A_830 {add = true, strides = array<i32>} : memref<64x768xf32, #tpu.memory_space<vmem>>, vector<1x16xf32>,
      %get3A_831 = arith.index_cast %scan3A_470 : i32 to index
      %get3A_832 = arith.constant 640 : index
      %get3A_833 = tpu.vector_load %arg10[%get3A_831, %get3A_832] {strides = array<i32>} : memref<64x768xf32, #tpu.memory_space<vmem>>, vector<1x16xf32>,
      %get3A_834 = vector.shape_cast %get3A_833 : vector<1x16xf32> to vector<16xf32>
      %swap3A_835 = arith.index_cast %scan3A_470 : i32 to index
      %swap3A_836 = arith.constant 640 : index
      %swap3A_837 = tpu.vector_load %arg9[%swap3A_835, %swap3A_836] {strides = array<i32>} : memref<64x768xf32, #tpu.memory_space<vmem>>, vector<1x16xf32>,
      %swap3A_838 = vector.shape_cast %swap3A_837 : vector<1x16xf32> to vector<16xf32>
      %swap3A_839 = vector.shape_cast %get3A_834 : vector<16xf32> to vector<1x16xf32>
      tpu.vector_store %arg9[%swap3A_835, %swap3A_836], %swap3A_839 {add = true, strides = array<i32>} : memref<64x768xf32, #tpu.memory_space<vmem>>, vector<1x16xf32>,
      %get3A_840 = arith.index_cast %scan3A_470 : i32 to index
      %get3A_841 = arith.constant 656 : index
      %get3A_842 = tpu.vector_load %arg10[%get3A_840, %get3A_841] {strides = array<i32>} : memref<64x768xf32, #tpu.memory_space<vmem>>, vector<1x16xf32>,
      %get3A_843 = vector.shape_cast %get3A_842 : vector<1x16xf32> to vector<16xf32>
      %swap3A_844 = arith.index_cast %scan3A_470 : i32 to index
      %swap3A_845 = arith.constant 656 : index
      %swap3A_846 = tpu.vector_load %arg9[%swap3A_844, %swap3A_845] {strides = array<i32>} : memref<64x768xf32, #tpu.memory_space<vmem>>, vector<1x16xf32>,
      %swap3A_847 = vector.shape_cast %swap3A_846 : vector<1x16xf32> to vector<16xf32>
      %swap3A_848 = vector.shape_cast %get3A_843 : vector<16xf32> to vector<1x16xf32>
      tpu.vector_store %arg9[%swap3A_844, %swap3A_845], %swap3A_848 {add = true, strides = array<i32>} : memref<64x768xf32, #tpu.memory_space<vmem>>, vector<1x16xf32>,
      %get3A_849 = arith.index_cast %scan3A_470 : i32 to index
      %get3A_850 = arith.constant 672 : index
      %get3A_851 = tpu.vector_load %arg10[%get3A_849, %get3A_850] {strides = array<i32>} : memref<64x768xf32, #tpu.memory_space<vmem>>, vector<1x16xf32>,
      %get3A_852 = vector.shape_cast %get3A_851 : vector<1x16xf32> to vector<16xf32>
      %swap3A_853 = arith.index_cast %scan3A_470 : i32 to index
      %swap3A_854 = arith.constant 672 : index
      %swap3A_855 = tpu.vector_load %arg9[%swap3A_853, %swap3A_854] {strides = array<i32>} : memref<64x768xf32, #tpu.memory_space<vmem>>, vector<1x16xf32>,
      %swap3A_856 = vector.shape_cast %swap3A_855 : vector<1x16xf32> to vector<16xf32>
      %swap3A_857 = vector.shape_cast %get3A_852 : vector<16xf32> to vector<1x16xf32>
      tpu.vector_store %arg9[%swap3A_853, %swap3A_854], %swap3A_857 {add = true, strides = array<i32>} : memref<64x768xf32, #tpu.memory_space<vmem>>, vector<1x16xf32>,
      %get3A_858 = arith.index_cast %scan3A_470 : i32 to index
      %get3A_859 = arith.constant 688 : index
      %get3A_860 = tpu.vector_load %arg10[%get3A_858, %get3A_859] {strides = array<i32>} : memref<64x768xf32, #tpu.memory_space<vmem>>, vector<1x16xf32>,
      %get3A_861 = vector.shape_cast %get3A_860 : vector<1x16xf32> to vector<16xf32>
      %swap3A_862 = arith.index_cast %scan3A_470 : i32 to index
      %swap3A_863 = arith.constant 688 : index
      %swap3A_864 = tpu.vector_load %arg9[%swap3A_862, %swap3A_863] {strides = array<i32>} : memref<64x768xf32, #tpu.memory_space<vmem>>, vector<1x16xf32>,
      %swap3A_865 = vector.shape_cast %swap3A_864 : vector<1x16xf32> to vector<16xf32>
      %swap3A_866 = vector.shape_cast %get3A_861 : vector<16xf32> to vector<1x16xf32>
      tpu.vector_store %arg9[%swap3A_862, %swap3A_863], %swap3A_866 {add = true, strides = array<i32>} : memref<64x768xf32, #tpu.memory_space<vmem>>, vector<1x16xf32>,
      %get3A_867 = arith.index_cast %scan3A_470 : i32 to index
      %get3A_868 = arith.constant 704 : index
      %get3A_869 = tpu.vector_load %arg10[%get3A_867, %get3A_868] {strides = array<i32>} : memref<64x768xf32, #tpu.memory_space<vmem>>, vector<1x16xf32>,
      %get3A_870 = vector.shape_cast %get3A_869 : vector<1x16xf32> to vector<16xf32>
      %swap3A_871 = arith.index_cast %scan3A_470 : i32 to index
      %swap3A_872 = arith.constant 704 : index
      %swap3A_873 = tpu.vector_load %arg9[%swap3A_871, %swap3A_872] {strides = array<i32>} : memref<64x768xf32, #tpu.memory_space<vmem>>, vector<1x16xf32>,
      %swap3A_874 = vector.shape_cast %swap3A_873 : vector<1x16xf32> to vector<16xf32>
      %swap3A_875 = vector.shape_cast %get3A_870 : vector<16xf32> to vector<1x16xf32>
      tpu.vector_store %arg9[%swap3A_871, %swap3A_872], %swap3A_875 {add = true, strides = array<i32>} : memref<64x768xf32, #tpu.memory_space<vmem>>, vector<1x16xf32>,
      %get3A_876 = arith.index_cast %scan3A_470 : i32 to index
      %get3A_877 = arith.constant 720 : index
      %get3A_878 = tpu.vector_load %arg10[%get3A_876, %get3A_877] {strides = array<i32>} : memref<64x768xf32, #tpu.memory_space<vmem>>, vector<1x16xf32>,
      %get3A_879 = vector.shape_cast %get3A_878 : vector<1x16xf32> to vector<16xf32>
      %swap3A_880 = arith.index_cast %scan3A_470 : i32 to index
      %swap3A_881 = arith.constant 720 : index
      %swap3A_882 = tpu.vector_load %arg9[%swap3A_880, %swap3A_881] {strides = array<i32>} : memref<64x768xf32, #tpu.memory_space<vmem>>, vector<1x16xf32>,
      %swap3A_883 = vector.shape_cast %swap3A_882 : vector<1x16xf32> to vector<16xf32>
      %swap3A_884 = vector.shape_cast %get3A_879 : vector<16xf32> to vector<1x16xf32>
      tpu.vector_store %arg9[%swap3A_880, %swap3A_881], %swap3A_884 {add = true, strides = array<i32>} : memref<64x768xf32, #tpu.memory_space<vmem>>, vector<1x16xf32>,
      %get3A_885 = arith.index_cast %scan3A_470 : i32 to index
      %get3A_886 = arith.constant 736 : index
      %get3A_887 = tpu.vector_load %arg10[%get3A_885, %get3A_886] {strides = array<i32>} : memref<64x768xf32, #tpu.memory_space<vmem>>, vector<1x16xf32>,
      %get3A_888 = vector.shape_cast %get3A_887 : vector<1x16xf32> to vector<16xf32>
      %swap3A_889 = arith.index_cast %scan3A_470 : i32 to index
      %swap3A_890 = arith.constant 736 : index
      %swap3A_891 = tpu.vector_load %arg9[%swap3A_889, %swap3A_890] {strides = array<i32>} : memref<64x768xf32, #tpu.memory_space<vmem>>, vector<1x16xf32>,
      %swap3A_892 = vector.shape_cast %swap3A_891 : vector<1x16xf32> to vector<16xf32>
      %swap3A_893 = vector.shape_cast %get3A_888 : vector<16xf32> to vector<1x16xf32>
      tpu.vector_store %arg9[%swap3A_889, %swap3A_890], %swap3A_893 {add = true, strides = array<i32>} : memref<64x768xf32, #tpu.memory_space<vmem>>, vector<1x16xf32>,
      %get3A_894 = arith.index_cast %scan3A_470 : i32 to index
      %get3A_895 = arith.constant 752 : index
      %get3A_896 = tpu.vector_load %arg10[%get3A_894, %get3A_895] {strides = array<i32>} : memref<64x768xf32, #tpu.memory_space<vmem>>, vector<1x16xf32>,
      %get3A_897 = vector.shape_cast %get3A_896 : vector<1x16xf32> to vector<16xf32>
      %swap3A_898 = arith.index_cast %scan3A_470 : i32 to index
      %swap3A_899 = arith.constant 752 : index
      %swap3A_900 = tpu.vector_load %arg9[%swap3A_898, %swap3A_899] {strides = array<i32>} : memref<64x768xf32, #tpu.memory_space<vmem>>, vector<1x16xf32>,
      %swap3A_901 = vector.shape_cast %swap3A_900 : vector<1x16xf32> to vector<16xf32>
      %swap3A_902 = vector.shape_cast %get3A_897 : vector<16xf32> to vector<1x16xf32>
      tpu.vector_store %arg9[%swap3A_898, %swap3A_899], %swap3A_902 {add = true, strides = array<i32>} : memref<64x768xf32, #tpu.memory_space<vmem>>, vector<1x16xf32>,
    }
    %scan3A_389 = arith.constant 64 : i32
    %mul3A_390 = arith.constant 256 : i32
    %mul3A_391 = arith.muli %add3A, %mul3A_390 : i32
    %add3A_392 = arith.constant 64 : i32
    %add3A_393 = arith.addi %mul3A_391, %add3A_392 : i32
    "tpu.region"() ({
      %run_scoped3A = tpu.sem_alloc : memref<!tpu.dma_semaphore, #tpu.memory_space<semaphore_mem>>
      %dma_start3A_470 = arith.constant 0 : i32
      %dma_start3A_471 = tpu.memref_slice %arg5[%add3A_393, %dma_start3A_470] : memref<8192x768xf32, #tpu.memory_space<hbm>> -> memref<64x768xf32, #tpu.memory_space<hbm>>
      %dma_start3A_472 = arith.constant 0 : i32
      %dma_start3A_473 = tpu.memref_slice %arg5[%add3A_393, %dma_start3A_472] : memref<8192x768xf32, #tpu.memory_space<hbm>> -> memref<64x768xf32, #tpu.memory_space<hbm>>
      tpu.enqueue_dma source(%arg9 : memref<64x768xf32, #tpu.memory_space<vmem>>) target(%dma_start3A_473 : memref<64x768xf32, #tpu.memory_space<hbm>>) target_semaphore(%run_scoped3A : memref<!tpu.dma_semaphore, #tpu.memory_space<semaphore_mem>>)
      %dma_wait3A_474 = arith.constant 0 : i32
      %dma_wait3A_475 = tpu.memref_slice %arg5[%add3A_393, %dma_wait3A_474] : memref<8192x768xf32, #tpu.memory_space<hbm>> -> memref<64x768xf32, #tpu.memory_space<hbm>>
      %dma_wait3A_476 = arith.constant 0 : i32
      %dma_wait3A_477 = tpu.memref_slice %arg5[%add3A_393, %dma_wait3A_476] : memref<8192x768xf32, #tpu.memory_space<hbm>> -> memref<64x768xf32, #tpu.memory_space<hbm>>
      tpu.wait_dma2 semaphore(%run_scoped3A : memref<!tpu.dma_semaphore, #tpu.memory_space<semaphore_mem>>) src(%arg9 : memref<64x768xf32, #tpu.memory_space<vmem>>) dst(%dma_wait3A_477 : memref<64x768xf32, #tpu.memory_space<hbm>>)
      tpu.yield
    }) : () -> ()
    %dma_start3A_394 = arith.constant 2 : i32
    %dma_start3A_395 = arith.constant 0 : i32
    %dma_start3A_396 = tpu.memref_slice %arg7[%dma_start3A_394, %dma_start3A_395] : memref<4x64xi32, #tpu.memory_space<vmem>> -> memref<1x64xi32, #tpu.memory_space<vmem>>
    %dma_start3A_397 = tpu.memref_squeeze %dma_start3A_396 : memref<1x64xi32, #tpu.memory_space<vmem>> -> memref<64xi32, #tpu.memory_space<vmem>>
    %dma_start3A_398 = arith.constant 0 : i32
    %dma_start3A_399 = arith.constant 0 : i32
    %dma_start3A_400 = tpu.memref_slice %arg3[%dma_start3A_398, %dma_start3A_399] : memref<32768x768xf32, #tpu.memory_space<hbm>> -> memref<32768x768xf32, #tpu.memory_space<hbm>>
    tpu.enqueue_indirect_dma source(%dma_start3A_400 : memref<32768x768xf32, #tpu.memory_space<hbm>>) target(%arg9 : memref<64x768xf32, #tpu.memory_space<vmem>>) offsets(%dma_start3A_397 : memref<64xi32, #tpu.memory_space<vmem>>) semaphore(%arg11 : memref<!tpu.dma_semaphore, #tpu.memory_space<semaphore_mem>>)
    %dma_start3A_401 = arith.constant 2 : i32
    %dma_start3A_402 = arith.constant 0 : i32
    %dma_start3A_403 = tpu.memref_slice %arg8[%dma_start3A_401, %dma_start3A_402] : memref<4x64xi32, #tpu.memory_space<vmem>> -> memref<1x64xi32, #tpu.memory_space<vmem>>
    %dma_start3A_404 = tpu.memref_squeeze %dma_start3A_403 : memref<1x64xi32, #tpu.memory_space<vmem>> -> memref<64xi32, #tpu.memory_space<vmem>>
    %dma_start3A_405 = arith.constant 0 : i32
    %dma_start3A_406 = arith.constant 0 : i32
    %dma_start3A_407 = tpu.memref_slice %arg4[%dma_start3A_405, %dma_start3A_406] : memref<1025x768xf32, #tpu.memory_space<hbm>> -> memref<1025x768xf32, #tpu.memory_space<hbm>>
    tpu.enqueue_indirect_dma source(%dma_start3A_407 : memref<1025x768xf32, #tpu.memory_space<hbm>>) target(%arg10 : memref<64x768xf32, #tpu.memory_space<vmem>>) offsets(%dma_start3A_404 : memref<64xi32, #tpu.memory_space<vmem>>) semaphore(%arg12 : memref<!tpu.dma_semaphore, #tpu.memory_space<semaphore_mem>>)
    %dma_wait3A_408 = arith.constant 2 : i32
    %dma_wait3A_409 = arith.constant 0 : i32
    %dma_wait3A_410 = tpu.memref_slice %arg7[%dma_wait3A_408, %dma_wait3A_409] : memref<4x64xi32, #tpu.memory_space<vmem>> -> memref<1x64xi32, #tpu.memory_space<vmem>>
    %dma_wait3A_411 = tpu.memref_squeeze %dma_wait3A_410 : memref<1x64xi32, #tpu.memory_space<vmem>> -> memref<64xi32, #tpu.memory_space<vmem>>
    %dma_wait3A_412 = arith.constant 0 : i32
    %dma_wait3A_413 = arith.constant 0 : i32
    %dma_wait3A_414 = tpu.memref_slice %arg3[%dma_wait3A_412, %dma_wait3A_413] : memref<32768x768xf32, #tpu.memory_space<hbm>> -> memref<32768x768xf32, #tpu.memory_space<hbm>>
    tpu.wait_indirect_dma semaphore(%arg11 : memref<!tpu.dma_semaphore, #tpu.memory_space<semaphore_mem>>) src(%dma_wait3A_414 : memref<32768x768xf32, #tpu.memory_space<hbm>>) dst(%arg9 : memref<64x768xf32, #tpu.memory_space<vmem>>)
    %dma_wait3A_415 = arith.constant 2 : i32
    %dma_wait3A_416 = arith.constant 0 : i32
    %dma_wait3A_417 = tpu.memref_slice %arg8[%dma_wait3A_415, %dma_wait3A_416] : memref<4x64xi32, #tpu.memory_space<vmem>> -> memref<1x64xi32, #tpu.memory_space<vmem>>
    %dma_wait3A_418 = tpu.memref_squeeze %dma_wait3A_417 : memref<1x64xi32, #tpu.memory_space<vmem>> -> memref<64xi32, #tpu.memory_space<vmem>>
    %dma_wait3A_419 = arith.constant 0 : i32
    %dma_wait3A_420 = arith.constant 0 : i32
    %dma_wait3A_421 = tpu.memref_slice %arg4[%dma_wait3A_419, %dma_wait3A_420] : memref<1025x768xf32, #tpu.memory_space<hbm>> -> memref<1025x768xf32, #tpu.memory_space<hbm>>
    tpu.wait_indirect_dma semaphore(%arg12 : memref<!tpu.dma_semaphore, #tpu.memory_space<semaphore_mem>>) src(%dma_wait3A_421 : memref<1025x768xf32, #tpu.memory_space<hbm>>) dst(%arg10 : memref<64x768xf32, #tpu.memory_space<vmem>>)
    %scan3A_422 = arith.constant 0 : i32
    %scan3A_423 = arith.constant 0 : i32
    %scan3A_424 = arith.constant 64 : i32
    %scan3A_425 = arith.addi %scan3A_423, %scan3A_424 : i32
    %scan3A_426 = arith.constant 1 : i32
    scf.for %scan3A_470 = %scan3A_423 to %scan3A_425 step %scan3A_426  : i32 {
      %get3A_471 = arith.index_cast %scan3A_470 : i32 to index
      %get3A_472 = arith.constant 0 : index
      %get3A_473 = tpu.vector_load %arg10[%get3A_471, %get3A_472] {strides = array<i32>} : memref<64x768xf32, #tpu.memory_space<vmem>>, vector<1x16xf32>,
      %get3A_474 = vector.shape_cast %get3A_473 : vector<1x16xf32> to vector<16xf32>
      %swap3A_475 = arith.index_cast %scan3A_470 : i32 to index
      %swap3A_476 = arith.constant 0 : index
      %swap3A_477 = tpu.vector_load %arg9[%swap3A_475, %swap3A_476] {strides = array<i32>} : memref<64x768xf32, #tpu.memory_space<vmem>>, vector<1x16xf32>,
      %swap3A_478 = vector.shape_cast %swap3A_477 : vector<1x16xf32> to vector<16xf32>
      %swap3A_479 = vector.shape_cast %get3A_474 : vector<16xf32> to vector<1x16xf32>
      tpu.vector_store %arg9[%swap3A_475, %swap3A_476], %swap3A_479 {add = true, strides = array<i32>} : memref<64x768xf32, #tpu.memory_space<vmem>>, vector<1x16xf32>,
      %get3A_480 = arith.index_cast %scan3A_470 : i32 to index
      %get3A_481 = arith.constant 16 : index
      %get3A_482 = tpu.vector_load %arg10[%get3A_480, %get3A_481] {strides = array<i32>} : memref<64x768xf32, #tpu.memory_space<vmem>>, vector<1x16xf32>,
      %get3A_483 = vector.shape_cast %get3A_482 : vector<1x16xf32> to vector<16xf32>
      %swap3A_484 = arith.index_cast %scan3A_470 : i32 to index
      %swap3A_485 = arith.constant 16 : index
      %swap3A_486 = tpu.vector_load %arg9[%swap3A_484, %swap3A_485] {strides = array<i32>} : memref<64x768xf32, #tpu.memory_space<vmem>>, vector<1x16xf32>,
      %swap3A_487 = vector.shape_cast %swap3A_486 : vector<1x16xf32> to vector<16xf32>
      %swap3A_488 = vector.shape_cast %get3A_483 : vector<16xf32> to vector<1x16xf32>
      tpu.vector_store %arg9[%swap3A_484, %swap3A_485], %swap3A_488 {add = true, strides = array<i32>} : memref<64x768xf32, #tpu.memory_space<vmem>>, vector<1x16xf32>,
      %get3A_489 = arith.index_cast %scan3A_470 : i32 to index
      %get3A_490 = arith.constant 32 : index
      %get3A_491 = tpu.vector_load %arg10[%get3A_489, %get3A_490] {strides = array<i32>} : memref<64x768xf32, #tpu.memory_space<vmem>>, vector<1x16xf32>,
      %get3A_492 = vector.shape_cast %get3A_491 : vector<1x16xf32> to vector<16xf32>
      %swap3A_493 = arith.index_cast %scan3A_470 : i32 to index
      %swap3A_494 = arith.constant 32 : index
      %swap3A_495 = tpu.vector_load %arg9[%swap3A_493, %swap3A_494] {strides = array<i32>} : memref<64x768xf32, #tpu.memory_space<vmem>>, vector<1x16xf32>,
      %swap3A_496 = vector.shape_cast %swap3A_495 : vector<1x16xf32> to vector<16xf32>
      %swap3A_497 = vector.shape_cast %get3A_492 : vector<16xf32> to vector<1x16xf32>
      tpu.vector_store %arg9[%swap3A_493, %swap3A_494], %swap3A_497 {add = true, strides = array<i32>} : memref<64x768xf32, #tpu.memory_space<vmem>>, vector<1x16xf32>,
      %get3A_498 = arith.index_cast %scan3A_470 : i32 to index
      %get3A_499 = arith.constant 48 : index
      %get3A_500 = tpu.vector_load %arg10[%get3A_498, %get3A_499] {strides = array<i32>} : memref<64x768xf32, #tpu.memory_space<vmem>>, vector<1x16xf32>,
      %get3A_501 = vector.shape_cast %get3A_500 : vector<1x16xf32> to vector<16xf32>
      %swap3A_502 = arith.index_cast %scan3A_470 : i32 to index
      %swap3A_503 = arith.constant 48 : index
      %swap3A_504 = tpu.vector_load %arg9[%swap3A_502, %swap3A_503] {strides = array<i32>} : memref<64x768xf32, #tpu.memory_space<vmem>>, vector<1x16xf32>,
      %swap3A_505 = vector.shape_cast %swap3A_504 : vector<1x16xf32> to vector<16xf32>
      %swap3A_506 = vector.shape_cast %get3A_501 : vector<16xf32> to vector<1x16xf32>
      tpu.vector_store %arg9[%swap3A_502, %swap3A_503], %swap3A_506 {add = true, strides = array<i32>} : memref<64x768xf32, #tpu.memory_space<vmem>>, vector<1x16xf32>,
      %get3A_507 = arith.index_cast %scan3A_470 : i32 to index
      %get3A_508 = arith.constant 64 : index
      %get3A_509 = tpu.vector_load %arg10[%get3A_507, %get3A_508] {strides = array<i32>} : memref<64x768xf32, #tpu.memory_space<vmem>>, vector<1x16xf32>,
      %get3A_510 = vector.shape_cast %get3A_509 : vector<1x16xf32> to vector<16xf32>
      %swap3A_511 = arith.index_cast %scan3A_470 : i32 to index
      %swap3A_512 = arith.constant 64 : index
      %swap3A_513 = tpu.vector_load %arg9[%swap3A_511, %swap3A_512] {strides = array<i32>} : memref<64x768xf32, #tpu.memory_space<vmem>>, vector<1x16xf32>,
      %swap3A_514 = vector.shape_cast %swap3A_513 : vector<1x16xf32> to vector<16xf32>
      %swap3A_515 = vector.shape_cast %get3A_510 : vector<16xf32> to vector<1x16xf32>
      tpu.vector_store %arg9[%swap3A_511, %swap3A_512], %swap3A_515 {add = true, strides = array<i32>} : memref<64x768xf32, #tpu.memory_space<vmem>>, vector<1x16xf32>,
      %get3A_516 = arith.index_cast %scan3A_470 : i32 to index
      %get3A_517 = arith.constant 80 : index
      %get3A_518 = tpu.vector_load %arg10[%get3A_516, %get3A_517] {strides = array<i32>} : memref<64x768xf32, #tpu.memory_space<vmem>>, vector<1x16xf32>,
      %get3A_519 = vector.shape_cast %get3A_518 : vector<1x16xf32> to vector<16xf32>
      %swap3A_520 = arith.index_cast %scan3A_470 : i32 to index
      %swap3A_521 = arith.constant 80 : index
      %swap3A_522 = tpu.vector_load %arg9[%swap3A_520, %swap3A_521] {strides = array<i32>} : memref<64x768xf32, #tpu.memory_space<vmem>>, vector<1x16xf32>,
      %swap3A_523 = vector.shape_cast %swap3A_522 : vector<1x16xf32> to vector<16xf32>
      %swap3A_524 = vector.shape_cast %get3A_519 : vector<16xf32> to vector<1x16xf32>
      tpu.vector_store %arg9[%swap3A_520, %swap3A_521], %swap3A_524 {add = true, strides = array<i32>} : memref<64x768xf32, #tpu.memory_space<vmem>>, vector<1x16xf32>,
      %get3A_525 = arith.index_cast %scan3A_470 : i32 to index
      %get3A_526 = arith.constant 96 : index
      %get3A_527 = tpu.vector_load %arg10[%get3A_525, %get3A_526] {strides = array<i32>} : memref<64x768xf32, #tpu.memory_space<vmem>>, vector<1x16xf32>,
      %get3A_528 = vector.shape_cast %get3A_527 : vector<1x16xf32> to vector<16xf32>
      %swap3A_529 = arith.index_cast %scan3A_470 : i32 to index
      %swap3A_530 = arith.constant 96 : index
      %swap3A_531 = tpu.vector_load %arg9[%swap3A_529, %swap3A_530] {strides = array<i32>} : memref<64x768xf32, #tpu.memory_space<vmem>>, vector<1x16xf32>,
      %swap3A_532 = vector.shape_cast %swap3A_531 : vector<1x16xf32> to vector<16xf32>
      %swap3A_533 = vector.shape_cast %get3A_528 : vector<16xf32> to vector<1x16xf32>
      tpu.vector_store %arg9[%swap3A_529, %swap3A_530], %swap3A_533 {add = true, strides = array<i32>} : memref<64x768xf32, #tpu.memory_space<vmem>>, vector<1x16xf32>,
      %get3A_534 = arith.index_cast %scan3A_470 : i32 to index
      %get3A_535 = arith.constant 112 : index
      %get3A_536 = tpu.vector_load %arg10[%get3A_534, %get3A_535] {strides = array<i32>} : memref<64x768xf32, #tpu.memory_space<vmem>>, vector<1x16xf32>,
      %get3A_537 = vector.shape_cast %get3A_536 : vector<1x16xf32> to vector<16xf32>
      %swap3A_538 = arith.index_cast %scan3A_470 : i32 to index
      %swap3A_539 = arith.constant 112 : index
      %swap3A_540 = tpu.vector_load %arg9[%swap3A_538, %swap3A_539] {strides = array<i32>} : memref<64x768xf32, #tpu.memory_space<vmem>>, vector<1x16xf32>,
      %swap3A_541 = vector.shape_cast %swap3A_540 : vector<1x16xf32> to vector<16xf32>
      %swap3A_542 = vector.shape_cast %get3A_537 : vector<16xf32> to vector<1x16xf32>
      tpu.vector_store %arg9[%swap3A_538, %swap3A_539], %swap3A_542 {add = true, strides = array<i32>} : memref<64x768xf32, #tpu.memory_space<vmem>>, vector<1x16xf32>,
      %get3A_543 = arith.index_cast %scan3A_470 : i32 to index
      %get3A_544 = arith.constant 128 : index
      %get3A_545 = tpu.vector_load %arg10[%get3A_543, %get3A_544] {strides = array<i32>} : memref<64x768xf32, #tpu.memory_space<vmem>>, vector<1x16xf32>,
      %get3A_546 = vector.shape_cast %get3A_545 : vector<1x16xf32> to vector<16xf32>
      %swap3A_547 = arith.index_cast %scan3A_470 : i32 to index
      %swap3A_548 = arith.constant 128 : index
      %swap3A_549 = tpu.vector_load %arg9[%swap3A_547, %swap3A_548] {strides = array<i32>} : memref<64x768xf32, #tpu.memory_space<vmem>>, vector<1x16xf32>,
      %swap3A_550 = vector.shape_cast %swap3A_549 : vector<1x16xf32> to vector<16xf32>
      %swap3A_551 = vector.shape_cast %get3A_546 : vector<16xf32> to vector<1x16xf32>
      tpu.vector_store %arg9[%swap3A_547, %swap3A_548], %swap3A_551 {add = true, strides = array<i32>} : memref<64x768xf32, #tpu.memory_space<vmem>>, vector<1x16xf32>,
      %get3A_552 = arith.index_cast %scan3A_470 : i32 to index
      %get3A_553 = arith.constant 144 : index
      %get3A_554 = tpu.vector_load %arg10[%get3A_552, %get3A_553] {strides = array<i32>} : memref<64x768xf32, #tpu.memory_space<vmem>>, vector<1x16xf32>,
      %get3A_555 = vector.shape_cast %get3A_554 : vector<1x16xf32> to vector<16xf32>
      %swap3A_556 = arith.index_cast %scan3A_470 : i32 to index
      %swap3A_557 = arith.constant 144 : index
      %swap3A_558 = tpu.vector_load %arg9[%swap3A_556, %swap3A_557] {strides = array<i32>} : memref<64x768xf32, #tpu.memory_space<vmem>>, vector<1x16xf32>,
      %swap3A_559 = vector.shape_cast %swap3A_558 : vector<1x16xf32> to vector<16xf32>
      %swap3A_560 = vector.shape_cast %get3A_555 : vector<16xf32> to vector<1x16xf32>
      tpu.vector_store %arg9[%swap3A_556, %swap3A_557], %swap3A_560 {add = true, strides = array<i32>} : memref<64x768xf32, #tpu.memory_space<vmem>>, vector<1x16xf32>,
      %get3A_561 = arith.index_cast %scan3A_470 : i32 to index
      %get3A_562 = arith.constant 160 : index
      %get3A_563 = tpu.vector_load %arg10[%get3A_561, %get3A_562] {strides = array<i32>} : memref<64x768xf32, #tpu.memory_space<vmem>>, vector<1x16xf32>,
      %get3A_564 = vector.shape_cast %get3A_563 : vector<1x16xf32> to vector<16xf32>
      %swap3A_565 = arith.index_cast %scan3A_470 : i32 to index
      %swap3A_566 = arith.constant 160 : index
      %swap3A_567 = tpu.vector_load %arg9[%swap3A_565, %swap3A_566] {strides = array<i32>} : memref<64x768xf32, #tpu.memory_space<vmem>>, vector<1x16xf32>,
      %swap3A_568 = vector.shape_cast %swap3A_567 : vector<1x16xf32> to vector<16xf32>
      %swap3A_569 = vector.shape_cast %get3A_564 : vector<16xf32> to vector<1x16xf32>
      tpu.vector_store %arg9[%swap3A_565, %swap3A_566], %swap3A_569 {add = true, strides = array<i32>} : memref<64x768xf32, #tpu.memory_space<vmem>>, vector<1x16xf32>,
      %get3A_570 = arith.index_cast %scan3A_470 : i32 to index
      %get3A_571 = arith.constant 176 : index
      %get3A_572 = tpu.vector_load %arg10[%get3A_570, %get3A_571] {strides = array<i32>} : memref<64x768xf32, #tpu.memory_space<vmem>>, vector<1x16xf32>,
      %get3A_573 = vector.shape_cast %get3A_572 : vector<1x16xf32> to vector<16xf32>
      %swap3A_574 = arith.index_cast %scan3A_470 : i32 to index
      %swap3A_575 = arith.constant 176 : index
      %swap3A_576 = tpu.vector_load %arg9[%swap3A_574, %swap3A_575] {strides = array<i32>} : memref<64x768xf32, #tpu.memory_space<vmem>>, vector<1x16xf32>,
      %swap3A_577 = vector.shape_cast %swap3A_576 : vector<1x16xf32> to vector<16xf32>
      %swap3A_578 = vector.shape_cast %get3A_573 : vector<16xf32> to vector<1x16xf32>
      tpu.vector_store %arg9[%swap3A_574, %swap3A_575], %swap3A_578 {add = true, strides = array<i32>} : memref<64x768xf32, #tpu.memory_space<vmem>>, vector<1x16xf32>,
      %get3A_579 = arith.index_cast %scan3A_470 : i32 to index
      %get3A_580 = arith.constant 192 : index
      %get3A_581 = tpu.vector_load %arg10[%get3A_579, %get3A_580] {strides = array<i32>} : memref<64x768xf32, #tpu.memory_space<vmem>>, vector<1x16xf32>,
      %get3A_582 = vector.shape_cast %get3A_581 : vector<1x16xf32> to vector<16xf32>
      %swap3A_583 = arith.index_cast %scan3A_470 : i32 to index
      %swap3A_584 = arith.constant 192 : index
      %swap3A_585 = tpu.vector_load %arg9[%swap3A_583, %swap3A_584] {strides = array<i32>} : memref<64x768xf32, #tpu.memory_space<vmem>>, vector<1x16xf32>,
      %swap3A_586 = vector.shape_cast %swap3A_585 : vector<1x16xf32> to vector<16xf32>
      %swap3A_587 = vector.shape_cast %get3A_582 : vector<16xf32> to vector<1x16xf32>
      tpu.vector_store %arg9[%swap3A_583, %swap3A_584], %swap3A_587 {add = true, strides = array<i32>} : memref<64x768xf32, #tpu.memory_space<vmem>>, vector<1x16xf32>,
      %get3A_588 = arith.index_cast %scan3A_470 : i32 to index
      %get3A_589 = arith.constant 208 : index
      %get3A_590 = tpu.vector_load %arg10[%get3A_588, %get3A_589] {strides = array<i32>} : memref<64x768xf32, #tpu.memory_space<vmem>>, vector<1x16xf32>,
      %get3A_591 = vector.shape_cast %get3A_590 : vector<1x16xf32> to vector<16xf32>
      %swap3A_592 = arith.index_cast %scan3A_470 : i32 to index
      %swap3A_593 = arith.constant 208 : index
      %swap3A_594 = tpu.vector_load %arg9[%swap3A_592, %swap3A_593] {strides = array<i32>} : memref<64x768xf32, #tpu.memory_space<vmem>>, vector<1x16xf32>,
      %swap3A_595 = vector.shape_cast %swap3A_594 : vector<1x16xf32> to vector<16xf32>
      %swap3A_596 = vector.shape_cast %get3A_591 : vector<16xf32> to vector<1x16xf32>
      tpu.vector_store %arg9[%swap3A_592, %swap3A_593], %swap3A_596 {add = true, strides = array<i32>} : memref<64x768xf32, #tpu.memory_space<vmem>>, vector<1x16xf32>,
      %get3A_597 = arith.index_cast %scan3A_470 : i32 to index
      %get3A_598 = arith.constant 224 : index
      %get3A_599 = tpu.vector_load %arg10[%get3A_597, %get3A_598] {strides = array<i32>} : memref<64x768xf32, #tpu.memory_space<vmem>>, vector<1x16xf32>,
      %get3A_600 = vector.shape_cast %get3A_599 : vector<1x16xf32> to vector<16xf32>
      %swap3A_601 = arith.index_cast %scan3A_470 : i32 to index
      %swap3A_602 = arith.constant 224 : index
      %swap3A_603 = tpu.vector_load %arg9[%swap3A_601, %swap3A_602] {strides = array<i32>} : memref<64x768xf32, #tpu.memory_space<vmem>>, vector<1x16xf32>,
      %swap3A_604 = vector.shape_cast %swap3A_603 : vector<1x16xf32> to vector<16xf32>
      %swap3A_605 = vector.shape_cast %get3A_600 : vector<16xf32> to vector<1x16xf32>
      tpu.vector_store %arg9[%swap3A_601, %swap3A_602], %swap3A_605 {add = true, strides = array<i32>} : memref<64x768xf32, #tpu.memory_space<vmem>>, vector<1x16xf32>,
      %get3A_606 = arith.index_cast %scan3A_470 : i32 to index
      %get3A_607 = arith.constant 240 : index
      %get3A_608 = tpu.vector_load %arg10[%get3A_606, %get3A_607] {strides = array<i32>} : memref<64x768xf32, #tpu.memory_space<vmem>>, vector<1x16xf32>,
      %get3A_609 = vector.shape_cast %get3A_608 : vector<1x16xf32> to vector<16xf32>
      %swap3A_610 = arith.index_cast %scan3A_470 : i32 to index
      %swap3A_611 = arith.constant 240 : index
      %swap3A_612 = tpu.vector_load %arg9[%swap3A_610, %swap3A_611] {strides = array<i32>} : memref<64x768xf32, #tpu.memory_space<vmem>>, vector<1x16xf32>,
      %swap3A_613 = vector.shape_cast %swap3A_612 : vector<1x16xf32> to vector<16xf32>
      %swap3A_614 = vector.shape_cast %get3A_609 : vector<16xf32> to vector<1x16xf32>
      tpu.vector_store %arg9[%swap3A_610, %swap3A_611], %swap3A_614 {add = true, strides = array<i32>} : memref<64x768xf32, #tpu.memory_space<vmem>>, vector<1x16xf32>,
      %get3A_615 = arith.index_cast %scan3A_470 : i32 to index
      %get3A_616 = arith.constant 256 : index
      %get3A_617 = tpu.vector_load %arg10[%get3A_615, %get3A_616] {strides = array<i32>} : memref<64x768xf32, #tpu.memory_space<vmem>>, vector<1x16xf32>,
      %get3A_618 = vector.shape_cast %get3A_617 : vector<1x16xf32> to vector<16xf32>
      %swap3A_619 = arith.index_cast %scan3A_470 : i32 to index
      %swap3A_620 = arith.constant 256 : index
      %swap3A_621 = tpu.vector_load %arg9[%swap3A_619, %swap3A_620] {strides = array<i32>} : memref<64x768xf32, #tpu.memory_space<vmem>>, vector<1x16xf32>,
      %swap3A_622 = vector.shape_cast %swap3A_621 : vector<1x16xf32> to vector<16xf32>
      %swap3A_623 = vector.shape_cast %get3A_618 : vector<16xf32> to vector<1x16xf32>
      tpu.vector_store %arg9[%swap3A_619, %swap3A_620], %swap3A_623 {add = true, strides = array<i32>} : memref<64x768xf32, #tpu.memory_space<vmem>>, vector<1x16xf32>,
      %get3A_624 = arith.index_cast %scan3A_470 : i32 to index
      %get3A_625 = arith.constant 272 : index
      %get3A_626 = tpu.vector_load %arg10[%get3A_624, %get3A_625] {strides = array<i32>} : memref<64x768xf32, #tpu.memory_space<vmem>>, vector<1x16xf32>,
      %get3A_627 = vector.shape_cast %get3A_626 : vector<1x16xf32> to vector<16xf32>
      %swap3A_628 = arith.index_cast %scan3A_470 : i32 to index
      %swap3A_629 = arith.constant 272 : index
      %swap3A_630 = tpu.vector_load %arg9[%swap3A_628, %swap3A_629] {strides = array<i32>} : memref<64x768xf32, #tpu.memory_space<vmem>>, vector<1x16xf32>,
      %swap3A_631 = vector.shape_cast %swap3A_630 : vector<1x16xf32> to vector<16xf32>
      %swap3A_632 = vector.shape_cast %get3A_627 : vector<16xf32> to vector<1x16xf32>
      tpu.vector_store %arg9[%swap3A_628, %swap3A_629], %swap3A_632 {add = true, strides = array<i32>} : memref<64x768xf32, #tpu.memory_space<vmem>>, vector<1x16xf32>,
      %get3A_633 = arith.index_cast %scan3A_470 : i32 to index
      %get3A_634 = arith.constant 288 : index
      %get3A_635 = tpu.vector_load %arg10[%get3A_633, %get3A_634] {strides = array<i32>} : memref<64x768xf32, #tpu.memory_space<vmem>>, vector<1x16xf32>,
      %get3A_636 = vector.shape_cast %get3A_635 : vector<1x16xf32> to vector<16xf32>
      %swap3A_637 = arith.index_cast %scan3A_470 : i32 to index
      %swap3A_638 = arith.constant 288 : index
      %swap3A_639 = tpu.vector_load %arg9[%swap3A_637, %swap3A_638] {strides = array<i32>} : memref<64x768xf32, #tpu.memory_space<vmem>>, vector<1x16xf32>,
      %swap3A_640 = vector.shape_cast %swap3A_639 : vector<1x16xf32> to vector<16xf32>
      %swap3A_641 = vector.shape_cast %get3A_636 : vector<16xf32> to vector<1x16xf32>
      tpu.vector_store %arg9[%swap3A_637, %swap3A_638], %swap3A_641 {add = true, strides = array<i32>} : memref<64x768xf32, #tpu.memory_space<vmem>>, vector<1x16xf32>,
      %get3A_642 = arith.index_cast %scan3A_470 : i32 to index
      %get3A_643 = arith.constant 304 : index
      %get3A_644 = tpu.vector_load %arg10[%get3A_642, %get3A_643] {strides = array<i32>} : memref<64x768xf32, #tpu.memory_space<vmem>>, vector<1x16xf32>,
      %get3A_645 = vector.shape_cast %get3A_644 : vector<1x16xf32> to vector<16xf32>
      %swap3A_646 = arith.index_cast %scan3A_470 : i32 to index
      %swap3A_647 = arith.constant 304 : index
      %swap3A_648 = tpu.vector_load %arg9[%swap3A_646, %swap3A_647] {strides = array<i32>} : memref<64x768xf32, #tpu.memory_space<vmem>>, vector<1x16xf32>,
      %swap3A_649 = vector.shape_cast %swap3A_648 : vector<1x16xf32> to vector<16xf32>
      %swap3A_650 = vector.shape_cast %get3A_645 : vector<16xf32> to vector<1x16xf32>
      tpu.vector_store %arg9[%swap3A_646, %swap3A_647], %swap3A_650 {add = true, strides = array<i32>} : memref<64x768xf32, #tpu.memory_space<vmem>>, vector<1x16xf32>,
      %get3A_651 = arith.index_cast %scan3A_470 : i32 to index
      %get3A_652 = arith.constant 320 : index
      %get3A_653 = tpu.vector_load %arg10[%get3A_651, %get3A_652] {strides = array<i32>} : memref<64x768xf32, #tpu.memory_space<vmem>>, vector<1x16xf32>,
      %get3A_654 = vector.shape_cast %get3A_653 : vector<1x16xf32> to vector<16xf32>
      %swap3A_655 = arith.index_cast %scan3A_470 : i32 to index
      %swap3A_656 = arith.constant 320 : index
      %swap3A_657 = tpu.vector_load %arg9[%swap3A_655, %swap3A_656] {strides = array<i32>} : memref<64x768xf32, #tpu.memory_space<vmem>>, vector<1x16xf32>,
      %swap3A_658 = vector.shape_cast %swap3A_657 : vector<1x16xf32> to vector<16xf32>
      %swap3A_659 = vector.shape_cast %get3A_654 : vector<16xf32> to vector<1x16xf32>
      tpu.vector_store %arg9[%swap3A_655, %swap3A_656], %swap3A_659 {add = true, strides = array<i32>} : memref<64x768xf32, #tpu.memory_space<vmem>>, vector<1x16xf32>,
      %get3A_660 = arith.index_cast %scan3A_470 : i32 to index
      %get3A_661 = arith.constant 336 : index
      %get3A_662 = tpu.vector_load %arg10[%get3A_660, %get3A_661] {strides = array<i32>} : memref<64x768xf32, #tpu.memory_space<vmem>>, vector<1x16xf32>,
      %get3A_663 = vector.shape_cast %get3A_662 : vector<1x16xf32> to vector<16xf32>
      %swap3A_664 = arith.index_cast %scan3A_470 : i32 to index
      %swap3A_665 = arith.constant 336 : index
      %swap3A_666 = tpu.vector_load %arg9[%swap3A_664, %swap3A_665] {strides = array<i32>} : memref<64x768xf32, #tpu.memory_space<vmem>>, vector<1x16xf32>,
      %swap3A_667 = vector.shape_cast %swap3A_666 : vector<1x16xf32> to vector<16xf32>
      %swap3A_668 = vector.shape_cast %get3A_663 : vector<16xf32> to vector<1x16xf32>
      tpu.vector_store %arg9[%swap3A_664, %swap3A_665], %swap3A_668 {add = true, strides = array<i32>} : memref<64x768xf32, #tpu.memory_space<vmem>>, vector<1x16xf32>,
      %get3A_669 = arith.index_cast %scan3A_470 : i32 to index
      %get3A_670 = arith.constant 352 : index
      %get3A_671 = tpu.vector_load %arg10[%get3A_669, %get3A_670] {strides = array<i32>} : memref<64x768xf32, #tpu.memory_space<vmem>>, vector<1x16xf32>,
      %get3A_672 = vector.shape_cast %get3A_671 : vector<1x16xf32> to vector<16xf32>
      %swap3A_673 = arith.index_cast %scan3A_470 : i32 to index
      %swap3A_674 = arith.constant 352 : index
      %swap3A_675 = tpu.vector_load %arg9[%swap3A_673, %swap3A_674] {strides = array<i32>} : memref<64x768xf32, #tpu.memory_space<vmem>>, vector<1x16xf32>,
      %swap3A_676 = vector.shape_cast %swap3A_675 : vector<1x16xf32> to vector<16xf32>
      %swap3A_677 = vector.shape_cast %get3A_672 : vector<16xf32> to vector<1x16xf32>
      tpu.vector_store %arg9[%swap3A_673, %swap3A_674], %swap3A_677 {add = true, strides = array<i32>} : memref<64x768xf32, #tpu.memory_space<vmem>>, vector<1x16xf32>,
      %get3A_678 = arith.index_cast %scan3A_470 : i32 to index
      %get3A_679 = arith.constant 368 : index
      %get3A_680 = tpu.vector_load %arg10[%get3A_678, %get3A_679] {strides = array<i32>} : memref<64x768xf32, #tpu.memory_space<vmem>>, vector<1x16xf32>,
      %get3A_681 = vector.shape_cast %get3A_680 : vector<1x16xf32> to vector<16xf32>
      %swap3A_682 = arith.index_cast %scan3A_470 : i32 to index
      %swap3A_683 = arith.constant 368 : index
      %swap3A_684 = tpu.vector_load %arg9[%swap3A_682, %swap3A_683] {strides = array<i32>} : memref<64x768xf32, #tpu.memory_space<vmem>>, vector<1x16xf32>,
      %swap3A_685 = vector.shape_cast %swap3A_684 : vector<1x16xf32> to vector<16xf32>
      %swap3A_686 = vector.shape_cast %get3A_681 : vector<16xf32> to vector<1x16xf32>
      tpu.vector_store %arg9[%swap3A_682, %swap3A_683], %swap3A_686 {add = true, strides = array<i32>} : memref<64x768xf32, #tpu.memory_space<vmem>>, vector<1x16xf32>,
      %get3A_687 = arith.index_cast %scan3A_470 : i32 to index
      %get3A_688 = arith.constant 384 : index
      %get3A_689 = tpu.vector_load %arg10[%get3A_687, %get3A_688] {strides = array<i32>} : memref<64x768xf32, #tpu.memory_space<vmem>>, vector<1x16xf32>,
      %get3A_690 = vector.shape_cast %get3A_689 : vector<1x16xf32> to vector<16xf32>
      %swap3A_691 = arith.index_cast %scan3A_470 : i32 to index
      %swap3A_692 = arith.constant 384 : index
      %swap3A_693 = tpu.vector_load %arg9[%swap3A_691, %swap3A_692] {strides = array<i32>} : memref<64x768xf32, #tpu.memory_space<vmem>>, vector<1x16xf32>,
      %swap3A_694 = vector.shape_cast %swap3A_693 : vector<1x16xf32> to vector<16xf32>
      %swap3A_695 = vector.shape_cast %get3A_690 : vector<16xf32> to vector<1x16xf32>
      tpu.vector_store %arg9[%swap3A_691, %swap3A_692], %swap3A_695 {add = true, strides = array<i32>} : memref<64x768xf32, #tpu.memory_space<vmem>>, vector<1x16xf32>,
      %get3A_696 = arith.index_cast %scan3A_470 : i32 to index
      %get3A_697 = arith.constant 400 : index
      %get3A_698 = tpu.vector_load %arg10[%get3A_696, %get3A_697] {strides = array<i32>} : memref<64x768xf32, #tpu.memory_space<vmem>>, vector<1x16xf32>,
      %get3A_699 = vector.shape_cast %get3A_698 : vector<1x16xf32> to vector<16xf32>
      %swap3A_700 = arith.index_cast %scan3A_470 : i32 to index
      %swap3A_701 = arith.constant 400 : index
      %swap3A_702 = tpu.vector_load %arg9[%swap3A_700, %swap3A_701] {strides = array<i32>} : memref<64x768xf32, #tpu.memory_space<vmem>>, vector<1x16xf32>,
      %swap3A_703 = vector.shape_cast %swap3A_702 : vector<1x16xf32> to vector<16xf32>
      %swap3A_704 = vector.shape_cast %get3A_699 : vector<16xf32> to vector<1x16xf32>
      tpu.vector_store %arg9[%swap3A_700, %swap3A_701], %swap3A_704 {add = true, strides = array<i32>} : memref<64x768xf32, #tpu.memory_space<vmem>>, vector<1x16xf32>,
      %get3A_705 = arith.index_cast %scan3A_470 : i32 to index
      %get3A_706 = arith.constant 416 : index
      %get3A_707 = tpu.vector_load %arg10[%get3A_705, %get3A_706] {strides = array<i32>} : memref<64x768xf32, #tpu.memory_space<vmem>>, vector<1x16xf32>,
      %get3A_708 = vector.shape_cast %get3A_707 : vector<1x16xf32> to vector<16xf32>
      %swap3A_709 = arith.index_cast %scan3A_470 : i32 to index
      %swap3A_710 = arith.constant 416 : index
      %swap3A_711 = tpu.vector_load %arg9[%swap3A_709, %swap3A_710] {strides = array<i32>} : memref<64x768xf32, #tpu.memory_space<vmem>>, vector<1x16xf32>,
      %swap3A_712 = vector.shape_cast %swap3A_711 : vector<1x16xf32> to vector<16xf32>
      %swap3A_713 = vector.shape_cast %get3A_708 : vector<16xf32> to vector<1x16xf32>
      tpu.vector_store %arg9[%swap3A_709, %swap3A_710], %swap3A_713 {add = true, strides = array<i32>} : memref<64x768xf32, #tpu.memory_space<vmem>>, vector<1x16xf32>,
      %get3A_714 = arith.index_cast %scan3A_470 : i32 to index
      %get3A_715 = arith.constant 432 : index
      %get3A_716 = tpu.vector_load %arg10[%get3A_714, %get3A_715] {strides = array<i32>} : memref<64x768xf32, #tpu.memory_space<vmem>>, vector<1x16xf32>,
      %get3A_717 = vector.shape_cast %get3A_716 : vector<1x16xf32> to vector<16xf32>
      %swap3A_718 = arith.index_cast %scan3A_470 : i32 to index
      %swap3A_719 = arith.constant 432 : index
      %swap3A_720 = tpu.vector_load %arg9[%swap3A_718, %swap3A_719] {strides = array<i32>} : memref<64x768xf32, #tpu.memory_space<vmem>>, vector<1x16xf32>,
      %swap3A_721 = vector.shape_cast %swap3A_720 : vector<1x16xf32> to vector<16xf32>
      %swap3A_722 = vector.shape_cast %get3A_717 : vector<16xf32> to vector<1x16xf32>
      tpu.vector_store %arg9[%swap3A_718, %swap3A_719], %swap3A_722 {add = true, strides = array<i32>} : memref<64x768xf32, #tpu.memory_space<vmem>>, vector<1x16xf32>,
      %get3A_723 = arith.index_cast %scan3A_470 : i32 to index
      %get3A_724 = arith.constant 448 : index
      %get3A_725 = tpu.vector_load %arg10[%get3A_723, %get3A_724] {strides = array<i32>} : memref<64x768xf32, #tpu.memory_space<vmem>>, vector<1x16xf32>,
      %get3A_726 = vector.shape_cast %get3A_725 : vector<1x16xf32> to vector<16xf32>
      %swap3A_727 = arith.index_cast %scan3A_470 : i32 to index
      %swap3A_728 = arith.constant 448 : index
      %swap3A_729 = tpu.vector_load %arg9[%swap3A_727, %swap3A_728] {strides = array<i32>} : memref<64x768xf32, #tpu.memory_space<vmem>>, vector<1x16xf32>,
      %swap3A_730 = vector.shape_cast %swap3A_729 : vector<1x16xf32> to vector<16xf32>
      %swap3A_731 = vector.shape_cast %get3A_726 : vector<16xf32> to vector<1x16xf32>
      tpu.vector_store %arg9[%swap3A_727, %swap3A_728], %swap3A_731 {add = true, strides = array<i32>} : memref<64x768xf32, #tpu.memory_space<vmem>>, vector<1x16xf32>,
      %get3A_732 = arith.index_cast %scan3A_470 : i32 to index
      %get3A_733 = arith.constant 464 : index
      %get3A_734 = tpu.vector_load %arg10[%get3A_732, %get3A_733] {strides = array<i32>} : memref<64x768xf32, #tpu.memory_space<vmem>>, vector<1x16xf32>,
      %get3A_735 = vector.shape_cast %get3A_734 : vector<1x16xf32> to vector<16xf32>
      %swap3A_736 = arith.index_cast %scan3A_470 : i32 to index
      %swap3A_737 = arith.constant 464 : index
      %swap3A_738 = tpu.vector_load %arg9[%swap3A_736, %swap3A_737] {strides = array<i32>} : memref<64x768xf32, #tpu.memory_space<vmem>>, vector<1x16xf32>,
      %swap3A_739 = vector.shape_cast %swap3A_738 : vector<1x16xf32> to vector<16xf32>
      %swap3A_740 = vector.shape_cast %get3A_735 : vector<16xf32> to vector<1x16xf32>
      tpu.vector_store %arg9[%swap3A_736, %swap3A_737], %swap3A_740 {add = true, strides = array<i32>} : memref<64x768xf32, #tpu.memory_space<vmem>>, vector<1x16xf32>,
      %get3A_741 = arith.index_cast %scan3A_470 : i32 to index
      %get3A_742 = arith.constant 480 : index
      %get3A_743 = tpu.vector_load %arg10[%get3A_741, %get3A_742] {strides = array<i32>} : memref<64x768xf32, #tpu.memory_space<vmem>>, vector<1x16xf32>,
      %get3A_744 = vector.shape_cast %get3A_743 : vector<1x16xf32> to vector<16xf32>
      %swap3A_745 = arith.index_cast %scan3A_470 : i32 to index
      %swap3A_746 = arith.constant 480 : index
      %swap3A_747 = tpu.vector_load %arg9[%swap3A_745, %swap3A_746] {strides = array<i32>} : memref<64x768xf32, #tpu.memory_space<vmem>>, vector<1x16xf32>,
      %swap3A_748 = vector.shape_cast %swap3A_747 : vector<1x16xf32> to vector<16xf32>
      %swap3A_749 = vector.shape_cast %get3A_744 : vector<16xf32> to vector<1x16xf32>
      tpu.vector_store %arg9[%swap3A_745, %swap3A_746], %swap3A_749 {add = true, strides = array<i32>} : memref<64x768xf32, #tpu.memory_space<vmem>>, vector<1x16xf32>,
      %get3A_750 = arith.index_cast %scan3A_470 : i32 to index
      %get3A_751 = arith.constant 496 : index
      %get3A_752 = tpu.vector_load %arg10[%get3A_750, %get3A_751] {strides = array<i32>} : memref<64x768xf32, #tpu.memory_space<vmem>>, vector<1x16xf32>,
      %get3A_753 = vector.shape_cast %get3A_752 : vector<1x16xf32> to vector<16xf32>
      %swap3A_754 = arith.index_cast %scan3A_470 : i32 to index
      %swap3A_755 = arith.constant 496 : index
      %swap3A_756 = tpu.vector_load %arg9[%swap3A_754, %swap3A_755] {strides = array<i32>} : memref<64x768xf32, #tpu.memory_space<vmem>>, vector<1x16xf32>,
      %swap3A_757 = vector.shape_cast %swap3A_756 : vector<1x16xf32> to vector<16xf32>
      %swap3A_758 = vector.shape_cast %get3A_753 : vector<16xf32> to vector<1x16xf32>
      tpu.vector_store %arg9[%swap3A_754, %swap3A_755], %swap3A_758 {add = true, strides = array<i32>} : memref<64x768xf32, #tpu.memory_space<vmem>>, vector<1x16xf32>,
      %get3A_759 = arith.index_cast %scan3A_470 : i32 to index
      %get3A_760 = arith.constant 512 : index
      %get3A_761 = tpu.vector_load %arg10[%get3A_759, %get3A_760] {strides = array<i32>} : memref<64x768xf32, #tpu.memory_space<vmem>>, vector<1x16xf32>,
      %get3A_762 = vector.shape_cast %get3A_761 : vector<1x16xf32> to vector<16xf32>
      %swap3A_763 = arith.index_cast %scan3A_470 : i32 to index
      %swap3A_764 = arith.constant 512 : index
      %swap3A_765 = tpu.vector_load %arg9[%swap3A_763, %swap3A_764] {strides = array<i32>} : memref<64x768xf32, #tpu.memory_space<vmem>>, vector<1x16xf32>,
      %swap3A_766 = vector.shape_cast %swap3A_765 : vector<1x16xf32> to vector<16xf32>
      %swap3A_767 = vector.shape_cast %get3A_762 : vector<16xf32> to vector<1x16xf32>
      tpu.vector_store %arg9[%swap3A_763, %swap3A_764], %swap3A_767 {add = true, strides = array<i32>} : memref<64x768xf32, #tpu.memory_space<vmem>>, vector<1x16xf32>,
      %get3A_768 = arith.index_cast %scan3A_470 : i32 to index
      %get3A_769 = arith.constant 528 : index
      %get3A_770 = tpu.vector_load %arg10[%get3A_768, %get3A_769] {strides = array<i32>} : memref<64x768xf32, #tpu.memory_space<vmem>>, vector<1x16xf32>,
      %get3A_771 = vector.shape_cast %get3A_770 : vector<1x16xf32> to vector<16xf32>
      %swap3A_772 = arith.index_cast %scan3A_470 : i32 to index
      %swap3A_773 = arith.constant 528 : index
      %swap3A_774 = tpu.vector_load %arg9[%swap3A_772, %swap3A_773] {strides = array<i32>} : memref<64x768xf32, #tpu.memory_space<vmem>>, vector<1x16xf32>,
      %swap3A_775 = vector.shape_cast %swap3A_774 : vector<1x16xf32> to vector<16xf32>
      %swap3A_776 = vector.shape_cast %get3A_771 : vector<16xf32> to vector<1x16xf32>
      tpu.vector_store %arg9[%swap3A_772, %swap3A_773], %swap3A_776 {add = true, strides = array<i32>} : memref<64x768xf32, #tpu.memory_space<vmem>>, vector<1x16xf32>,
      %get3A_777 = arith.index_cast %scan3A_470 : i32 to index
      %get3A_778 = arith.constant 544 : index
      %get3A_779 = tpu.vector_load %arg10[%get3A_777, %get3A_778] {strides = array<i32>} : memref<64x768xf32, #tpu.memory_space<vmem>>, vector<1x16xf32>,
      %get3A_780 = vector.shape_cast %get3A_779 : vector<1x16xf32> to vector<16xf32>
      %swap3A_781 = arith.index_cast %scan3A_470 : i32 to index
      %swap3A_782 = arith.constant 544 : index
      %swap3A_783 = tpu.vector_load %arg9[%swap3A_781, %swap3A_782] {strides = array<i32>} : memref<64x768xf32, #tpu.memory_space<vmem>>, vector<1x16xf32>,
      %swap3A_784 = vector.shape_cast %swap3A_783 : vector<1x16xf32> to vector<16xf32>
      %swap3A_785 = vector.shape_cast %get3A_780 : vector<16xf32> to vector<1x16xf32>
      tpu.vector_store %arg9[%swap3A_781, %swap3A_782], %swap3A_785 {add = true, strides = array<i32>} : memref<64x768xf32, #tpu.memory_space<vmem>>, vector<1x16xf32>,
      %get3A_786 = arith.index_cast %scan3A_470 : i32 to index
      %get3A_787 = arith.constant 560 : index
      %get3A_788 = tpu.vector_load %arg10[%get3A_786, %get3A_787] {strides = array<i32>} : memref<64x768xf32, #tpu.memory_space<vmem>>, vector<1x16xf32>,
      %get3A_789 = vector.shape_cast %get3A_788 : vector<1x16xf32> to vector<16xf32>
      %swap3A_790 = arith.index_cast %scan3A_470 : i32 to index
      %swap3A_791 = arith.constant 560 : index
      %swap3A_792 = tpu.vector_load %arg9[%swap3A_790, %swap3A_791] {strides = array<i32>} : memref<64x768xf32, #tpu.memory_space<vmem>>, vector<1x16xf32>,
      %swap3A_793 = vector.shape_cast %swap3A_792 : vector<1x16xf32> to vector<16xf32>
      %swap3A_794 = vector.shape_cast %get3A_789 : vector<16xf32> to vector<1x16xf32>
      tpu.vector_store %arg9[%swap3A_790, %swap3A_791], %swap3A_794 {add = true, strides = array<i32>} : memref<64x768xf32, #tpu.memory_space<vmem>>, vector<1x16xf32>,
      %get3A_795 = arith.index_cast %scan3A_470 : i32 to index
      %get3A_796 = arith.constant 576 : index
      %get3A_797 = tpu.vector_load %arg10[%get3A_795, %get3A_796] {strides = array<i32>} : memref<64x768xf32, #tpu.memory_space<vmem>>, vector<1x16xf32>,
      %get3A_798 = vector.shape_cast %get3A_797 : vector<1x16xf32> to vector<16xf32>
      %swap3A_799 = arith.index_cast %scan3A_470 : i32 to index
      %swap3A_800 = arith.constant 576 : index
      %swap3A_801 = tpu.vector_load %arg9[%swap3A_799, %swap3A_800] {strides = array<i32>} : memref<64x768xf32, #tpu.memory_space<vmem>>, vector<1x16xf32>,
      %swap3A_802 = vector.shape_cast %swap3A_801 : vector<1x16xf32> to vector<16xf32>
      %swap3A_803 = vector.shape_cast %get3A_798 : vector<16xf32> to vector<1x16xf32>
      tpu.vector_store %arg9[%swap3A_799, %swap3A_800], %swap3A_803 {add = true, strides = array<i32>} : memref<64x768xf32, #tpu.memory_space<vmem>>, vector<1x16xf32>,
      %get3A_804 = arith.index_cast %scan3A_470 : i32 to index
      %get3A_805 = arith.constant 592 : index
      %get3A_806 = tpu.vector_load %arg10[%get3A_804, %get3A_805] {strides = array<i32>} : memref<64x768xf32, #tpu.memory_space<vmem>>, vector<1x16xf32>,
      %get3A_807 = vector.shape_cast %get3A_806 : vector<1x16xf32> to vector<16xf32>
      %swap3A_808 = arith.index_cast %scan3A_470 : i32 to index
      %swap3A_809 = arith.constant 592 : index
      %swap3A_810 = tpu.vector_load %arg9[%swap3A_808, %swap3A_809] {strides = array<i32>} : memref<64x768xf32, #tpu.memory_space<vmem>>, vector<1x16xf32>,
      %swap3A_811 = vector.shape_cast %swap3A_810 : vector<1x16xf32> to vector<16xf32>
      %swap3A_812 = vector.shape_cast %get3A_807 : vector<16xf32> to vector<1x16xf32>
      tpu.vector_store %arg9[%swap3A_808, %swap3A_809], %swap3A_812 {add = true, strides = array<i32>} : memref<64x768xf32, #tpu.memory_space<vmem>>, vector<1x16xf32>,
      %get3A_813 = arith.index_cast %scan3A_470 : i32 to index
      %get3A_814 = arith.constant 608 : index
      %get3A_815 = tpu.vector_load %arg10[%get3A_813, %get3A_814] {strides = array<i32>} : memref<64x768xf32, #tpu.memory_space<vmem>>, vector<1x16xf32>,
      %get3A_816 = vector.shape_cast %get3A_815 : vector<1x16xf32> to vector<16xf32>
      %swap3A_817 = arith.index_cast %scan3A_470 : i32 to index
      %swap3A_818 = arith.constant 608 : index
      %swap3A_819 = tpu.vector_load %arg9[%swap3A_817, %swap3A_818] {strides = array<i32>} : memref<64x768xf32, #tpu.memory_space<vmem>>, vector<1x16xf32>,
      %swap3A_820 = vector.shape_cast %swap3A_819 : vector<1x16xf32> to vector<16xf32>
      %swap3A_821 = vector.shape_cast %get3A_816 : vector<16xf32> to vector<1x16xf32>
      tpu.vector_store %arg9[%swap3A_817, %swap3A_818], %swap3A_821 {add = true, strides = array<i32>} : memref<64x768xf32, #tpu.memory_space<vmem>>, vector<1x16xf32>,
      %get3A_822 = arith.index_cast %scan3A_470 : i32 to index
      %get3A_823 = arith.constant 624 : index
      %get3A_824 = tpu.vector_load %arg10[%get3A_822, %get3A_823] {strides = array<i32>} : memref<64x768xf32, #tpu.memory_space<vmem>>, vector<1x16xf32>,
      %get3A_825 = vector.shape_cast %get3A_824 : vector<1x16xf32> to vector<16xf32>
      %swap3A_826 = arith.index_cast %scan3A_470 : i32 to index
      %swap3A_827 = arith.constant 624 : index
      %swap3A_828 = tpu.vector_load %arg9[%swap3A_826, %swap3A_827] {strides = array<i32>} : memref<64x768xf32, #tpu.memory_space<vmem>>, vector<1x16xf32>,
      %swap3A_829 = vector.shape_cast %swap3A_828 : vector<1x16xf32> to vector<16xf32>
      %swap3A_830 = vector.shape_cast %get3A_825 : vector<16xf32> to vector<1x16xf32>
      tpu.vector_store %arg9[%swap3A_826, %swap3A_827], %swap3A_830 {add = true, strides = array<i32>} : memref<64x768xf32, #tpu.memory_space<vmem>>, vector<1x16xf32>,
      %get3A_831 = arith.index_cast %scan3A_470 : i32 to index
      %get3A_832 = arith.constant 640 : index
      %get3A_833 = tpu.vector_load %arg10[%get3A_831, %get3A_832] {strides = array<i32>} : memref<64x768xf32, #tpu.memory_space<vmem>>, vector<1x16xf32>,
      %get3A_834 = vector.shape_cast %get3A_833 : vector<1x16xf32> to vector<16xf32>
      %swap3A_835 = arith.index_cast %scan3A_470 : i32 to index
      %swap3A_836 = arith.constant 640 : index
      %swap3A_837 = tpu.vector_load %arg9[%swap3A_835, %swap3A_836] {strides = array<i32>} : memref<64x768xf32, #tpu.memory_space<vmem>>, vector<1x16xf32>,
      %swap3A_838 = vector.shape_cast %swap3A_837 : vector<1x16xf32> to vector<16xf32>
      %swap3A_839 = vector.shape_cast %get3A_834 : vector<16xf32> to vector<1x16xf32>
      tpu.vector_store %arg9[%swap3A_835, %swap3A_836], %swap3A_839 {add = true, strides = array<i32>} : memref<64x768xf32, #tpu.memory_space<vmem>>, vector<1x16xf32>,
      %get3A_840 = arith.index_cast %scan3A_470 : i32 to index
      %get3A_841 = arith.constant 656 : index
      %get3A_842 = tpu.vector_load %arg10[%get3A_840, %get3A_841] {strides = array<i32>} : memref<64x768xf32, #tpu.memory_space<vmem>>, vector<1x16xf32>,
      %get3A_843 = vector.shape_cast %get3A_842 : vector<1x16xf32> to vector<16xf32>
      %swap3A_844 = arith.index_cast %scan3A_470 : i32 to index
      %swap3A_845 = arith.constant 656 : index
      %swap3A_846 = tpu.vector_load %arg9[%swap3A_844, %swap3A_845] {strides = array<i32>} : memref<64x768xf32, #tpu.memory_space<vmem>>, vector<1x16xf32>,
      %swap3A_847 = vector.shape_cast %swap3A_846 : vector<1x16xf32> to vector<16xf32>
      %swap3A_848 = vector.shape_cast %get3A_843 : vector<16xf32> to vector<1x16xf32>
      tpu.vector_store %arg9[%swap3A_844, %swap3A_845], %swap3A_848 {add = true, strides = array<i32>} : memref<64x768xf32, #tpu.memory_space<vmem>>, vector<1x16xf32>,
      %get3A_849 = arith.index_cast %scan3A_470 : i32 to index
      %get3A_850 = arith.constant 672 : index
      %get3A_851 = tpu.vector_load %arg10[%get3A_849, %get3A_850] {strides = array<i32>} : memref<64x768xf32, #tpu.memory_space<vmem>>, vector<1x16xf32>,
      %get3A_852 = vector.shape_cast %get3A_851 : vector<1x16xf32> to vector<16xf32>
      %swap3A_853 = arith.index_cast %scan3A_470 : i32 to index
      %swap3A_854 = arith.constant 672 : index
      %swap3A_855 = tpu.vector_load %arg9[%swap3A_853, %swap3A_854] {strides = array<i32>} : memref<64x768xf32, #tpu.memory_space<vmem>>, vector<1x16xf32>,
      %swap3A_856 = vector.shape_cast %swap3A_855 : vector<1x16xf32> to vector<16xf32>
      %swap3A_857 = vector.shape_cast %get3A_852 : vector<16xf32> to vector<1x16xf32>
      tpu.vector_store %arg9[%swap3A_853, %swap3A_854], %swap3A_857 {add = true, strides = array<i32>} : memref<64x768xf32, #tpu.memory_space<vmem>>, vector<1x16xf32>,
      %get3A_858 = arith.index_cast %scan3A_470 : i32 to index
      %get3A_859 = arith.constant 688 : index
      %get3A_860 = tpu.vector_load %arg10[%get3A_858, %get3A_859] {strides = array<i32>} : memref<64x768xf32, #tpu.memory_space<vmem>>, vector<1x16xf32>,
      %get3A_861 = vector.shape_cast %get3A_860 : vector<1x16xf32> to vector<16xf32>
      %swap3A_862 = arith.index_cast %scan3A_470 : i32 to index
      %swap3A_863 = arith.constant 688 : index
      %swap3A_864 = tpu.vector_load %arg9[%swap3A_862, %swap3A_863] {strides = array<i32>} : memref<64x768xf32, #tpu.memory_space<vmem>>, vector<1x16xf32>,
      %swap3A_865 = vector.shape_cast %swap3A_864 : vector<1x16xf32> to vector<16xf32>
      %swap3A_866 = vector.shape_cast %get3A_861 : vector<16xf32> to vector<1x16xf32>
      tpu.vector_store %arg9[%swap3A_862, %swap3A_863], %swap3A_866 {add = true, strides = array<i32>} : memref<64x768xf32, #tpu.memory_space<vmem>>, vector<1x16xf32>,
      %get3A_867 = arith.index_cast %scan3A_470 : i32 to index
      %get3A_868 = arith.constant 704 : index
      %get3A_869 = tpu.vector_load %arg10[%get3A_867, %get3A_868] {strides = array<i32>} : memref<64x768xf32, #tpu.memory_space<vmem>>, vector<1x16xf32>,
      %get3A_870 = vector.shape_cast %get3A_869 : vector<1x16xf32> to vector<16xf32>
      %swap3A_871 = arith.index_cast %scan3A_470 : i32 to index
      %swap3A_872 = arith.constant 704 : index
      %swap3A_873 = tpu.vector_load %arg9[%swap3A_871, %swap3A_872] {strides = array<i32>} : memref<64x768xf32, #tpu.memory_space<vmem>>, vector<1x16xf32>,
      %swap3A_874 = vector.shape_cast %swap3A_873 : vector<1x16xf32> to vector<16xf32>
      %swap3A_875 = vector.shape_cast %get3A_870 : vector<16xf32> to vector<1x16xf32>
      tpu.vector_store %arg9[%swap3A_871, %swap3A_872], %swap3A_875 {add = true, strides = array<i32>} : memref<64x768xf32, #tpu.memory_space<vmem>>, vector<1x16xf32>,
      %get3A_876 = arith.index_cast %scan3A_470 : i32 to index
      %get3A_877 = arith.constant 720 : index
      %get3A_878 = tpu.vector_load %arg10[%get3A_876, %get3A_877] {strides = array<i32>} : memref<64x768xf32, #tpu.memory_space<vmem>>, vector<1x16xf32>,
      %get3A_879 = vector.shape_cast %get3A_878 : vector<1x16xf32> to vector<16xf32>
      %swap3A_880 = arith.index_cast %scan3A_470 : i32 to index
      %swap3A_881 = arith.constant 720 : index
      %swap3A_882 = tpu.vector_load %arg9[%swap3A_880, %swap3A_881] {strides = array<i32>} : memref<64x768xf32, #tpu.memory_space<vmem>>, vector<1x16xf32>,
      %swap3A_883 = vector.shape_cast %swap3A_882 : vector<1x16xf32> to vector<16xf32>
      %swap3A_884 = vector.shape_cast %get3A_879 : vector<16xf32> to vector<1x16xf32>
      tpu.vector_store %arg9[%swap3A_880, %swap3A_881], %swap3A_884 {add = true, strides = array<i32>} : memref<64x768xf32, #tpu.memory_space<vmem>>, vector<1x16xf32>,
      %get3A_885 = arith.index_cast %scan3A_470 : i32 to index
      %get3A_886 = arith.constant 736 : index
      %get3A_887 = tpu.vector_load %arg10[%get3A_885, %get3A_886] {strides = array<i32>} : memref<64x768xf32, #tpu.memory_space<vmem>>, vector<1x16xf32>,
      %get3A_888 = vector.shape_cast %get3A_887 : vector<1x16xf32> to vector<16xf32>
      %swap3A_889 = arith.index_cast %scan3A_470 : i32 to index
      %swap3A_890 = arith.constant 736 : index
      %swap3A_891 = tpu.vector_load %arg9[%swap3A_889, %swap3A_890] {strides = array<i32>} : memref<64x768xf32, #tpu.memory_space<vmem>>, vector<1x16xf32>,
      %swap3A_892 = vector.shape_cast %swap3A_891 : vector<1x16xf32> to vector<16xf32>
      %swap3A_893 = vector.shape_cast %get3A_888 : vector<16xf32> to vector<1x16xf32>
      tpu.vector_store %arg9[%swap3A_889, %swap3A_890], %swap3A_893 {add = true, strides = array<i32>} : memref<64x768xf32, #tpu.memory_space<vmem>>, vector<1x16xf32>,
      %get3A_894 = arith.index_cast %scan3A_470 : i32 to index
      %get3A_895 = arith.constant 752 : index
      %get3A_896 = tpu.vector_load %arg10[%get3A_894, %get3A_895] {strides = array<i32>} : memref<64x768xf32, #tpu.memory_space<vmem>>, vector<1x16xf32>,
      %get3A_897 = vector.shape_cast %get3A_896 : vector<1x16xf32> to vector<16xf32>
      %swap3A_898 = arith.index_cast %scan3A_470 : i32 to index
      %swap3A_899 = arith.constant 752 : index
      %swap3A_900 = tpu.vector_load %arg9[%swap3A_898, %swap3A_899] {strides = array<i32>} : memref<64x768xf32, #tpu.memory_space<vmem>>, vector<1x16xf32>,
      %swap3A_901 = vector.shape_cast %swap3A_900 : vector<1x16xf32> to vector<16xf32>
      %swap3A_902 = vector.shape_cast %get3A_897 : vector<16xf32> to vector<1x16xf32>
      tpu.vector_store %arg9[%swap3A_898, %swap3A_899], %swap3A_902 {add = true, strides = array<i32>} : memref<64x768xf32, #tpu.memory_space<vmem>>, vector<1x16xf32>,
    }
    %scan3A_427 = arith.constant 64 : i32
    %mul3A_428 = arith.constant 256 : i32
    %mul3A_429 = arith.muli %add3A, %mul3A_428 : i32
    %add3A_430 = arith.constant 128 : i32
    %add3A_431 = arith.addi %mul3A_429, %add3A_430 : i32
    "tpu.region"() ({
      %run_scoped3A = tpu.sem_alloc : memref<!tpu.dma_semaphore, #tpu.memory_space<semaphore_mem>>
      %dma_start3A_470 = arith.constant 0 : i32
      %dma_start3A_471 = tpu.memref_slice %arg5[%add3A_431, %dma_start3A_470] : memref<8192x768xf32, #tpu.memory_space<hbm>> -> memref<64x768xf32, #tpu.memory_space<hbm>>
      %dma_start3A_472 = arith.constant 0 : i32
      %dma_start3A_473 = tpu.memref_slice %arg5[%add3A_431, %dma_start3A_472] : memref<8192x768xf32, #tpu.memory_space<hbm>> -> memref<64x768xf32, #tpu.memory_space<hbm>>
      tpu.enqueue_dma source(%arg9 : memref<64x768xf32, #tpu.memory_space<vmem>>) target(%dma_start3A_473 : memref<64x768xf32, #tpu.memory_space<hbm>>) target_semaphore(%run_scoped3A : memref<!tpu.dma_semaphore, #tpu.memory_space<semaphore_mem>>)
      %dma_wait3A_474 = arith.constant 0 : i32
      %dma_wait3A_475 = tpu.memref_slice %arg5[%add3A_431, %dma_wait3A_474] : memref<8192x768xf32, #tpu.memory_space<hbm>> -> memref<64x768xf32, #tpu.memory_space<hbm>>
      %dma_wait3A_476 = arith.constant 0 : i32
      %dma_wait3A_477 = tpu.memref_slice %arg5[%add3A_431, %dma_wait3A_476] : memref<8192x768xf32, #tpu.memory_space<hbm>> -> memref<64x768xf32, #tpu.memory_space<hbm>>
      tpu.wait_dma2 semaphore(%run_scoped3A : memref<!tpu.dma_semaphore, #tpu.memory_space<semaphore_mem>>) src(%arg9 : memref<64x768xf32, #tpu.memory_space<vmem>>) dst(%dma_wait3A_477 : memref<64x768xf32, #tpu.memory_space<hbm>>)
      tpu.yield
    }) : () -> ()
    %dma_start3A_432 = arith.constant 3 : i32
    %dma_start3A_433 = arith.constant 0 : i32
    %dma_start3A_434 = tpu.memref_slice %arg7[%dma_start3A_432, %dma_start3A_433] : memref<4x64xi32, #tpu.memory_space<vmem>> -> memref<1x64xi32, #tpu.memory_space<vmem>>
    %dma_start3A_435 = tpu.memref_squeeze %dma_start3A_434 : memref<1x64xi32, #tpu.memory_space<vmem>> -> memref<64xi32, #tpu.memory_space<vmem>>
    %dma_start3A_436 = arith.constant 0 : i32
    %dma_start3A_437 = arith.constant 0 : i32
    %dma_start3A_438 = tpu.memref_slice %arg3[%dma_start3A_436, %dma_start3A_437] : memref<32768x768xf32, #tpu.memory_space<hbm>> -> memref<32768x768xf32, #tpu.memory_space<hbm>>
    tpu.enqueue_indirect_dma source(%dma_start3A_438 : memref<32768x768xf32, #tpu.memory_space<hbm>>) target(%arg9 : memref<64x768xf32, #tpu.memory_space<vmem>>) offsets(%dma_start3A_435 : memref<64xi32, #tpu.memory_space<vmem>>) semaphore(%arg11 : memref<!tpu.dma_semaphore, #tpu.memory_space<semaphore_mem>>)
    %dma_start3A_439 = arith.constant 3 : i32
    %dma_start3A_440 = arith.constant 0 : i32
    %dma_start3A_441 = tpu.memref_slice %arg8[%dma_start3A_439, %dma_start3A_440] : memref<4x64xi32, #tpu.memory_space<vmem>> -> memref<1x64xi32, #tpu.memory_space<vmem>>
    %dma_start3A_442 = tpu.memref_squeeze %dma_start3A_441 : memref<1x64xi32, #tpu.memory_space<vmem>> -> memref<64xi32, #tpu.memory_space<vmem>>
    %dma_start3A_443 = arith.constant 0 : i32
    %dma_start3A_444 = arith.constant 0 : i32
    %dma_start3A_445 = tpu.memref_slice %arg4[%dma_start3A_443, %dma_start3A_444] : memref<1025x768xf32, #tpu.memory_space<hbm>> -> memref<1025x768xf32, #tpu.memory_space<hbm>>
    tpu.enqueue_indirect_dma source(%dma_start3A_445 : memref<1025x768xf32, #tpu.memory_space<hbm>>) target(%arg10 : memref<64x768xf32, #tpu.memory_space<vmem>>) offsets(%dma_start3A_442 : memref<64xi32, #tpu.memory_space<vmem>>) semaphore(%arg12 : memref<!tpu.dma_semaphore, #tpu.memory_space<semaphore_mem>>)
    %dma_wait3A_446 = arith.constant 3 : i32
    %dma_wait3A_447 = arith.constant 0 : i32
    %dma_wait3A_448 = tpu.memref_slice %arg7[%dma_wait3A_446, %dma_wait3A_447] : memref<4x64xi32, #tpu.memory_space<vmem>> -> memref<1x64xi32, #tpu.memory_space<vmem>>
    %dma_wait3A_449 = tpu.memref_squeeze %dma_wait3A_448 : memref<1x64xi32, #tpu.memory_space<vmem>> -> memref<64xi32, #tpu.memory_space<vmem>>
    %dma_wait3A_450 = arith.constant 0 : i32
    %dma_wait3A_451 = arith.constant 0 : i32
    %dma_wait3A_452 = tpu.memref_slice %arg3[%dma_wait3A_450, %dma_wait3A_451] : memref<32768x768xf32, #tpu.memory_space<hbm>> -> memref<32768x768xf32, #tpu.memory_space<hbm>>
    tpu.wait_indirect_dma semaphore(%arg11 : memref<!tpu.dma_semaphore, #tpu.memory_space<semaphore_mem>>) src(%dma_wait3A_452 : memref<32768x768xf32, #tpu.memory_space<hbm>>) dst(%arg9 : memref<64x768xf32, #tpu.memory_space<vmem>>)
    %dma_wait3A_453 = arith.constant 3 : i32
    %dma_wait3A_454 = arith.constant 0 : i32
    %dma_wait3A_455 = tpu.memref_slice %arg8[%dma_wait3A_453, %dma_wait3A_454] : memref<4x64xi32, #tpu.memory_space<vmem>> -> memref<1x64xi32, #tpu.memory_space<vmem>>
    %dma_wait3A_456 = tpu.memref_squeeze %dma_wait3A_455 : memref<1x64xi32, #tpu.memory_space<vmem>> -> memref<64xi32, #tpu.memory_space<vmem>>
    %dma_wait3A_457 = arith.constant 0 : i32
    %dma_wait3A_458 = arith.constant 0 : i32
    %dma_wait3A_459 = tpu.memref_slice %arg4[%dma_wait3A_457, %dma_wait3A_458] : memref<1025x768xf32, #tpu.memory_space<hbm>> -> memref<1025x768xf32, #tpu.memory_space<hbm>>
    tpu.wait_indirect_dma semaphore(%arg12 : memref<!tpu.dma_semaphore, #tpu.memory_space<semaphore_mem>>) src(%dma_wait3A_459 : memref<1025x768xf32, #tpu.memory_space<hbm>>) dst(%arg10 : memref<64x768xf32, #tpu.memory_space<vmem>>)
    %scan3A_460 = arith.constant 0 : i32
    %scan3A_461 = arith.constant 0 : i32
    %scan3A_462 = arith.constant 64 : i32
    %scan3A_463 = arith.addi %scan3A_461, %scan3A_462 : i32
    %scan3A_464 = arith.constant 1 : i32
    scf.for %scan3A_470 = %scan3A_461 to %scan3A_463 step %scan3A_464  : i32 {
      %get3A_471 = arith.index_cast %scan3A_470 : i32 to index
      %get3A_472 = arith.constant 0 : index
      %get3A_473 = tpu.vector_load %arg10[%get3A_471, %get3A_472] {strides = array<i32>} : memref<64x768xf32, #tpu.memory_space<vmem>>, vector<1x16xf32>,
      %get3A_474 = vector.shape_cast %get3A_473 : vector<1x16xf32> to vector<16xf32>
      %swap3A_475 = arith.index_cast %scan3A_470 : i32 to index
      %swap3A_476 = arith.constant 0 : index
      %swap3A_477 = tpu.vector_load %arg9[%swap3A_475, %swap3A_476] {strides = array<i32>} : memref<64x768xf32, #tpu.memory_space<vmem>>, vector<1x16xf32>,
      %swap3A_478 = vector.shape_cast %swap3A_477 : vector<1x16xf32> to vector<16xf32>
      %swap3A_479 = vector.shape_cast %get3A_474 : vector<16xf32> to vector<1x16xf32>
      tpu.vector_store %arg9[%swap3A_475, %swap3A_476], %swap3A_479 {add = true, strides = array<i32>} : memref<64x768xf32, #tpu.memory_space<vmem>>, vector<1x16xf32>,
      %get3A_480 = arith.index_cast %scan3A_470 : i32 to index
      %get3A_481 = arith.constant 16 : index
      %get3A_482 = tpu.vector_load %arg10[%get3A_480, %get3A_481] {strides = array<i32>} : memref<64x768xf32, #tpu.memory_space<vmem>>, vector<1x16xf32>,
      %get3A_483 = vector.shape_cast %get3A_482 : vector<1x16xf32> to vector<16xf32>
      %swap3A_484 = arith.index_cast %scan3A_470 : i32 to index
      %swap3A_485 = arith.constant 16 : index
      %swap3A_486 = tpu.vector_load %arg9[%swap3A_484, %swap3A_485] {strides = array<i32>} : memref<64x768xf32, #tpu.memory_space<vmem>>, vector<1x16xf32>,
      %swap3A_487 = vector.shape_cast %swap3A_486 : vector<1x16xf32> to vector<16xf32>
      %swap3A_488 = vector.shape_cast %get3A_483 : vector<16xf32> to vector<1x16xf32>
      tpu.vector_store %arg9[%swap3A_484, %swap3A_485], %swap3A_488 {add = true, strides = array<i32>} : memref<64x768xf32, #tpu.memory_space<vmem>>, vector<1x16xf32>,
      %get3A_489 = arith.index_cast %scan3A_470 : i32 to index
      %get3A_490 = arith.constant 32 : index
      %get3A_491 = tpu.vector_load %arg10[%get3A_489, %get3A_490] {strides = array<i32>} : memref<64x768xf32, #tpu.memory_space<vmem>>, vector<1x16xf32>,
      %get3A_492 = vector.shape_cast %get3A_491 : vector<1x16xf32> to vector<16xf32>
      %swap3A_493 = arith.index_cast %scan3A_470 : i32 to index
      %swap3A_494 = arith.constant 32 : index
      %swap3A_495 = tpu.vector_load %arg9[%swap3A_493, %swap3A_494] {strides = array<i32>} : memref<64x768xf32, #tpu.memory_space<vmem>>, vector<1x16xf32>,
      %swap3A_496 = vector.shape_cast %swap3A_495 : vector<1x16xf32> to vector<16xf32>
      %swap3A_497 = vector.shape_cast %get3A_492 : vector<16xf32> to vector<1x16xf32>
      tpu.vector_store %arg9[%swap3A_493, %swap3A_494], %swap3A_497 {add = true, strides = array<i32>} : memref<64x768xf32, #tpu.memory_space<vmem>>, vector<1x16xf32>,
      %get3A_498 = arith.index_cast %scan3A_470 : i32 to index
      %get3A_499 = arith.constant 48 : index
      %get3A_500 = tpu.vector_load %arg10[%get3A_498, %get3A_499] {strides = array<i32>} : memref<64x768xf32, #tpu.memory_space<vmem>>, vector<1x16xf32>,
      %get3A_501 = vector.shape_cast %get3A_500 : vector<1x16xf32> to vector<16xf32>
      %swap3A_502 = arith.index_cast %scan3A_470 : i32 to index
      %swap3A_503 = arith.constant 48 : index
      %swap3A_504 = tpu.vector_load %arg9[%swap3A_502, %swap3A_503] {strides = array<i32>} : memref<64x768xf32, #tpu.memory_space<vmem>>, vector<1x16xf32>,
      %swap3A_505 = vector.shape_cast %swap3A_504 : vector<1x16xf32> to vector<16xf32>
      %swap3A_506 = vector.shape_cast %get3A_501 : vector<16xf32> to vector<1x16xf32>
      tpu.vector_store %arg9[%swap3A_502, %swap3A_503], %swap3A_506 {add = true, strides = array<i32>} : memref<64x768xf32, #tpu.memory_space<vmem>>, vector<1x16xf32>,
      %get3A_507 = arith.index_cast %scan3A_470 : i32 to index
      %get3A_508 = arith.constant 64 : index
      %get3A_509 = tpu.vector_load %arg10[%get3A_507, %get3A_508] {strides = array<i32>} : memref<64x768xf32, #tpu.memory_space<vmem>>, vector<1x16xf32>,
      %get3A_510 = vector.shape_cast %get3A_509 : vector<1x16xf32> to vector<16xf32>
      %swap3A_511 = arith.index_cast %scan3A_470 : i32 to index
      %swap3A_512 = arith.constant 64 : index
      %swap3A_513 = tpu.vector_load %arg9[%swap3A_511, %swap3A_512] {strides = array<i32>} : memref<64x768xf32, #tpu.memory_space<vmem>>, vector<1x16xf32>,
      %swap3A_514 = vector.shape_cast %swap3A_513 : vector<1x16xf32> to vector<16xf32>
      %swap3A_515 = vector.shape_cast %get3A_510 : vector<16xf32> to vector<1x16xf32>
      tpu.vector_store %arg9[%swap3A_511, %swap3A_512], %swap3A_515 {add = true, strides = array<i32>} : memref<64x768xf32, #tpu.memory_space<vmem>>, vector<1x16xf32>,
      %get3A_516 = arith.index_cast %scan3A_470 : i32 to index
      %get3A_517 = arith.constant 80 : index
      %get3A_518 = tpu.vector_load %arg10[%get3A_516, %get3A_517] {strides = array<i32>} : memref<64x768xf32, #tpu.memory_space<vmem>>, vector<1x16xf32>,
      %get3A_519 = vector.shape_cast %get3A_518 : vector<1x16xf32> to vector<16xf32>
      %swap3A_520 = arith.index_cast %scan3A_470 : i32 to index
      %swap3A_521 = arith.constant 80 : index
      %swap3A_522 = tpu.vector_load %arg9[%swap3A_520, %swap3A_521] {strides = array<i32>} : memref<64x768xf32, #tpu.memory_space<vmem>>, vector<1x16xf32>,
      %swap3A_523 = vector.shape_cast %swap3A_522 : vector<1x16xf32> to vector<16xf32>
      %swap3A_524 = vector.shape_cast %get3A_519 : vector<16xf32> to vector<1x16xf32>
      tpu.vector_store %arg9[%swap3A_520, %swap3A_521], %swap3A_524 {add = true, strides = array<i32>} : memref<64x768xf32, #tpu.memory_space<vmem>>, vector<1x16xf32>,
      %get3A_525 = arith.index_cast %scan3A_470 : i32 to index
      %get3A_526 = arith.constant 96 : index
      %get3A_527 = tpu.vector_load %arg10[%get3A_525, %get3A_526] {strides = array<i32>} : memref<64x768xf32, #tpu.memory_space<vmem>>, vector<1x16xf32>,
      %get3A_528 = vector.shape_cast %get3A_527 : vector<1x16xf32> to vector<16xf32>
      %swap3A_529 = arith.index_cast %scan3A_470 : i32 to index
      %swap3A_530 = arith.constant 96 : index
      %swap3A_531 = tpu.vector_load %arg9[%swap3A_529, %swap3A_530] {strides = array<i32>} : memref<64x768xf32, #tpu.memory_space<vmem>>, vector<1x16xf32>,
      %swap3A_532 = vector.shape_cast %swap3A_531 : vector<1x16xf32> to vector<16xf32>
      %swap3A_533 = vector.shape_cast %get3A_528 : vector<16xf32> to vector<1x16xf32>
      tpu.vector_store %arg9[%swap3A_529, %swap3A_530], %swap3A_533 {add = true, strides = array<i32>} : memref<64x768xf32, #tpu.memory_space<vmem>>, vector<1x16xf32>,
      %get3A_534 = arith.index_cast %scan3A_470 : i32 to index
      %get3A_535 = arith.constant 112 : index
      %get3A_536 = tpu.vector_load %arg10[%get3A_534, %get3A_535] {strides = array<i32>} : memref<64x768xf32, #tpu.memory_space<vmem>>, vector<1x16xf32>,
      %get3A_537 = vector.shape_cast %get3A_536 : vector<1x16xf32> to vector<16xf32>
      %swap3A_538 = arith.index_cast %scan3A_470 : i32 to index
      %swap3A_539 = arith.constant 112 : index
      %swap3A_540 = tpu.vector_load %arg9[%swap3A_538, %swap3A_539] {strides = array<i32>} : memref<64x768xf32, #tpu.memory_space<vmem>>, vector<1x16xf32>,
      %swap3A_541 = vector.shape_cast %swap3A_540 : vector<1x16xf32> to vector<16xf32>
      %swap3A_542 = vector.shape_cast %get3A_537 : vector<16xf32> to vector<1x16xf32>
      tpu.vector_store %arg9[%swap3A_538, %swap3A_539], %swap3A_542 {add = true, strides = array<i32>} : memref<64x768xf32, #tpu.memory_space<vmem>>, vector<1x16xf32>,
      %get3A_543 = arith.index_cast %scan3A_470 : i32 to index
      %get3A_544 = arith.constant 128 : index
      %get3A_545 = tpu.vector_load %arg10[%get3A_543, %get3A_544] {strides = array<i32>} : memref<64x768xf32, #tpu.memory_space<vmem>>, vector<1x16xf32>,
      %get3A_546 = vector.shape_cast %get3A_545 : vector<1x16xf32> to vector<16xf32>
      %swap3A_547 = arith.index_cast %scan3A_470 : i32 to index
      %swap3A_548 = arith.constant 128 : index
      %swap3A_549 = tpu.vector_load %arg9[%swap3A_547, %swap3A_548] {strides = array<i32>} : memref<64x768xf32, #tpu.memory_space<vmem>>, vector<1x16xf32>,
      %swap3A_550 = vector.shape_cast %swap3A_549 : vector<1x16xf32> to vector<16xf32>
      %swap3A_551 = vector.shape_cast %get3A_546 : vector<16xf32> to vector<1x16xf32>
      tpu.vector_store %arg9[%swap3A_547, %swap3A_548], %swap3A_551 {add = true, strides = array<i32>} : memref<64x768xf32, #tpu.memory_space<vmem>>, vector<1x16xf32>,
      %get3A_552 = arith.index_cast %scan3A_470 : i32 to index
      %get3A_553 = arith.constant 144 : index
      %get3A_554 = tpu.vector_load %arg10[%get3A_552, %get3A_553] {strides = array<i32>} : memref<64x768xf32, #tpu.memory_space<vmem>>, vector<1x16xf32>,
      %get3A_555 = vector.shape_cast %get3A_554 : vector<1x16xf32> to vector<16xf32>
      %swap3A_556 = arith.index_cast %scan3A_470 : i32 to index
      %swap3A_557 = arith.constant 144 : index
      %swap3A_558 = tpu.vector_load %arg9[%swap3A_556, %swap3A_557] {strides = array<i32>} : memref<64x768xf32, #tpu.memory_space<vmem>>, vector<1x16xf32>,
      %swap3A_559 = vector.shape_cast %swap3A_558 : vector<1x16xf32> to vector<16xf32>
      %swap3A_560 = vector.shape_cast %get3A_555 : vector<16xf32> to vector<1x16xf32>
      tpu.vector_store %arg9[%swap3A_556, %swap3A_557], %swap3A_560 {add = true, strides = array<i32>} : memref<64x768xf32, #tpu.memory_space<vmem>>, vector<1x16xf32>,
      %get3A_561 = arith.index_cast %scan3A_470 : i32 to index
      %get3A_562 = arith.constant 160 : index
      %get3A_563 = tpu.vector_load %arg10[%get3A_561, %get3A_562] {strides = array<i32>} : memref<64x768xf32, #tpu.memory_space<vmem>>, vector<1x16xf32>,
      %get3A_564 = vector.shape_cast %get3A_563 : vector<1x16xf32> to vector<16xf32>
      %swap3A_565 = arith.index_cast %scan3A_470 : i32 to index
      %swap3A_566 = arith.constant 160 : index
      %swap3A_567 = tpu.vector_load %arg9[%swap3A_565, %swap3A_566] {strides = array<i32>} : memref<64x768xf32, #tpu.memory_space<vmem>>, vector<1x16xf32>,
      %swap3A_568 = vector.shape_cast %swap3A_567 : vector<1x16xf32> to vector<16xf32>
      %swap3A_569 = vector.shape_cast %get3A_564 : vector<16xf32> to vector<1x16xf32>
      tpu.vector_store %arg9[%swap3A_565, %swap3A_566], %swap3A_569 {add = true, strides = array<i32>} : memref<64x768xf32, #tpu.memory_space<vmem>>, vector<1x16xf32>,
      %get3A_570 = arith.index_cast %scan3A_470 : i32 to index
      %get3A_571 = arith.constant 176 : index
      %get3A_572 = tpu.vector_load %arg10[%get3A_570, %get3A_571] {strides = array<i32>} : memref<64x768xf32, #tpu.memory_space<vmem>>, vector<1x16xf32>,
      %get3A_573 = vector.shape_cast %get3A_572 : vector<1x16xf32> to vector<16xf32>
      %swap3A_574 = arith.index_cast %scan3A_470 : i32 to index
      %swap3A_575 = arith.constant 176 : index
      %swap3A_576 = tpu.vector_load %arg9[%swap3A_574, %swap3A_575] {strides = array<i32>} : memref<64x768xf32, #tpu.memory_space<vmem>>, vector<1x16xf32>,
      %swap3A_577 = vector.shape_cast %swap3A_576 : vector<1x16xf32> to vector<16xf32>
      %swap3A_578 = vector.shape_cast %get3A_573 : vector<16xf32> to vector<1x16xf32>
      tpu.vector_store %arg9[%swap3A_574, %swap3A_575], %swap3A_578 {add = true, strides = array<i32>} : memref<64x768xf32, #tpu.memory_space<vmem>>, vector<1x16xf32>,
      %get3A_579 = arith.index_cast %scan3A_470 : i32 to index
      %get3A_580 = arith.constant 192 : index
      %get3A_581 = tpu.vector_load %arg10[%get3A_579, %get3A_580] {strides = array<i32>} : memref<64x768xf32, #tpu.memory_space<vmem>>, vector<1x16xf32>,
      %get3A_582 = vector.shape_cast %get3A_581 : vector<1x16xf32> to vector<16xf32>
      %swap3A_583 = arith.index_cast %scan3A_470 : i32 to index
      %swap3A_584 = arith.constant 192 : index
      %swap3A_585 = tpu.vector_load %arg9[%swap3A_583, %swap3A_584] {strides = array<i32>} : memref<64x768xf32, #tpu.memory_space<vmem>>, vector<1x16xf32>,
      %swap3A_586 = vector.shape_cast %swap3A_585 : vector<1x16xf32> to vector<16xf32>
      %swap3A_587 = vector.shape_cast %get3A_582 : vector<16xf32> to vector<1x16xf32>
      tpu.vector_store %arg9[%swap3A_583, %swap3A_584], %swap3A_587 {add = true, strides = array<i32>} : memref<64x768xf32, #tpu.memory_space<vmem>>, vector<1x16xf32>,
      %get3A_588 = arith.index_cast %scan3A_470 : i32 to index
      %get3A_589 = arith.constant 208 : index
      %get3A_590 = tpu.vector_load %arg10[%get3A_588, %get3A_589] {strides = array<i32>} : memref<64x768xf32, #tpu.memory_space<vmem>>, vector<1x16xf32>,
      %get3A_591 = vector.shape_cast %get3A_590 : vector<1x16xf32> to vector<16xf32>
      %swap3A_592 = arith.index_cast %scan3A_470 : i32 to index
      %swap3A_593 = arith.constant 208 : index
      %swap3A_594 = tpu.vector_load %arg9[%swap3A_592, %swap3A_593] {strides = array<i32>} : memref<64x768xf32, #tpu.memory_space<vmem>>, vector<1x16xf32>,
      %swap3A_595 = vector.shape_cast %swap3A_594 : vector<1x16xf32> to vector<16xf32>
      %swap3A_596 = vector.shape_cast %get3A_591 : vector<16xf32> to vector<1x16xf32>
      tpu.vector_store %arg9[%swap3A_592, %swap3A_593], %swap3A_596 {add = true, strides = array<i32>} : memref<64x768xf32, #tpu.memory_space<vmem>>, vector<1x16xf32>,
      %get3A_597 = arith.index_cast %scan3A_470 : i32 to index
      %get3A_598 = arith.constant 224 : index
      %get3A_599 = tpu.vector_load %arg10[%get3A_597, %get3A_598] {strides = array<i32>} : memref<64x768xf32, #tpu.memory_space<vmem>>, vector<1x16xf32>,
      %get3A_600 = vector.shape_cast %get3A_599 : vector<1x16xf32> to vector<16xf32>
      %swap3A_601 = arith.index_cast %scan3A_470 : i32 to index
      %swap3A_602 = arith.constant 224 : index
      %swap3A_603 = tpu.vector_load %arg9[%swap3A_601, %swap3A_602] {strides = array<i32>} : memref<64x768xf32, #tpu.memory_space<vmem>>, vector<1x16xf32>,
      %swap3A_604 = vector.shape_cast %swap3A_603 : vector<1x16xf32> to vector<16xf32>
      %swap3A_605 = vector.shape_cast %get3A_600 : vector<16xf32> to vector<1x16xf32>
      tpu.vector_store %arg9[%swap3A_601, %swap3A_602], %swap3A_605 {add = true, strides = array<i32>} : memref<64x768xf32, #tpu.memory_space<vmem>>, vector<1x16xf32>,
      %get3A_606 = arith.index_cast %scan3A_470 : i32 to index
      %get3A_607 = arith.constant 240 : index
      %get3A_608 = tpu.vector_load %arg10[%get3A_606, %get3A_607] {strides = array<i32>} : memref<64x768xf32, #tpu.memory_space<vmem>>, vector<1x16xf32>,
      %get3A_609 = vector.shape_cast %get3A_608 : vector<1x16xf32> to vector<16xf32>
      %swap3A_610 = arith.index_cast %scan3A_470 : i32 to index
      %swap3A_611 = arith.constant 240 : index
      %swap3A_612 = tpu.vector_load %arg9[%swap3A_610, %swap3A_611] {strides = array<i32>} : memref<64x768xf32, #tpu.memory_space<vmem>>, vector<1x16xf32>,
      %swap3A_613 = vector.shape_cast %swap3A_612 : vector<1x16xf32> to vector<16xf32>
      %swap3A_614 = vector.shape_cast %get3A_609 : vector<16xf32> to vector<1x16xf32>
      tpu.vector_store %arg9[%swap3A_610, %swap3A_611], %swap3A_614 {add = true, strides = array<i32>} : memref<64x768xf32, #tpu.memory_space<vmem>>, vector<1x16xf32>,
      %get3A_615 = arith.index_cast %scan3A_470 : i32 to index
      %get3A_616 = arith.constant 256 : index
      %get3A_617 = tpu.vector_load %arg10[%get3A_615, %get3A_616] {strides = array<i32>} : memref<64x768xf32, #tpu.memory_space<vmem>>, vector<1x16xf32>,
      %get3A_618 = vector.shape_cast %get3A_617 : vector<1x16xf32> to vector<16xf32>
      %swap3A_619 = arith.index_cast %scan3A_470 : i32 to index
      %swap3A_620 = arith.constant 256 : index
      %swap3A_621 = tpu.vector_load %arg9[%swap3A_619, %swap3A_620] {strides = array<i32>} : memref<64x768xf32, #tpu.memory_space<vmem>>, vector<1x16xf32>,
      %swap3A_622 = vector.shape_cast %swap3A_621 : vector<1x16xf32> to vector<16xf32>
      %swap3A_623 = vector.shape_cast %get3A_618 : vector<16xf32> to vector<1x16xf32>
      tpu.vector_store %arg9[%swap3A_619, %swap3A_620], %swap3A_623 {add = true, strides = array<i32>} : memref<64x768xf32, #tpu.memory_space<vmem>>, vector<1x16xf32>,
      %get3A_624 = arith.index_cast %scan3A_470 : i32 to index
      %get3A_625 = arith.constant 272 : index
      %get3A_626 = tpu.vector_load %arg10[%get3A_624, %get3A_625] {strides = array<i32>} : memref<64x768xf32, #tpu.memory_space<vmem>>, vector<1x16xf32>,
      %get3A_627 = vector.shape_cast %get3A_626 : vector<1x16xf32> to vector<16xf32>
      %swap3A_628 = arith.index_cast %scan3A_470 : i32 to index
      %swap3A_629 = arith.constant 272 : index
      %swap3A_630 = tpu.vector_load %arg9[%swap3A_628, %swap3A_629] {strides = array<i32>} : memref<64x768xf32, #tpu.memory_space<vmem>>, vector<1x16xf32>,
      %swap3A_631 = vector.shape_cast %swap3A_630 : vector<1x16xf32> to vector<16xf32>
      %swap3A_632 = vector.shape_cast %get3A_627 : vector<16xf32> to vector<1x16xf32>
      tpu.vector_store %arg9[%swap3A_628, %swap3A_629], %swap3A_632 {add = true, strides = array<i32>} : memref<64x768xf32, #tpu.memory_space<vmem>>, vector<1x16xf32>,
      %get3A_633 = arith.index_cast %scan3A_470 : i32 to index
      %get3A_634 = arith.constant 288 : index
      %get3A_635 = tpu.vector_load %arg10[%get3A_633, %get3A_634] {strides = array<i32>} : memref<64x768xf32, #tpu.memory_space<vmem>>, vector<1x16xf32>,
      %get3A_636 = vector.shape_cast %get3A_635 : vector<1x16xf32> to vector<16xf32>
      %swap3A_637 = arith.index_cast %scan3A_470 : i32 to index
      %swap3A_638 = arith.constant 288 : index
      %swap3A_639 = tpu.vector_load %arg9[%swap3A_637, %swap3A_638] {strides = array<i32>} : memref<64x768xf32, #tpu.memory_space<vmem>>, vector<1x16xf32>,
      %swap3A_640 = vector.shape_cast %swap3A_639 : vector<1x16xf32> to vector<16xf32>
      %swap3A_641 = vector.shape_cast %get3A_636 : vector<16xf32> to vector<1x16xf32>
      tpu.vector_store %arg9[%swap3A_637, %swap3A_638], %swap3A_641 {add = true, strides = array<i32>} : memref<64x768xf32, #tpu.memory_space<vmem>>, vector<1x16xf32>,
      %get3A_642 = arith.index_cast %scan3A_470 : i32 to index
      %get3A_643 = arith.constant 304 : index
      %get3A_644 = tpu.vector_load %arg10[%get3A_642, %get3A_643] {strides = array<i32>} : memref<64x768xf32, #tpu.memory_space<vmem>>, vector<1x16xf32>,
      %get3A_645 = vector.shape_cast %get3A_644 : vector<1x16xf32> to vector<16xf32>
      %swap3A_646 = arith.index_cast %scan3A_470 : i32 to index
      %swap3A_647 = arith.constant 304 : index
      %swap3A_648 = tpu.vector_load %arg9[%swap3A_646, %swap3A_647] {strides = array<i32>} : memref<64x768xf32, #tpu.memory_space<vmem>>, vector<1x16xf32>,
      %swap3A_649 = vector.shape_cast %swap3A_648 : vector<1x16xf32> to vector<16xf32>
      %swap3A_650 = vector.shape_cast %get3A_645 : vector<16xf32> to vector<1x16xf32>
      tpu.vector_store %arg9[%swap3A_646, %swap3A_647], %swap3A_650 {add = true, strides = array<i32>} : memref<64x768xf32, #tpu.memory_space<vmem>>, vector<1x16xf32>,
      %get3A_651 = arith.index_cast %scan3A_470 : i32 to index
      %get3A_652 = arith.constant 320 : index
      %get3A_653 = tpu.vector_load %arg10[%get3A_651, %get3A_652] {strides = array<i32>} : memref<64x768xf32, #tpu.memory_space<vmem>>, vector<1x16xf32>,
      %get3A_654 = vector.shape_cast %get3A_653 : vector<1x16xf32> to vector<16xf32>
      %swap3A_655 = arith.index_cast %scan3A_470 : i32 to index
      %swap3A_656 = arith.constant 320 : index
      %swap3A_657 = tpu.vector_load %arg9[%swap3A_655, %swap3A_656] {strides = array<i32>} : memref<64x768xf32, #tpu.memory_space<vmem>>, vector<1x16xf32>,
      %swap3A_658 = vector.shape_cast %swap3A_657 : vector<1x16xf32> to vector<16xf32>
      %swap3A_659 = vector.shape_cast %get3A_654 : vector<16xf32> to vector<1x16xf32>
      tpu.vector_store %arg9[%swap3A_655, %swap3A_656], %swap3A_659 {add = true, strides = array<i32>} : memref<64x768xf32, #tpu.memory_space<vmem>>, vector<1x16xf32>,
      %get3A_660 = arith.index_cast %scan3A_470 : i32 to index
      %get3A_661 = arith.constant 336 : index
      %get3A_662 = tpu.vector_load %arg10[%get3A_660, %get3A_661] {strides = array<i32>} : memref<64x768xf32, #tpu.memory_space<vmem>>, vector<1x16xf32>,
      %get3A_663 = vector.shape_cast %get3A_662 : vector<1x16xf32> to vector<16xf32>
      %swap3A_664 = arith.index_cast %scan3A_470 : i32 to index
      %swap3A_665 = arith.constant 336 : index
      %swap3A_666 = tpu.vector_load %arg9[%swap3A_664, %swap3A_665] {strides = array<i32>} : memref<64x768xf32, #tpu.memory_space<vmem>>, vector<1x16xf32>,
      %swap3A_667 = vector.shape_cast %swap3A_666 : vector<1x16xf32> to vector<16xf32>
      %swap3A_668 = vector.shape_cast %get3A_663 : vector<16xf32> to vector<1x16xf32>
      tpu.vector_store %arg9[%swap3A_664, %swap3A_665], %swap3A_668 {add = true, strides = array<i32>} : memref<64x768xf32, #tpu.memory_space<vmem>>, vector<1x16xf32>,
      %get3A_669 = arith.index_cast %scan3A_470 : i32 to index
      %get3A_670 = arith.constant 352 : index
      %get3A_671 = tpu.vector_load %arg10[%get3A_669, %get3A_670] {strides = array<i32>} : memref<64x768xf32, #tpu.memory_space<vmem>>, vector<1x16xf32>,
      %get3A_672 = vector.shape_cast %get3A_671 : vector<1x16xf32> to vector<16xf32>
      %swap3A_673 = arith.index_cast %scan3A_470 : i32 to index
      %swap3A_674 = arith.constant 352 : index
      %swap3A_675 = tpu.vector_load %arg9[%swap3A_673, %swap3A_674] {strides = array<i32>} : memref<64x768xf32, #tpu.memory_space<vmem>>, vector<1x16xf32>,
      %swap3A_676 = vector.shape_cast %swap3A_675 : vector<1x16xf32> to vector<16xf32>
      %swap3A_677 = vector.shape_cast %get3A_672 : vector<16xf32> to vector<1x16xf32>
      tpu.vector_store %arg9[%swap3A_673, %swap3A_674], %swap3A_677 {add = true, strides = array<i32>} : memref<64x768xf32, #tpu.memory_space<vmem>>, vector<1x16xf32>,
      %get3A_678 = arith.index_cast %scan3A_470 : i32 to index
      %get3A_679 = arith.constant 368 : index
      %get3A_680 = tpu.vector_load %arg10[%get3A_678, %get3A_679] {strides = array<i32>} : memref<64x768xf32, #tpu.memory_space<vmem>>, vector<1x16xf32>,
      %get3A_681 = vector.shape_cast %get3A_680 : vector<1x16xf32> to vector<16xf32>
      %swap3A_682 = arith.index_cast %scan3A_470 : i32 to index
      %swap3A_683 = arith.constant 368 : index
      %swap3A_684 = tpu.vector_load %arg9[%swap3A_682, %swap3A_683] {strides = array<i32>} : memref<64x768xf32, #tpu.memory_space<vmem>>, vector<1x16xf32>,
      %swap3A_685 = vector.shape_cast %swap3A_684 : vector<1x16xf32> to vector<16xf32>
      %swap3A_686 = vector.shape_cast %get3A_681 : vector<16xf32> to vector<1x16xf32>
      tpu.vector_store %arg9[%swap3A_682, %swap3A_683], %swap3A_686 {add = true, strides = array<i32>} : memref<64x768xf32, #tpu.memory_space<vmem>>, vector<1x16xf32>,
      %get3A_687 = arith.index_cast %scan3A_470 : i32 to index
      %get3A_688 = arith.constant 384 : index
      %get3A_689 = tpu.vector_load %arg10[%get3A_687, %get3A_688] {strides = array<i32>} : memref<64x768xf32, #tpu.memory_space<vmem>>, vector<1x16xf32>,
      %get3A_690 = vector.shape_cast %get3A_689 : vector<1x16xf32> to vector<16xf32>
      %swap3A_691 = arith.index_cast %scan3A_470 : i32 to index
      %swap3A_692 = arith.constant 384 : index
      %swap3A_693 = tpu.vector_load %arg9[%swap3A_691, %swap3A_692] {strides = array<i32>} : memref<64x768xf32, #tpu.memory_space<vmem>>, vector<1x16xf32>,
      %swap3A_694 = vector.shape_cast %swap3A_693 : vector<1x16xf32> to vector<16xf32>
      %swap3A_695 = vector.shape_cast %get3A_690 : vector<16xf32> to vector<1x16xf32>
      tpu.vector_store %arg9[%swap3A_691, %swap3A_692], %swap3A_695 {add = true, strides = array<i32>} : memref<64x768xf32, #tpu.memory_space<vmem>>, vector<1x16xf32>,
      %get3A_696 = arith.index_cast %scan3A_470 : i32 to index
      %get3A_697 = arith.constant 400 : index
      %get3A_698 = tpu.vector_load %arg10[%get3A_696, %get3A_697] {strides = array<i32>} : memref<64x768xf32, #tpu.memory_space<vmem>>, vector<1x16xf32>,
      %get3A_699 = vector.shape_cast %get3A_698 : vector<1x16xf32> to vector<16xf32>
      %swap3A_700 = arith.index_cast %scan3A_470 : i32 to index
      %swap3A_701 = arith.constant 400 : index
      %swap3A_702 = tpu.vector_load %arg9[%swap3A_700, %swap3A_701] {strides = array<i32>} : memref<64x768xf32, #tpu.memory_space<vmem>>, vector<1x16xf32>,
      %swap3A_703 = vector.shape_cast %swap3A_702 : vector<1x16xf32> to vector<16xf32>
      %swap3A_704 = vector.shape_cast %get3A_699 : vector<16xf32> to vector<1x16xf32>
      tpu.vector_store %arg9[%swap3A_700, %swap3A_701], %swap3A_704 {add = true, strides = array<i32>} : memref<64x768xf32, #tpu.memory_space<vmem>>, vector<1x16xf32>,
      %get3A_705 = arith.index_cast %scan3A_470 : i32 to index
      %get3A_706 = arith.constant 416 : index
      %get3A_707 = tpu.vector_load %arg10[%get3A_705, %get3A_706] {strides = array<i32>} : memref<64x768xf32, #tpu.memory_space<vmem>>, vector<1x16xf32>,
      %get3A_708 = vector.shape_cast %get3A_707 : vector<1x16xf32> to vector<16xf32>
      %swap3A_709 = arith.index_cast %scan3A_470 : i32 to index
      %swap3A_710 = arith.constant 416 : index
      %swap3A_711 = tpu.vector_load %arg9[%swap3A_709, %swap3A_710] {strides = array<i32>} : memref<64x768xf32, #tpu.memory_space<vmem>>, vector<1x16xf32>,
      %swap3A_712 = vector.shape_cast %swap3A_711 : vector<1x16xf32> to vector<16xf32>
      %swap3A_713 = vector.shape_cast %get3A_708 : vector<16xf32> to vector<1x16xf32>
      tpu.vector_store %arg9[%swap3A_709, %swap3A_710], %swap3A_713 {add = true, strides = array<i32>} : memref<64x768xf32, #tpu.memory_space<vmem>>, vector<1x16xf32>,
      %get3A_714 = arith.index_cast %scan3A_470 : i32 to index
      %get3A_715 = arith.constant 432 : index
      %get3A_716 = tpu.vector_load %arg10[%get3A_714, %get3A_715] {strides = array<i32>} : memref<64x768xf32, #tpu.memory_space<vmem>>, vector<1x16xf32>,
      %get3A_717 = vector.shape_cast %get3A_716 : vector<1x16xf32> to vector<16xf32>
      %swap3A_718 = arith.index_cast %scan3A_470 : i32 to index
      %swap3A_719 = arith.constant 432 : index
      %swap3A_720 = tpu.vector_load %arg9[%swap3A_718, %swap3A_719] {strides = array<i32>} : memref<64x768xf32, #tpu.memory_space<vmem>>, vector<1x16xf32>,
      %swap3A_721 = vector.shape_cast %swap3A_720 : vector<1x16xf32> to vector<16xf32>
      %swap3A_722 = vector.shape_cast %get3A_717 : vector<16xf32> to vector<1x16xf32>
      tpu.vector_store %arg9[%swap3A_718, %swap3A_719], %swap3A_722 {add = true, strides = array<i32>} : memref<64x768xf32, #tpu.memory_space<vmem>>, vector<1x16xf32>,
      %get3A_723 = arith.index_cast %scan3A_470 : i32 to index
      %get3A_724 = arith.constant 448 : index
      %get3A_725 = tpu.vector_load %arg10[%get3A_723, %get3A_724] {strides = array<i32>} : memref<64x768xf32, #tpu.memory_space<vmem>>, vector<1x16xf32>,
      %get3A_726 = vector.shape_cast %get3A_725 : vector<1x16xf32> to vector<16xf32>
      %swap3A_727 = arith.index_cast %scan3A_470 : i32 to index
      %swap3A_728 = arith.constant 448 : index
      %swap3A_729 = tpu.vector_load %arg9[%swap3A_727, %swap3A_728] {strides = array<i32>} : memref<64x768xf32, #tpu.memory_space<vmem>>, vector<1x16xf32>,
      %swap3A_730 = vector.shape_cast %swap3A_729 : vector<1x16xf32> to vector<16xf32>
      %swap3A_731 = vector.shape_cast %get3A_726 : vector<16xf32> to vector<1x16xf32>
      tpu.vector_store %arg9[%swap3A_727, %swap3A_728], %swap3A_731 {add = true, strides = array<i32>} : memref<64x768xf32, #tpu.memory_space<vmem>>, vector<1x16xf32>,
      %get3A_732 = arith.index_cast %scan3A_470 : i32 to index
      %get3A_733 = arith.constant 464 : index
      %get3A_734 = tpu.vector_load %arg10[%get3A_732, %get3A_733] {strides = array<i32>} : memref<64x768xf32, #tpu.memory_space<vmem>>, vector<1x16xf32>,
      %get3A_735 = vector.shape_cast %get3A_734 : vector<1x16xf32> to vector<16xf32>
      %swap3A_736 = arith.index_cast %scan3A_470 : i32 to index
      %swap3A_737 = arith.constant 464 : index
      %swap3A_738 = tpu.vector_load %arg9[%swap3A_736, %swap3A_737] {strides = array<i32>} : memref<64x768xf32, #tpu.memory_space<vmem>>, vector<1x16xf32>,
      %swap3A_739 = vector.shape_cast %swap3A_738 : vector<1x16xf32> to vector<16xf32>
      %swap3A_740 = vector.shape_cast %get3A_735 : vector<16xf32> to vector<1x16xf32>
      tpu.vector_store %arg9[%swap3A_736, %swap3A_737], %swap3A_740 {add = true, strides = array<i32>} : memref<64x768xf32, #tpu.memory_space<vmem>>, vector<1x16xf32>,
      %get3A_741 = arith.index_cast %scan3A_470 : i32 to index
      %get3A_742 = arith.constant 480 : index
      %get3A_743 = tpu.vector_load %arg10[%get3A_741, %get3A_742] {strides = array<i32>} : memref<64x768xf32, #tpu.memory_space<vmem>>, vector<1x16xf32>,
      %get3A_744 = vector.shape_cast %get3A_743 : vector<1x16xf32> to vector<16xf32>
      %swap3A_745 = arith.index_cast %scan3A_470 : i32 to index
      %swap3A_746 = arith.constant 480 : index
      %swap3A_747 = tpu.vector_load %arg9[%swap3A_745, %swap3A_746] {strides = array<i32>} : memref<64x768xf32, #tpu.memory_space<vmem>>, vector<1x16xf32>,
      %swap3A_748 = vector.shape_cast %swap3A_747 : vector<1x16xf32> to vector<16xf32>
      %swap3A_749 = vector.shape_cast %get3A_744 : vector<16xf32> to vector<1x16xf32>
      tpu.vector_store %arg9[%swap3A_745, %swap3A_746], %swap3A_749 {add = true, strides = array<i32>} : memref<64x768xf32, #tpu.memory_space<vmem>>, vector<1x16xf32>,
      %get3A_750 = arith.index_cast %scan3A_470 : i32 to index
      %get3A_751 = arith.constant 496 : index
      %get3A_752 = tpu.vector_load %arg10[%get3A_750, %get3A_751] {strides = array<i32>} : memref<64x768xf32, #tpu.memory_space<vmem>>, vector<1x16xf32>,
      %get3A_753 = vector.shape_cast %get3A_752 : vector<1x16xf32> to vector<16xf32>
      %swap3A_754 = arith.index_cast %scan3A_470 : i32 to index
      %swap3A_755 = arith.constant 496 : index
      %swap3A_756 = tpu.vector_load %arg9[%swap3A_754, %swap3A_755] {strides = array<i32>} : memref<64x768xf32, #tpu.memory_space<vmem>>, vector<1x16xf32>,
      %swap3A_757 = vector.shape_cast %swap3A_756 : vector<1x16xf32> to vector<16xf32>
      %swap3A_758 = vector.shape_cast %get3A_753 : vector<16xf32> to vector<1x16xf32>
      tpu.vector_store %arg9[%swap3A_754, %swap3A_755], %swap3A_758 {add = true, strides = array<i32>} : memref<64x768xf32, #tpu.memory_space<vmem>>, vector<1x16xf32>,
      %get3A_759 = arith.index_cast %scan3A_470 : i32 to index
      %get3A_760 = arith.constant 512 : index
      %get3A_761 = tpu.vector_load %arg10[%get3A_759, %get3A_760] {strides = array<i32>} : memref<64x768xf32, #tpu.memory_space<vmem>>, vector<1x16xf32>,
      %get3A_762 = vector.shape_cast %get3A_761 : vector<1x16xf32> to vector<16xf32>
      %swap3A_763 = arith.index_cast %scan3A_470 : i32 to index
      %swap3A_764 = arith.constant 512 : index
      %swap3A_765 = tpu.vector_load %arg9[%swap3A_763, %swap3A_764] {strides = array<i32>} : memref<64x768xf32, #tpu.memory_space<vmem>>, vector<1x16xf32>,
      %swap3A_766 = vector.shape_cast %swap3A_765 : vector<1x16xf32> to vector<16xf32>
      %swap3A_767 = vector.shape_cast %get3A_762 : vector<16xf32> to vector<1x16xf32>
      tpu.vector_store %arg9[%swap3A_763, %swap3A_764], %swap3A_767 {add = true, strides = array<i32>} : memref<64x768xf32, #tpu.memory_space<vmem>>, vector<1x16xf32>,
      %get3A_768 = arith.index_cast %scan3A_470 : i32 to index
      %get3A_769 = arith.constant 528 : index
      %get3A_770 = tpu.vector_load %arg10[%get3A_768, %get3A_769] {strides = array<i32>} : memref<64x768xf32, #tpu.memory_space<vmem>>, vector<1x16xf32>,
      %get3A_771 = vector.shape_cast %get3A_770 : vector<1x16xf32> to vector<16xf32>
      %swap3A_772 = arith.index_cast %scan3A_470 : i32 to index
      %swap3A_773 = arith.constant 528 : index
      %swap3A_774 = tpu.vector_load %arg9[%swap3A_772, %swap3A_773] {strides = array<i32>} : memref<64x768xf32, #tpu.memory_space<vmem>>, vector<1x16xf32>,
      %swap3A_775 = vector.shape_cast %swap3A_774 : vector<1x16xf32> to vector<16xf32>
      %swap3A_776 = vector.shape_cast %get3A_771 : vector<16xf32> to vector<1x16xf32>
      tpu.vector_store %arg9[%swap3A_772, %swap3A_773], %swap3A_776 {add = true, strides = array<i32>} : memref<64x768xf32, #tpu.memory_space<vmem>>, vector<1x16xf32>,
      %get3A_777 = arith.index_cast %scan3A_470 : i32 to index
      %get3A_778 = arith.constant 544 : index
      %get3A_779 = tpu.vector_load %arg10[%get3A_777, %get3A_778] {strides = array<i32>} : memref<64x768xf32, #tpu.memory_space<vmem>>, vector<1x16xf32>,
      %get3A_780 = vector.shape_cast %get3A_779 : vector<1x16xf32> to vector<16xf32>
      %swap3A_781 = arith.index_cast %scan3A_470 : i32 to index
      %swap3A_782 = arith.constant 544 : index
      %swap3A_783 = tpu.vector_load %arg9[%swap3A_781, %swap3A_782] {strides = array<i32>} : memref<64x768xf32, #tpu.memory_space<vmem>>, vector<1x16xf32>,
      %swap3A_784 = vector.shape_cast %swap3A_783 : vector<1x16xf32> to vector<16xf32>
      %swap3A_785 = vector.shape_cast %get3A_780 : vector<16xf32> to vector<1x16xf32>
      tpu.vector_store %arg9[%swap3A_781, %swap3A_782], %swap3A_785 {add = true, strides = array<i32>} : memref<64x768xf32, #tpu.memory_space<vmem>>, vector<1x16xf32>,
      %get3A_786 = arith.index_cast %scan3A_470 : i32 to index
      %get3A_787 = arith.constant 560 : index
      %get3A_788 = tpu.vector_load %arg10[%get3A_786, %get3A_787] {strides = array<i32>} : memref<64x768xf32, #tpu.memory_space<vmem>>, vector<1x16xf32>,
      %get3A_789 = vector.shape_cast %get3A_788 : vector<1x16xf32> to vector<16xf32>
      %swap3A_790 = arith.index_cast %scan3A_470 : i32 to index
      %swap3A_791 = arith.constant 560 : index
      %swap3A_792 = tpu.vector_load %arg9[%swap3A_790, %swap3A_791] {strides = array<i32>} : memref<64x768xf32, #tpu.memory_space<vmem>>, vector<1x16xf32>,
      %swap3A_793 = vector.shape_cast %swap3A_792 : vector<1x16xf32> to vector<16xf32>
      %swap3A_794 = vector.shape_cast %get3A_789 : vector<16xf32> to vector<1x16xf32>
      tpu.vector_store %arg9[%swap3A_790, %swap3A_791], %swap3A_794 {add = true, strides = array<i32>} : memref<64x768xf32, #tpu.memory_space<vmem>>, vector<1x16xf32>,
      %get3A_795 = arith.index_cast %scan3A_470 : i32 to index
      %get3A_796 = arith.constant 576 : index
      %get3A_797 = tpu.vector_load %arg10[%get3A_795, %get3A_796] {strides = array<i32>} : memref<64x768xf32, #tpu.memory_space<vmem>>, vector<1x16xf32>,
      %get3A_798 = vector.shape_cast %get3A_797 : vector<1x16xf32> to vector<16xf32>
      %swap3A_799 = arith.index_cast %scan3A_470 : i32 to index
      %swap3A_800 = arith.constant 576 : index
      %swap3A_801 = tpu.vector_load %arg9[%swap3A_799, %swap3A_800] {strides = array<i32>} : memref<64x768xf32, #tpu.memory_space<vmem>>, vector<1x16xf32>,
      %swap3A_802 = vector.shape_cast %swap3A_801 : vector<1x16xf32> to vector<16xf32>
      %swap3A_803 = vector.shape_cast %get3A_798 : vector<16xf32> to vector<1x16xf32>
      tpu.vector_store %arg9[%swap3A_799, %swap3A_800], %swap3A_803 {add = true, strides = array<i32>} : memref<64x768xf32, #tpu.memory_space<vmem>>, vector<1x16xf32>,
      %get3A_804 = arith.index_cast %scan3A_470 : i32 to index
      %get3A_805 = arith.constant 592 : index
      %get3A_806 = tpu.vector_load %arg10[%get3A_804, %get3A_805] {strides = array<i32>} : memref<64x768xf32, #tpu.memory_space<vmem>>, vector<1x16xf32>,
      %get3A_807 = vector.shape_cast %get3A_806 : vector<1x16xf32> to vector<16xf32>
      %swap3A_808 = arith.index_cast %scan3A_470 : i32 to index
      %swap3A_809 = arith.constant 592 : index
      %swap3A_810 = tpu.vector_load %arg9[%swap3A_808, %swap3A_809] {strides = array<i32>} : memref<64x768xf32, #tpu.memory_space<vmem>>, vector<1x16xf32>,
      %swap3A_811 = vector.shape_cast %swap3A_810 : vector<1x16xf32> to vector<16xf32>
      %swap3A_812 = vector.shape_cast %get3A_807 : vector<16xf32> to vector<1x16xf32>
      tpu.vector_store %arg9[%swap3A_808, %swap3A_809], %swap3A_812 {add = true, strides = array<i32>} : memref<64x768xf32, #tpu.memory_space<vmem>>, vector<1x16xf32>,
      %get3A_813 = arith.index_cast %scan3A_470 : i32 to index
      %get3A_814 = arith.constant 608 : index
      %get3A_815 = tpu.vector_load %arg10[%get3A_813, %get3A_814] {strides = array<i32>} : memref<64x768xf32, #tpu.memory_space<vmem>>, vector<1x16xf32>,
      %get3A_816 = vector.shape_cast %get3A_815 : vector<1x16xf32> to vector<16xf32>
      %swap3A_817 = arith.index_cast %scan3A_470 : i32 to index
      %swap3A_818 = arith.constant 608 : index
      %swap3A_819 = tpu.vector_load %arg9[%swap3A_817, %swap3A_818] {strides = array<i32>} : memref<64x768xf32, #tpu.memory_space<vmem>>, vector<1x16xf32>,
      %swap3A_820 = vector.shape_cast %swap3A_819 : vector<1x16xf32> to vector<16xf32>
      %swap3A_821 = vector.shape_cast %get3A_816 : vector<16xf32> to vector<1x16xf32>
      tpu.vector_store %arg9[%swap3A_817, %swap3A_818], %swap3A_821 {add = true, strides = array<i32>} : memref<64x768xf32, #tpu.memory_space<vmem>>, vector<1x16xf32>,
      %get3A_822 = arith.index_cast %scan3A_470 : i32 to index
      %get3A_823 = arith.constant 624 : index
      %get3A_824 = tpu.vector_load %arg10[%get3A_822, %get3A_823] {strides = array<i32>} : memref<64x768xf32, #tpu.memory_space<vmem>>, vector<1x16xf32>,
      %get3A_825 = vector.shape_cast %get3A_824 : vector<1x16xf32> to vector<16xf32>
      %swap3A_826 = arith.index_cast %scan3A_470 : i32 to index
      %swap3A_827 = arith.constant 624 : index
      %swap3A_828 = tpu.vector_load %arg9[%swap3A_826, %swap3A_827] {strides = array<i32>} : memref<64x768xf32, #tpu.memory_space<vmem>>, vector<1x16xf32>,
      %swap3A_829 = vector.shape_cast %swap3A_828 : vector<1x16xf32> to vector<16xf32>
      %swap3A_830 = vector.shape_cast %get3A_825 : vector<16xf32> to vector<1x16xf32>
      tpu.vector_store %arg9[%swap3A_826, %swap3A_827], %swap3A_830 {add = true, strides = array<i32>} : memref<64x768xf32, #tpu.memory_space<vmem>>, vector<1x16xf32>,
      %get3A_831 = arith.index_cast %scan3A_470 : i32 to index
      %get3A_832 = arith.constant 640 : index
      %get3A_833 = tpu.vector_load %arg10[%get3A_831, %get3A_832] {strides = array<i32>} : memref<64x768xf32, #tpu.memory_space<vmem>>, vector<1x16xf32>,
      %get3A_834 = vector.shape_cast %get3A_833 : vector<1x16xf32> to vector<16xf32>
      %swap3A_835 = arith.index_cast %scan3A_470 : i32 to index
      %swap3A_836 = arith.constant 640 : index
      %swap3A_837 = tpu.vector_load %arg9[%swap3A_835, %swap3A_836] {strides = array<i32>} : memref<64x768xf32, #tpu.memory_space<vmem>>, vector<1x16xf32>,
      %swap3A_838 = vector.shape_cast %swap3A_837 : vector<1x16xf32> to vector<16xf32>
      %swap3A_839 = vector.shape_cast %get3A_834 : vector<16xf32> to vector<1x16xf32>
      tpu.vector_store %arg9[%swap3A_835, %swap3A_836], %swap3A_839 {add = true, strides = array<i32>} : memref<64x768xf32, #tpu.memory_space<vmem>>, vector<1x16xf32>,
      %get3A_840 = arith.index_cast %scan3A_470 : i32 to index
      %get3A_841 = arith.constant 656 : index
      %get3A_842 = tpu.vector_load %arg10[%get3A_840, %get3A_841] {strides = array<i32>} : memref<64x768xf32, #tpu.memory_space<vmem>>, vector<1x16xf32>,
      %get3A_843 = vector.shape_cast %get3A_842 : vector<1x16xf32> to vector<16xf32>
      %swap3A_844 = arith.index_cast %scan3A_470 : i32 to index
      %swap3A_845 = arith.constant 656 : index
      %swap3A_846 = tpu.vector_load %arg9[%swap3A_844, %swap3A_845] {strides = array<i32>} : memref<64x768xf32, #tpu.memory_space<vmem>>, vector<1x16xf32>,
      %swap3A_847 = vector.shape_cast %swap3A_846 : vector<1x16xf32> to vector<16xf32>
      %swap3A_848 = vector.shape_cast %get3A_843 : vector<16xf32> to vector<1x16xf32>
      tpu.vector_store %arg9[%swap3A_844, %swap3A_845], %swap3A_848 {add = true, strides = array<i32>} : memref<64x768xf32, #tpu.memory_space<vmem>>, vector<1x16xf32>,
      %get3A_849 = arith.index_cast %scan3A_470 : i32 to index
      %get3A_850 = arith.constant 672 : index
      %get3A_851 = tpu.vector_load %arg10[%get3A_849, %get3A_850] {strides = array<i32>} : memref<64x768xf32, #tpu.memory_space<vmem>>, vector<1x16xf32>,
      %get3A_852 = vector.shape_cast %get3A_851 : vector<1x16xf32> to vector<16xf32>
      %swap3A_853 = arith.index_cast %scan3A_470 : i32 to index
      %swap3A_854 = arith.constant 672 : index
      %swap3A_855 = tpu.vector_load %arg9[%swap3A_853, %swap3A_854] {strides = array<i32>} : memref<64x768xf32, #tpu.memory_space<vmem>>, vector<1x16xf32>,
      %swap3A_856 = vector.shape_cast %swap3A_855 : vector<1x16xf32> to vector<16xf32>
      %swap3A_857 = vector.shape_cast %get3A_852 : vector<16xf32> to vector<1x16xf32>
      tpu.vector_store %arg9[%swap3A_853, %swap3A_854], %swap3A_857 {add = true, strides = array<i32>} : memref<64x768xf32, #tpu.memory_space<vmem>>, vector<1x16xf32>,
      %get3A_858 = arith.index_cast %scan3A_470 : i32 to index
      %get3A_859 = arith.constant 688 : index
      %get3A_860 = tpu.vector_load %arg10[%get3A_858, %get3A_859] {strides = array<i32>} : memref<64x768xf32, #tpu.memory_space<vmem>>, vector<1x16xf32>,
      %get3A_861 = vector.shape_cast %get3A_860 : vector<1x16xf32> to vector<16xf32>
      %swap3A_862 = arith.index_cast %scan3A_470 : i32 to index
      %swap3A_863 = arith.constant 688 : index
      %swap3A_864 = tpu.vector_load %arg9[%swap3A_862, %swap3A_863] {strides = array<i32>} : memref<64x768xf32, #tpu.memory_space<vmem>>, vector<1x16xf32>,
      %swap3A_865 = vector.shape_cast %swap3A_864 : vector<1x16xf32> to vector<16xf32>
      %swap3A_866 = vector.shape_cast %get3A_861 : vector<16xf32> to vector<1x16xf32>
      tpu.vector_store %arg9[%swap3A_862, %swap3A_863], %swap3A_866 {add = true, strides = array<i32>} : memref<64x768xf32, #tpu.memory_space<vmem>>, vector<1x16xf32>,
      %get3A_867 = arith.index_cast %scan3A_470 : i32 to index
      %get3A_868 = arith.constant 704 : index
      %get3A_869 = tpu.vector_load %arg10[%get3A_867, %get3A_868] {strides = array<i32>} : memref<64x768xf32, #tpu.memory_space<vmem>>, vector<1x16xf32>,
      %get3A_870 = vector.shape_cast %get3A_869 : vector<1x16xf32> to vector<16xf32>
      %swap3A_871 = arith.index_cast %scan3A_470 : i32 to index
      %swap3A_872 = arith.constant 704 : index
      %swap3A_873 = tpu.vector_load %arg9[%swap3A_871, %swap3A_872] {strides = array<i32>} : memref<64x768xf32, #tpu.memory_space<vmem>>, vector<1x16xf32>,
      %swap3A_874 = vector.shape_cast %swap3A_873 : vector<1x16xf32> to vector<16xf32>
      %swap3A_875 = vector.shape_cast %get3A_870 : vector<16xf32> to vector<1x16xf32>
      tpu.vector_store %arg9[%swap3A_871, %swap3A_872], %swap3A_875 {add = true, strides = array<i32>} : memref<64x768xf32, #tpu.memory_space<vmem>>, vector<1x16xf32>,
      %get3A_876 = arith.index_cast %scan3A_470 : i32 to index
      %get3A_877 = arith.constant 720 : index
      %get3A_878 = tpu.vector_load %arg10[%get3A_876, %get3A_877] {strides = array<i32>} : memref<64x768xf32, #tpu.memory_space<vmem>>, vector<1x16xf32>,
      %get3A_879 = vector.shape_cast %get3A_878 : vector<1x16xf32> to vector<16xf32>
      %swap3A_880 = arith.index_cast %scan3A_470 : i32 to index
      %swap3A_881 = arith.constant 720 : index
      %swap3A_882 = tpu.vector_load %arg9[%swap3A_880, %swap3A_881] {strides = array<i32>} : memref<64x768xf32, #tpu.memory_space<vmem>>, vector<1x16xf32>,
      %swap3A_883 = vector.shape_cast %swap3A_882 : vector<1x16xf32> to vector<16xf32>
      %swap3A_884 = vector.shape_cast %get3A_879 : vector<16xf32> to vector<1x16xf32>
      tpu.vector_store %arg9[%swap3A_880, %swap3A_881], %swap3A_884 {add = true, strides = array<i32>} : memref<64x768xf32, #tpu.memory_space<vmem>>, vector<1x16xf32>,
      %get3A_885 = arith.index_cast %scan3A_470 : i32 to index
      %get3A_886 = arith.constant 736 : index
      %get3A_887 = tpu.vector_load %arg10[%get3A_885, %get3A_886] {strides = array<i32>} : memref<64x768xf32, #tpu.memory_space<vmem>>, vector<1x16xf32>,
      %get3A_888 = vector.shape_cast %get3A_887 : vector<1x16xf32> to vector<16xf32>
      %swap3A_889 = arith.index_cast %scan3A_470 : i32 to index
      %swap3A_890 = arith.constant 736 : index
      %swap3A_891 = tpu.vector_load %arg9[%swap3A_889, %swap3A_890] {strides = array<i32>} : memref<64x768xf32, #tpu.memory_space<vmem>>, vector<1x16xf32>,
      %swap3A_892 = vector.shape_cast %swap3A_891 : vector<1x16xf32> to vector<16xf32>
      %swap3A_893 = vector.shape_cast %get3A_888 : vector<16xf32> to vector<1x16xf32>
      tpu.vector_store %arg9[%swap3A_889, %swap3A_890], %swap3A_893 {add = true, strides = array<i32>} : memref<64x768xf32, #tpu.memory_space<vmem>>, vector<1x16xf32>,
      %get3A_894 = arith.index_cast %scan3A_470 : i32 to index
      %get3A_895 = arith.constant 752 : index
      %get3A_896 = tpu.vector_load %arg10[%get3A_894, %get3A_895] {strides = array<i32>} : memref<64x768xf32, #tpu.memory_space<vmem>>, vector<1x16xf32>,
      %get3A_897 = vector.shape_cast %get3A_896 : vector<1x16xf32> to vector<16xf32>
      %swap3A_898 = arith.index_cast %scan3A_470 : i32 to index
      %swap3A_899 = arith.constant 752 : index
      %swap3A_900 = tpu.vector_load %arg9[%swap3A_898, %swap3A_899] {strides = array<i32>} : memref<64x768xf32, #tpu.memory_space<vmem>>, vector<1x16xf32>,
      %swap3A_901 = vector.shape_cast %swap3A_900 : vector<1x16xf32> to vector<16xf32>
      %swap3A_902 = vector.shape_cast %get3A_897 : vector<16xf32> to vector<1x16xf32>
      tpu.vector_store %arg9[%swap3A_898, %swap3A_899], %swap3A_902 {add = true, strides = array<i32>} : memref<64x768xf32, #tpu.memory_space<vmem>>, vector<1x16xf32>,
    }
    %scan3A_465 = arith.constant 64 : i32
    %mul3A_466 = arith.constant 256 : i32
    %mul3A_467 = arith.muli %add3A, %mul3A_466 : i32
    %add3A_468 = arith.constant 192 : i32
    %add3A_469 = arith.addi %mul3A_467, %add3A_468 : i32
    "tpu.region"() ({
      %run_scoped3A = tpu.sem_alloc : memref<!tpu.dma_semaphore, #tpu.memory_space<semaphore_mem>>
      %dma_start3A_470 = arith.constant 0 : i32
      %dma_start3A_471 = tpu.memref_slice %arg5[%add3A_469, %dma_start3A_470] : memref<8192x768xf32, #tpu.memory_space<hbm>> -> memref<64x768xf32, #tpu.memory_space<hbm>>
      %dma_start3A_472 = arith.constant 0 : i32
      %dma_start3A_473 = tpu.memref_slice %arg5[%add3A_469, %dma_start3A_472] : memref<8192x768xf32, #tpu.memory_space<hbm>> -> memref<64x768xf32, #tpu.memory_space<hbm>>
      tpu.enqueue_dma source(%arg9 : memref<64x768xf32, #tpu.memory_space<vmem>>) target(%dma_start3A_473 : memref<64x768xf32, #tpu.memory_space<hbm>>) target_semaphore(%run_scoped3A : memref<!tpu.dma_semaphore, #tpu.memory_space<semaphore_mem>>)
      %dma_wait3A_474 = arith.constant 0 : i32
      %dma_wait3A_475 = tpu.memref_slice %arg5[%add3A_469, %dma_wait3A_474] : memref<8192x768xf32, #tpu.memory_space<hbm>> -> memref<64x768xf32, #tpu.memory_space<hbm>>
      %dma_wait3A_476 = arith.constant 0 : i32
      %dma_wait3A_477 = tpu.memref_slice %arg5[%add3A_469, %dma_wait3A_476] : memref<8192x768xf32, #tpu.memory_space<hbm>> -> memref<64x768xf32, #tpu.memory_space<hbm>>
      tpu.wait_dma2 semaphore(%run_scoped3A : memref<!tpu.dma_semaphore, #tpu.memory_space<semaphore_mem>>) src(%arg9 : memref<64x768xf32, #tpu.memory_space<vmem>>) dst(%dma_wait3A_477 : memref<64x768xf32, #tpu.memory_space<hbm>>)
      tpu.yield
    }) : () -> ()
    return
  }
}

module attributes {stable_mosaic.version = 14 : i64} {
  func.func @_topk_body(%arg0: i32, %arg1: memref<16x1024xf32, #tpu.memory_space<vmem>>, %arg2: memref<16x256xi32, #tpu.memory_space<vmem>>) attributes {dimension_semantics = [#tpu.dimension_semantics<arbitrary>], iteration_bounds = array<i64: 2>, scalar_prefetch = 0 : i64, scratch_operands = 0 : i64, tpu.core_type = #tpu.core_type<tc>, window_params = [{transform_indices = @transform_0, window_bounds = array<i64: 16, 1024>}, {transform_indices = @transform_1, window_bounds = array<i64: 16, 256>}]} {
    %get3A = arith.constant 0 : index
    %get3A_0 = arith.constant 0 : index
    %get3A_1 = vector.load %arg1[%get3A, %get3A_0] : memref<16x1024xf32, #tpu.memory_space<vmem>>, vector<16x1024xf32>
    %transpose3A = tpu.transpose %get3A_1, [1, 0] : vector<16x1024xf32> -> vector<1024x16xf32>
    %iota3A = tpu.iota {dimensions = array<i32: 0>} : vector<1024x1024xi32>
    %iota3A_2 = tpu.iota {dimensions = array<i32: 1>} : vector<1024x1024xi32>
    %lt3A = arith.cmpi slt, %iota3A_2, %iota3A : vector<1024x1024xi32>
    %iota3A_3 = tpu.iota {dimensions = array<i32: 1>} : vector<1024x256xi32>
    %iota3A_4 = tpu.iota {dimensions = array<i32: 0>} : vector<1024x256xi32>
    %slice3A = vector.extract_strided_slice %get3A_1 {offsets = [0, 0], sizes = [1, 1024], strides = [1, 1]} : vector<16x1024xf32> to vector<1x1024xf32>
    %slice3A_5 = vector.extract_strided_slice %transpose3A {offsets = [0, 0], sizes = [1024, 1], strides = [1, 1]} : vector<1024x16xf32> to vector<1024x1xf32>
    %gt3A = vector.broadcast %slice3A : vector<1x1024xf32> to vector<1024x1024xf32>
    %gt3A_6 = vector.broadcast %slice3A_5 : vector<1024x1xf32> to vector<1024x1024xf32>
    %gt3A_7 = arith.cmpf ogt, %gt3A, %gt3A_6 : vector<1024x1024xf32>
    %eq3A = vector.broadcast %slice3A : vector<1x1024xf32> to vector<1024x1024xf32>
    %eq3A_8 = vector.broadcast %slice3A_5 : vector<1024x1xf32> to vector<1024x1024xf32>
    %eq3A_9 = arith.cmpf oeq, %eq3A, %eq3A_8 : vector<1024x1024xf32>
    %and3A = arith.andi %eq3A_9, %lt3A : vector<1024x1024xi1>
    %or3A = arith.ori %gt3A_7, %and3A : vector<1024x1024xi1>
    %convert_element_type3A = arith.extui %or3A : vector<1024x1024xi1> to vector<1024x1024xi32>
    %reduce_sum3A = arith.constant dense<0> : vector<1024xi32>
    %reduce_sum3A_10 = vector.multi_reduction <add>, %convert_element_type3A, %reduce_sum3A [1] : vector<1024x1024xi32> to vector<1024xi32>
    %broadcast_in_dim3A = vector.shape_cast %reduce_sum3A_10 : vector<1024xi32> to vector<1024x1xi32>
    %eq3A_11 = vector.broadcast %broadcast_in_dim3A : vector<1024x1xi32> to vector<1024x256xi32>
    %eq3A_12 = arith.cmpi eq, %eq3A_11, %iota3A_3 : vector<1024x256xi32>
    %jit3A = arith.constant 0 : i32
    %broadcast_in_dim3A_13 = vector.broadcast %jit3A : i32 to vector<1024x256xi32>
    %select_n3A = arith.select %eq3A_12, %iota3A_4, %broadcast_in_dim3A_13 : vector<1024x256xi1>, vector<1024x256xi32>
    %reduce_sum3A_14 = arith.constant dense<0> : vector<256xi32>
    %reduce_sum3A_15 = vector.multi_reduction <add>, %select_n3A, %reduce_sum3A_14 [0] : vector<1024x256xi32> to vector<256xi32>
    %broadcast_in_dim3A_16 = vector.shape_cast %reduce_sum3A_15 : vector<256xi32> to vector<1x256xi32>
    %swap3A = arith.constant 0 : index
    %swap3A_17 = arith.constant 0 : index
    %swap3A_18 = vector.load %arg2[%swap3A, %swap3A_17] : memref<16x256xi32, #tpu.memory_space<vmem>>, vector<1x256xi32>
    tpu.vector_store %arg2[%swap3A, %swap3A_17], %broadcast_in_dim3A_16 {strides = array<i32>} : memref<16x256xi32, #tpu.memory_space<vmem>>, vector<1x256xi32>,
    %slice3A_19 = vector.extract_strided_slice %get3A_1 {offsets = [1, 0], sizes = [1, 1024], strides = [1, 1]} : vector<16x1024xf32> to vector<1x1024xf32>
    %slice3A_20 = vector.extract_strided_slice %transpose3A {offsets = [0, 1], sizes = [1024, 1], strides = [1, 1]} : vector<1024x16xf32> to vector<1024x1xf32>
    %gt3A_21 = vector.broadcast %slice3A_19 : vector<1x1024xf32> to vector<1024x1024xf32>
    %gt3A_22 = vector.broadcast %slice3A_20 : vector<1024x1xf32> to vector<1024x1024xf32>
    %gt3A_23 = arith.cmpf ogt, %gt3A_21, %gt3A_22 : vector<1024x1024xf32>
    %eq3A_24 = vector.broadcast %slice3A_19 : vector<1x1024xf32> to vector<1024x1024xf32>
    %eq3A_25 = vector.broadcast %slice3A_20 : vector<1024x1xf32> to vector<1024x1024xf32>
    %eq3A_26 = arith.cmpf oeq, %eq3A_24, %eq3A_25 : vector<1024x1024xf32>
    %and3A_27 = arith.andi %eq3A_26, %lt3A : vector<1024x1024xi1>
    %or3A_28 = arith.ori %gt3A_23, %and3A_27 : vector<1024x1024xi1>
    %convert_element_type3A_29 = arith.extui %or3A_28 : vector<1024x1024xi1> to vector<1024x1024xi32>
    %reduce_sum3A_30 = arith.constant dense<0> : vector<1024xi32>
    %reduce_sum3A_31 = vector.multi_reduction <add>, %convert_element_type3A_29, %reduce_sum3A_30 [1] : vector<1024x1024xi32> to vector<1024xi32>
    %broadcast_in_dim3A_32 = vector.shape_cast %reduce_sum3A_31 : vector<1024xi32> to vector<1024x1xi32>
    %eq3A_33 = vector.broadcast %broadcast_in_dim3A_32 : vector<1024x1xi32> to vector<1024x256xi32>
    %eq3A_34 = arith.cmpi eq, %eq3A_33, %iota3A_3 : vector<1024x256xi32>
    %jit3A_35 = arith.constant 0 : i32
    %broadcast_in_dim3A_36 = vector.broadcast %jit3A_35 : i32 to vector<1024x256xi32>
    %select_n3A_37 = arith.select %eq3A_34, %iota3A_4, %broadcast_in_dim3A_36 : vector<1024x256xi1>, vector<1024x256xi32>
    %reduce_sum3A_38 = arith.constant dense<0> : vector<256xi32>
    %reduce_sum3A_39 = vector.multi_reduction <add>, %select_n3A_37, %reduce_sum3A_38 [0] : vector<1024x256xi32> to vector<256xi32>
    %broadcast_in_dim3A_40 = vector.shape_cast %reduce_sum3A_39 : vector<256xi32> to vector<1x256xi32>
    %swap3A_41 = arith.constant 1 : index
    %swap3A_42 = arith.constant 0 : index
    %swap3A_43 = vector.load %arg2[%swap3A_41, %swap3A_42] : memref<16x256xi32, #tpu.memory_space<vmem>>, vector<1x256xi32>
    tpu.vector_store %arg2[%swap3A_41, %swap3A_42], %broadcast_in_dim3A_40 {strides = array<i32>} : memref<16x256xi32, #tpu.memory_space<vmem>>, vector<1x256xi32>,
    %slice3A_44 = vector.extract_strided_slice %get3A_1 {offsets = [2, 0], sizes = [1, 1024], strides = [1, 1]} : vector<16x1024xf32> to vector<1x1024xf32>
    %slice3A_45 = vector.extract_strided_slice %transpose3A {offsets = [0, 2], sizes = [1024, 1], strides = [1, 1]} : vector<1024x16xf32> to vector<1024x1xf32>
    %gt3A_46 = vector.broadcast %slice3A_44 : vector<1x1024xf32> to vector<1024x1024xf32>
    %gt3A_47 = vector.broadcast %slice3A_45 : vector<1024x1xf32> to vector<1024x1024xf32>
    %gt3A_48 = arith.cmpf ogt, %gt3A_46, %gt3A_47 : vector<1024x1024xf32>
    %eq3A_49 = vector.broadcast %slice3A_44 : vector<1x1024xf32> to vector<1024x1024xf32>
    %eq3A_50 = vector.broadcast %slice3A_45 : vector<1024x1xf32> to vector<1024x1024xf32>
    %eq3A_51 = arith.cmpf oeq, %eq3A_49, %eq3A_50 : vector<1024x1024xf32>
    %and3A_52 = arith.andi %eq3A_51, %lt3A : vector<1024x1024xi1>
    %or3A_53 = arith.ori %gt3A_48, %and3A_52 : vector<1024x1024xi1>
    %convert_element_type3A_54 = arith.extui %or3A_53 : vector<1024x1024xi1> to vector<1024x1024xi32>
    %reduce_sum3A_55 = arith.constant dense<0> : vector<1024xi32>
    %reduce_sum3A_56 = vector.multi_reduction <add>, %convert_element_type3A_54, %reduce_sum3A_55 [1] : vector<1024x1024xi32> to vector<1024xi32>
    %broadcast_in_dim3A_57 = vector.shape_cast %reduce_sum3A_56 : vector<1024xi32> to vector<1024x1xi32>
    %eq3A_58 = vector.broadcast %broadcast_in_dim3A_57 : vector<1024x1xi32> to vector<1024x256xi32>
    %eq3A_59 = arith.cmpi eq, %eq3A_58, %iota3A_3 : vector<1024x256xi32>
    %jit3A_60 = arith.constant 0 : i32
    %broadcast_in_dim3A_61 = vector.broadcast %jit3A_60 : i32 to vector<1024x256xi32>
    %select_n3A_62 = arith.select %eq3A_59, %iota3A_4, %broadcast_in_dim3A_61 : vector<1024x256xi1>, vector<1024x256xi32>
    %reduce_sum3A_63 = arith.constant dense<0> : vector<256xi32>
    %reduce_sum3A_64 = vector.multi_reduction <add>, %select_n3A_62, %reduce_sum3A_63 [0] : vector<1024x256xi32> to vector<256xi32>
    %broadcast_in_dim3A_65 = vector.shape_cast %reduce_sum3A_64 : vector<256xi32> to vector<1x256xi32>
    %swap3A_66 = arith.constant 2 : index
    %swap3A_67 = arith.constant 0 : index
    %swap3A_68 = vector.load %arg2[%swap3A_66, %swap3A_67] : memref<16x256xi32, #tpu.memory_space<vmem>>, vector<1x256xi32>
    tpu.vector_store %arg2[%swap3A_66, %swap3A_67], %broadcast_in_dim3A_65 {strides = array<i32>} : memref<16x256xi32, #tpu.memory_space<vmem>>, vector<1x256xi32>,
    %slice3A_69 = vector.extract_strided_slice %get3A_1 {offsets = [3, 0], sizes = [1, 1024], strides = [1, 1]} : vector<16x1024xf32> to vector<1x1024xf32>
    %slice3A_70 = vector.extract_strided_slice %transpose3A {offsets = [0, 3], sizes = [1024, 1], strides = [1, 1]} : vector<1024x16xf32> to vector<1024x1xf32>
    %gt3A_71 = vector.broadcast %slice3A_69 : vector<1x1024xf32> to vector<1024x1024xf32>
    %gt3A_72 = vector.broadcast %slice3A_70 : vector<1024x1xf32> to vector<1024x1024xf32>
    %gt3A_73 = arith.cmpf ogt, %gt3A_71, %gt3A_72 : vector<1024x1024xf32>
    %eq3A_74 = vector.broadcast %slice3A_69 : vector<1x1024xf32> to vector<1024x1024xf32>
    %eq3A_75 = vector.broadcast %slice3A_70 : vector<1024x1xf32> to vector<1024x1024xf32>
    %eq3A_76 = arith.cmpf oeq, %eq3A_74, %eq3A_75 : vector<1024x1024xf32>
    %and3A_77 = arith.andi %eq3A_76, %lt3A : vector<1024x1024xi1>
    %or3A_78 = arith.ori %gt3A_73, %and3A_77 : vector<1024x1024xi1>
    %convert_element_type3A_79 = arith.extui %or3A_78 : vector<1024x1024xi1> to vector<1024x1024xi32>
    %reduce_sum3A_80 = arith.constant dense<0> : vector<1024xi32>
    %reduce_sum3A_81 = vector.multi_reduction <add>, %convert_element_type3A_79, %reduce_sum3A_80 [1] : vector<1024x1024xi32> to vector<1024xi32>
    %broadcast_in_dim3A_82 = vector.shape_cast %reduce_sum3A_81 : vector<1024xi32> to vector<1024x1xi32>
    %eq3A_83 = vector.broadcast %broadcast_in_dim3A_82 : vector<1024x1xi32> to vector<1024x256xi32>
    %eq3A_84 = arith.cmpi eq, %eq3A_83, %iota3A_3 : vector<1024x256xi32>
    %jit3A_85 = arith.constant 0 : i32
    %broadcast_in_dim3A_86 = vector.broadcast %jit3A_85 : i32 to vector<1024x256xi32>
    %select_n3A_87 = arith.select %eq3A_84, %iota3A_4, %broadcast_in_dim3A_86 : vector<1024x256xi1>, vector<1024x256xi32>
    %reduce_sum3A_88 = arith.constant dense<0> : vector<256xi32>
    %reduce_sum3A_89 = vector.multi_reduction <add>, %select_n3A_87, %reduce_sum3A_88 [0] : vector<1024x256xi32> to vector<256xi32>
    %broadcast_in_dim3A_90 = vector.shape_cast %reduce_sum3A_89 : vector<256xi32> to vector<1x256xi32>
    %swap3A_91 = arith.constant 3 : index
    %swap3A_92 = arith.constant 0 : index
    %swap3A_93 = vector.load %arg2[%swap3A_91, %swap3A_92] : memref<16x256xi32, #tpu.memory_space<vmem>>, vector<1x256xi32>
    tpu.vector_store %arg2[%swap3A_91, %swap3A_92], %broadcast_in_dim3A_90 {strides = array<i32>} : memref<16x256xi32, #tpu.memory_space<vmem>>, vector<1x256xi32>,
    %slice3A_94 = vector.extract_strided_slice %get3A_1 {offsets = [4, 0], sizes = [1, 1024], strides = [1, 1]} : vector<16x1024xf32> to vector<1x1024xf32>
    %slice3A_95 = vector.extract_strided_slice %transpose3A {offsets = [0, 4], sizes = [1024, 1], strides = [1, 1]} : vector<1024x16xf32> to vector<1024x1xf32>
    %gt3A_96 = vector.broadcast %slice3A_94 : vector<1x1024xf32> to vector<1024x1024xf32>
    %gt3A_97 = vector.broadcast %slice3A_95 : vector<1024x1xf32> to vector<1024x1024xf32>
    %gt3A_98 = arith.cmpf ogt, %gt3A_96, %gt3A_97 : vector<1024x1024xf32>
    %eq3A_99 = vector.broadcast %slice3A_94 : vector<1x1024xf32> to vector<1024x1024xf32>
    %eq3A_100 = vector.broadcast %slice3A_95 : vector<1024x1xf32> to vector<1024x1024xf32>
    %eq3A_101 = arith.cmpf oeq, %eq3A_99, %eq3A_100 : vector<1024x1024xf32>
    %and3A_102 = arith.andi %eq3A_101, %lt3A : vector<1024x1024xi1>
    %or3A_103 = arith.ori %gt3A_98, %and3A_102 : vector<1024x1024xi1>
    %convert_element_type3A_104 = arith.extui %or3A_103 : vector<1024x1024xi1> to vector<1024x1024xi32>
    %reduce_sum3A_105 = arith.constant dense<0> : vector<1024xi32>
    %reduce_sum3A_106 = vector.multi_reduction <add>, %convert_element_type3A_104, %reduce_sum3A_105 [1] : vector<1024x1024xi32> to vector<1024xi32>
    %broadcast_in_dim3A_107 = vector.shape_cast %reduce_sum3A_106 : vector<1024xi32> to vector<1024x1xi32>
    %eq3A_108 = vector.broadcast %broadcast_in_dim3A_107 : vector<1024x1xi32> to vector<1024x256xi32>
    %eq3A_109 = arith.cmpi eq, %eq3A_108, %iota3A_3 : vector<1024x256xi32>
    %jit3A_110 = arith.constant 0 : i32
    %broadcast_in_dim3A_111 = vector.broadcast %jit3A_110 : i32 to vector<1024x256xi32>
    %select_n3A_112 = arith.select %eq3A_109, %iota3A_4, %broadcast_in_dim3A_111 : vector<1024x256xi1>, vector<1024x256xi32>
    %reduce_sum3A_113 = arith.constant dense<0> : vector<256xi32>
    %reduce_sum3A_114 = vector.multi_reduction <add>, %select_n3A_112, %reduce_sum3A_113 [0] : vector<1024x256xi32> to vector<256xi32>
    %broadcast_in_dim3A_115 = vector.shape_cast %reduce_sum3A_114 : vector<256xi32> to vector<1x256xi32>
    %swap3A_116 = arith.constant 4 : index
    %swap3A_117 = arith.constant 0 : index
    %swap3A_118 = vector.load %arg2[%swap3A_116, %swap3A_117] : memref<16x256xi32, #tpu.memory_space<vmem>>, vector<1x256xi32>
    tpu.vector_store %arg2[%swap3A_116, %swap3A_117], %broadcast_in_dim3A_115 {strides = array<i32>} : memref<16x256xi32, #tpu.memory_space<vmem>>, vector<1x256xi32>,
    %slice3A_119 = vector.extract_strided_slice %get3A_1 {offsets = [5, 0], sizes = [1, 1024], strides = [1, 1]} : vector<16x1024xf32> to vector<1x1024xf32>
    %slice3A_120 = vector.extract_strided_slice %transpose3A {offsets = [0, 5], sizes = [1024, 1], strides = [1, 1]} : vector<1024x16xf32> to vector<1024x1xf32>
    %gt3A_121 = vector.broadcast %slice3A_119 : vector<1x1024xf32> to vector<1024x1024xf32>
    %gt3A_122 = vector.broadcast %slice3A_120 : vector<1024x1xf32> to vector<1024x1024xf32>
    %gt3A_123 = arith.cmpf ogt, %gt3A_121, %gt3A_122 : vector<1024x1024xf32>
    %eq3A_124 = vector.broadcast %slice3A_119 : vector<1x1024xf32> to vector<1024x1024xf32>
    %eq3A_125 = vector.broadcast %slice3A_120 : vector<1024x1xf32> to vector<1024x1024xf32>
    %eq3A_126 = arith.cmpf oeq, %eq3A_124, %eq3A_125 : vector<1024x1024xf32>
    %and3A_127 = arith.andi %eq3A_126, %lt3A : vector<1024x1024xi1>
    %or3A_128 = arith.ori %gt3A_123, %and3A_127 : vector<1024x1024xi1>
    %convert_element_type3A_129 = arith.extui %or3A_128 : vector<1024x1024xi1> to vector<1024x1024xi32>
    %reduce_sum3A_130 = arith.constant dense<0> : vector<1024xi32>
    %reduce_sum3A_131 = vector.multi_reduction <add>, %convert_element_type3A_129, %reduce_sum3A_130 [1] : vector<1024x1024xi32> to vector<1024xi32>
    %broadcast_in_dim3A_132 = vector.shape_cast %reduce_sum3A_131 : vector<1024xi32> to vector<1024x1xi32>
    %eq3A_133 = vector.broadcast %broadcast_in_dim3A_132 : vector<1024x1xi32> to vector<1024x256xi32>
    %eq3A_134 = arith.cmpi eq, %eq3A_133, %iota3A_3 : vector<1024x256xi32>
    %jit3A_135 = arith.constant 0 : i32
    %broadcast_in_dim3A_136 = vector.broadcast %jit3A_135 : i32 to vector<1024x256xi32>
    %select_n3A_137 = arith.select %eq3A_134, %iota3A_4, %broadcast_in_dim3A_136 : vector<1024x256xi1>, vector<1024x256xi32>
    %reduce_sum3A_138 = arith.constant dense<0> : vector<256xi32>
    %reduce_sum3A_139 = vector.multi_reduction <add>, %select_n3A_137, %reduce_sum3A_138 [0] : vector<1024x256xi32> to vector<256xi32>
    %broadcast_in_dim3A_140 = vector.shape_cast %reduce_sum3A_139 : vector<256xi32> to vector<1x256xi32>
    %swap3A_141 = arith.constant 5 : index
    %swap3A_142 = arith.constant 0 : index
    %swap3A_143 = vector.load %arg2[%swap3A_141, %swap3A_142] : memref<16x256xi32, #tpu.memory_space<vmem>>, vector<1x256xi32>
    tpu.vector_store %arg2[%swap3A_141, %swap3A_142], %broadcast_in_dim3A_140 {strides = array<i32>} : memref<16x256xi32, #tpu.memory_space<vmem>>, vector<1x256xi32>,
    %slice3A_144 = vector.extract_strided_slice %get3A_1 {offsets = [6, 0], sizes = [1, 1024], strides = [1, 1]} : vector<16x1024xf32> to vector<1x1024xf32>
    %slice3A_145 = vector.extract_strided_slice %transpose3A {offsets = [0, 6], sizes = [1024, 1], strides = [1, 1]} : vector<1024x16xf32> to vector<1024x1xf32>
    %gt3A_146 = vector.broadcast %slice3A_144 : vector<1x1024xf32> to vector<1024x1024xf32>
    %gt3A_147 = vector.broadcast %slice3A_145 : vector<1024x1xf32> to vector<1024x1024xf32>
    %gt3A_148 = arith.cmpf ogt, %gt3A_146, %gt3A_147 : vector<1024x1024xf32>
    %eq3A_149 = vector.broadcast %slice3A_144 : vector<1x1024xf32> to vector<1024x1024xf32>
    %eq3A_150 = vector.broadcast %slice3A_145 : vector<1024x1xf32> to vector<1024x1024xf32>
    %eq3A_151 = arith.cmpf oeq, %eq3A_149, %eq3A_150 : vector<1024x1024xf32>
    %and3A_152 = arith.andi %eq3A_151, %lt3A : vector<1024x1024xi1>
    %or3A_153 = arith.ori %gt3A_148, %and3A_152 : vector<1024x1024xi1>
    %convert_element_type3A_154 = arith.extui %or3A_153 : vector<1024x1024xi1> to vector<1024x1024xi32>
    %reduce_sum3A_155 = arith.constant dense<0> : vector<1024xi32>
    %reduce_sum3A_156 = vector.multi_reduction <add>, %convert_element_type3A_154, %reduce_sum3A_155 [1] : vector<1024x1024xi32> to vector<1024xi32>
    %broadcast_in_dim3A_157 = vector.shape_cast %reduce_sum3A_156 : vector<1024xi32> to vector<1024x1xi32>
    %eq3A_158 = vector.broadcast %broadcast_in_dim3A_157 : vector<1024x1xi32> to vector<1024x256xi32>
    %eq3A_159 = arith.cmpi eq, %eq3A_158, %iota3A_3 : vector<1024x256xi32>
    %jit3A_160 = arith.constant 0 : i32
    %broadcast_in_dim3A_161 = vector.broadcast %jit3A_160 : i32 to vector<1024x256xi32>
    %select_n3A_162 = arith.select %eq3A_159, %iota3A_4, %broadcast_in_dim3A_161 : vector<1024x256xi1>, vector<1024x256xi32>
    %reduce_sum3A_163 = arith.constant dense<0> : vector<256xi32>
    %reduce_sum3A_164 = vector.multi_reduction <add>, %select_n3A_162, %reduce_sum3A_163 [0] : vector<1024x256xi32> to vector<256xi32>
    %broadcast_in_dim3A_165 = vector.shape_cast %reduce_sum3A_164 : vector<256xi32> to vector<1x256xi32>
    %swap3A_166 = arith.constant 6 : index
    %swap3A_167 = arith.constant 0 : index
    %swap3A_168 = vector.load %arg2[%swap3A_166, %swap3A_167] : memref<16x256xi32, #tpu.memory_space<vmem>>, vector<1x256xi32>
    tpu.vector_store %arg2[%swap3A_166, %swap3A_167], %broadcast_in_dim3A_165 {strides = array<i32>} : memref<16x256xi32, #tpu.memory_space<vmem>>, vector<1x256xi32>,
    %slice3A_169 = vector.extract_strided_slice %get3A_1 {offsets = [7, 0], sizes = [1, 1024], strides = [1, 1]} : vector<16x1024xf32> to vector<1x1024xf32>
    %slice3A_170 = vector.extract_strided_slice %transpose3A {offsets = [0, 7], sizes = [1024, 1], strides = [1, 1]} : vector<1024x16xf32> to vector<1024x1xf32>
    %gt3A_171 = vector.broadcast %slice3A_169 : vector<1x1024xf32> to vector<1024x1024xf32>
    %gt3A_172 = vector.broadcast %slice3A_170 : vector<1024x1xf32> to vector<1024x1024xf32>
    %gt3A_173 = arith.cmpf ogt, %gt3A_171, %gt3A_172 : vector<1024x1024xf32>
    %eq3A_174 = vector.broadcast %slice3A_169 : vector<1x1024xf32> to vector<1024x1024xf32>
    %eq3A_175 = vector.broadcast %slice3A_170 : vector<1024x1xf32> to vector<1024x1024xf32>
    %eq3A_176 = arith.cmpf oeq, %eq3A_174, %eq3A_175 : vector<1024x1024xf32>
    %and3A_177 = arith.andi %eq3A_176, %lt3A : vector<1024x1024xi1>
    %or3A_178 = arith.ori %gt3A_173, %and3A_177 : vector<1024x1024xi1>
    %convert_element_type3A_179 = arith.extui %or3A_178 : vector<1024x1024xi1> to vector<1024x1024xi32>
    %reduce_sum3A_180 = arith.constant dense<0> : vector<1024xi32>
    %reduce_sum3A_181 = vector.multi_reduction <add>, %convert_element_type3A_179, %reduce_sum3A_180 [1] : vector<1024x1024xi32> to vector<1024xi32>
    %broadcast_in_dim3A_182 = vector.shape_cast %reduce_sum3A_181 : vector<1024xi32> to vector<1024x1xi32>
    %eq3A_183 = vector.broadcast %broadcast_in_dim3A_182 : vector<1024x1xi32> to vector<1024x256xi32>
    %eq3A_184 = arith.cmpi eq, %eq3A_183, %iota3A_3 : vector<1024x256xi32>
    %jit3A_185 = arith.constant 0 : i32
    %broadcast_in_dim3A_186 = vector.broadcast %jit3A_185 : i32 to vector<1024x256xi32>
    %select_n3A_187 = arith.select %eq3A_184, %iota3A_4, %broadcast_in_dim3A_186 : vector<1024x256xi1>, vector<1024x256xi32>
    %reduce_sum3A_188 = arith.constant dense<0> : vector<256xi32>
    %reduce_sum3A_189 = vector.multi_reduction <add>, %select_n3A_187, %reduce_sum3A_188 [0] : vector<1024x256xi32> to vector<256xi32>
    %broadcast_in_dim3A_190 = vector.shape_cast %reduce_sum3A_189 : vector<256xi32> to vector<1x256xi32>
    %swap3A_191 = arith.constant 7 : index
    %swap3A_192 = arith.constant 0 : index
    %swap3A_193 = vector.load %arg2[%swap3A_191, %swap3A_192] : memref<16x256xi32, #tpu.memory_space<vmem>>, vector<1x256xi32>
    tpu.vector_store %arg2[%swap3A_191, %swap3A_192], %broadcast_in_dim3A_190 {strides = array<i32>} : memref<16x256xi32, #tpu.memory_space<vmem>>, vector<1x256xi32>,
    %slice3A_194 = vector.extract_strided_slice %get3A_1 {offsets = [8, 0], sizes = [1, 1024], strides = [1, 1]} : vector<16x1024xf32> to vector<1x1024xf32>
    %slice3A_195 = vector.extract_strided_slice %transpose3A {offsets = [0, 8], sizes = [1024, 1], strides = [1, 1]} : vector<1024x16xf32> to vector<1024x1xf32>
    %gt3A_196 = vector.broadcast %slice3A_194 : vector<1x1024xf32> to vector<1024x1024xf32>
    %gt3A_197 = vector.broadcast %slice3A_195 : vector<1024x1xf32> to vector<1024x1024xf32>
    %gt3A_198 = arith.cmpf ogt, %gt3A_196, %gt3A_197 : vector<1024x1024xf32>
    %eq3A_199 = vector.broadcast %slice3A_194 : vector<1x1024xf32> to vector<1024x1024xf32>
    %eq3A_200 = vector.broadcast %slice3A_195 : vector<1024x1xf32> to vector<1024x1024xf32>
    %eq3A_201 = arith.cmpf oeq, %eq3A_199, %eq3A_200 : vector<1024x1024xf32>
    %and3A_202 = arith.andi %eq3A_201, %lt3A : vector<1024x1024xi1>
    %or3A_203 = arith.ori %gt3A_198, %and3A_202 : vector<1024x1024xi1>
    %convert_element_type3A_204 = arith.extui %or3A_203 : vector<1024x1024xi1> to vector<1024x1024xi32>
    %reduce_sum3A_205 = arith.constant dense<0> : vector<1024xi32>
    %reduce_sum3A_206 = vector.multi_reduction <add>, %convert_element_type3A_204, %reduce_sum3A_205 [1] : vector<1024x1024xi32> to vector<1024xi32>
    %broadcast_in_dim3A_207 = vector.shape_cast %reduce_sum3A_206 : vector<1024xi32> to vector<1024x1xi32>
    %eq3A_208 = vector.broadcast %broadcast_in_dim3A_207 : vector<1024x1xi32> to vector<1024x256xi32>
    %eq3A_209 = arith.cmpi eq, %eq3A_208, %iota3A_3 : vector<1024x256xi32>
    %jit3A_210 = arith.constant 0 : i32
    %broadcast_in_dim3A_211 = vector.broadcast %jit3A_210 : i32 to vector<1024x256xi32>
    %select_n3A_212 = arith.select %eq3A_209, %iota3A_4, %broadcast_in_dim3A_211 : vector<1024x256xi1>, vector<1024x256xi32>
    %reduce_sum3A_213 = arith.constant dense<0> : vector<256xi32>
    %reduce_sum3A_214 = vector.multi_reduction <add>, %select_n3A_212, %reduce_sum3A_213 [0] : vector<1024x256xi32> to vector<256xi32>
    %broadcast_in_dim3A_215 = vector.shape_cast %reduce_sum3A_214 : vector<256xi32> to vector<1x256xi32>
    %swap3A_216 = arith.constant 8 : index
    %swap3A_217 = arith.constant 0 : index
    %swap3A_218 = vector.load %arg2[%swap3A_216, %swap3A_217] : memref<16x256xi32, #tpu.memory_space<vmem>>, vector<1x256xi32>
    tpu.vector_store %arg2[%swap3A_216, %swap3A_217], %broadcast_in_dim3A_215 {strides = array<i32>} : memref<16x256xi32, #tpu.memory_space<vmem>>, vector<1x256xi32>,
    %slice3A_219 = vector.extract_strided_slice %get3A_1 {offsets = [9, 0], sizes = [1, 1024], strides = [1, 1]} : vector<16x1024xf32> to vector<1x1024xf32>
    %slice3A_220 = vector.extract_strided_slice %transpose3A {offsets = [0, 9], sizes = [1024, 1], strides = [1, 1]} : vector<1024x16xf32> to vector<1024x1xf32>
    %gt3A_221 = vector.broadcast %slice3A_219 : vector<1x1024xf32> to vector<1024x1024xf32>
    %gt3A_222 = vector.broadcast %slice3A_220 : vector<1024x1xf32> to vector<1024x1024xf32>
    %gt3A_223 = arith.cmpf ogt, %gt3A_221, %gt3A_222 : vector<1024x1024xf32>
    %eq3A_224 = vector.broadcast %slice3A_219 : vector<1x1024xf32> to vector<1024x1024xf32>
    %eq3A_225 = vector.broadcast %slice3A_220 : vector<1024x1xf32> to vector<1024x1024xf32>
    %eq3A_226 = arith.cmpf oeq, %eq3A_224, %eq3A_225 : vector<1024x1024xf32>
    %and3A_227 = arith.andi %eq3A_226, %lt3A : vector<1024x1024xi1>
    %or3A_228 = arith.ori %gt3A_223, %and3A_227 : vector<1024x1024xi1>
    %convert_element_type3A_229 = arith.extui %or3A_228 : vector<1024x1024xi1> to vector<1024x1024xi32>
    %reduce_sum3A_230 = arith.constant dense<0> : vector<1024xi32>
    %reduce_sum3A_231 = vector.multi_reduction <add>, %convert_element_type3A_229, %reduce_sum3A_230 [1] : vector<1024x1024xi32> to vector<1024xi32>
    %broadcast_in_dim3A_232 = vector.shape_cast %reduce_sum3A_231 : vector<1024xi32> to vector<1024x1xi32>
    %eq3A_233 = vector.broadcast %broadcast_in_dim3A_232 : vector<1024x1xi32> to vector<1024x256xi32>
    %eq3A_234 = arith.cmpi eq, %eq3A_233, %iota3A_3 : vector<1024x256xi32>
    %jit3A_235 = arith.constant 0 : i32
    %broadcast_in_dim3A_236 = vector.broadcast %jit3A_235 : i32 to vector<1024x256xi32>
    %select_n3A_237 = arith.select %eq3A_234, %iota3A_4, %broadcast_in_dim3A_236 : vector<1024x256xi1>, vector<1024x256xi32>
    %reduce_sum3A_238 = arith.constant dense<0> : vector<256xi32>
    %reduce_sum3A_239 = vector.multi_reduction <add>, %select_n3A_237, %reduce_sum3A_238 [0] : vector<1024x256xi32> to vector<256xi32>
    %broadcast_in_dim3A_240 = vector.shape_cast %reduce_sum3A_239 : vector<256xi32> to vector<1x256xi32>
    %swap3A_241 = arith.constant 9 : index
    %swap3A_242 = arith.constant 0 : index
    %swap3A_243 = vector.load %arg2[%swap3A_241, %swap3A_242] : memref<16x256xi32, #tpu.memory_space<vmem>>, vector<1x256xi32>
    tpu.vector_store %arg2[%swap3A_241, %swap3A_242], %broadcast_in_dim3A_240 {strides = array<i32>} : memref<16x256xi32, #tpu.memory_space<vmem>>, vector<1x256xi32>,
    %slice3A_244 = vector.extract_strided_slice %get3A_1 {offsets = [10, 0], sizes = [1, 1024], strides = [1, 1]} : vector<16x1024xf32> to vector<1x1024xf32>
    %slice3A_245 = vector.extract_strided_slice %transpose3A {offsets = [0, 10], sizes = [1024, 1], strides = [1, 1]} : vector<1024x16xf32> to vector<1024x1xf32>
    %gt3A_246 = vector.broadcast %slice3A_244 : vector<1x1024xf32> to vector<1024x1024xf32>
    %gt3A_247 = vector.broadcast %slice3A_245 : vector<1024x1xf32> to vector<1024x1024xf32>
    %gt3A_248 = arith.cmpf ogt, %gt3A_246, %gt3A_247 : vector<1024x1024xf32>
    %eq3A_249 = vector.broadcast %slice3A_244 : vector<1x1024xf32> to vector<1024x1024xf32>
    %eq3A_250 = vector.broadcast %slice3A_245 : vector<1024x1xf32> to vector<1024x1024xf32>
    %eq3A_251 = arith.cmpf oeq, %eq3A_249, %eq3A_250 : vector<1024x1024xf32>
    %and3A_252 = arith.andi %eq3A_251, %lt3A : vector<1024x1024xi1>
    %or3A_253 = arith.ori %gt3A_248, %and3A_252 : vector<1024x1024xi1>
    %convert_element_type3A_254 = arith.extui %or3A_253 : vector<1024x1024xi1> to vector<1024x1024xi32>
    %reduce_sum3A_255 = arith.constant dense<0> : vector<1024xi32>
    %reduce_sum3A_256 = vector.multi_reduction <add>, %convert_element_type3A_254, %reduce_sum3A_255 [1] : vector<1024x1024xi32> to vector<1024xi32>
    %broadcast_in_dim3A_257 = vector.shape_cast %reduce_sum3A_256 : vector<1024xi32> to vector<1024x1xi32>
    %eq3A_258 = vector.broadcast %broadcast_in_dim3A_257 : vector<1024x1xi32> to vector<1024x256xi32>
    %eq3A_259 = arith.cmpi eq, %eq3A_258, %iota3A_3 : vector<1024x256xi32>
    %jit3A_260 = arith.constant 0 : i32
    %broadcast_in_dim3A_261 = vector.broadcast %jit3A_260 : i32 to vector<1024x256xi32>
    %select_n3A_262 = arith.select %eq3A_259, %iota3A_4, %broadcast_in_dim3A_261 : vector<1024x256xi1>, vector<1024x256xi32>
    %reduce_sum3A_263 = arith.constant dense<0> : vector<256xi32>
    %reduce_sum3A_264 = vector.multi_reduction <add>, %select_n3A_262, %reduce_sum3A_263 [0] : vector<1024x256xi32> to vector<256xi32>
    %broadcast_in_dim3A_265 = vector.shape_cast %reduce_sum3A_264 : vector<256xi32> to vector<1x256xi32>
    %swap3A_266 = arith.constant 10 : index
    %swap3A_267 = arith.constant 0 : index
    %swap3A_268 = vector.load %arg2[%swap3A_266, %swap3A_267] : memref<16x256xi32, #tpu.memory_space<vmem>>, vector<1x256xi32>
    tpu.vector_store %arg2[%swap3A_266, %swap3A_267], %broadcast_in_dim3A_265 {strides = array<i32>} : memref<16x256xi32, #tpu.memory_space<vmem>>, vector<1x256xi32>,
    %slice3A_269 = vector.extract_strided_slice %get3A_1 {offsets = [11, 0], sizes = [1, 1024], strides = [1, 1]} : vector<16x1024xf32> to vector<1x1024xf32>
    %slice3A_270 = vector.extract_strided_slice %transpose3A {offsets = [0, 11], sizes = [1024, 1], strides = [1, 1]} : vector<1024x16xf32> to vector<1024x1xf32>
    %gt3A_271 = vector.broadcast %slice3A_269 : vector<1x1024xf32> to vector<1024x1024xf32>
    %gt3A_272 = vector.broadcast %slice3A_270 : vector<1024x1xf32> to vector<1024x1024xf32>
    %gt3A_273 = arith.cmpf ogt, %gt3A_271, %gt3A_272 : vector<1024x1024xf32>
    %eq3A_274 = vector.broadcast %slice3A_269 : vector<1x1024xf32> to vector<1024x1024xf32>
    %eq3A_275 = vector.broadcast %slice3A_270 : vector<1024x1xf32> to vector<1024x1024xf32>
    %eq3A_276 = arith.cmpf oeq, %eq3A_274, %eq3A_275 : vector<1024x1024xf32>
    %and3A_277 = arith.andi %eq3A_276, %lt3A : vector<1024x1024xi1>
    %or3A_278 = arith.ori %gt3A_273, %and3A_277 : vector<1024x1024xi1>
    %convert_element_type3A_279 = arith.extui %or3A_278 : vector<1024x1024xi1> to vector<1024x1024xi32>
    %reduce_sum3A_280 = arith.constant dense<0> : vector<1024xi32>
    %reduce_sum3A_281 = vector.multi_reduction <add>, %convert_element_type3A_279, %reduce_sum3A_280 [1] : vector<1024x1024xi32> to vector<1024xi32>
    %broadcast_in_dim3A_282 = vector.shape_cast %reduce_sum3A_281 : vector<1024xi32> to vector<1024x1xi32>
    %eq3A_283 = vector.broadcast %broadcast_in_dim3A_282 : vector<1024x1xi32> to vector<1024x256xi32>
    %eq3A_284 = arith.cmpi eq, %eq3A_283, %iota3A_3 : vector<1024x256xi32>
    %jit3A_285 = arith.constant 0 : i32
    %broadcast_in_dim3A_286 = vector.broadcast %jit3A_285 : i32 to vector<1024x256xi32>
    %select_n3A_287 = arith.select %eq3A_284, %iota3A_4, %broadcast_in_dim3A_286 : vector<1024x256xi1>, vector<1024x256xi32>
    %reduce_sum3A_288 = arith.constant dense<0> : vector<256xi32>
    %reduce_sum3A_289 = vector.multi_reduction <add>, %select_n3A_287, %reduce_sum3A_288 [0] : vector<1024x256xi32> to vector<256xi32>
    %broadcast_in_dim3A_290 = vector.shape_cast %reduce_sum3A_289 : vector<256xi32> to vector<1x256xi32>
    %swap3A_291 = arith.constant 11 : index
    %swap3A_292 = arith.constant 0 : index
    %swap3A_293 = vector.load %arg2[%swap3A_291, %swap3A_292] : memref<16x256xi32, #tpu.memory_space<vmem>>, vector<1x256xi32>
    tpu.vector_store %arg2[%swap3A_291, %swap3A_292], %broadcast_in_dim3A_290 {strides = array<i32>} : memref<16x256xi32, #tpu.memory_space<vmem>>, vector<1x256xi32>,
    %slice3A_294 = vector.extract_strided_slice %get3A_1 {offsets = [12, 0], sizes = [1, 1024], strides = [1, 1]} : vector<16x1024xf32> to vector<1x1024xf32>
    %slice3A_295 = vector.extract_strided_slice %transpose3A {offsets = [0, 12], sizes = [1024, 1], strides = [1, 1]} : vector<1024x16xf32> to vector<1024x1xf32>
    %gt3A_296 = vector.broadcast %slice3A_294 : vector<1x1024xf32> to vector<1024x1024xf32>
    %gt3A_297 = vector.broadcast %slice3A_295 : vector<1024x1xf32> to vector<1024x1024xf32>
    %gt3A_298 = arith.cmpf ogt, %gt3A_296, %gt3A_297 : vector<1024x1024xf32>
    %eq3A_299 = vector.broadcast %slice3A_294 : vector<1x1024xf32> to vector<1024x1024xf32>
    %eq3A_300 = vector.broadcast %slice3A_295 : vector<1024x1xf32> to vector<1024x1024xf32>
    %eq3A_301 = arith.cmpf oeq, %eq3A_299, %eq3A_300 : vector<1024x1024xf32>
    %and3A_302 = arith.andi %eq3A_301, %lt3A : vector<1024x1024xi1>
    %or3A_303 = arith.ori %gt3A_298, %and3A_302 : vector<1024x1024xi1>
    %convert_element_type3A_304 = arith.extui %or3A_303 : vector<1024x1024xi1> to vector<1024x1024xi32>
    %reduce_sum3A_305 = arith.constant dense<0> : vector<1024xi32>
    %reduce_sum3A_306 = vector.multi_reduction <add>, %convert_element_type3A_304, %reduce_sum3A_305 [1] : vector<1024x1024xi32> to vector<1024xi32>
    %broadcast_in_dim3A_307 = vector.shape_cast %reduce_sum3A_306 : vector<1024xi32> to vector<1024x1xi32>
    %eq3A_308 = vector.broadcast %broadcast_in_dim3A_307 : vector<1024x1xi32> to vector<1024x256xi32>
    %eq3A_309 = arith.cmpi eq, %eq3A_308, %iota3A_3 : vector<1024x256xi32>
    %jit3A_310 = arith.constant 0 : i32
    %broadcast_in_dim3A_311 = vector.broadcast %jit3A_310 : i32 to vector<1024x256xi32>
    %select_n3A_312 = arith.select %eq3A_309, %iota3A_4, %broadcast_in_dim3A_311 : vector<1024x256xi1>, vector<1024x256xi32>
    %reduce_sum3A_313 = arith.constant dense<0> : vector<256xi32>
    %reduce_sum3A_314 = vector.multi_reduction <add>, %select_n3A_312, %reduce_sum3A_313 [0] : vector<1024x256xi32> to vector<256xi32>
    %broadcast_in_dim3A_315 = vector.shape_cast %reduce_sum3A_314 : vector<256xi32> to vector<1x256xi32>
    %swap3A_316 = arith.constant 12 : index
    %swap3A_317 = arith.constant 0 : index
    %swap3A_318 = vector.load %arg2[%swap3A_316, %swap3A_317] : memref<16x256xi32, #tpu.memory_space<vmem>>, vector<1x256xi32>
    tpu.vector_store %arg2[%swap3A_316, %swap3A_317], %broadcast_in_dim3A_315 {strides = array<i32>} : memref<16x256xi32, #tpu.memory_space<vmem>>, vector<1x256xi32>,
    %slice3A_319 = vector.extract_strided_slice %get3A_1 {offsets = [13, 0], sizes = [1, 1024], strides = [1, 1]} : vector<16x1024xf32> to vector<1x1024xf32>
    %slice3A_320 = vector.extract_strided_slice %transpose3A {offsets = [0, 13], sizes = [1024, 1], strides = [1, 1]} : vector<1024x16xf32> to vector<1024x1xf32>
    %gt3A_321 = vector.broadcast %slice3A_319 : vector<1x1024xf32> to vector<1024x1024xf32>
    %gt3A_322 = vector.broadcast %slice3A_320 : vector<1024x1xf32> to vector<1024x1024xf32>
    %gt3A_323 = arith.cmpf ogt, %gt3A_321, %gt3A_322 : vector<1024x1024xf32>
    %eq3A_324 = vector.broadcast %slice3A_319 : vector<1x1024xf32> to vector<1024x1024xf32>
    %eq3A_325 = vector.broadcast %slice3A_320 : vector<1024x1xf32> to vector<1024x1024xf32>
    %eq3A_326 = arith.cmpf oeq, %eq3A_324, %eq3A_325 : vector<1024x1024xf32>
    %and3A_327 = arith.andi %eq3A_326, %lt3A : vector<1024x1024xi1>
    %or3A_328 = arith.ori %gt3A_323, %and3A_327 : vector<1024x1024xi1>
    %convert_element_type3A_329 = arith.extui %or3A_328 : vector<1024x1024xi1> to vector<1024x1024xi32>
    %reduce_sum3A_330 = arith.constant dense<0> : vector<1024xi32>
    %reduce_sum3A_331 = vector.multi_reduction <add>, %convert_element_type3A_329, %reduce_sum3A_330 [1] : vector<1024x1024xi32> to vector<1024xi32>
    %broadcast_in_dim3A_332 = vector.shape_cast %reduce_sum3A_331 : vector<1024xi32> to vector<1024x1xi32>
    %eq3A_333 = vector.broadcast %broadcast_in_dim3A_332 : vector<1024x1xi32> to vector<1024x256xi32>
    %eq3A_334 = arith.cmpi eq, %eq3A_333, %iota3A_3 : vector<1024x256xi32>
    %jit3A_335 = arith.constant 0 : i32
    %broadcast_in_dim3A_336 = vector.broadcast %jit3A_335 : i32 to vector<1024x256xi32>
    %select_n3A_337 = arith.select %eq3A_334, %iota3A_4, %broadcast_in_dim3A_336 : vector<1024x256xi1>, vector<1024x256xi32>
    %reduce_sum3A_338 = arith.constant dense<0> : vector<256xi32>
    %reduce_sum3A_339 = vector.multi_reduction <add>, %select_n3A_337, %reduce_sum3A_338 [0] : vector<1024x256xi32> to vector<256xi32>
    %broadcast_in_dim3A_340 = vector.shape_cast %reduce_sum3A_339 : vector<256xi32> to vector<1x256xi32>
    %swap3A_341 = arith.constant 13 : index
    %swap3A_342 = arith.constant 0 : index
    %swap3A_343 = vector.load %arg2[%swap3A_341, %swap3A_342] : memref<16x256xi32, #tpu.memory_space<vmem>>, vector<1x256xi32>
    tpu.vector_store %arg2[%swap3A_341, %swap3A_342], %broadcast_in_dim3A_340 {strides = array<i32>} : memref<16x256xi32, #tpu.memory_space<vmem>>, vector<1x256xi32>,
    %slice3A_344 = vector.extract_strided_slice %get3A_1 {offsets = [14, 0], sizes = [1, 1024], strides = [1, 1]} : vector<16x1024xf32> to vector<1x1024xf32>
    %slice3A_345 = vector.extract_strided_slice %transpose3A {offsets = [0, 14], sizes = [1024, 1], strides = [1, 1]} : vector<1024x16xf32> to vector<1024x1xf32>
    %gt3A_346 = vector.broadcast %slice3A_344 : vector<1x1024xf32> to vector<1024x1024xf32>
    %gt3A_347 = vector.broadcast %slice3A_345 : vector<1024x1xf32> to vector<1024x1024xf32>
    %gt3A_348 = arith.cmpf ogt, %gt3A_346, %gt3A_347 : vector<1024x1024xf32>
    %eq3A_349 = vector.broadcast %slice3A_344 : vector<1x1024xf32> to vector<1024x1024xf32>
    %eq3A_350 = vector.broadcast %slice3A_345 : vector<1024x1xf32> to vector<1024x1024xf32>
    %eq3A_351 = arith.cmpf oeq, %eq3A_349, %eq3A_350 : vector<1024x1024xf32>
    %and3A_352 = arith.andi %eq3A_351, %lt3A : vector<1024x1024xi1>
    %or3A_353 = arith.ori %gt3A_348, %and3A_352 : vector<1024x1024xi1>
    %convert_element_type3A_354 = arith.extui %or3A_353 : vector<1024x1024xi1> to vector<1024x1024xi32>
    %reduce_sum3A_355 = arith.constant dense<0> : vector<1024xi32>
    %reduce_sum3A_356 = vector.multi_reduction <add>, %convert_element_type3A_354, %reduce_sum3A_355 [1] : vector<1024x1024xi32> to vector<1024xi32>
    %broadcast_in_dim3A_357 = vector.shape_cast %reduce_sum3A_356 : vector<1024xi32> to vector<1024x1xi32>
    %eq3A_358 = vector.broadcast %broadcast_in_dim3A_357 : vector<1024x1xi32> to vector<1024x256xi32>
    %eq3A_359 = arith.cmpi eq, %eq3A_358, %iota3A_3 : vector<1024x256xi32>
    %jit3A_360 = arith.constant 0 : i32
    %broadcast_in_dim3A_361 = vector.broadcast %jit3A_360 : i32 to vector<1024x256xi32>
    %select_n3A_362 = arith.select %eq3A_359, %iota3A_4, %broadcast_in_dim3A_361 : vector<1024x256xi1>, vector<1024x256xi32>
    %reduce_sum3A_363 = arith.constant dense<0> : vector<256xi32>
    %reduce_sum3A_364 = vector.multi_reduction <add>, %select_n3A_362, %reduce_sum3A_363 [0] : vector<1024x256xi32> to vector<256xi32>
    %broadcast_in_dim3A_365 = vector.shape_cast %reduce_sum3A_364 : vector<256xi32> to vector<1x256xi32>
    %swap3A_366 = arith.constant 14 : index
    %swap3A_367 = arith.constant 0 : index
    %swap3A_368 = vector.load %arg2[%swap3A_366, %swap3A_367] : memref<16x256xi32, #tpu.memory_space<vmem>>, vector<1x256xi32>
    tpu.vector_store %arg2[%swap3A_366, %swap3A_367], %broadcast_in_dim3A_365 {strides = array<i32>} : memref<16x256xi32, #tpu.memory_space<vmem>>, vector<1x256xi32>,
    %slice3A_369 = vector.extract_strided_slice %get3A_1 {offsets = [15, 0], sizes = [1, 1024], strides = [1, 1]} : vector<16x1024xf32> to vector<1x1024xf32>
    %slice3A_370 = vector.extract_strided_slice %transpose3A {offsets = [0, 15], sizes = [1024, 1], strides = [1, 1]} : vector<1024x16xf32> to vector<1024x1xf32>
    %gt3A_371 = vector.broadcast %slice3A_369 : vector<1x1024xf32> to vector<1024x1024xf32>
    %gt3A_372 = vector.broadcast %slice3A_370 : vector<1024x1xf32> to vector<1024x1024xf32>
    %gt3A_373 = arith.cmpf ogt, %gt3A_371, %gt3A_372 : vector<1024x1024xf32>
    %eq3A_374 = vector.broadcast %slice3A_369 : vector<1x1024xf32> to vector<1024x1024xf32>
    %eq3A_375 = vector.broadcast %slice3A_370 : vector<1024x1xf32> to vector<1024x1024xf32>
    %eq3A_376 = arith.cmpf oeq, %eq3A_374, %eq3A_375 : vector<1024x1024xf32>
    %and3A_377 = arith.andi %eq3A_376, %lt3A : vector<1024x1024xi1>
    %or3A_378 = arith.ori %gt3A_373, %and3A_377 : vector<1024x1024xi1>
    %convert_element_type3A_379 = arith.extui %or3A_378 : vector<1024x1024xi1> to vector<1024x1024xi32>
    %reduce_sum3A_380 = arith.constant dense<0> : vector<1024xi32>
    %reduce_sum3A_381 = vector.multi_reduction <add>, %convert_element_type3A_379, %reduce_sum3A_380 [1] : vector<1024x1024xi32> to vector<1024xi32>
    %broadcast_in_dim3A_382 = vector.shape_cast %reduce_sum3A_381 : vector<1024xi32> to vector<1024x1xi32>
    %eq3A_383 = vector.broadcast %broadcast_in_dim3A_382 : vector<1024x1xi32> to vector<1024x256xi32>
    %eq3A_384 = arith.cmpi eq, %eq3A_383, %iota3A_3 : vector<1024x256xi32>
    %jit3A_385 = arith.constant 0 : i32
    %broadcast_in_dim3A_386 = vector.broadcast %jit3A_385 : i32 to vector<1024x256xi32>
    %select_n3A_387 = arith.select %eq3A_384, %iota3A_4, %broadcast_in_dim3A_386 : vector<1024x256xi1>, vector<1024x256xi32>
    %reduce_sum3A_388 = arith.constant dense<0> : vector<256xi32>
    %reduce_sum3A_389 = vector.multi_reduction <add>, %select_n3A_387, %reduce_sum3A_388 [0] : vector<1024x256xi32> to vector<256xi32>
    %broadcast_in_dim3A_390 = vector.shape_cast %reduce_sum3A_389 : vector<256xi32> to vector<1x256xi32>
    %swap3A_391 = arith.constant 15 : index
    %swap3A_392 = arith.constant 0 : index
    %swap3A_393 = vector.load %arg2[%swap3A_391, %swap3A_392] : memref<16x256xi32, #tpu.memory_space<vmem>>, vector<1x256xi32>
    tpu.vector_store %arg2[%swap3A_391, %swap3A_392], %broadcast_in_dim3A_390 {strides = array<i32>} : memref<16x256xi32, #tpu.memory_space<vmem>>, vector<1x256xi32>,
    return
  }
  func.func @transform_0(%arg0: i32) -> (i32, i32) {
    %c0_i32 = arith.constant 0 : i32
    %c0_i32_0 = arith.constant 0 : i32
    return %arg0, %c0_i32 : i32, i32
  }
  func.func @transform_1(%arg0: i32) -> (i32, i32) {
    %c0_i32 = arith.constant 0 : i32
    %c0_i32_0 = arith.constant 0 : i32
    return %arg0, %c0_i32 : i32, i32
  }
}

</mosaic_0001>

<sc_bundles>
// kernel: kernel.4.cloned.1.call-start
scs
__scs_entry_jumppad:
0x0: {  	(pc) =	sbr.rel $0x88, $3  }
0x1: {  	(tag) =	ssettag $0x0;
	lr =	simm.s32 $0x1  }
0x2: {  	[smem:$0x3F9E] =	sst lr;
	_ =	strace $0xD0000000  }
0x3: {  	_ = 	snop  }
0x4: {  	_ = 	snop  }
0x5: {  	_ = 	snop  }
0x6: {  	_ = 	snop  }
0x7: {  	_ = 	snop  }
__scs_overlays_trampoline_lowered:
0x8: {  	[smem:$0x3FAD] =	sst s0  }
0x9: {  	[smem:$0x3FAE] =	sst s1  }
0xa: {  	[smem:$0x3FAF] =	sst s2  }
0xb: {  	[smem:$0x3FB0] =	sst s3  }
0xc: {  	[smem:$0x3FB1] =	sst s4  }
0xd: {  	[smem:$0x3FB2] =	sst s5  }
0xe: {  	[smem:$0x3FB3] =	sst s6  }
0xf: {  	[smem:$0x3FB4] =	sst s7  }
0x10: {  	[smem:$0x3FB5] =	sst s8  }
0x11: {  	[smem:$0x3FB6] =	sst s9;
	s0 =	simm.s32 @!p0 $0x0  }
0x12: {  	s1 =	sld [smem:$0x3F9C];
	s0 =	simm.s32 @p0 $0x1  }
0x13: {  	[smem:$0x3FB7] =	sst s0;
	s0 =	simm.s32 @!p1 $0x0  }
0x14: {  	s2 =	sld [smem:$0x3F9B];
	s0 =	simm.s32 @p1 $0x1  }
0x15: {  	[smem:$0x3FB8] =	sst s0;
	s0 =	simm.s32 @!p2 $0x0  }
0x16: {  	s3 =	sld [smem:$0x3FDB];
	s0 =	simm.s32 @p2 $0x1  }
0x17: {  	s4 =	simm.s32 $0x1BF5;
	[smem:$0x3FBA] =	sst s0  }
0x18: {  	s0 =	sld [smem:$0x3F9D];
	_ =	swait.ge [sflag:s4], $0x0  }
0x19: {  	s7 =	sld [smem:$0x3F9E]  }
0x1a: {  	s8 =	sadd.s32 $0xFFFFE003, lr  }
0x1b: {  	s9 =	sadd.s32 $0xFFFFFEF7, lr;
	s5 =	simm.s32 $0xFFFFFFFF;
	p2 =	slt.u32 s8, $0xFFFFF086  }
0x1c: {  	p1 =	slt.u32 s9, $0xF7A;
	s5 =	simm.s32 @!p2 $0x0  }
0x1d: {  	s5 =	simm.s32 @p1 $0x1;
	p0 =	seq.s32 s7, s2  }
0x1e: {  	s7 =	smul.u32 @!p0 $0xF7A, s2;
	p2 =	seq.s32 @!p0 s5, $0x0  }
0x1f: {  	s9 =	smul.u32 $0xF7A, s1;
	s8 =	simm.s32 @!p0 $0x1BF5;
	p2 =	por !p2, p0  }
0x20: {  	[sflag:s8] =	ssyncset.s32 @!p0 $0xFFFFF086;
	s6 =	sadd.s32 @!p0 s3, s7;
	s7 =	simm.s32 @!p0 $0x108  }
0x21: {  	s3 =	sadd.s32 s3, s9;
	s6 =	sadd.s32 @!p0 $0x88, s6;
	s7 =	simm.s32 @p2 $0x1082  }
0x22: {  	[simem:s7], [sflag:s8] =	dma.local @!p0 [hbm:s6], $0xF7A  }
0x23: {  	s9 =	sor.u32 $0xD0000000, s2;
	s6 =	simm.s32 $0x108;
	_ =	swait.ge @!p0 [sflag:s8], $0x0  }
0x24: {  	s3 =	sadd.s32 $0x88, s3;
	s6 =	simm.s32 @!p1 $0x1082;
	[sflag:s4] =	ssyncset.s32 $0xFFFFF086  }
0x25: {  	[simem:s6], [sflag:s4] =	dma.local [hbm:s3], $0xF7A  }
0x26: {  	[smem:$0x3F9E] =	sst s1;
	(tag) =	ssettag s2;
	_ =	strace s9  }
0x27: {  	s1 =	sld [smem:$0x3FAE]  }
0x28: {  	s2 =	sld [smem:$0x3FAF]  }
0x29: {  	s4 =	sld [smem:$0x3FB1]  }
0x2a: {  	p0 =	seq.s32 s5, $0x0;
	s5 =	sld [smem:$0x3FB2]  }
0x2b: {  	s6 =	sld [smem:$0x3FB3]  }
0x2c: {  	s7 =	sld [smem:$0x3FB4]  }
0x2d: {  	s3 =	simm.s32 $0x108;
	s8 =	sld [smem:$0x3FB5]  }
0x2e: {  	s3 =	simm.s32 @!p0 $0x1082;
	s9 =	sld [smem:$0x3FB6]  }
0x2f: {  	lr =	sadd.s32 s0, s3;
	s0 =	sld [smem:$0x3FAD]  }
0x30: {  	s3 =	sld [smem:$0x3FB0]  }
0x31: {  	[smem:$0x3FB9] =	sst s10  }
0x32: {  	s10 =	sld [smem:$0x3FB7];
	_ =	sdelay $0x3  }
0x33: {  	p0 =	seq.s32 s10, $0x1;
	s10 =	sld [smem:$0x3FB9];
	_ =	sdelay $0x3  }
0x34: {  	[smem:$0x3FB9] =	sst s10  }
0x35: {  	s10 =	sld [smem:$0x3FB8];
	_ =	sdelay $0x3  }
0x36: {  	p1 =	seq.s32 s10, $0x1;
	s10 =	sld [smem:$0x3FB9];
	_ =	sdelay $0x3  }
0x37: {  	[smem:$0x3FB9] =	sst s10  }
0x38: {  	s10 =	sld [smem:$0x3FBA]  }
0x39: {  	_ = 	snop;
	(pc) =	sbr.ind lr, $3  }
0x3a: {  	_ = 	snop  }
0x3b: {  	_ = 	snop  }
0x3c: {  	p2 =	seq.s32 s10, $0x1;
	s10 =	sld [smem:$0x3FB9]  }
0x3d: {  	_ =	shalt  }
0x3e: {  	_ =	shalt  }
0x3f: {  	_ =	shalt  }
0x40: {  	_ =	shalt  }
0x41: {  	_ =	shalt  }
0x42: {  	_ =	shalt  }
0x43: {  	_ =	shalt  }
0x44: {  	_ =	shalt  }
0x45: {  	_ =	shalt  }
0x46: {  	_ =	shalt  }
0x47: {  	_ =	shalt  }
0x48: {  	_ =	shalt  }
0x49: {  	_ =	shalt  }
0x4a: {  	_ =	shalt  }
0x4b: {  	_ =	shalt  }
0x4c: {  	_ =	shalt  }
0x4d: {  	_ =	shalt  }
0x4e: {  	_ =	shalt  }
0x4f: {  	_ =	shalt  }
0x50: {  	_ =	shalt  }
0x51: {  	_ =	shalt  }
0x52: {  	_ =	shalt  }
0x53: {  	_ =	shalt  }
0x54: {  	_ =	shalt  }
0x55: {  	_ =	shalt  }
0x56: {  	_ =	shalt  }
0x57: {  	_ =	shalt  }
0x58: {  	_ =	shalt  }
0x59: {  	_ =	shalt  }
0x5a: {  	_ =	shalt  }
0x5b: {  	_ =	shalt  }
0x5c: {  	_ =	shalt  }
0x5d: {  	_ =	shalt  }
0x5e: {  	_ =	shalt  }
0x5f: {  	_ =	shalt  }
0x60: {  	_ =	shalt  }
0x61: {  	_ =	shalt  }
0x62: {  	_ =	shalt  }
0x63: {  	_ =	shalt  }
0x64: {  	_ =	shalt  }
0x65: {  	_ =	shalt  }
0x66: {  	_ =	shalt  }
0x67: {  	_ =	shalt  }
0x68: {  	_ =	shalt  }
0x69: {  	_ =	shalt  }
0x6a: {  	_ =	shalt  }
0x6b: {  	_ =	shalt  }
0x6c: {  	_ =	shalt  }
0x6d: {  	_ =	shalt  }
0x6e: {  	_ =	shalt  }
0x6f: {  	_ =	shalt  }
0x70: {  	_ =	shalt  }
0x71: {  	_ =	shalt  }
0x72: {  	_ =	shalt  }
0x73: {  	_ =	shalt  }
0x74: {  	_ =	shalt  }
0x75: {  	_ =	shalt  }
0x76: {  	_ =	shalt  }
0x77: {  	_ =	shalt  }
0x78: {  	_ =	shalt  }
0x79: {  	_ =	shalt  }
0x7a: {  	_ =	shalt  }
0x7b: {  	_ =	shalt  }
0x7c: {  	_ =	shalt  }
0x7d: {  	_ =	shalt  }
0x7e: {  	_ =	shalt  }
0x7f: {  	_ =	shalt  }
0x80: {  	_ =	shalt  }
0x81: {  	_ =	shalt  }
0x82: {  	_ =	shalt  }
0x83: {  	_ =	shalt  }
0x84: {  	_ =	shalt  }
0x85: {  	_ =	shalt  }
0x86: {  	_ =	shalt  }
0x87: {  	_ =	shalt  }
.Lfunc_end0:
.L_simem_size_0:
called_computation_lowered:
.L_overlay_start_0:
0x88: {  	s2 =	sld [smem:$0x3FD9]  }
0x89: {  	s3 =	sld [smem:$0x3FFE];
	_ =	sdelay $0x1  }
0x8a: {  	s1 =	srdreg.scid  }
0x8b: {  	s0 =	sand.u32 $0x1, s1  }
0x8c: {  	s17 =	sshll.u32 s0, $0xA;
	s2 =	sadd.s32 s3, s2  }
0x8d: {  	s2 =	sadd.s32 s2, s17  }
0x8e: {  	[smem:$0x3FC5] =	sst s2  }
0x8f: {  	_ = 	snop  }
0x90: {  	s2 =	sld [smem:$0x3FC9]  }
0x91: {  	s18 =	sld [smem:$0x3FD0];
	(tm) =	ssettm $0x1  }
0x92: {  	s4 =	sld [smem:$0x3FFB];
	_ =	sdelay $0x3  }
0x93: {  	_ =	strace s4  }
0x94: {  	s4 =	sld [smem:$0x3FFC];
	_ =	sdelay $0x3  }
0x95: {  	_ =	strace s4  }
0x96: {  	s4 =	sld [smem:$0x3FFD];
	_ =	sdelay $0x3  }
0x97: {  	_ =	strace s4  }
0x98: {  	_ =	strace $0x8FFFFFFF  }
0x99: {  	s19 =	sld [smem:$0x3FDB];
	_ =	sdelay $0x1  }
0x9a: {  	s5 =	simm.s32 $_scs_section_size  }
0x9b: {  	s6 =	simm.s32 $_size__tile_overlayer_lowered;
	s7 =	simm.s32 $_tile_overlayer_lowered  }
0x9c: {  	s22 =	simm.s32 $0x1BFF;
	s21 =	sshll.u32 s7, $0x1;
	s4 =	sadd.s32 s5, s19  }
0x9d: {  	s8 =	simm.s32 $0x0;
	s20 =	sshll.u32 s6, $0x1;
	s6 =	sadd.s32 s21, s4  }
0x9e: {  	[timem:s8], [sflag:s22] =	dma.local [hbm:s6], s20  }
0x9f: {  	_ =	swait.ge [sflag:s22], s20  }
0xa0: {  	s5 =	ssub.s32 $0x0, s20;
	[sflag:s22] =	ssyncset.done $0x0  }
0xa1: {  	[sflag:s22] =	ssyncadd.s32 s5;
	_ =	sdelay $0x1  }
0xa2: {  	s23 =	simm.s32 $0x1B8B  }
0xa3: {  	_ =	swait.ge [sflag:s23], $0x1  }
0xa4: {  	[sflag:s23] =	ssyncset.done $0x0  }
0xa5: {  	s25 =	simm.s32 $0x1B8E;
	s24 =	sld [smem:$0x3FFE];
	[sflag:s23] =	ssyncadd.s32 $0xFFFFFFFF  }
0xa6: {  	s26 =	simm.s32 $execute0_lowered;
	[smem:$0x3FD2] =	sst s25  }
0xa7: {  	s6 =	sshll.u32 s26, $0x1;
	_ =	strace $0x80000046;
	[dreg:$0x1] =	wrdreg $0xFFFFFFFF  }
0xa8: {  	s28 =	simm.s32 $_size_execute0_lowered;
	s4 =	sadd.s32 s4, s6;
	[dreg:$0x0] =	wrdreg $0x0  }
0xa9: {  	s6 =	sshll.u32 s28, $0x1;
	[dreg:$0x2] =	wrdreg s4  }
0xaa: {  	[dreg:$0x3] =	wrdreg s6  }
0xab: {  	[dreg:$0x4] =	wrdreg $0xC0  }
0xac: {  	_ =	task [dreg:s8], $0x5FFFF  }
0xad: {  	[dreg:$0x1] =	wrdreg $0xFFFFFFFF  }
0xae: {  	[dreg:$0x0] =	wrdreg $0x60  }
0xaf: {  	[dreg:$0x2] =	wrdreg s24  }
0xb0: {  	[dreg:$0x3] =	wrdreg s2  }
0xb1: {  	[dreg:$0x4] =	wrdreg s18  }
0xb2: {  	[dreg:$0x5] =	wrdreg $0x9  }
0xb3: {  	_ =	task.clear_ibuf [dreg:s8], $0x6FFFF;
	_ =	strace $0x90000046  }
0xb4: {  	s29 =	simm.s32 $0x9;
	_ =	strace $0x80000048  }
0xb5: {  	_ =	swait.ge [sflag:s29], $0x1  }
0xb6: {  	[sflag:s29] =	ssyncadd.s32 $0xFFFFFFFF  }
0xb7: {  	_ =	strace $0x90000048  }
0xb8: {  	_ =	sfence  }
0xb9: {  	s30 =	sld [smem:$0x0];
	_ =	sdelay $0x2  }
0xba: {  	s31 =	sshll.u32 s1, $0xD;
	s1 =	sshrl.u32 s1, $0x2  }
0xbb: {  	s3 =	sand.u32 $0x4000, s31;
	s1 =	sadd.s32 s1, s30  }
0xbc: {  	s0 =	sor.u32 s3, s0;
	s1 =	sshll.u32 s1, $0x11  }
0xbd: {  	s0 =	sor.u32 s1, s0  }
0xbe: {  	s0 =	sadd.s32 $0x8F2B, s0  }
0xbf: {  	[sflag:s0] =	ssyncadd.remote.s32 $0x1  }
0xc0: {  	_ =	sfence.sel $0xFFFF  }
0xc1: {  	[dreg:$0x0] =	wrdreg $0xFFFFFFFF;
	(pc) =	sbr.abs _section_cstart, $3  }
0xc2: {  	[dreg:$0x1] =	wrdreg $0xFFFFFFFF  }
0xc3: {  	_ =	task.clear_ibuf [dreg:s8], $0x2FFFF;
	_ =	strace $0x9FFFFFFF  }
0xc4: {  	(tm) =	ssettm $0x7FFFFFFF  }
0xc5: {  	_ =	shalt  }
tec
execute0_lowered:
.L_overlay_start_1:
0x0: {  	(tag) =	ssettag $0x1  }
0x1: {  	s0 =	rddreg [dreg:$0x0]  }
0x2: {  	s2 =	rddreg [dreg:$0x1]  }
0x3: {  	s1 =	rddreg [dreg:$0x2];
	s3 =	simm.s32 $0x0  }
0x4: {  	s7 =	stileid.u32;
	s4 =	srdreg.scid;
	s17 =	simm.s32 $0x3  }
0x5: {  	s18 =	simm.s32 $0x500;
	s31 =	simm.s32 $0x11500;
	s15 =	simm.s32 $0x12D00  }
0x6: {  	s16 =	simm.s32 $0x13500;
	s12 =	simm.s32 $0x14D00;
	s13 =	simm.s32 $0x15500  }
0x7: {  	s14 =	simm.s32 $0x15D00;
	s20 =	simm.s32 $0x17500;
	s21 =	simm.s32 $0x17D00  }
0x8: {  	s22 =	simm.s32 $0x1;
	s23 =	simm.s32 $0x2;
	s24 =	simm.s32 $0x0  }
0x9: {  	s5 =	sshll.u32 s7, $0x6;
	s6 =	sand.u32 $0x1, s4;
	s25 =	sshll.u32 s7, $0x1  }
0xa: {  	[smem:$0x7FF] =	sst s3;
	s4 =	sadd.s32 $0xC00, s0;
	s5 =	sand.u32 $0x300, s5  }
0xb: {  	s7 =	sor.u32 s6, s25;
	_ =	strace $0x80000047;
	s6 =	ssub.s32 $0x2, s6  }
0xc: {  	s5 =	sadd.s32 s5, s0;
	s8 =	sshll.u32 s7, $0x4;
	s10 =	smul.u32 $0x6000, s7  }
0xd: {  	s9 =	sshrl.u32 s6, $0x1;
	s26 =	smul.u32 $0x30000, s7;
	s19 =	sshll.u32 s7, $0xA  }
0xe: {  	s7 =	sadd.s32 $0x200, s2;
	s8 =	sand.u32 $0x70, s8;
	s9 =	ssub.s32 s6, s9  }
0xf: {  	s6 =	sadd.s32 $0x100, s2;
	v0 =	vmov s19;
	s19 =	simm.s32 $0x16D00;
	s5 =	sadd.s32 s8, s5  }
0x10: {  	s8 =	sadd.s32 $0xD00, s0;
	s11 =	sadd.s32 s1, s10;
	s10 =	sadd.s32 $0xE00, s0  }
0x11: {  	s30 =	smax.u32 s9, $0x1;
	s5 =	sadd.s32 $0x800, s5;
	[dreg:$0x5] =	wrdreg s11  }
0x12: {  	s9 =	simm.s32 $0x16500;
	[dreg:$0x4] =	wrdreg s5;
	s5 =	sshrl.u32 s26, $0x3  }
0x13: {  	s28 =	sadd.s32 $0x1800, s11;
	[dreg:$0x9] =	wrdreg s30;
	s29 =	sadd.s32 s1, s5  }
0x14: {  	v3 =	vlaneseq.u32;
	s11 =	simm.s32 $0x14500;
	[dreg:$0x6] =	wrdreg s28;
	s1 =	sadd.s32 $0x3000, s29  }
0x15: {  	vm0 =	vmmov $0xffff;
	v2 =	vshrl.u32 v3, $0x3;
	s5 =	simm.s32 $0x13D00;
	s0 =	sadd.s32 $0x4800, s29;
	[dreg:$0x7] =	wrdreg s1  }
0x16: {  	v1 =	vand.u32 $0x7, v3;
	v3 =	vor.u32 $0x8, v3;
	v2 =	vmul.u32 $0x8, v2;
	[dreg:$0x8] =	wrdreg s0;
	s0 =	simm.s32 $0x11D00;
	s1 =	simm.s32 $0x12500  }
.LBB2_1:
0x17: {  	s25 =	rddreg [dreg:$0x4];
	s26 =	simm.s32 $0x80;
	s28 =	simm.s32 $0x400  }
0x18: {  	[tilespmem:s3], [sflag:$0x3] =	stream.strided.gather [hbm4b:s25+s26], $0x100, s28, s26, $0x38;
	[tilespmem:$0x18500] =	vst v63  }
0x19: {  	_ =	swait.ge [sflag:s17], $0x100  }
0x1a: {  	[sflag:s17] =	ssyncset.done $0x0  }
0x1b: {  	[sflag:s17] =	ssyncadd.s32 $0xFFFFFF00  }
0x1c: {  	v4 =	vld [tilespmem:$0x0];
	_ =	sdelay $0x1  }
0x1d: {  	v5 =	vld [tilespmem:$0x10];
	_ =	sdelay $0x1  }
0x1e: {  	v6 =	vld [tilespmem:$0x20]  }
0x1f: {  	v7 =	vadd.s32 v0, v4  }
0x20: {  	v4 =	vadd.s32 $0x1, v4;
	[tilespmem:$0x100] =	vst v7;
	v7 =	vld [tilespmem:$0x30]  }
0x21: {  	[tilespmem:$0x300] =	vst v4;
	v4 =	vadd.s32 v0, v5  }
0x22: {  	[tilespmem:$0x110] =	vst v4;
	v4 =	vadd.s32 $0x1, v5;
	v5 =	vld [tilespmem:$0x40]  }
0x23: {  	[tilespmem:$0x310] =	vst v4;
	v4 =	vadd.s32 v0, v6  }
0x24: {  	[tilespmem:$0x120] =	vst v4;
	v4 =	vadd.s32 $0x1, v6;
	v6 =	vld [tilespmem:$0x50]  }
0x25: {  	[tilespmem:$0x320] =	vst v4;
	v4 =	vadd.s32 v0, v7  }
0x26: {  	[tilespmem:$0x130] =	vst v4;
	v4 =	vadd.s32 $0x1, v7;
	v7 =	vld [tilespmem:$0x60]  }
0x27: {  	[tilespmem:$0x330] =	vst v4;
	v4 =	vadd.s32 v0, v5  }
0x28: {  	[tilespmem:$0x180] =	vst v4;
	v4 =	vadd.s32 $0x1, v5;
	v5 =	vld [tilespmem:$0x70]  }
0x29: {  	[tilespmem:$0x380] =	vst v4;
	v4 =	vadd.s32 v0, v6  }
0x2a: {  	[tilespmem:$0x190] =	vst v4;
	v4 =	vadd.s32 $0x1, v6;
	v6 =	vld [tilespmem:$0x80]  }
0x2b: {  	[tilespmem:$0x390] =	vst v4;
	v4 =	vadd.s32 v0, v7  }
0x2c: {  	[tilespmem:$0x1A0] =	vst v4;
	v4 =	vadd.s32 $0x1, v7;
	v7 =	vld [tilespmem:$0x90]  }
0x2d: {  	[tilespmem:$0x3A0] =	vst v4;
	v4 =	vadd.s32 v0, v5  }
0x2e: {  	[tilespmem:$0x1B0] =	vst v4;
	v4 =	vadd.s32 $0x1, v5;
	v5 =	vld [tilespmem:$0xA0]  }
0x2f: {  	v8 =	vld [tilespmem:$0xB0];
	[tilespmem:$0x3B0] =	vst v4;
	v4 =	vadd.s32 v0, v6  }
0x30: {  	[tilespmem:$0x200] =	vst v4;
	v4 =	vadd.s32 $0x1, v6;
	v6 =	vld [tilespmem:$0x100]  }
0x31: {  	[tilespmem:$0x400] =	vst v4;
	v4 =	vadd.s32 v0, v7  }
0x32: {  	[tilespmem:$0x210] =	vst v4;
	v4 =	vadd.s32 $0x1, v7;
	v7 =	vld [tilespmem:$0xC0]  }
0x33: {  	[tilespmem:$0x410] =	vst v4;
	v4 =	vadd.s32 v0, v5  }
0x34: {  	[tilespmem:$0x220] =	vst v4;
	v4 =	vadd.s32 $0x1, v5;
	v5 =	vld [tilespmem:$0xD0]  }
0x35: {  	[tilespmem:$0x420] =	vst v4;
	v4 =	vadd.s32 v0, v8;
	v9 =	vshrl.u32 v6, $0x3  }
0x36: {  	[tilespmem:$0x230] =	vst v4;
	v4 =	vadd.s32 $0x1, v8;
	v8 =	vld [tilespmem:$0xE0];
	v9 =	vmul.u32 $0x30, v9  }
0x37: {  	v6 =	vand.u32 $0x7, v6;
	[tilespmem:$0x430] =	vst v4;
	v4 =	vadd.s32 v0, v7  }
0x38: {  	[tilespmem:$0x280] =	vst v4;
	v4 =	vadd.s32 $0x1, v7;
	v7 =	vld [tilespmem:$0xF0];
	v6 =	vor.u32 v6, v9  }
0x39: {  	[tilespmem:$0x480] =	vst v4;
	v4 =	vadd.s32 v0, v5;
	v9 =	vperm.xlane v6, v1  }
0x3a: {  	[tilespmem:$0x290] =	vst v4;
	v4 =	vadd.s32 $0x1, v5  }
0x3b: {  	[tilespmem:$0x490] =	vst v4;
	v4 =	vadd.s32 v0, v8;
	v5 =	vadd.s32 v2, v9  }
0x3c: {  	[tilespmem:$0x2A0] =	vst v4;
	v4 =	vadd.s32 $0x1, v8  }
0x3d: {  	[tilespmem:$0x4A0] =	vst v4;
	v4 =	vadd.s32 v0, v7  }
0x3e: {  	[tilespmem:$0x2B0] =	vst v4;
	v4 =	vadd.s32 $0x1, v7  }
0x3f: {  	[tilespmem:$0x4B0] =	vst v4;
	v4 =	vperm.xlane v6, v3  }
0x40: {  	[tilespmem:s18], [sflag:$0x1] =	stream.indirect_vreg.gather [hbm4b:s2+s3], $0x80, v5, vm0, $0xb8;
	[tilespmem:$0x18500] =	vst v63  }
0x41: {  	s30 =	simm.s32 $0xD00;
	v4 =	vadd.s32 v2, v4  }
0x42: {  	[tilespmem:s30], [sflag:$0x1] =	stream.indirect_vreg.gather [hbm4b:s6+s3], $0x80, v5, vm0, $0xb8;
	[tilespmem:$0x18500] =	vst v63  }
0x43: {  	s26 =	simm.s32 $0x1500  }
0x44: {  	[tilespmem:s26], [sflag:$0x1] =	stream.indirect_vreg.gather [hbm4b:s7+s3], $0x80, v5, vm0, $0xb8;
	[tilespmem:$0x18500] =	vst v63  }
0x45: {  	s30 =	simm.s32 $0x1D00  }
0x46: {  	[tilespmem:s30], [sflag:$0x1] =	stream.indirect_vreg.gather [hbm4b:s2+s3], $0x80, v4, vm0, $0xb8;
	[tilespmem:$0x18500] =	vst v63  }
0x47: {  	s26 =	simm.s32 $0x2500  }
0x48: {  	[tilespmem:s26], [sflag:$0x1] =	stream.indirect_vreg.gather [hbm4b:s6+s3], $0x80, v4, vm0, $0xb8;
	[tilespmem:$0x18500] =	vst v63  }
0x49: {  	s30 =	simm.s32 $0x2D00  }
0x4a: {  	[tilespmem:s30], [sflag:$0x1] =	stream.indirect_vreg.gather [hbm4b:s7+s3], $0x80, v4, vm0, $0xb8;
	[tilespmem:$0x18500] =	vst v63  }
0x4b: {  	v4 =	vld [tilespmem:$0x110];
	_ =	sdelay $0x4  }
0x4c: {  	v5 =	vshrl.u32 v4, $0x3  }
0x4d: {  	v5 =	vmul.u32 $0x30, v5  }
0x4e: {  	v4 =	vand.u32 $0x7, v4  }
0x4f: {  	v4 =	vor.u32 v4, v5  }
0x50: {  	v5 =	vperm.xlane v4, v1;
	_ =	sdelay $0x1  }
0x51: {  	v5 =	vadd.s32 v2, v5;
	_ =	sdelay $0x3  }
0x52: {  	s26 =	simm.s32 $0x3500;
	v4 =	vperm.xlane v4, v3  }
0x53: {  	[tilespmem:s26], [sflag:$0x1] =	stream.indirect_vreg.gather [hbm4b:s2+s3], $0x80, v5, vm0, $0xb8;
	[tilespmem:$0x18500] =	vst v63  }
0x54: {  	s30 =	simm.s32 $0x3D00;
	v4 =	vadd.s32 v2, v4  }
0x55: {  	[tilespmem:s30], [sflag:$0x1] =	stream.indirect_vreg.gather [hbm4b:s6+s3], $0x80, v5, vm0, $0xb8;
	[tilespmem:$0x18500] =	vst v63  }
0x56: {  	s26 =	simm.s32 $0x4500  }
0x57: {  	[tilespmem:s26], [sflag:$0x1] =	stream.indirect_vreg.gather [hbm4b:s7+s3], $0x80, v5, vm0, $0xb8;
	[tilespmem:$0x18500] =	vst v63  }
0x58: {  	s30 =	simm.s32 $0x4D00  }
0x59: {  	[tilespmem:s30], [sflag:$0x1] =	stream.indirect_vreg.gather [hbm4b:s2+s3], $0x80, v4, vm0, $0xb8;
	[tilespmem:$0x18500] =	vst v63  }
0x5a: {  	s26 =	simm.s32 $0x5500  }
0x5b: {  	[tilespmem:s26], [sflag:$0x1] =	stream.indirect_vreg.gather [hbm4b:s6+s3], $0x80, v4, vm0, $0xb8;
	[tilespmem:$0x18500] =	vst v63  }
0x5c: {  	s30 =	simm.s32 $0x5D00  }
0x5d: {  	[tilespmem:s30], [sflag:$0x1] =	stream.indirect_vreg.gather [hbm4b:s7+s3], $0x80, v4, vm0, $0xb8;
	[tilespmem:$0x18500] =	vst v63  }
0x5e: {  	v4 =	vld [tilespmem:$0x120];
	_ =	sdelay $0x4  }
0x5f: {  	v5 =	vshrl.u32 v4, $0x3  }
0x60: {  	v5 =	vmul.u32 $0x30, v5  }
0x61: {  	v4 =	vand.u32 $0x7, v4  }
0x62: {  	v4 =	vor.u32 v4, v5  }
0x63: {  	v5 =	vperm.xlane v4, v1;
	_ =	sdelay $0x1  }
0x64: {  	v5 =	vadd.s32 v2, v5;
	_ =	sdelay $0x3  }
0x65: {  	s26 =	simm.s32 $0x6500;
	v4 =	vperm.xlane v4, v3  }
0x66: {  	[tilespmem:s26], [sflag:$0x1] =	stream.indirect_vreg.gather [hbm4b:s2+s3], $0x80, v5, vm0, $0xb8;
	[tilespmem:$0x18500] =	vst v63  }
0x67: {  	s30 =	simm.s32 $0x6D00;
	v4 =	vadd.s32 v2, v4  }
0x68: {  	[tilespmem:s30], [sflag:$0x1] =	stream.indirect_vreg.gather [hbm4b:s6+s3], $0x80, v5, vm0, $0xb8;
	[tilespmem:$0x18500] =	vst v63  }
0x69: {  	s26 =	simm.s32 $0x7500  }
0x6a: {  	[tilespmem:s26], [sflag:$0x1] =	stream.indirect_vreg.gather [hbm4b:s7+s3], $0x80, v5, vm0, $0xb8;
	[tilespmem:$0x18500] =	vst v63  }
0x6b: {  	s30 =	simm.s32 $0x7D00  }
0x6c: {  	[tilespmem:s30], [sflag:$0x1] =	stream.indirect_vreg.gather [hbm4b:s2+s3], $0x80, v4, vm0, $0xb8;
	[tilespmem:$0x18500] =	vst v63  }
0x6d: {  	s26 =	simm.s32 $0x8500  }
0x6e: {  	[tilespmem:s26], [sflag:$0x1] =	stream.indirect_vreg.gather [hbm4b:s6+s3], $0x80, v4, vm0, $0xb8;
	[tilespmem:$0x18500] =	vst v63  }
0x6f: {  	s30 =	simm.s32 $0x8D00  }
0x70: {  	[tilespmem:s30], [sflag:$0x1] =	stream.indirect_vreg.gather [hbm4b:s7+s3], $0x80, v4, vm0, $0xb8;
	[tilespmem:$0x18500] =	vst v63  }
0x71: {  	v4 =	vld [tilespmem:$0x130];
	_ =	sdelay $0x4  }
0x72: {  	v5 =	vshrl.u32 v4, $0x3  }
0x73: {  	v5 =	vmul.u32 $0x30, v5  }
0x74: {  	v4 =	vand.u32 $0x7, v4  }
0x75: {  	v4 =	vor.u32 v4, v5  }
0x76: {  	v5 =	vperm.xlane v4, v1;
	_ =	sdelay $0x1  }
0x77: {  	v5 =	vadd.s32 v2, v5;
	_ =	sdelay $0x3  }
0x78: {  	s26 =	simm.s32 $0x9500;
	v4 =	vperm.xlane v4, v3  }
0x79: {  	[tilespmem:s26], [sflag:$0x1] =	stream.indirect_vreg.gather [hbm4b:s2+s3], $0x80, v5, vm0, $0xb8;
	[tilespmem:$0x18500] =	vst v63  }
0x7a: {  	s30 =	simm.s32 $0x9D00;
	v4 =	vadd.s32 v2, v4  }
0x7b: {  	[tilespmem:s30], [sflag:$0x1] =	stream.indirect_vreg.gather [hbm4b:s6+s3], $0x80, v5, vm0, $0xb8;
	[tilespmem:$0x18500] =	vst v63  }
0x7c: {  	s26 =	simm.s32 $0xA500  }
0x7d: {  	[tilespmem:s26], [sflag:$0x1] =	stream.indirect_vreg.gather [hbm4b:s7+s3], $0x80, v5, vm0, $0xb8;
	[tilespmem:$0x18500] =	vst v63  }
0x7e: {  	s30 =	simm.s32 $0xAD00  }
0x7f: {  	[tilespmem:s30], [sflag:$0x1] =	stream.indirect_vreg.gather [hbm4b:s2+s3], $0x80, v4, vm0, $0xb8;
	[tilespmem:$0x18500] =	vst v63  }
0x80: {  	s26 =	simm.s32 $0xB500  }
0x81: {  	[tilespmem:s26], [sflag:$0x1] =	stream.indirect_vreg.gather [hbm4b:s6+s3], $0x80, v4, vm0, $0xb8;
	[tilespmem:$0x18500] =	vst v63  }
0x82: {  	s30 =	simm.s32 $0xBD00  }
0x83: {  	[tilespmem:s30], [sflag:$0x1] =	stream.indirect_vreg.gather [hbm4b:s7+s3], $0x80, v4, vm0, $0xb8;
	[tilespmem:$0x18500] =	vst v63  }
0x84: {  	v4 =	vld [tilespmem:$0x300];
	_ =	sdelay $0x4  }
0x85: {  	v5 =	vshrl.u32 v4, $0x3  }
0x86: {  	v5 =	vmul.u32 $0x30, v5  }
0x87: {  	v4 =	vand.u32 $0x7, v4  }
0x88: {  	v4 =	vor.u32 v4, v5  }
0x89: {  	v5 =	vperm.xlane v4, v1;
	_ =	sdelay $0x1  }
0x8a: {  	v5 =	vadd.s32 v2, v5;
	_ =	sdelay $0x3  }
0x8b: {  	s26 =	simm.s32 $0xC500;
	v4 =	vperm.xlane v4, v3  }
0x8c: {  	[tilespmem:s26], [sflag:$0x2] =	stream.indirect_vreg.gather [hbm4b:s4+s3], $0x80, v5, vm0, $0xb8;
	[tilespmem:$0x18500] =	vst v63  }
0x8d: {  	s30 =	simm.s32 $0xCD00;
	v4 =	vadd.s32 v2, v4  }
0x8e: {  	[tilespmem:s30], [sflag:$0x2] =	stream.indirect_vreg.gather [hbm4b:s8+s3], $0x80, v5, vm0, $0xb8;
	[tilespmem:$0x18500] =	vst v63  }
0x8f: {  	s26 =	simm.s32 $0xD500  }
0x90: {  	[tilespmem:s26], [sflag:$0x2] =	stream.indirect_vreg.gather [hbm4b:s10+s3], $0x80, v5, vm0, $0xb8;
	[tilespmem:$0x18500] =	vst v63  }
0x91: {  	s30 =	simm.s32 $0xDD00  }
0x92: {  	[tilespmem:s30], [sflag:$0x2] =	stream.indirect_vreg.gather [hbm4b:s4+s3], $0x80, v4, vm0, $0xb8;
	[tilespmem:$0x18500] =	vst v63  }
0x93: {  	s26 =	simm.s32 $0xE500  }
0x94: {  	[tilespmem:s26], [sflag:$0x2] =	stream.indirect_vreg.gather [hbm4b:s8+s3], $0x80, v4, vm0, $0xb8;
	[tilespmem:$0x18500] =	vst v63  }
0x95: {  	s30 =	simm.s32 $0xED00  }
0x96: {  	[tilespmem:s30], [sflag:$0x2] =	stream.indirect_vreg.gather [hbm4b:s10+s3], $0x80, v4, vm0, $0xb8;
	[tilespmem:$0x18500] =	vst v63  }
0x97: {  	v4 =	vld [tilespmem:$0x310];
	_ =	sdelay $0x4  }
0x98: {  	v5 =	vshrl.u32 v4, $0x3  }
0x99: {  	v5 =	vmul.u32 $0x30, v5  }
0x9a: {  	v4 =	vand.u32 $0x7, v4  }
0x9b: {  	v4 =	vor.u32 v4, v5  }
0x9c: {  	v5 =	vperm.xlane v4, v1;
	_ =	sdelay $0x1  }
0x9d: {  	v5 =	vadd.s32 v2, v5;
	_ =	sdelay $0x3  }
0x9e: {  	s26 =	simm.s32 $0xF500;
	v4 =	vperm.xlane v4, v3  }
0x9f: {  	[tilespmem:s26], [sflag:$0x2] =	stream.indirect_vreg.gather [hbm4b:s4+s3], $0x80, v5, vm0, $0xb8;
	[tilespmem:$0x18500] =	vst v63  }
0xa0: {  	s30 =	simm.s32 $0xFD00;
	v4 =	vadd.s32 v2, v4  }
0xa1: {  	[tilespmem:s30], [sflag:$0x2] =	stream.indirect_vreg.gather [hbm4b:s8+s3], $0x80, v5, vm0, $0xb8;
	[tilespmem:$0x18500] =	vst v63  }
0xa2: {  	s26 =	simm.s32 $0x10500  }
0xa3: {  	[tilespmem:s26], [sflag:$0x2] =	stream.indirect_vreg.gather [hbm4b:s10+s3], $0x80, v5, vm0, $0xb8;
	[tilespmem:$0x18500] =	vst v63  }
0xa4: {  	s30 =	simm.s32 $0x10D00  }
0xa5: {  	[tilespmem:s30], [sflag:$0x2] =	stream.indirect_vreg.gather [hbm4b:s4+s3], $0x80, v4, vm0, $0xb8;
	[tilespmem:$0x18500] =	vst v63  }
0xa6: {  	_ = 	snop  }
0xa7: {  	[tilespmem:s31], [sflag:$0x2] =	stream.indirect_vreg.gather [hbm4b:s8+s3], $0x80, v4, vm0, $0xb8;
	[tilespmem:$0x18500] =	vst v63  }
0xa8: {  	_ = 	snop  }
0xa9: {  	[tilespmem:s0], [sflag:$0x2] =	stream.indirect_vreg.gather [hbm4b:s10+s3], $0x80, v4, vm0, $0xb8;
	[tilespmem:$0x18500] =	vst v63  }
0xaa: {  	v4 =	vld [tilespmem:$0x320];
	_ =	sdelay $0x4  }
0xab: {  	v5 =	vshrl.u32 v4, $0x3  }
0xac: {  	v5 =	vmul.u32 $0x30, v5  }
0xad: {  	v4 =	vand.u32 $0x7, v4  }
0xae: {  	v4 =	vor.u32 v4, v5  }
0xaf: {  	v5 =	vperm.xlane v4, v1;
	_ =	sdelay $0x1  }
0xb0: {  	v5 =	vadd.s32 v2, v5;
	_ =	sdelay $0x3  }
0xb1: {  	v4 =	vperm.xlane v4, v3  }
0xb2: {  	[tilespmem:s1], [sflag:$0x2] =	stream.indirect_vreg.gather [hbm4b:s4+s3], $0x80, v5, vm0, $0xb8;
	[tilespmem:$0x18500] =	vst v63  }
0xb3: {  	v4 =	vadd.s32 v2, v4  }
0xb4: {  	[tilespmem:s15], [sflag:$0x2] =	stream.indirect_vreg.gather [hbm4b:s8+s3], $0x80, v5, vm0, $0xb8;
	[tilespmem:$0x18500] =	vst v63  }
0xb5: {  	_ = 	snop  }
0xb6: {  	[tilespmem:s16], [sflag:$0x2] =	stream.indirect_vreg.gather [hbm4b:s10+s3], $0x80, v5, vm0, $0xb8;
	[tilespmem:$0x18500] =	vst v63  }
0xb7: {  	_ = 	snop  }
0xb8: {  	[tilespmem:s5], [sflag:$0x2] =	stream.indirect_vreg.gather [hbm4b:s4+s3], $0x80, v4, vm0, $0xb8;
	[tilespmem:$0x18500] =	vst v63  }
0xb9: {  	_ = 	snop  }
0xba: {  	[tilespmem:s11], [sflag:$0x2] =	stream.indirect_vreg.gather [hbm4b:s8+s3], $0x80, v4, vm0, $0xb8;
	[tilespmem:$0x18500] =	vst v63  }
0xbb: {  	_ = 	snop  }
0xbc: {  	[tilespmem:s12], [sflag:$0x2] =	stream.indirect_vreg.gather [hbm4b:s10+s3], $0x80, v4, vm0, $0xb8;
	[tilespmem:$0x18500] =	vst v63  }
0xbd: {  	v4 =	vld [tilespmem:$0x330];
	_ =	sdelay $0x4  }
0xbe: {  	v5 =	vshrl.u32 v4, $0x3  }
0xbf: {  	v5 =	vmul.u32 $0x30, v5  }
0xc0: {  	v4 =	vand.u32 $0x7, v4  }
0xc1: {  	v4 =	vor.u32 v4, v5  }
0xc2: {  	v5 =	vperm.xlane v4, v1;
	_ =	sdelay $0x1  }
0xc3: {  	v5 =	vadd.s32 v2, v5;
	_ =	sdelay $0x3  }
0xc4: {  	v4 =	vperm.xlane v4, v3  }
0xc5: {  	[tilespmem:s13], [sflag:$0x2] =	stream.indirect_vreg.gather [hbm4b:s4+s3], $0x80, v5, vm0, $0xb8;
	[tilespmem:$0x18500] =	vst v63  }
0xc6: {  	v4 =	vadd.s32 v2, v4  }
0xc7: {  	[tilespmem:s14], [sflag:$0x2] =	stream.indirect_vreg.gather [hbm4b:s8+s3], $0x80, v5, vm0, $0xb8;
	[tilespmem:$0x18500] =	vst v63  }
0xc8: {  	_ = 	snop  }
0xc9: {  	[tilespmem:s9], [sflag:$0x2] =	stream.indirect_vreg.gather [hbm4b:s10+s3], $0x80, v5, vm0, $0xb8;
	[tilespmem:$0x18500] =	vst v63  }
0xca: {  	_ = 	snop  }
0xcb: {  	[tilespmem:s19], [sflag:$0x2] =	stream.indirect_vreg.gather [hbm4b:s4+s3], $0x80, v4, vm0, $0xb8;
	[tilespmem:$0x18500] =	vst v63  }
0xcc: {  	_ = 	snop  }
0xcd: {  	[tilespmem:s20], [sflag:$0x2] =	stream.indirect_vreg.gather [hbm4b:s8+s3], $0x80, v4, vm0, $0xb8;
	[tilespmem:$0x18500] =	vst v63  }
0xce: {  	_ = 	snop  }
0xcf: {  	[tilespmem:s21], [sflag:$0x2] =	stream.indirect_vreg.gather [hbm4b:s10+s3], $0x80, v4, vm0, $0xb8;
	[tilespmem:$0x18500] =	vst v63  }
0xd0: {  	_ =	swait.ge [sflag:s22], $0xC000  }
0xd1: {  	[sflag:s22] =	ssyncset.done $0x0  }
0xd2: {  	s26 =	simm.s32 $0x0;
	[sflag:s22] =	ssyncadd.s32 $0xFFFF4000  }
0xd3: {  	s25 =	smul.u32 $0x1800, s26;
	_ =	swait.ge [sflag:s23], $0xC000  }
0xd4: {  	s30 =	sand.u32 $0x380, s3;
	[sflag:s23] =	ssyncset.done $0x0  }
0xd5: {  	s25 =	sor.u32 s30, s25;
	[sflag:s23] =	ssyncadd.s32 $0xFFFF4000  }
0xd6: {  	v4 =	vld [tilespmem:s25+$0xD970]  }
0xd7: {  	v7 =	vld [tilespmem:s25+$0xC500]  }
0xd8: {  	v8 =	vld [tilespmem:s25+$0xC510]  }
0xd9: {  	v63 =	vld [tilespmem:s25+$0xC520]  }
0xda: {  	v10 =	vld [tilespmem:s25+$0xC530]  }
0xdb: {  	v11 =	vld [tilespmem:s25+$0xC540]  }
0xdc: {  	v12 =	vld [tilespmem:s25+$0xC550]  }
0xdd: {  	v13 =	vld [tilespmem:s25+$0xC560]  }
0xde: {  	v14 =	vld [tilespmem:s25+$0xC570]  }
0xdf: {  	v15 =	vld [tilespmem:s25+$0xC900]  }
0xe0: {  	v16 =	vld [tilespmem:s25+$0xC910]  }
0xe1: {  	v17 =	vld [tilespmem:s25+$0xC920]  }
0xe2: {  	v18 =	vld [tilespmem:s25+$0xC930]  }
0xe3: {  	v19 =	vld [tilespmem:s25+$0xC940]  }
0xe4: {  	v20 =	vld [tilespmem:s25+$0xC950]  }
0xe5: {  	v21 =	vld [tilespmem:s25+$0xC960]  }
0xe6: {  	v22 =	vld [tilespmem:s25+$0xC970]  }
0xe7: {  	v23 =	vld [tilespmem:s25+$0xCD00]  }
0xe8: {  	v24 =	vld [tilespmem:s25+$0xCD10]  }
0xe9: {  	v25 =	vld [tilespmem:s25+$0xCD20]  }
0xea: {  	v26 =	vld [tilespmem:s25+$0xCD30]  }
0xeb: {  	v27 =	vld [tilespmem:s25+$0xCD40]  }
0xec: {  	v28 =	vld [tilespmem:s25+$0xCD50]  }
0xed: {  	v29 =	vld [tilespmem:s25+$0xCD60]  }
0xee: {  	v30 =	vld [tilespmem:s25+$0xCD70]  }
0xef: {  	v31 =	vld [tilespmem:s25+$0xD100]  }
0xf0: {  	v32 =	vld [tilespmem:s25+$0xD110]  }
0xf1: {  	v33 =	vld [tilespmem:s25+$0xD120]  }
0xf2: {  	v34 =	vld [tilespmem:s25+$0xD130]  }
0xf3: {  	v35 =	vld [tilespmem:s25+$0xD140]  }
0xf4: {  	v36 =	vld [tilespmem:s25+$0xD150]  }
0xf5: {  	v37 =	vld [tilespmem:s25+$0xD160]  }
0xf6: {  	v38 =	vld [tilespmem:s25+$0xD170]  }
0xf7: {  	v39 =	vld [tilespmem:s25+$0xD500]  }
0xf8: {  	v40 =	vld [tilespmem:s25+$0xD510]  }
0xf9: {  	v41 =	vld [tilespmem:s25+$0xD520]  }
0xfa: {  	v42 =	vld [tilespmem:s25+$0xD530]  }
0xfb: {  	v43 =	vld [tilespmem:s25+$0xD540]  }
0xfc: {  	v44 =	vld [tilespmem:s25+$0xD550]  }
0xfd: {  	v45 =	vld [tilespmem:s25+$0xD560]  }
0xfe: {  	v46 =	vld [tilespmem:s25+$0xD570]  }
0xff: {  	v47 =	vld [tilespmem:s25+$0xD900]  }
0x100: {  	v48 =	vld [tilespmem:s25+$0xD910]  }
0x101: {  	v49 =	vld [tilespmem:s25+$0xD920]  }
0x102: {  	v50 =	vld [tilespmem:s25+$0xD930]  }
0x103: {  	v6 =	vld [tilespmem:s25+$0xD940]  }
0x104: {  	v5 =	vld [tilespmem:s25+$0xD950]  }
0x105: {  	[tilespmem:s25+$0x1970] =	vst.add.f32.msk $0xffff, v4  }
0x106: {  	v4 =	vld [tilespmem:s25+$0xD960]  }
0x107: {  	[tilespmem:s25+$0x500] =	vst.add.f32.msk $0xffff, v7  }
0x108: {  	[tilespmem:s25+$0x510] =	vst.add.f32.msk $0xffff, v8  }
0x109: {  	[tilespmem:s25+$0x520] =	vst.add.f32.msk $0xffff, v63  }
0x10a: {  	[tilespmem:s25+$0x530] =	vst.add.f32.msk $0xffff, v10  }
0x10b: {  	[tilespmem:s25+$0x540] =	vst.add.f32.msk $0xffff, v11  }
0x10c: {  	[tilespmem:s25+$0x550] =	vst.add.f32.msk $0xffff, v12  }
0x10d: {  	[tilespmem:s25+$0x560] =	vst.add.f32.msk $0xffff, v13  }
0x10e: {  	[tilespmem:s25+$0x570] =	vst.add.f32.msk $0xffff, v14  }
0x10f: {  	[tilespmem:s25+$0x900] =	vst.add.f32.msk $0xffff, v15  }
0x110: {  	[tilespmem:s25+$0x910] =	vst.add.f32.msk $0xffff, v16  }
0x111: {  	[tilespmem:s25+$0x920] =	vst.add.f32.msk $0xffff, v17  }
0x112: {  	[tilespmem:s25+$0x930] =	vst.add.f32.msk $0xffff, v18  }
0x113: {  	[tilespmem:s25+$0x940] =	vst.add.f32.msk $0xffff, v19  }
0x114: {  	[tilespmem:s25+$0x950] =	vst.add.f32.msk $0xffff, v20  }
0x115: {  	[tilespmem:s25+$0x960] =	vst.add.f32.msk $0xffff, v21  }
0x116: {  	[tilespmem:s25+$0x970] =	vst.add.f32.msk $0xffff, v22  }
0x117: {  	[tilespmem:s25+$0xD00] =	vst.add.f32.msk $0xffff, v23  }
0x118: {  	[tilespmem:s25+$0xD10] =	vst.add.f32.msk $0xffff, v24  }
0x119: {  	[tilespmem:s25+$0xD20] =	vst.add.f32.msk $0xffff, v25  }
0x11a: {  	[tilespmem:s25+$0xD30] =	vst.add.f32.msk $0xffff, v26  }
0x11b: {  	[tilespmem:s25+$0xD40] =	vst.add.f32.msk $0xffff, v27  }
0x11c: {  	[tilespmem:s25+$0xD50] =	vst.add.f32.msk $0xffff, v28  }
0x11d: {  	[tilespmem:s25+$0xD60] =	vst.add.f32.msk $0xffff, v29  }
0x11e: {  	[tilespmem:s25+$0xD70] =	vst.add.f32.msk $0xffff, v30  }
0x11f: {  	[tilespmem:s25+$0x1100] =	vst.add.f32.msk $0xffff, v31  }
0x120: {  	[tilespmem:s25+$0x1110] =	vst.add.f32.msk $0xffff, v32  }
0x121: {  	[tilespmem:s25+$0x1120] =	vst.add.f32.msk $0xffff, v33  }
0x122: {  	[tilespmem:s25+$0x1130] =	vst.add.f32.msk $0xffff, v34  }
0x123: {  	[tilespmem:s25+$0x1140] =	vst.add.f32.msk $0xffff, v35  }
0x124: {  	[tilespmem:s25+$0x1150] =	vst.add.f32.msk $0xffff, v36  }
0x125: {  	[tilespmem:s25+$0x1160] =	vst.add.f32.msk $0xffff, v37  }
0x126: {  	[tilespmem:s25+$0x1170] =	vst.add.f32.msk $0xffff, v38  }
0x127: {  	[tilespmem:s25+$0x1500] =	vst.add.f32.msk $0xffff, v39  }
0x128: {  	[tilespmem:s25+$0x1510] =	vst.add.f32.msk $0xffff, v40  }
0x129: {  	[tilespmem:s25+$0x1520] =	vst.add.f32.msk $0xffff, v41  }
0x12a: {  	[tilespmem:s25+$0x1530] =	vst.add.f32.msk $0xffff, v42  }
0x12b: {  	[tilespmem:s25+$0x1540] =	vst.add.f32.msk $0xffff, v43  }
0x12c: {  	[tilespmem:s25+$0x1550] =	vst.add.f32.msk $0xffff, v44  }
0x12d: {  	[tilespmem:s25+$0x1560] =	vst.add.f32.msk $0xffff, v45  }
0x12e: {  	[tilespmem:s25+$0x1570] =	vst.add.f32.msk $0xffff, v46  }
0x12f: {  	[tilespmem:s25+$0x1900] =	vst.add.f32.msk $0xffff, v47  }
0x130: {  	[tilespmem:s25+$0x1910] =	vst.add.f32.msk $0xffff, v48  }
0x131: {  	[tilespmem:s25+$0x1920] =	vst.add.f32.msk $0xffff, v49  }
0x132: {  	s29 =	simm.s32 $0x0;
	s28 =	simm.s32 $0x2;
	s26 =	simm.s32 $0x0;
	[tilespmem:s25+$0x1930] =	vst.add.f32.msk $0xffff, v50  }
.LBB2_2:
0x133: {  	p0 =	sne.s32 s28, $0x3F;
	s29 =	smul.u32 $0x1800, s29;
	[tilespmem:s25+$0x1940] =	vst.add.f32.msk $0xffff, v6;
	s26 =	sadd.s32 $0x80, s26  }
0x134: {  	s30 =	sand.u32 $0x380, s26;
	[tilespmem:s25+$0x1950] =	vst.add.f32.msk $0xffff, v5  }
0x135: {  	[tilespmem:s25+$0x1960] =	vst.add.f32.msk $0xffff, v4;
	s25 =	sor.u32 s30, s29  }
0x136: {  	v4 =	vld [tilespmem:s25+$0xD970]  }
0x137: {  	v7 =	vld [tilespmem:s25+$0xC500]  }
0x138: {  	v8 =	vld [tilespmem:s25+$0xC510]  }
0x139: {  	v9 =	vld [tilespmem:s25+$0xC520]  }
0x13a: {  	v10 =	vld [tilespmem:s25+$0xC530]  }
0x13b: {  	[tilespmem:s25+$0x1970] =	vst.add.f32.msk $0xffff, v4  }
0x13c: {  	v11 =	vld [tilespmem:s25+$0xC540]  }
0x13d: {  	v12 =	vld [tilespmem:s25+$0xC550]  }
0x13e: {  	v13 =	vld [tilespmem:s25+$0xC560]  }
0x13f: {  	v14 =	vld [tilespmem:s25+$0xC570]  }
0x140: {  	v15 =	vld [tilespmem:s25+$0xC900]  }
0x141: {  	v16 =	vld [tilespmem:s25+$0xC910]  }
0x142: {  	v17 =	vld [tilespmem:s25+$0xC920]  }
0x143: {  	v18 =	vld [tilespmem:s25+$0xC930]  }
0x144: {  	v19 =	vld [tilespmem:s25+$0xC940]  }
0x145: {  	v20 =	vld [tilespmem:s25+$0xC950]  }
0x146: {  	v21 =	vld [tilespmem:s25+$0xC960]  }
0x147: {  	v22 =	vld [tilespmem:s25+$0xC970]  }
0x148: {  	v23 =	vld [tilespmem:s25+$0xCD00]  }
0x149: {  	v24 =	vld [tilespmem:s25+$0xCD10]  }
0x14a: {  	v25 =	vld [tilespmem:s25+$0xCD20]  }
0x14b: {  	v26 =	vld [tilespmem:s25+$0xCD30]  }
0x14c: {  	v27 =	vld [tilespmem:s25+$0xCD40]  }
0x14d: {  	v28 =	vld [tilespmem:s25+$0xCD50]  }
0x14e: {  	v29 =	vld [tilespmem:s25+$0xCD60]  }
0x14f: {  	v30 =	vld [tilespmem:s25+$0xCD70]  }
0x150: {  	v31 =	vld [tilespmem:s25+$0xD100]  }
0x151: {  	v32 =	vld [tilespmem:s25+$0xD110]  }
0x152: {  	v33 =	vld [tilespmem:s25+$0xD120]  }
0x153: {  	v34 =	vld [tilespmem:s25+$0xD130]  }
0x154: {  	v35 =	vld [tilespmem:s25+$0xD140]  }
0x155: {  	v36 =	vld [tilespmem:s25+$0xD150]  }
0x156: {  	v37 =	vld [tilespmem:s25+$0xD160]  }
0x157: {  	v38 =	vld [tilespmem:s25+$0xD170]  }
0x158: {  	v39 =	vld [tilespmem:s25+$0xD500]  }
0x159: {  	v40 =	vld [tilespmem:s25+$0xD510]  }
0x15a: {  	v41 =	vld [tilespmem:s25+$0xD520]  }
0x15b: {  	v42 =	vld [tilespmem:s25+$0xD530]  }
0x15c: {  	v43 =	vld [tilespmem:s25+$0xD540]  }
0x15d: {  	v44 =	vld [tilespmem:s25+$0xD550]  }
0x15e: {  	v45 =	vld [tilespmem:s25+$0xD560]  }
0x15f: {  	v46 =	vld [tilespmem:s25+$0xD570]  }
0x160: {  	v47 =	vld [tilespmem:s25+$0xD900]  }
0x161: {  	v48 =	vld [tilespmem:s25+$0xD910]  }
0x162: {  	v49 =	vld [tilespmem:s25+$0xD920]  }
0x163: {  	v50 =	vld [tilespmem:s25+$0xD930]  }
0x164: {  	v6 =	vld [tilespmem:s25+$0xD940]  }
0x165: {  	v5 =	vld [tilespmem:s25+$0xD950]  }
0x166: {  	v4 =	vld [tilespmem:s25+$0xD960]  }
0x167: {  	[tilespmem:s25+$0x500] =	vst.add.f32.msk $0xffff, v7  }
0x168: {  	[tilespmem:s25+$0x510] =	vst.add.f32.msk $0xffff, v8  }
0x169: {  	[tilespmem:s25+$0x520] =	vst.add.f32.msk $0xffff, v9  }
0x16a: {  	[tilespmem:s25+$0x530] =	vst.add.f32.msk $0xffff, v10  }
0x16b: {  	[tilespmem:s25+$0x540] =	vst.add.f32.msk $0xffff, v11  }
0x16c: {  	[tilespmem:s25+$0x550] =	vst.add.f32.msk $0xffff, v12  }
0x16d: {  	[tilespmem:s25+$0x560] =	vst.add.f32.msk $0xffff, v13  }
0x16e: {  	[tilespmem:s25+$0x570] =	vst.add.f32.msk $0xffff, v14  }
0x16f: {  	[tilespmem:s25+$0x900] =	vst.add.f32.msk $0xffff, v15  }
0x170: {  	[tilespmem:s25+$0x910] =	vst.add.f32.msk $0xffff, v16  }
0x171: {  	[tilespmem:s25+$0x920] =	vst.add.f32.msk $0xffff, v17  }
0x172: {  	[tilespmem:s25+$0x930] =	vst.add.f32.msk $0xffff, v18  }
0x173: {  	[tilespmem:s25+$0x940] =	vst.add.f32.msk $0xffff, v19  }
0x174: {  	[tilespmem:s25+$0x950] =	vst.add.f32.msk $0xffff, v20  }
0x175: {  	[tilespmem:s25+$0x960] =	vst.add.f32.msk $0xffff, v21  }
0x176: {  	[tilespmem:s25+$0x970] =	vst.add.f32.msk $0xffff, v22  }
0x177: {  	[tilespmem:s25+$0xD00] =	vst.add.f32.msk $0xffff, v23  }
0x178: {  	[tilespmem:s25+$0xD10] =	vst.add.f32.msk $0xffff, v24  }
0x179: {  	[tilespmem:s25+$0xD20] =	vst.add.f32.msk $0xffff, v25  }
0x17a: {  	[tilespmem:s25+$0xD30] =	vst.add.f32.msk $0xffff, v26  }
0x17b: {  	[tilespmem:s25+$0xD40] =	vst.add.f32.msk $0xffff, v27  }
0x17c: {  	[tilespmem:s25+$0xD50] =	vst.add.f32.msk $0xffff, v28  }
0x17d: {  	[tilespmem:s25+$0xD60] =	vst.add.f32.msk $0xffff, v29  }
0x17e: {  	[tilespmem:s25+$0xD70] =	vst.add.f32.msk $0xffff, v30  }
0x17f: {  	[tilespmem:s25+$0x1100] =	vst.add.f32.msk $0xffff, v31  }
0x180: {  	[tilespmem:s25+$0x1110] =	vst.add.f32.msk $0xffff, v32  }
0x181: {  	[tilespmem:s25+$0x1120] =	vst.add.f32.msk $0xffff, v33  }
0x182: {  	[tilespmem:s25+$0x1130] =	vst.add.f32.msk $0xffff, v34  }
0x183: {  	[tilespmem:s25+$0x1140] =	vst.add.f32.msk $0xffff, v35  }
0x184: {  	[tilespmem:s25+$0x1150] =	vst.add.f32.msk $0xffff, v36  }
0x185: {  	[tilespmem:s25+$0x1160] =	vst.add.f32.msk $0xffff, v37  }
0x186: {  	[tilespmem:s25+$0x1170] =	vst.add.f32.msk $0xffff, v38  }
0x187: {  	[tilespmem:s25+$0x1500] =	vst.add.f32.msk $0xffff, v39  }
0x188: {  	[tilespmem:s25+$0x1510] =	vst.add.f32.msk $0xffff, v40  }
0x189: {  	[tilespmem:s25+$0x1520] =	vst.add.f32.msk $0xffff, v41  }
0x18a: {  	[tilespmem:s25+$0x1530] =	vst.add.f32.msk $0xffff, v42  }
0x18b: {  	[tilespmem:s25+$0x1540] =	vst.add.f32.msk $0xffff, v43  }
0x18c: {  	[tilespmem:s25+$0x1550] =	vst.add.f32.msk $0xffff, v44  }
0x18d: {  	[tilespmem:s25+$0x1560] =	vst.add.f32.msk $0xffff, v45  }
.Ltmp0:
0x18e: {  	[tilespmem:s25+$0x1570] =	vst.add.f32.msk $0xffff, v46;
	(pc) =	sbr.rel @p0 .LBB2_2-.Ltmp0, $4  }
0x18f: {  	[tilespmem:s25+$0x1900] =	vst.add.f32.msk $0xffff, v47  }
0x190: {  	[tilespmem:s25+$0x1910] =	vst.add.f32.msk $0xffff, v48  }
0x191: {  	[tilespmem:s25+$0x1920] =	vst.add.f32.msk $0xffff, v49  }
0x192: {  	s29 =	sshrl.u32 s28, $0x3;
	s28 =	sadd.s32 $0x1, s28;
	[tilespmem:s25+$0x1930] =	vst.add.f32.msk $0xffff, v50  }
0x193: {  	s28 =	smul.u32 $0x1800, s29;
	[tilespmem:s25+$0x1940] =	vst.add.f32.msk $0xffff, v6;
	s26 =	sadd.s32 $0x80, s26  }
0x194: {  	[tilespmem:s25+$0x1950] =	vst.add.f32.msk $0xffff, v5;
	s26 =	sand.u32 $0x380, s26  }
0x195: {  	[tilespmem:s25+$0x1960] =	vst.add.f32.msk $0xffff, v4;
	s26 =	sor.u32 s26, s28  }
0x196: {  	v4 =	vld [tilespmem:s26+$0xD970]  }
0x197: {  	v5 =	vld [tilespmem:s26+$0xC500]  }
0x198: {  	v6 =	vld [tilespmem:s26+$0xC510]  }
0x199: {  	v7 =	vld [tilespmem:s26+$0xC520]  }
0x19a: {  	v8 =	vld [tilespmem:s26+$0xC530]  }
0x19b: {  	v9 =	vld [tilespmem:s26+$0xC550]  }
0x19c: {  	v10 =	vld [tilespmem:s26+$0xC560]  }
0x19d: {  	v11 =	vld [tilespmem:s26+$0xC570]  }
0x19e: {  	v12 =	vld [tilespmem:s26+$0xC900]  }
0x19f: {  	v13 =	vld [tilespmem:s26+$0xC910]  }
0x1a0: {  	v14 =	vld [tilespmem:s26+$0xC920]  }
0x1a1: {  	v15 =	vld [tilespmem:s26+$0xC930]  }
0x1a2: {  	v16 =	vld [tilespmem:s26+$0xC940]  }
0x1a3: {  	v17 =	vld [tilespmem:s26+$0xC950]  }
0x1a4: {  	v18 =	vld [tilespmem:s26+$0xC960]  }
0x1a5: {  	v19 =	vld [tilespmem:s26+$0xC970]  }
0x1a6: {  	v20 =	vld [tilespmem:s26+$0xCD00]  }
0x1a7: {  	v21 =	vld [tilespmem:s26+$0xCD10]  }
0x1a8: {  	v22 =	vld [tilespmem:s26+$0xCD20]  }
0x1a9: {  	v23 =	vld [tilespmem:s26+$0xCD30]  }
0x1aa: {  	v24 =	vld [tilespmem:s26+$0xCD40]  }
0x1ab: {  	v25 =	vld [tilespmem:s26+$0xCD50]  }
0x1ac: {  	v26 =	vld [tilespmem:s26+$0xCD60]  }
0x1ad: {  	v27 =	vld [tilespmem:s26+$0xCD70]  }
0x1ae: {  	v28 =	vld [tilespmem:s26+$0xD100]  }
0x1af: {  	v29 =	vld [tilespmem:s26+$0xD110]  }
0x1b0: {  	v30 =	vld [tilespmem:s26+$0xD120]  }
0x1b1: {  	v31 =	vld [tilespmem:s26+$0xD130]  }
0x1b2: {  	v32 =	vld [tilespmem:s26+$0xD140]  }
0x1b3: {  	v33 =	vld [tilespmem:s26+$0xD150]  }
0x1b4: {  	v34 =	vld [tilespmem:s26+$0xD160]  }
0x1b5: {  	v35 =	vld [tilespmem:s26+$0xD170]  }
0x1b6: {  	v36 =	vld [tilespmem:s26+$0xD500]  }
0x1b7: {  	v37 =	vld [tilespmem:s26+$0xD510]  }
0x1b8: {  	v38 =	vld [tilespmem:s26+$0xD520]  }
0x1b9: {  	v39 =	vld [tilespmem:s26+$0xD530]  }
0x1ba: {  	v40 =	vld [tilespmem:s26+$0xD540]  }
0x1bb: {  	v41 =	vld [tilespmem:s26+$0xD550]  }
0x1bc: {  	v42 =	vld [tilespmem:s26+$0xD560]  }
0x1bd: {  	v43 =	vld [tilespmem:s26+$0xD570]  }
0x1be: {  	v44 =	vld [tilespmem:s26+$0xD900]  }
0x1bf: {  	v45 =	vld [tilespmem:s26+$0xD910]  }
0x1c0: {  	v46 =	vld [tilespmem:s26+$0xD920]  }
0x1c1: {  	v47 =	vld [tilespmem:s26+$0xD930]  }
0x1c2: {  	v48 =	vld [tilespmem:s26+$0xD940]  }
0x1c3: {  	v49 =	vld [tilespmem:s26+$0xD950]  }
0x1c4: {  	v50 =	vld [tilespmem:s26+$0xD960]  }
0x1c5: {  	[tilespmem:s26+$0x1970] =	vst.add.f32.msk $0xffff, v4  }
0x1c6: {  	v4 =	vld [tilespmem:s26+$0xC540]  }
0x1c7: {  	[tilespmem:s26+$0x500] =	vst.add.f32.msk $0xffff, v5  }
0x1c8: {  	[tilespmem:s26+$0x510] =	vst.add.f32.msk $0xffff, v6  }
0x1c9: {  	[tilespmem:s26+$0x520] =	vst.add.f32.msk $0xffff, v7  }
0x1ca: {  	[tilespmem:s26+$0x530] =	vst.add.f32.msk $0xffff, v8  }
0x1cb: {  	[tilespmem:s26+$0x550] =	vst.add.f32.msk $0xffff, v9  }
0x1cc: {  	[tilespmem:s26+$0x560] =	vst.add.f32.msk $0xffff, v10  }
0x1cd: {  	[tilespmem:s26+$0x570] =	vst.add.f32.msk $0xffff, v11  }
0x1ce: {  	[tilespmem:s26+$0x900] =	vst.add.f32.msk $0xffff, v12  }
0x1cf: {  	[tilespmem:s26+$0x910] =	vst.add.f32.msk $0xffff, v13  }
0x1d0: {  	[tilespmem:s26+$0x920] =	vst.add.f32.msk $0xffff, v14  }
0x1d1: {  	[tilespmem:s26+$0x930] =	vst.add.f32.msk $0xffff, v15  }
0x1d2: {  	[tilespmem:s26+$0x940] =	vst.add.f32.msk $0xffff, v16  }
0x1d3: {  	[tilespmem:s26+$0x950] =	vst.add.f32.msk $0xffff, v17  }
0x1d4: {  	[tilespmem:s26+$0x960] =	vst.add.f32.msk $0xffff, v18  }
0x1d5: {  	[tilespmem:s26+$0x970] =	vst.add.f32.msk $0xffff, v19  }
0x1d6: {  	[tilespmem:s26+$0xD00] =	vst.add.f32.msk $0xffff, v20  }
0x1d7: {  	[tilespmem:s26+$0xD10] =	vst.add.f32.msk $0xffff, v21  }
0x1d8: {  	[tilespmem:s26+$0xD20] =	vst.add.f32.msk $0xffff, v22  }
0x1d9: {  	[tilespmem:s26+$0xD30] =	vst.add.f32.msk $0xffff, v23  }
0x1da: {  	[tilespmem:s26+$0xD40] =	vst.add.f32.msk $0xffff, v24  }
0x1db: {  	[tilespmem:s26+$0xD50] =	vst.add.f32.msk $0xffff, v25  }
0x1dc: {  	[tilespmem:s26+$0xD60] =	vst.add.f32.msk $0xffff, v26  }
0x1dd: {  	[tilespmem:s26+$0xD70] =	vst.add.f32.msk $0xffff, v27  }
0x1de: {  	[tilespmem:s26+$0x1100] =	vst.add.f32.msk $0xffff, v28  }
0x1df: {  	[tilespmem:s26+$0x1110] =	vst.add.f32.msk $0xffff, v29  }
0x1e0: {  	[tilespmem:s26+$0x1120] =	vst.add.f32.msk $0xffff, v30  }
0x1e1: {  	[tilespmem:s26+$0x1130] =	vst.add.f32.msk $0xffff, v31  }
0x1e2: {  	[tilespmem:s26+$0x1140] =	vst.add.f32.msk $0xffff, v32  }
0x1e3: {  	[tilespmem:s26+$0x1150] =	vst.add.f32.msk $0xffff, v33  }
0x1e4: {  	[tilespmem:s26+$0x1160] =	vst.add.f32.msk $0xffff, v34  }
0x1e5: {  	[tilespmem:s26+$0x1170] =	vst.add.f32.msk $0xffff, v35  }
0x1e6: {  	[tilespmem:s26+$0x1500] =	vst.add.f32.msk $0xffff, v36  }
0x1e7: {  	[tilespmem:s26+$0x1510] =	vst.add.f32.msk $0xffff, v37  }
0x1e8: {  	[tilespmem:s26+$0x1520] =	vst.add.f32.msk $0xffff, v38  }
0x1e9: {  	[tilespmem:s26+$0x1530] =	vst.add.f32.msk $0xffff, v39  }
0x1ea: {  	[tilespmem:s26+$0x1540] =	vst.add.f32.msk $0xffff, v40  }
0x1eb: {  	[tilespmem:s26+$0x1550] =	vst.add.f32.msk $0xffff, v41  }
0x1ec: {  	[tilespmem:s26+$0x1560] =	vst.add.f32.msk $0xffff, v42  }
0x1ed: {  	[tilespmem:s26+$0x1570] =	vst.add.f32.msk $0xffff, v43  }
0x1ee: {  	[tilespmem:s26+$0x1900] =	vst.add.f32.msk $0xffff, v44  }
0x1ef: {  	[tilespmem:s26+$0x1910] =	vst.add.f32.msk $0xffff, v45  }
0x1f0: {  	[tilespmem:s26+$0x1920] =	vst.add.f32.msk $0xffff, v46  }
0x1f1: {  	[tilespmem:s26+$0x1930] =	vst.add.f32.msk $0xffff, v47  }
0x1f2: {  	[tilespmem:s26+$0x1940] =	vst.add.f32.msk $0xffff, v48  }
0x1f3: {  	[tilespmem:s26+$0x1950] =	vst.add.f32.msk $0xffff, v49  }
0x1f4: {  	[tilespmem:s26+$0x1960] =	vst.add.f32.msk $0xffff, v50  }
0x1f5: {  	s25 =	simm.s32 $0x0;
	s30 =	rddreg [dreg:$0x5];
	[tilespmem:s26+$0x540] =	vst.add.f32.msk $0xffff, v4  }
0x1f6: {  	[hbm4b:s30+s25] =	stream.linear.scatter [tilespmem:s18], [sflag:$0x3], $0xC000, $0x38;
	[tilespmem:$0x18500] =	vst v63  }
0x1f7: {  	_ =	swait.ge [sflag:s17], $0xC000  }
0x1f8: {  	[sflag:s17] =	ssyncset.done $0x0  }
0x1f9: {  	[sflag:s17] =	ssyncadd.s32 $0xFFFF4000  }
0x1fa: {  	v4 =	vld [tilespmem:$0x180];
	_ =	sdelay $0x4  }
0x1fb: {  	v5 =	vshrl.u32 v4, $0x3  }
0x1fc: {  	v5 =	vmul.u32 $0x30, v5  }
0x1fd: {  	v4 =	vand.u32 $0x7, v4  }
0x1fe: {  	v4 =	vor.u32 v4, v5  }
0x1ff: {  	v5 =	vperm.xlane v4, v1;
	_ =	sdelay $0x1  }
0x200: {  	v5 =	vadd.s32 v2, v5;
	_ =	sdelay $0x3  }
0x201: {  	v4 =	vperm.xlane v4, v3  }
0x202: {  	[tilespmem:s18], [sflag:$0x1] =	stream.indirect_vreg.gather [hbm4b:s2+s25], $0x80, v5, vm0, $0xb8;
	[tilespmem:$0x18500] =	vst v63  }
0x203: {  	s30 =	simm.s32 $0xD00;
	v4 =	vadd.s32 v2, v4  }
0x204: {  	[tilespmem:s30], [sflag:$0x1] =	stream.indirect_vreg.gather [hbm4b:s6+s25], $0x80, v5, vm0, $0xb8;
	[tilespmem:$0x18500] =	vst v63  }
0x205: {  	s30 =	simm.s32 $0x1500  }
0x206: {  	[tilespmem:s30], [sflag:$0x1] =	stream.indirect_vreg.gather [hbm4b:s7+s25], $0x80, v5, vm0, $0xb8;
	[tilespmem:$0x18500] =	vst v63  }
0x207: {  	s30 =	simm.s32 $0x1D00  }
0x208: {  	[tilespmem:s30], [sflag:$0x1] =	stream.indirect_vreg.gather [hbm4b:s2+s25], $0x80, v4, vm0, $0xb8;
	[tilespmem:$0x18500] =	vst v63  }
0x209: {  	s30 =	simm.s32 $0x2500  }
0x20a: {  	[tilespmem:s30], [sflag:$0x1] =	stream.indirect_vreg.gather [hbm4b:s6+s25], $0x80, v4, vm0, $0xb8;
	[tilespmem:$0x18500] =	vst v63  }
0x20b: {  	s30 =	simm.s32 $0x2D00  }
0x20c: {  	[tilespmem:s30], [sflag:$0x1] =	stream.indirect_vreg.gather [hbm4b:s7+s25], $0x80, v4, vm0, $0xb8;
	[tilespmem:$0x18500] =	vst v63  }
0x20d: {  	v4 =	vld [tilespmem:$0x190];
	_ =	sdelay $0x4  }
0x20e: {  	v5 =	vshrl.u32 v4, $0x3  }
0x20f: {  	v5 =	vmul.u32 $0x30, v5  }
0x210: {  	v4 =	vand.u32 $0x7, v4  }
0x211: {  	v4 =	vor.u32 v4, v5  }
0x212: {  	v5 =	vperm.xlane v4, v1;
	_ =	sdelay $0x1  }
0x213: {  	v5 =	vadd.s32 v2, v5;
	_ =	sdelay $0x3  }
0x214: {  	s30 =	simm.s32 $0x3500;
	v4 =	vperm.xlane v4, v3  }
0x215: {  	[tilespmem:s30], [sflag:$0x1] =	stream.indirect_vreg.gather [hbm4b:s2+s25], $0x80, v5, vm0, $0xb8;
	[tilespmem:$0x18500] =	vst v63  }
0x216: {  	v4 =	vadd.s32 v2, v4;
	s30 =	simm.s32 $0x3D00  }
0x217: {  	[tilespmem:s30], [sflag:$0x1] =	stream.indirect_vreg.gather [hbm4b:s6+s25], $0x80, v5, vm0, $0xb8;
	[tilespmem:$0x18500] =	vst v63  }
0x218: {  	s30 =	simm.s32 $0x4500  }
0x219: {  	[tilespmem:s30], [sflag:$0x1] =	stream.indirect_vreg.gather [hbm4b:s7+s25], $0x80, v5, vm0, $0xb8;
	[tilespmem:$0x18500] =	vst v63  }
0x21a: {  	s30 =	simm.s32 $0x4D00  }
0x21b: {  	[tilespmem:s30], [sflag:$0x1] =	stream.indirect_vreg.gather [hbm4b:s2+s25], $0x80, v4, vm0, $0xb8;
	[tilespmem:$0x18500] =	vst v63  }
0x21c: {  	s30 =	simm.s32 $0x5500  }
0x21d: {  	[tilespmem:s30], [sflag:$0x1] =	stream.indirect_vreg.gather [hbm4b:s6+s25], $0x80, v4, vm0, $0xb8;
	[tilespmem:$0x18500] =	vst v63  }
0x21e: {  	s30 =	simm.s32 $0x5D00  }
0x21f: {  	[tilespmem:s30], [sflag:$0x1] =	stream.indirect_vreg.gather [hbm4b:s7+s25], $0x80, v4, vm0, $0xb8;
	[tilespmem:$0x18500] =	vst v63  }
0x220: {  	v4 =	vld [tilespmem:$0x1A0];
	_ =	sdelay $0x4  }
0x221: {  	v5 =	vshrl.u32 v4, $0x3  }
0x222: {  	v5 =	vmul.u32 $0x30, v5  }
0x223: {  	v4 =	vand.u32 $0x7, v4  }
0x224: {  	v4 =	vor.u32 v4, v5  }
0x225: {  	v5 =	vperm.xlane v4, v1;
	_ =	sdelay $0x1  }
0x226: {  	v5 =	vadd.s32 v2, v5;
	_ =	sdelay $0x3  }
0x227: {  	s30 =	simm.s32 $0x6500;
	v4 =	vperm.xlane v4, v3  }
0x228: {  	[tilespmem:s30], [sflag:$0x1] =	stream.indirect_vreg.gather [hbm4b:s2+s25], $0x80, v5, vm0, $0xb8;
	[tilespmem:$0x18500] =	vst v63  }
0x229: {  	v4 =	vadd.s32 v2, v4;
	s30 =	simm.s32 $0x6D00  }
0x22a: {  	[tilespmem:s30], [sflag:$0x1] =	stream.indirect_vreg.gather [hbm4b:s6+s25], $0x80, v5, vm0, $0xb8;
	[tilespmem:$0x18500] =	vst v63  }
0x22b: {  	s30 =	simm.s32 $0x7500  }
0x22c: {  	[tilespmem:s30], [sflag:$0x1] =	stream.indirect_vreg.gather [hbm4b:s7+s25], $0x80, v5, vm0, $0xb8;
	[tilespmem:$0x18500] =	vst v63  }
0x22d: {  	s30 =	simm.s32 $0x7D00  }
0x22e: {  	[tilespmem:s30], [sflag:$0x1] =	stream.indirect_vreg.gather [hbm4b:s2+s25], $0x80, v4, vm0, $0xb8;
	[tilespmem:$0x18500] =	vst v63  }
0x22f: {  	s30 =	simm.s32 $0x8500  }
0x230: {  	[tilespmem:s30], [sflag:$0x1] =	stream.indirect_vreg.gather [hbm4b:s6+s25], $0x80, v4, vm0, $0xb8;
	[tilespmem:$0x18500] =	vst v63  }
0x231: {  	s30 =	simm.s32 $0x8D00  }
0x232: {  	[tilespmem:s30], [sflag:$0x1] =	stream.indirect_vreg.gather [hbm4b:s7+s25], $0x80, v4, vm0, $0xb8;
	[tilespmem:$0x18500] =	vst v63  }
0x233: {  	v4 =	vld [tilespmem:$0x1B0];
	_ =	sdelay $0x4  }
0x234: {  	v5 =	vshrl.u32 v4, $0x3  }
0x235: {  	v5 =	vmul.u32 $0x30, v5  }
0x236: {  	v4 =	vand.u32 $0x7, v4  }
0x237: {  	v4 =	vor.u32 v4, v5  }
0x238: {  	v5 =	vperm.xlane v4, v1;
	_ =	sdelay $0x1  }
0x239: {  	v5 =	vadd.s32 v2, v5;
	_ =	sdelay $0x3  }
0x23a: {  	s30 =	simm.s32 $0x9500;
	v4 =	vperm.xlane v4, v3  }
0x23b: {  	[tilespmem:s30], [sflag:$0x1] =	stream.indirect_vreg.gather [hbm4b:s2+s25], $0x80, v5, vm0, $0xb8;
	[tilespmem:$0x18500] =	vst v63  }
0x23c: {  	v4 =	vadd.s32 v2, v4;
	s30 =	simm.s32 $0x9D00  }
0x23d: {  	[tilespmem:s30], [sflag:$0x1] =	stream.indirect_vreg.gather [hbm4b:s6+s25], $0x80, v5, vm0, $0xb8;
	[tilespmem:$0x18500] =	vst v63  }
0x23e: {  	s30 =	simm.s32 $0xA500  }
0x23f: {  	[tilespmem:s30], [sflag:$0x1] =	stream.indirect_vreg.gather [hbm4b:s7+s25], $0x80, v5, vm0, $0xb8;
	[tilespmem:$0x18500] =	vst v63  }
0x240: {  	s30 =	simm.s32 $0xAD00  }
0x241: {  	[tilespmem:s30], [sflag:$0x1] =	stream.indirect_vreg.gather [hbm4b:s2+s25], $0x80, v4, vm0, $0xb8;
	[tilespmem:$0x18500] =	vst v63  }
0x242: {  	s30 =	simm.s32 $0xB500  }
0x243: {  	[tilespmem:s30], [sflag:$0x1] =	stream.indirect_vreg.gather [hbm4b:s6+s25], $0x80, v4, vm0, $0xb8;
	[tilespmem:$0x18500] =	vst v63  }
0x244: {  	s30 =	simm.s32 $0xBD00  }
0x245: {  	[tilespmem:s30], [sflag:$0x1] =	stream.indirect_vreg.gather [hbm4b:s7+s25], $0x80, v4, vm0, $0xb8;
	[tilespmem:$0x18500] =	vst v63  }
0x246: {  	v4 =	vld [tilespmem:$0x380];
	_ =	sdelay $0x4  }
0x247: {  	v5 =	vshrl.u32 v4, $0x3  }
0x248: {  	v5 =	vmul.u32 $0x30, v5  }
0x249: {  	v4 =	vand.u32 $0x7, v4  }
0x24a: {  	v4 =	vor.u32 v4, v5  }
0x24b: {  	v5 =	vperm.xlane v4, v1;
	_ =	sdelay $0x1  }
0x24c: {  	v5 =	vadd.s32 v2, v5;
	_ =	sdelay $0x3  }
0x24d: {  	s30 =	simm.s32 $0xC500;
	v4 =	vperm.xlane v4, v3  }
0x24e: {  	[tilespmem:s30], [sflag:$0x2] =	stream.indirect_vreg.gather [hbm4b:s4+s25], $0x80, v5, vm0, $0xb8;
	[tilespmem:$0x18500] =	vst v63  }
0x24f: {  	v4 =	vadd.s32 v2, v4;
	s30 =	simm.s32 $0xCD00  }
0x250: {  	[tilespmem:s30], [sflag:$0x2] =	stream.indirect_vreg.gather [hbm4b:s8+s25], $0x80, v5, vm0, $0xb8;
	[tilespmem:$0x18500] =	vst v63  }
0x251: {  	s30 =	simm.s32 $0xD500  }
0x252: {  	[tilespmem:s30], [sflag:$0x2] =	stream.indirect_vreg.gather [hbm4b:s10+s25], $0x80, v5, vm0, $0xb8;
	[tilespmem:$0x18500] =	vst v63  }
0x253: {  	s30 =	simm.s32 $0xDD00  }
0x254: {  	[tilespmem:s30], [sflag:$0x2] =	stream.indirect_vreg.gather [hbm4b:s4+s25], $0x80, v4, vm0, $0xb8;
	[tilespmem:$0x18500] =	vst v63  }
0x255: {  	s30 =	simm.s32 $0xE500  }
0x256: {  	[tilespmem:s30], [sflag:$0x2] =	stream.indirect_vreg.gather [hbm4b:s8+s25], $0x80, v4, vm0, $0xb8;
	[tilespmem:$0x18500] =	vst v63  }
0x257: {  	s30 =	simm.s32 $0xED00  }
0x258: {  	[tilespmem:s30], [sflag:$0x2] =	stream.indirect_vreg.gather [hbm4b:s10+s25], $0x80, v4, vm0, $0xb8;
	[tilespmem:$0x18500] =	vst v63  }
0x259: {  	v4 =	vld [tilespmem:$0x390];
	_ =	sdelay $0x4  }
0x25a: {  	v5 =	vshrl.u32 v4, $0x3  }
0x25b: {  	v5 =	vmul.u32 $0x30, v5  }
0x25c: {  	v4 =	vand.u32 $0x7, v4  }
0x25d: {  	v4 =	vor.u32 v4, v5  }
0x25e: {  	v5 =	vperm.xlane v4, v1;
	_ =	sdelay $0x1  }
0x25f: {  	v5 =	vadd.s32 v2, v5;
	_ =	sdelay $0x3  }
0x260: {  	s30 =	simm.s32 $0xF500;
	v4 =	vperm.xlane v4, v3  }
0x261: {  	[tilespmem:s30], [sflag:$0x2] =	stream.indirect_vreg.gather [hbm4b:s4+s25], $0x80, v5, vm0, $0xb8;
	[tilespmem:$0x18500] =	vst v63  }
0x262: {  	v4 =	vadd.s32 v2, v4;
	s30 =	simm.s32 $0xFD00  }
0x263: {  	[tilespmem:s30], [sflag:$0x2] =	stream.indirect_vreg.gather [hbm4b:s8+s25], $0x80, v5, vm0, $0xb8;
	[tilespmem:$0x18500] =	vst v63  }
0x264: {  	s30 =	simm.s32 $0x10500  }
0x265: {  	[tilespmem:s30], [sflag:$0x2] =	stream.indirect_vreg.gather [hbm4b:s10+s25], $0x80, v5, vm0, $0xb8;
	[tilespmem:$0x18500] =	vst v63  }
0x266: {  	s30 =	simm.s32 $0x10D00  }
0x267: {  	[tilespmem:s30], [sflag:$0x2] =	stream.indirect_vreg.gather [hbm4b:s4+s25], $0x80, v4, vm0, $0xb8;
	[tilespmem:$0x18500] =	vst v63  }
0x268: {  	_ = 	snop  }
0x269: {  	[tilespmem:s31], [sflag:$0x2] =	stream.indirect_vreg.gather [hbm4b:s8+s25], $0x80, v4, vm0, $0xb8;
	[tilespmem:$0x18500] =	vst v63  }
0x26a: {  	_ = 	snop  }
0x26b: {  	[tilespmem:s0], [sflag:$0x2] =	stream.indirect_vreg.gather [hbm4b:s10+s25], $0x80, v4, vm0, $0xb8;
	[tilespmem:$0x18500] =	vst v63  }
0x26c: {  	v4 =	vld [tilespmem:$0x3A0];
	_ =	sdelay $0x4  }
0x26d: {  	v5 =	vshrl.u32 v4, $0x3  }
0x26e: {  	v5 =	vmul.u32 $0x30, v5  }
0x26f: {  	v4 =	vand.u32 $0x7, v4  }
0x270: {  	v4 =	vor.u32 v4, v5  }
0x271: {  	v5 =	vperm.xlane v4, v1;
	_ =	sdelay $0x1  }
0x272: {  	v5 =	vadd.s32 v2, v5;
	_ =	sdelay $0x3  }
0x273: {  	v4 =	vperm.xlane v4, v3  }
0x274: {  	[tilespmem:s1], [sflag:$0x2] =	stream.indirect_vreg.gather [hbm4b:s4+s25], $0x80, v5, vm0, $0xb8;
	[tilespmem:$0x18500] =	vst v63  }
0x275: {  	v4 =	vadd.s32 v2, v4  }
0x276: {  	[tilespmem:s15], [sflag:$0x2] =	stream.indirect_vreg.gather [hbm4b:s8+s25], $0x80, v5, vm0, $0xb8;
	[tilespmem:$0x18500] =	vst v63  }
0x277: {  	_ = 	snop  }
0x278: {  	[tilespmem:s16], [sflag:$0x2] =	stream.indirect_vreg.gather [hbm4b:s10+s25], $0x80, v5, vm0, $0xb8;
	[tilespmem:$0x18500] =	vst v63  }
0x279: {  	_ = 	snop  }
0x27a: {  	[tilespmem:s5], [sflag:$0x2] =	stream.indirect_vreg.gather [hbm4b:s4+s25], $0x80, v4, vm0, $0xb8;
	[tilespmem:$0x18500] =	vst v63  }
0x27b: {  	_ = 	snop  }
0x27c: {  	[tilespmem:s11], [sflag:$0x2] =	stream.indirect_vreg.gather [hbm4b:s8+s25], $0x80, v4, vm0, $0xb8;
	[tilespmem:$0x18500] =	vst v63  }
0x27d: {  	_ = 	snop  }
0x27e: {  	[tilespmem:s12], [sflag:$0x2] =	stream.indirect_vreg.gather [hbm4b:s10+s25], $0x80, v4, vm0, $0xb8;
	[tilespmem:$0x18500] =	vst v63  }
0x27f: {  	v4 =	vld [tilespmem:$0x3B0];
	_ =	sdelay $0x4  }
0x280: {  	v5 =	vshrl.u32 v4, $0x3  }
0x281: {  	v5 =	vmul.u32 $0x30, v5  }
0x282: {  	v4 =	vand.u32 $0x7, v4  }
0x283: {  	v4 =	vor.u32 v4, v5  }
0x284: {  	v5 =	vperm.xlane v4, v1;
	_ =	sdelay $0x1  }
0x285: {  	v5 =	vadd.s32 v2, v5;
	_ =	sdelay $0x3  }
0x286: {  	v4 =	vperm.xlane v4, v3  }
0x287: {  	[tilespmem:s13], [sflag:$0x2] =	stream.indirect_vreg.gather [hbm4b:s4+s25], $0x80, v5, vm0, $0xb8;
	[tilespmem:$0x18500] =	vst v63  }
0x288: {  	v4 =	vadd.s32 v2, v4  }
0x289: {  	[tilespmem:s14], [sflag:$0x2] =	stream.indirect_vreg.gather [hbm4b:s8+s25], $0x80, v5, vm0, $0xb8;
	[tilespmem:$0x18500] =	vst v63  }
0x28a: {  	_ = 	snop  }
0x28b: {  	[tilespmem:s9], [sflag:$0x2] =	stream.indirect_vreg.gather [hbm4b:s10+s25], $0x80, v5, vm0, $0xb8;
	[tilespmem:$0x18500] =	vst v63  }
0x28c: {  	_ = 	snop  }
0x28d: {  	[tilespmem:s19], [sflag:$0x2] =	stream.indirect_vreg.gather [hbm4b:s4+s25], $0x80, v4, vm0, $0xb8;
	[tilespmem:$0x18500] =	vst v63  }
0x28e: {  	_ = 	snop  }
0x28f: {  	[tilespmem:s20], [sflag:$0x2] =	stream.indirect_vreg.gather [hbm4b:s8+s25], $0x80, v4, vm0, $0xb8;
	[tilespmem:$0x18500] =	vst v63  }
0x290: {  	_ = 	snop  }
0x291: {  	[tilespmem:s21], [sflag:$0x2] =	stream.indirect_vreg.gather [hbm4b:s10+s25], $0x80, v4, vm0, $0xb8;
	[tilespmem:$0x18500] =	vst v63  }
0x292: {  	_ =	swait.ge [sflag:s22], $0xC000  }
0x293: {  	[sflag:s22] =	ssyncset.done $0x0  }
0x294: {  	s30 =	simm.s32 $0x0;
	[sflag:s22] =	ssyncadd.s32 $0xFFFF4000  }
0x295: {  	s26 =	smul.u32 $0x1800, s30;
	_ =	swait.ge [sflag:s23], $0xC000  }
0x296: {  	s28 =	sand.u32 $0x380, s25;
	[sflag:s23] =	ssyncset.done $0x0  }
0x297: {  	s26 =	sor.u32 s28, s26;
	[sflag:s23] =	ssyncadd.s32 $0xFFFF4000  }
0x298: {  	v4 =	vld [tilespmem:s26+$0xD970]  }
0x299: {  	v7 =	vld [tilespmem:s26+$0xC500]  }
0x29a: {  	v8 =	vld [tilespmem:s26+$0xC510]  }
0x29b: {  	v9 =	vld [tilespmem:s26+$0xC520]  }
0x29c: {  	v10 =	vld [tilespmem:s26+$0xC530]  }
0x29d: {  	v11 =	vld [tilespmem:s26+$0xC540]  }
0x29e: {  	v12 =	vld [tilespmem:s26+$0xC550]  }
0x29f: {  	v13 =	vld [tilespmem:s26+$0xC560]  }
0x2a0: {  	v14 =	vld [tilespmem:s26+$0xC570]  }
0x2a1: {  	v15 =	vld [tilespmem:s26+$0xC900]  }
0x2a2: {  	v16 =	vld [tilespmem:s26+$0xC910]  }
0x2a3: {  	v17 =	vld [tilespmem:s26+$0xC920]  }
0x2a4: {  	v18 =	vld [tilespmem:s26+$0xC930]  }
0x2a5: {  	v19 =	vld [tilespmem:s26+$0xC940]  }
0x2a6: {  	v20 =	vld [tilespmem:s26+$0xC950]  }
0x2a7: {  	v21 =	vld [tilespmem:s26+$0xC960]  }
0x2a8: {  	v22 =	vld [tilespmem:s26+$0xC970]  }
0x2a9: {  	v23 =	vld [tilespmem:s26+$0xCD00]  }
0x2aa: {  	v24 =	vld [tilespmem:s26+$0xCD10]  }
0x2ab: {  	v25 =	vld [tilespmem:s26+$0xCD20]  }
0x2ac: {  	v26 =	vld [tilespmem:s26+$0xCD30]  }
0x2ad: {  	v27 =	vld [tilespmem:s26+$0xCD40]  }
0x2ae: {  	v28 =	vld [tilespmem:s26+$0xCD50]  }
0x2af: {  	v29 =	vld [tilespmem:s26+$0xCD60]  }
0x2b0: {  	v30 =	vld [tilespmem:s26+$0xCD70]  }
0x2b1: {  	v31 =	vld [tilespmem:s26+$0xD100]  }
0x2b2: {  	v32 =	vld [tilespmem:s26+$0xD110]  }
0x2b3: {  	v33 =	vld [tilespmem:s26+$0xD120]  }
0x2b4: {  	v34 =	vld [tilespmem:s26+$0xD130]  }
0x2b5: {  	v35 =	vld [tilespmem:s26+$0xD140]  }
0x2b6: {  	v36 =	vld [tilespmem:s26+$0xD150]  }
0x2b7: {  	v37 =	vld [tilespmem:s26+$0xD160]  }
0x2b8: {  	v38 =	vld [tilespmem:s26+$0xD170]  }
0x2b9: {  	v52 =	vld [tilespmem:s26+$0xD500]  }
0x2ba: {  	v53 =	vld [tilespmem:s26+$0xD510]  }
0x2bb: {  	v54 =	vld [tilespmem:s26+$0xD520]  }
0x2bc: {  	v55 =	vld [tilespmem:s26+$0xD530]  }
0x2bd: {  	v56 =	vld [tilespmem:s26+$0xD540]  }
0x2be: {  	v57 =	vld [tilespmem:s26+$0xD550]  }
0x2bf: {  	v58 =	vld [tilespmem:s26+$0xD560]  }
0x2c0: {  	v59 =	vld [tilespmem:s26+$0xD570]  }
0x2c1: {  	v60 =	vld [tilespmem:s26+$0xD900]  }
0x2c2: {  	v61 =	vld [tilespmem:s26+$0xD910]  }
0x2c3: {  	v62 =	vld [tilespmem:s26+$0xD920]  }
0x2c4: {  	v63 =	vld [tilespmem:s26+$0xD930]  }
0x2c5: {  	v6 =	vld [tilespmem:s26+$0xD940]  }
0x2c6: {  	v5 =	vld [tilespmem:s26+$0xD950]  }
0x2c7: {  	[tilespmem:s26+$0x1970] =	vst.add.f32.msk $0xffff, v4  }
0x2c8: {  	v4 =	vld [tilespmem:s26+$0xD960]  }
0x2c9: {  	[tilespmem:s26+$0x500] =	vst.add.f32.msk $0xffff, v7  }
0x2ca: {  	[tilespmem:s26+$0x510] =	vst.add.f32.msk $0xffff, v8  }
0x2cb: {  	[tilespmem:s26+$0x520] =	vst.add.f32.msk $0xffff, v9  }
0x2cc: {  	[tilespmem:s26+$0x530] =	vst.add.f32.msk $0xffff, v10  }
0x2cd: {  	[tilespmem:s26+$0x540] =	vst.add.f32.msk $0xffff, v11  }
0x2ce: {  	[tilespmem:s26+$0x550] =	vst.add.f32.msk $0xffff, v12  }
0x2cf: {  	[tilespmem:s26+$0x560] =	vst.add.f32.msk $0xffff, v13  }
0x2d0: {  	[tilespmem:s26+$0x570] =	vst.add.f32.msk $0xffff, v14  }
0x2d1: {  	[tilespmem:s26+$0x900] =	vst.add.f32.msk $0xffff, v15  }
0x2d2: {  	[tilespmem:s26+$0x910] =	vst.add.f32.msk $0xffff, v16  }
0x2d3: {  	[tilespmem:s26+$0x920] =	vst.add.f32.msk $0xffff, v17  }
0x2d4: {  	[tilespmem:s26+$0x930] =	vst.add.f32.msk $0xffff, v18  }
0x2d5: {  	[tilespmem:s26+$0x940] =	vst.add.f32.msk $0xffff, v19  }
0x2d6: {  	[tilespmem:s26+$0x950] =	vst.add.f32.msk $0xffff, v20  }
0x2d7: {  	[tilespmem:s26+$0x960] =	vst.add.f32.msk $0xffff, v21  }
0x2d8: {  	[tilespmem:s26+$0x970] =	vst.add.f32.msk $0xffff, v22  }
0x2d9: {  	[tilespmem:s26+$0xD00] =	vst.add.f32.msk $0xffff, v23  }
0x2da: {  	[tilespmem:s26+$0xD10] =	vst.add.f32.msk $0xffff, v24  }
0x2db: {  	[tilespmem:s26+$0xD20] =	vst.add.f32.msk $0xffff, v25  }
0x2dc: {  	[tilespmem:s26+$0xD30] =	vst.add.f32.msk $0xffff, v26  }
0x2dd: {  	[tilespmem:s26+$0xD40] =	vst.add.f32.msk $0xffff, v27  }
0x2de: {  	[tilespmem:s26+$0xD50] =	vst.add.f32.msk $0xffff, v28  }
0x2df: {  	[tilespmem:s26+$0xD60] =	vst.add.f32.msk $0xffff, v29  }
0x2e0: {  	[tilespmem:s26+$0xD70] =	vst.add.f32.msk $0xffff, v30  }
0x2e1: {  	[tilespmem:s26+$0x1100] =	vst.add.f32.msk $0xffff, v31  }
0x2e2: {  	[tilespmem:s26+$0x1110] =	vst.add.f32.msk $0xffff, v32  }
0x2e3: {  	[tilespmem:s26+$0x1120] =	vst.add.f32.msk $0xffff, v33  }
0x2e4: {  	[tilespmem:s26+$0x1130] =	vst.add.f32.msk $0xffff, v34  }
0x2e5: {  	[tilespmem:s26+$0x1140] =	vst.add.f32.msk $0xffff, v35  }
0x2e6: {  	[tilespmem:s26+$0x1150] =	vst.add.f32.msk $0xffff, v36  }
0x2e7: {  	[tilespmem:s26+$0x1160] =	vst.add.f32.msk $0xffff, v37  }
0x2e8: {  	[tilespmem:s26+$0x1170] =	vst.add.f32.msk $0xffff, v38  }
0x2e9: {  	[tilespmem:s26+$0x1500] =	vst.add.f32.msk $0xffff, v52  }
0x2ea: {  	[tilespmem:s26+$0x1510] =	vst.add.f32.msk $0xffff, v53  }
0x2eb: {  	[tilespmem:s26+$0x1520] =	vst.add.f32.msk $0xffff, v54  }
0x2ec: {  	[tilespmem:s26+$0x1530] =	vst.add.f32.msk $0xffff, v55  }
0x2ed: {  	[tilespmem:s26+$0x1540] =	vst.add.f32.msk $0xffff, v56  }
0x2ee: {  	[tilespmem:s26+$0x1550] =	vst.add.f32.msk $0xffff, v57  }
0x2ef: {  	[tilespmem:s26+$0x1560] =	vst.add.f32.msk $0xffff, v58  }
0x2f0: {  	[tilespmem:s26+$0x1570] =	vst.add.f32.msk $0xffff, v59  }
0x2f1: {  	[tilespmem:s26+$0x1900] =	vst.add.f32.msk $0xffff, v60  }
0x2f2: {  	[tilespmem:s26+$0x1910] =	vst.add.f32.msk $0xffff, v61  }
0x2f3: {  	[tilespmem:s26+$0x1920] =	vst.add.f32.msk $0xffff, v62  }
0x2f4: {  	s29 =	simm.s32 $0x0;
	s28 =	simm.s32 $0x2;
	[tilespmem:s26+$0x1930] =	vst.add.f32.msk $0xffff, v63  }
.LBB2_4:
0x2f5: {  	p0 =	sne.s32 s28, $0x3F;
	s29 =	smul.u32 $0x1800, s29;
	[tilespmem:s26+$0x1940] =	vst.add.f32.msk $0xffff, v6;
	s25 =	sadd.s32 $0x80, s25  }
0x2f6: {  	s30 =	sand.u32 $0x380, s25;
	[tilespmem:s26+$0x1950] =	vst.add.f32.msk $0xffff, v5  }
0x2f7: {  	[tilespmem:s26+$0x1960] =	vst.add.f32.msk $0xffff, v4;
	s26 =	sor.u32 s30, s29  }
0x2f8: {  	v4 =	vld [tilespmem:s26+$0xD970]  }
0x2f9: {  	v7 =	vld [tilespmem:s26+$0xC500]  }
0x2fa: {  	v8 =	vld [tilespmem:s26+$0xC510]  }
0x2fb: {  	v9 =	vld [tilespmem:s26+$0xC520]  }
0x2fc: {  	v10 =	vld [tilespmem:s26+$0xC530]  }
0x2fd: {  	[tilespmem:s26+$0x1970] =	vst.add.f32.msk $0xffff, v4  }
0x2fe: {  	v11 =	vld [tilespmem:s26+$0xC540]  }
0x2ff: {  	v12 =	vld [tilespmem:s26+$0xC550]  }
0x300: {  	v13 =	vld [tilespmem:s26+$0xC560]  }
0x301: {  	v14 =	vld [tilespmem:s26+$0xC570]  }
0x302: {  	v15 =	vld [tilespmem:s26+$0xC900]  }
0x303: {  	v16 =	vld [tilespmem:s26+$0xC910]  }
0x304: {  	v17 =	vld [tilespmem:s26+$0xC920]  }
0x305: {  	v18 =	vld [tilespmem:s26+$0xC930]  }
0x306: {  	v19 =	vld [tilespmem:s26+$0xC940]  }
0x307: {  	v20 =	vld [tilespmem:s26+$0xC950]  }
0x308: {  	v21 =	vld [tilespmem:s26+$0xC960]  }
0x309: {  	v22 =	vld [tilespmem:s26+$0xC970]  }
0x30a: {  	v23 =	vld [tilespmem:s26+$0xCD00]  }
0x30b: {  	v24 =	vld [tilespmem:s26+$0xCD10]  }
0x30c: {  	v25 =	vld [tilespmem:s26+$0xCD20]  }
0x30d: {  	v26 =	vld [tilespmem:s26+$0xCD30]  }
0x30e: {  	v27 =	vld [tilespmem:s26+$0xCD40]  }
0x30f: {  	v28 =	vld [tilespmem:s26+$0xCD50]  }
0x310: {  	v29 =	vld [tilespmem:s26+$0xCD60]  }
0x311: {  	v30 =	vld [tilespmem:s26+$0xCD70]  }
0x312: {  	v31 =	vld [tilespmem:s26+$0xD100]  }
0x313: {  	v32 =	vld [tilespmem:s26+$0xD110]  }
0x314: {  	v33 =	vld [tilespmem:s26+$0xD120]  }
0x315: {  	v34 =	vld [tilespmem:s26+$0xD130]  }
0x316: {  	v35 =	vld [tilespmem:s26+$0xD140]  }
0x317: {  	v36 =	vld [tilespmem:s26+$0xD150]  }
0x318: {  	v37 =	vld [tilespmem:s26+$0xD160]  }
0x319: {  	v38 =	vld [tilespmem:s26+$0xD170]  }
0x31a: {  	v39 =	vld [tilespmem:s26+$0xD500]  }
0x31b: {  	v40 =	vld [tilespmem:s26+$0xD510]  }
0x31c: {  	v41 =	vld [tilespmem:s26+$0xD520]  }
0x31d: {  	v42 =	vld [tilespmem:s26+$0xD530]  }
0x31e: {  	v43 =	vld [tilespmem:s26+$0xD540]  }
0x31f: {  	v44 =	vld [tilespmem:s26+$0xD550]  }
0x320: {  	v45 =	vld [tilespmem:s26+$0xD560]  }
0x321: {  	v46 =	vld [tilespmem:s26+$0xD570]  }
0x322: {  	v47 =	vld [tilespmem:s26+$0xD900]  }
0x323: {  	v48 =	vld [tilespmem:s26+$0xD910]  }
0x324: {  	v49 =	vld [tilespmem:s26+$0xD920]  }
0x325: {  	v50 =	vld [tilespmem:s26+$0xD930]  }
0x326: {  	v6 =	vld [tilespmem:s26+$0xD940]  }
0x327: {  	v5 =	vld [tilespmem:s26+$0xD950]  }
0x328: {  	v4 =	vld [tilespmem:s26+$0xD960]  }
0x329: {  	[tilespmem:s26+$0x500] =	vst.add.f32.msk $0xffff, v7  }
0x32a: {  	[tilespmem:s26+$0x510] =	vst.add.f32.msk $0xffff, v8  }
0x32b: {  	[tilespmem:s26+$0x520] =	vst.add.f32.msk $0xffff, v9  }
0x32c: {  	[tilespmem:s26+$0x530] =	vst.add.f32.msk $0xffff, v10  }
0x32d: {  	[tilespmem:s26+$0x540] =	vst.add.f32.msk $0xffff, v11  }
0x32e: {  	[tilespmem:s26+$0x550] =	vst.add.f32.msk $0xffff, v12  }
0x32f: {  	[tilespmem:s26+$0x560] =	vst.add.f32.msk $0xffff, v13  }
0x330: {  	[tilespmem:s26+$0x570] =	vst.add.f32.msk $0xffff, v14  }
0x331: {  	[tilespmem:s26+$0x900] =	vst.add.f32.msk $0xffff, v15  }
0x332: {  	[tilespmem:s26+$0x910] =	vst.add.f32.msk $0xffff, v16  }
0x333: {  	[tilespmem:s26+$0x920] =	vst.add.f32.msk $0xffff, v17  }
0x334: {  	[tilespmem:s26+$0x930] =	vst.add.f32.msk $0xffff, v18  }
0x335: {  	[tilespmem:s26+$0x940] =	vst.add.f32.msk $0xffff, v19  }
0x336: {  	[tilespmem:s26+$0x950] =	vst.add.f32.msk $0xffff, v20  }
0x337: {  	[tilespmem:s26+$0x960] =	vst.add.f32.msk $0xffff, v21  }
0x338: {  	[tilespmem:s26+$0x970] =	vst.add.f32.msk $0xffff, v22  }
0x339: {  	[tilespmem:s26+$0xD00] =	vst.add.f32.msk $0xffff, v23  }
0x33a: {  	[tilespmem:s26+$0xD10] =	vst.add.f32.msk $0xffff, v24  }
0x33b: {  	[tilespmem:s26+$0xD20] =	vst.add.f32.msk $0xffff, v25  }
0x33c: {  	[tilespmem:s26+$0xD30] =	vst.add.f32.msk $0xffff, v26  }
0x33d: {  	[tilespmem:s26+$0xD40] =	vst.add.f32.msk $0xffff, v27  }
0x33e: {  	[tilespmem:s26+$0xD50] =	vst.add.f32.msk $0xffff, v28  }
0x33f: {  	[tilespmem:s26+$0xD60] =	vst.add.f32.msk $0xffff, v29  }
0x340: {  	[tilespmem:s26+$0xD70] =	vst.add.f32.msk $0xffff, v30  }
0x341: {  	[tilespmem:s26+$0x1100] =	vst.add.f32.msk $0xffff, v31  }
0x342: {  	[tilespmem:s26+$0x1110] =	vst.add.f32.msk $0xffff, v32  }
0x343: {  	[tilespmem:s26+$0x1120] =	vst.add.f32.msk $0xffff, v33  }
0x344: {  	[tilespmem:s26+$0x1130] =	vst.add.f32.msk $0xffff, v34  }
0x345: {  	[tilespmem:s26+$0x1140] =	vst.add.f32.msk $0xffff, v35  }
0x346: {  	[tilespmem:s26+$0x1150] =	vst.add.f32.msk $0xffff, v36  }
0x347: {  	[tilespmem:s26+$0x1160] =	vst.add.f32.msk $0xffff, v37  }
0x348: {  	[tilespmem:s26+$0x1170] =	vst.add.f32.msk $0xffff, v38  }
0x349: {  	[tilespmem:s26+$0x1500] =	vst.add.f32.msk $0xffff, v39  }
0x34a: {  	[tilespmem:s26+$0x1510] =	vst.add.f32.msk $0xffff, v40  }
0x34b: {  	[tilespmem:s26+$0x1520] =	vst.add.f32.msk $0xffff, v41  }
0x34c: {  	[tilespmem:s26+$0x1530] =	vst.add.f32.msk $0xffff, v42  }
0x34d: {  	[tilespmem:s26+$0x1540] =	vst.add.f32.msk $0xffff, v43  }
0x34e: {  	[tilespmem:s26+$0x1550] =	vst.add.f32.msk $0xffff, v44  }
0x34f: {  	[tilespmem:s26+$0x1560] =	vst.add.f32.msk $0xffff, v45  }
.Ltmp1:
0x350: {  	[tilespmem:s26+$0x1570] =	vst.add.f32.msk $0xffff, v46;
	(pc) =	sbr.rel @p0 .LBB2_4-.Ltmp1, $4  }
0x351: {  	[tilespmem:s26+$0x1900] =	vst.add.f32.msk $0xffff, v47  }
0x352: {  	[tilespmem:s26+$0x1910] =	vst.add.f32.msk $0xffff, v48  }
0x353: {  	[tilespmem:s26+$0x1920] =	vst.add.f32.msk $0xffff, v49  }
0x354: {  	s29 =	sshrl.u32 s28, $0x3;
	s28 =	sadd.s32 $0x1, s28;
	[tilespmem:s26+$0x1930] =	vst.add.f32.msk $0xffff, v50  }
0x355: {  	s28 =	smul.u32 $0x1800, s29;
	[tilespmem:s26+$0x1940] =	vst.add.f32.msk $0xffff, v6;
	s25 =	sadd.s32 $0x80, s25  }
0x356: {  	[tilespmem:s26+$0x1950] =	vst.add.f32.msk $0xffff, v5;
	s25 =	sand.u32 $0x380, s25  }
0x357: {  	[tilespmem:s26+$0x1960] =	vst.add.f32.msk $0xffff, v4;
	s25 =	sor.u32 s25, s28  }
0x358: {  	v4 =	vld [tilespmem:s25+$0xD970]  }
0x359: {  	v5 =	vld [tilespmem:s25+$0xC500]  }
0x35a: {  	v6 =	vld [tilespmem:s25+$0xC510]  }
0x35b: {  	v7 =	vld [tilespmem:s25+$0xC520]  }
0x35c: {  	v8 =	vld [tilespmem:s25+$0xC530]  }
0x35d: {  	v9 =	vld [tilespmem:s25+$0xC550]  }
0x35e: {  	v10 =	vld [tilespmem:s25+$0xC560]  }
0x35f: {  	v11 =	vld [tilespmem:s25+$0xC570]  }
0x360: {  	v12 =	vld [tilespmem:s25+$0xC900]  }
0x361: {  	v13 =	vld [tilespmem:s25+$0xC910]  }
0x362: {  	v14 =	vld [tilespmem:s25+$0xC920]  }
0x363: {  	v15 =	vld [tilespmem:s25+$0xC930]  }
0x364: {  	v16 =	vld [tilespmem:s25+$0xC940]  }
0x365: {  	v17 =	vld [tilespmem:s25+$0xC950]  }
0x366: {  	v18 =	vld [tilespmem:s25+$0xC960]  }
0x367: {  	v19 =	vld [tilespmem:s25+$0xC970]  }
0x368: {  	v20 =	vld [tilespmem:s25+$0xCD00]  }
0x369: {  	v21 =	vld [tilespmem:s25+$0xCD10]  }
0x36a: {  	v22 =	vld [tilespmem:s25+$0xCD20]  }
0x36b: {  	v23 =	vld [tilespmem:s25+$0xCD30]  }
0x36c: {  	v24 =	vld [tilespmem:s25+$0xCD40]  }
0x36d: {  	v25 =	vld [tilespmem:s25+$0xCD50]  }
0x36e: {  	v26 =	vld [tilespmem:s25+$0xCD60]  }
0x36f: {  	v27 =	vld [tilespmem:s25+$0xCD70]  }
0x370: {  	v28 =	vld [tilespmem:s25+$0xD100]  }
0x371: {  	v29 =	vld [tilespmem:s25+$0xD110]  }
0x372: {  	v30 =	vld [tilespmem:s25+$0xD120]  }
0x373: {  	v31 =	vld [tilespmem:s25+$0xD130]  }
0x374: {  	v32 =	vld [tilespmem:s25+$0xD140]  }
0x375: {  	v33 =	vld [tilespmem:s25+$0xD150]  }
0x376: {  	v34 =	vld [tilespmem:s25+$0xD160]  }
0x377: {  	v35 =	vld [tilespmem:s25+$0xD170]  }
0x378: {  	v36 =	vld [tilespmem:s25+$0xD500]  }
0x379: {  	v37 =	vld [tilespmem:s25+$0xD510]  }
0x37a: {  	v38 =	vld [tilespmem:s25+$0xD520]  }
0x37b: {  	v39 =	vld [tilespmem:s25+$0xD530]  }
0x37c: {  	v40 =	vld [tilespmem:s25+$0xD540]  }
0x37d: {  	v41 =	vld [tilespmem:s25+$0xD550]  }
0x37e: {  	v42 =	vld [tilespmem:s25+$0xD560]  }
0x37f: {  	v43 =	vld [tilespmem:s25+$0xD570]  }
0x380: {  	v44 =	vld [tilespmem:s25+$0xD900]  }
0x381: {  	v45 =	vld [tilespmem:s25+$0xD910]  }
0x382: {  	v46 =	vld [tilespmem:s25+$0xD920]  }
0x383: {  	v47 =	vld [tilespmem:s25+$0xD930]  }
0x384: {  	v48 =	vld [tilespmem:s25+$0xD940]  }
0x385: {  	v49 =	vld [tilespmem:s25+$0xD950]  }
0x386: {  	v50 =	vld [tilespmem:s25+$0xD960]  }
0x387: {  	[tilespmem:s25+$0x1970] =	vst.add.f32.msk $0xffff, v4  }
0x388: {  	v4 =	vld [tilespmem:s25+$0xC540]  }
0x389: {  	[tilespmem:s25+$0x500] =	vst.add.f32.msk $0xffff, v5  }
0x38a: {  	[tilespmem:s25+$0x510] =	vst.add.f32.msk $0xffff, v6  }
0x38b: {  	[tilespmem:s25+$0x520] =	vst.add.f32.msk $0xffff, v7  }
0x38c: {  	[tilespmem:s25+$0x530] =	vst.add.f32.msk $0xffff, v8  }
0x38d: {  	[tilespmem:s25+$0x550] =	vst.add.f32.msk $0xffff, v9  }
0x38e: {  	[tilespmem:s25+$0x560] =	vst.add.f32.msk $0xffff, v10  }
0x38f: {  	[tilespmem:s25+$0x570] =	vst.add.f32.msk $0xffff, v11  }
0x390: {  	[tilespmem:s25+$0x900] =	vst.add.f32.msk $0xffff, v12  }
0x391: {  	[tilespmem:s25+$0x910] =	vst.add.f32.msk $0xffff, v13  }
0x392: {  	[tilespmem:s25+$0x920] =	vst.add.f32.msk $0xffff, v14  }
0x393: {  	[tilespmem:s25+$0x930] =	vst.add.f32.msk $0xffff, v15  }
0x394: {  	[tilespmem:s25+$0x940] =	vst.add.f32.msk $0xffff, v16  }
0x395: {  	[tilespmem:s25+$0x950] =	vst.add.f32.msk $0xffff, v17  }
0x396: {  	[tilespmem:s25+$0x960] =	vst.add.f32.msk $0xffff, v18  }
0x397: {  	[tilespmem:s25+$0x970] =	vst.add.f32.msk $0xffff, v19  }
0x398: {  	[tilespmem:s25+$0xD00] =	vst.add.f32.msk $0xffff, v20  }
0x399: {  	[tilespmem:s25+$0xD10] =	vst.add.f32.msk $0xffff, v21  }
0x39a: {  	[tilespmem:s25+$0xD20] =	vst.add.f32.msk $0xffff, v22  }
0x39b: {  	[tilespmem:s25+$0xD30] =	vst.add.f32.msk $0xffff, v23  }
0x39c: {  	[tilespmem:s25+$0xD40] =	vst.add.f32.msk $0xffff, v24  }
0x39d: {  	[tilespmem:s25+$0xD50] =	vst.add.f32.msk $0xffff, v25  }
0x39e: {  	[tilespmem:s25+$0xD60] =	vst.add.f32.msk $0xffff, v26  }
0x39f: {  	[tilespmem:s25+$0xD70] =	vst.add.f32.msk $0xffff, v27  }
0x3a0: {  	[tilespmem:s25+$0x1100] =	vst.add.f32.msk $0xffff, v28  }
0x3a1: {  	[tilespmem:s25+$0x1110] =	vst.add.f32.msk $0xffff, v29  }
0x3a2: {  	[tilespmem:s25+$0x1120] =	vst.add.f32.msk $0xffff, v30  }
0x3a3: {  	[tilespmem:s25+$0x1130] =	vst.add.f32.msk $0xffff, v31  }
0x3a4: {  	[tilespmem:s25+$0x1140] =	vst.add.f32.msk $0xffff, v32  }
0x3a5: {  	[tilespmem:s25+$0x1150] =	vst.add.f32.msk $0xffff, v33  }
0x3a6: {  	[tilespmem:s25+$0x1160] =	vst.add.f32.msk $0xffff, v34  }
0x3a7: {  	[tilespmem:s25+$0x1170] =	vst.add.f32.msk $0xffff, v35  }
0x3a8: {  	[tilespmem:s25+$0x1500] =	vst.add.f32.msk $0xffff, v36  }
0x3a9: {  	[tilespmem:s25+$0x1510] =	vst.add.f32.msk $0xffff, v37  }
0x3aa: {  	[tilespmem:s25+$0x1520] =	vst.add.f32.msk $0xffff, v38  }
0x3ab: {  	[tilespmem:s25+$0x1530] =	vst.add.f32.msk $0xffff, v39  }
0x3ac: {  	[tilespmem:s25+$0x1540] =	vst.add.f32.msk $0xffff, v40  }
0x3ad: {  	[tilespmem:s25+$0x1550] =	vst.add.f32.msk $0xffff, v41  }
0x3ae: {  	[tilespmem:s25+$0x1560] =	vst.add.f32.msk $0xffff, v42  }
0x3af: {  	[tilespmem:s25+$0x1570] =	vst.add.f32.msk $0xffff, v43  }
0x3b0: {  	[tilespmem:s25+$0x1900] =	vst.add.f32.msk $0xffff, v44  }
0x3b1: {  	[tilespmem:s25+$0x1910] =	vst.add.f32.msk $0xffff, v45  }
0x3b2: {  	[tilespmem:s25+$0x1920] =	vst.add.f32.msk $0xffff, v46  }
0x3b3: {  	[tilespmem:s25+$0x1930] =	vst.add.f32.msk $0xffff, v47  }
0x3b4: {  	[tilespmem:s25+$0x1940] =	vst.add.f32.msk $0xffff, v48  }
0x3b5: {  	[tilespmem:s25+$0x1950] =	vst.add.f32.msk $0xffff, v49  }
0x3b6: {  	[tilespmem:s25+$0x1960] =	vst.add.f32.msk $0xffff, v50  }
0x3b7: {  	s30 =	rddreg [dreg:$0x6];
	[tilespmem:s25+$0x540] =	vst.add.f32.msk $0xffff, v4;
	s25 =	simm.s32 $0x0  }
0x3b8: {  	[hbm4b:s30+s25] =	stream.linear.scatter [tilespmem:s18], [sflag:$0x3], $0xC000, $0x38;
	[tilespmem:$0x18500] =	vst v63  }
0x3b9: {  	_ =	swait.ge [sflag:s17], $0xC000  }
0x3ba: {  	[sflag:s17] =	ssyncset.done $0x0  }
0x3bb: {  	[sflag:s17] =	ssyncadd.s32 $0xFFFF4000  }
0x3bc: {  	v4 =	vld [tilespmem:$0x200];
	_ =	sdelay $0x4  }
0x3bd: {  	v5 =	vshrl.u32 v4, $0x3  }
0x3be: {  	v5 =	vmul.u32 $0x30, v5  }
0x3bf: {  	v4 =	vand.u32 $0x7, v4  }
0x3c0: {  	v4 =	vor.u32 v4, v5  }
0x3c1: {  	v5 =	vperm.xlane v4, v1;
	_ =	sdelay $0x1  }
0x3c2: {  	v5 =	vadd.s32 v2, v5;
	_ =	sdelay $0x3  }
0x3c3: {  	v4 =	vperm.xlane v4, v3  }
0x3c4: {  	[tilespmem:s18], [sflag:$0x1] =	stream.indirect_vreg.gather [hbm4b:s2+s25], $0x80, v5, vm0, $0xb8;
	[tilespmem:$0x18500] =	vst v63  }
0x3c5: {  	s30 =	simm.s32 $0xD00;
	v4 =	vadd.s32 v2, v4  }
0x3c6: {  	[tilespmem:s30], [sflag:$0x1] =	stream.indirect_vreg.gather [hbm4b:s6+s25], $0x80, v5, vm0, $0xb8;
	[tilespmem:$0x18500] =	vst v63  }
0x3c7: {  	s30 =	simm.s32 $0x1500  }
0x3c8: {  	[tilespmem:s30], [sflag:$0x1] =	stream.indirect_vreg.gather [hbm4b:s7+s25], $0x80, v5, vm0, $0xb8;
	[tilespmem:$0x18500] =	vst v63  }
0x3c9: {  	s30 =	simm.s32 $0x1D00  }
0x3ca: {  	[tilespmem:s30], [sflag:$0x1] =	stream.indirect_vreg.gather [hbm4b:s2+s25], $0x80, v4, vm0, $0xb8;
	[tilespmem:$0x18500] =	vst v63  }
0x3cb: {  	s30 =	simm.s32 $0x2500  }
0x3cc: {  	[tilespmem:s30], [sflag:$0x1] =	stream.indirect_vreg.gather [hbm4b:s6+s25], $0x80, v4, vm0, $0xb8;
	[tilespmem:$0x18500] =	vst v63  }
0x3cd: {  	s30 =	simm.s32 $0x2D00  }
0x3ce: {  	[tilespmem:s30], [sflag:$0x1] =	stream.indirect_vreg.gather [hbm4b:s7+s25], $0x80, v4, vm0, $0xb8;
	[tilespmem:$0x18500] =	vst v63  }
0x3cf: {  	v4 =	vld [tilespmem:$0x210];
	_ =	sdelay $0x4  }
0x3d0: {  	v5 =	vshrl.u32 v4, $0x3  }
0x3d1: {  	v5 =	vmul.u32 $0x30, v5  }
0x3d2: {  	v4 =	vand.u32 $0x7, v4  }
0x3d3: {  	v4 =	vor.u32 v4, v5  }
0x3d4: {  	v5 =	vperm.xlane v4, v1;
	_ =	sdelay $0x1  }
0x3d5: {  	v5 =	vadd.s32 v2, v5;
	_ =	sdelay $0x3  }
0x3d6: {  	s30 =	simm.s32 $0x3500;
	v4 =	vperm.xlane v4, v3  }
0x3d7: {  	[tilespmem:s30], [sflag:$0x1] =	stream.indirect_vreg.gather [hbm4b:s2+s25], $0x80, v5, vm0, $0xb8;
	[tilespmem:$0x18500] =	vst v63  }
0x3d8: {  	v4 =	vadd.s32 v2, v4;
	s30 =	simm.s32 $0x3D00  }
0x3d9: {  	[tilespmem:s30], [sflag:$0x1] =	stream.indirect_vreg.gather [hbm4b:s6+s25], $0x80, v5, vm0, $0xb8;
	[tilespmem:$0x18500] =	vst v63  }
0x3da: {  	s30 =	simm.s32 $0x4500  }
0x3db: {  	[tilespmem:s30], [sflag:$0x1] =	stream.indirect_vreg.gather [hbm4b:s7+s25], $0x80, v5, vm0, $0xb8;
	[tilespmem:$0x18500] =	vst v63  }
0x3dc: {  	s30 =	simm.s32 $0x4D00  }
0x3dd: {  	[tilespmem:s30], [sflag:$0x1] =	stream.indirect_vreg.gather [hbm4b:s2+s25], $0x80, v4, vm0, $0xb8;
	[tilespmem:$0x18500] =	vst v63  }
0x3de: {  	s30 =	simm.s32 $0x5500  }
0x3df: {  	[tilespmem:s30], [sflag:$0x1] =	stream.indirect_vreg.gather [hbm4b:s6+s25], $0x80, v4, vm0, $0xb8;
	[tilespmem:$0x18500] =	vst v63  }
0x3e0: {  	s30 =	simm.s32 $0x5D00  }
0x3e1: {  	[tilespmem:s30], [sflag:$0x1] =	stream.indirect_vreg.gather [hbm4b:s7+s25], $0x80, v4, vm0, $0xb8;
	[tilespmem:$0x18500] =	vst v63  }
0x3e2: {  	v4 =	vld [tilespmem:$0x220];
	_ =	sdelay $0x4  }
0x3e3: {  	v5 =	vshrl.u32 v4, $0x3  }
0x3e4: {  	v5 =	vmul.u32 $0x30, v5  }
0x3e5: {  	v4 =	vand.u32 $0x7, v4  }
0x3e6: {  	v4 =	vor.u32 v4, v5  }
0x3e7: {  	v5 =	vperm.xlane v4, v1;
	_ =	sdelay $0x1  }
0x3e8: {  	v5 =	vadd.s32 v2, v5;
	_ =	sdelay $0x3  }
0x3e9: {  	s30 =	simm.s32 $0x6500;
	v4 =	vperm.xlane v4, v3  }
0x3ea: {  	[tilespmem:s30], [sflag:$0x1] =	stream.indirect_vreg.gather [hbm4b:s2+s25], $0x80, v5, vm0, $0xb8;
	[tilespmem:$0x18500] =	vst v63  }
0x3eb: {  	v4 =	vadd.s32 v2, v4;
	s30 =	simm.s32 $0x6D00  }
0x3ec: {  	[tilespmem:s30], [sflag:$0x1] =	stream.indirect_vreg.gather [hbm4b:s6+s25], $0x80, v5, vm0, $0xb8;
	[tilespmem:$0x18500] =	vst v63  }
0x3ed: {  	s30 =	simm.s32 $0x7500  }
0x3ee: {  	[tilespmem:s30], [sflag:$0x1] =	stream.indirect_vreg.gather [hbm4b:s7+s25], $0x80, v5, vm0, $0xb8;
	[tilespmem:$0x18500] =	vst v63  }
0x3ef: {  	s30 =	simm.s32 $0x7D00  }
0x3f0: {  	[tilespmem:s30], [sflag:$0x1] =	stream.indirect_vreg.gather [hbm4b:s2+s25], $0x80, v4, vm0, $0xb8;
	[tilespmem:$0x18500] =	vst v63  }
0x3f1: {  	s30 =	simm.s32 $0x8500  }
0x3f2: {  	[tilespmem:s30], [sflag:$0x1] =	stream.indirect_vreg.gather [hbm4b:s6+s25], $0x80, v4, vm0, $0xb8;
	[tilespmem:$0x18500] =	vst v63  }
0x3f3: {  	s30 =	simm.s32 $0x8D00  }
0x3f4: {  	[tilespmem:s30], [sflag:$0x1] =	stream.indirect_vreg.gather [hbm4b:s7+s25], $0x80, v4, vm0, $0xb8;
	[tilespmem:$0x18500] =	vst v63  }
0x3f5: {  	v4 =	vld [tilespmem:$0x230];
	_ =	sdelay $0x4  }
0x3f6: {  	v5 =	vshrl.u32 v4, $0x3  }
0x3f7: {  	v5 =	vmul.u32 $0x30, v5  }
0x3f8: {  	v4 =	vand.u32 $0x7, v4  }
0x3f9: {  	v4 =	vor.u32 v4, v5  }
0x3fa: {  	v5 =	vperm.xlane v4, v1;
	_ =	sdelay $0x1  }
0x3fb: {  	v5 =	vadd.s32 v2, v5;
	_ =	sdelay $0x3  }
0x3fc: {  	s30 =	simm.s32 $0x9500;
	v4 =	vperm.xlane v4, v3  }
0x3fd: {  	[tilespmem:s30], [sflag:$0x1] =	stream.indirect_vreg.gather [hbm4b:s2+s25], $0x80, v5, vm0, $0xb8;
	[tilespmem:$0x18500] =	vst v63  }
0x3fe: {  	v4 =	vadd.s32 v2, v4;
	s30 =	simm.s32 $0x9D00  }
0x3ff: {  	[tilespmem:s30], [sflag:$0x1] =	stream.indirect_vreg.gather [hbm4b:s6+s25], $0x80, v5, vm0, $0xb8;
	[tilespmem:$0x18500] =	vst v63  }
0x400: {  	s30 =	simm.s32 $0xA500  }
0x401: {  	[tilespmem:s30], [sflag:$0x1] =	stream.indirect_vreg.gather [hbm4b:s7+s25], $0x80, v5, vm0, $0xb8;
	[tilespmem:$0x18500] =	vst v63  }
0x402: {  	s30 =	simm.s32 $0xAD00  }
0x403: {  	[tilespmem:s30], [sflag:$0x1] =	stream.indirect_vreg.gather [hbm4b:s2+s25], $0x80, v4, vm0, $0xb8;
	[tilespmem:$0x18500] =	vst v63  }
0x404: {  	s30 =	simm.s32 $0xB500  }
0x405: {  	[tilespmem:s30], [sflag:$0x1] =	stream.indirect_vreg.gather [hbm4b:s6+s25], $0x80, v4, vm0, $0xb8;
	[tilespmem:$0x18500] =	vst v63  }
0x406: {  	s30 =	simm.s32 $0xBD00  }
0x407: {  	[tilespmem:s30], [sflag:$0x1] =	stream.indirect_vreg.gather [hbm4b:s7+s25], $0x80, v4, vm0, $0xb8;
	[tilespmem:$0x18500] =	vst v63  }
0x408: {  	v4 =	vld [tilespmem:$0x400];
	_ =	sdelay $0x4  }
0x409: {  	v5 =	vshrl.u32 v4, $0x3  }
0x40a: {  	v5 =	vmul.u32 $0x30, v5  }
0x40b: {  	v4 =	vand.u32 $0x7, v4  }
0x40c: {  	v4 =	vor.u32 v4, v5  }
0x40d: {  	v5 =	vperm.xlane v4, v1;
	_ =	sdelay $0x1  }
0x40e: {  	v5 =	vadd.s32 v2, v5;
	_ =	sdelay $0x3  }
0x40f: {  	s30 =	simm.s32 $0xC500;
	v4 =	vperm.xlane v4, v3  }
0x410: {  	[tilespmem:s30], [sflag:$0x2] =	stream.indirect_vreg.gather [hbm4b:s4+s25], $0x80, v5, vm0, $0xb8;
	[tilespmem:$0x18500] =	vst v63  }
0x411: {  	v4 =	vadd.s32 v2, v4;
	s30 =	simm.s32 $0xCD00  }
0x412: {  	[tilespmem:s30], [sflag:$0x2] =	stream.indirect_vreg.gather [hbm4b:s8+s25], $0x80, v5, vm0, $0xb8;
	[tilespmem:$0x18500] =	vst v63  }
0x413: {  	s30 =	simm.s32 $0xD500  }
0x414: {  	[tilespmem:s30], [sflag:$0x2] =	stream.indirect_vreg.gather [hbm4b:s10+s25], $0x80, v5, vm0, $0xb8;
	[tilespmem:$0x18500] =	vst v63  }
0x415: {  	s30 =	simm.s32 $0xDD00  }
0x416: {  	[tilespmem:s30], [sflag:$0x2] =	stream.indirect_vreg.gather [hbm4b:s4+s25], $0x80, v4, vm0, $0xb8;
	[tilespmem:$0x18500] =	vst v63  }
0x417: {  	s30 =	simm.s32 $0xE500  }
0x418: {  	[tilespmem:s30], [sflag:$0x2] =	stream.indirect_vreg.gather [hbm4b:s8+s25], $0x80, v4, vm0, $0xb8;
	[tilespmem:$0x18500] =	vst v63  }
0x419: {  	s30 =	simm.s32 $0xED00  }
0x41a: {  	[tilespmem:s30], [sflag:$0x2] =	stream.indirect_vreg.gather [hbm4b:s10+s25], $0x80, v4, vm0, $0xb8;
	[tilespmem:$0x18500] =	vst v63  }
0x41b: {  	v4 =	vld [tilespmem:$0x410];
	_ =	sdelay $0x4  }
0x41c: {  	v5 =	vshrl.u32 v4, $0x3  }
0x41d: {  	v5 =	vmul.u32 $0x30, v5  }
0x41e: {  	v4 =	vand.u32 $0x7, v4  }
0x41f: {  	v4 =	vor.u32 v4, v5  }
0x420: {  	v5 =	vperm.xlane v4, v1;
	_ =	sdelay $0x1  }
0x421: {  	v5 =	vadd.s32 v2, v5;
	_ =	sdelay $0x3  }
0x422: {  	s30 =	simm.s32 $0xF500;
	v4 =	vperm.xlane v4, v3  }
0x423: {  	[tilespmem:s30], [sflag:$0x2] =	stream.indirect_vreg.gather [hbm4b:s4+s25], $0x80, v5, vm0, $0xb8;
	[tilespmem:$0x18500] =	vst v63  }
0x424: {  	v4 =	vadd.s32 v2, v4;
	s30 =	simm.s32 $0xFD00  }
0x425: {  	[tilespmem:s30], [sflag:$0x2] =	stream.indirect_vreg.gather [hbm4b:s8+s25], $0x80, v5, vm0, $0xb8;
	[tilespmem:$0x18500] =	vst v63  }
0x426: {  	s30 =	simm.s32 $0x10500  }
0x427: {  	[tilespmem:s30], [sflag:$0x2] =	stream.indirect_vreg.gather [hbm4b:s10+s25], $0x80, v5, vm0, $0xb8;
	[tilespmem:$0x18500] =	vst v63  }
0x428: {  	s30 =	simm.s32 $0x10D00  }
0x429: {  	[tilespmem:s30], [sflag:$0x2] =	stream.indirect_vreg.gather [hbm4b:s4+s25], $0x80, v4, vm0, $0xb8;
	[tilespmem:$0x18500] =	vst v63  }
0x42a: {  	_ = 	snop  }
0x42b: {  	[tilespmem:s31], [sflag:$0x2] =	stream.indirect_vreg.gather [hbm4b:s8+s25], $0x80, v4, vm0, $0xb8;
	[tilespmem:$0x18500] =	vst v63  }
0x42c: {  	_ = 	snop  }
0x42d: {  	[tilespmem:s0], [sflag:$0x2] =	stream.indirect_vreg.gather [hbm4b:s10+s25], $0x80, v4, vm0, $0xb8;
	[tilespmem:$0x18500] =	vst v63  }
0x42e: {  	v4 =	vld [tilespmem:$0x420];
	_ =	sdelay $0x4  }
0x42f: {  	v5 =	vshrl.u32 v4, $0x3  }
0x430: {  	v5 =	vmul.u32 $0x30, v5  }
0x431: {  	v4 =	vand.u32 $0x7, v4  }
0x432: {  	v4 =	vor.u32 v4, v5  }
0x433: {  	v5 =	vperm.xlane v4, v1;
	_ =	sdelay $0x1  }
0x434: {  	v5 =	vadd.s32 v2, v5;
	_ =	sdelay $0x3  }
0x435: {  	v4 =	vperm.xlane v4, v3  }
0x436: {  	[tilespmem:s1], [sflag:$0x2] =	stream.indirect_vreg.gather [hbm4b:s4+s25], $0x80, v5, vm0, $0xb8;
	[tilespmem:$0x18500] =	vst v63  }
0x437: {  	v4 =	vadd.s32 v2, v4  }
0x438: {  	[tilespmem:s15], [sflag:$0x2] =	stream.indirect_vreg.gather [hbm4b:s8+s25], $0x80, v5, vm0, $0xb8;
	[tilespmem:$0x18500] =	vst v63  }
0x439: {  	_ = 	snop  }
0x43a: {  	[tilespmem:s16], [sflag:$0x2] =	stream.indirect_vreg.gather [hbm4b:s10+s25], $0x80, v5, vm0, $0xb8;
	[tilespmem:$0x18500] =	vst v63  }
0x43b: {  	_ = 	snop  }
0x43c: {  	[tilespmem:s5], [sflag:$0x2] =	stream.indirect_vreg.gather [hbm4b:s4+s25], $0x80, v4, vm0, $0xb8;
	[tilespmem:$0x18500] =	vst v63  }
0x43d: {  	_ = 	snop  }
0x43e: {  	[tilespmem:s11], [sflag:$0x2] =	stream.indirect_vreg.gather [hbm4b:s8+s25], $0x80, v4, vm0, $0xb8;
	[tilespmem:$0x18500] =	vst v63  }
0x43f: {  	_ = 	snop  }
0x440: {  	[tilespmem:s12], [sflag:$0x2] =	stream.indirect_vreg.gather [hbm4b:s10+s25], $0x80, v4, vm0, $0xb8;
	[tilespmem:$0x18500] =	vst v63  }
0x441: {  	v4 =	vld [tilespmem:$0x430];
	_ =	sdelay $0x4  }
0x442: {  	v5 =	vshrl.u32 v4, $0x3  }
0x443: {  	v5 =	vmul.u32 $0x30, v5  }
0x444: {  	v4 =	vand.u32 $0x7, v4  }
0x445: {  	v4 =	vor.u32 v4, v5  }
0x446: {  	v5 =	vperm.xlane v4, v1;
	_ =	sdelay $0x1  }
0x447: {  	v5 =	vadd.s32 v2, v5;
	_ =	sdelay $0x3  }
0x448: {  	v4 =	vperm.xlane v4, v3  }
0x449: {  	[tilespmem:s13], [sflag:$0x2] =	stream.indirect_vreg.gather [hbm4b:s4+s25], $0x80, v5, vm0, $0xb8;
	[tilespmem:$0x18500] =	vst v63  }
0x44a: {  	v4 =	vadd.s32 v2, v4  }
0x44b: {  	[tilespmem:s14], [sflag:$0x2] =	stream.indirect_vreg.gather [hbm4b:s8+s25], $0x80, v5, vm0, $0xb8;
	[tilespmem:$0x18500] =	vst v63  }
0x44c: {  	_ = 	snop  }
0x44d: {  	[tilespmem:s9], [sflag:$0x2] =	stream.indirect_vreg.gather [hbm4b:s10+s25], $0x80, v5, vm0, $0xb8;
	[tilespmem:$0x18500] =	vst v63  }
0x44e: {  	_ = 	snop  }
0x44f: {  	[tilespmem:s19], [sflag:$0x2] =	stream.indirect_vreg.gather [hbm4b:s4+s25], $0x80, v4, vm0, $0xb8;
	[tilespmem:$0x18500] =	vst v63  }
0x450: {  	_ = 	snop  }
0x451: {  	[tilespmem:s20], [sflag:$0x2] =	stream.indirect_vreg.gather [hbm4b:s8+s25], $0x80, v4, vm0, $0xb8;
	[tilespmem:$0x18500] =	vst v63  }
0x452: {  	_ = 	snop  }
0x453: {  	[tilespmem:s21], [sflag:$0x2] =	stream.indirect_vreg.gather [hbm4b:s10+s25], $0x80, v4, vm0, $0xb8;
	[tilespmem:$0x18500] =	vst v63  }
0x454: {  	_ =	swait.ge [sflag:s22], $0xC000  }
0x455: {  	[sflag:s22] =	ssyncset.done $0x0  }
0x456: {  	s30 =	simm.s32 $0x0;
	[sflag:s22] =	ssyncadd.s32 $0xFFFF4000  }
0x457: {  	s26 =	smul.u32 $0x1800, s30;
	_ =	swait.ge [sflag:s23], $0xC000  }
0x458: {  	s28 =	sand.u32 $0x380, s25;
	[sflag:s23] =	ssyncset.done $0x0  }
0x459: {  	s26 =	sor.u32 s28, s26;
	[sflag:s23] =	ssyncadd.s32 $0xFFFF4000  }
0x45a: {  	v4 =	vld [tilespmem:s26+$0xD970]  }
0x45b: {  	v7 =	vld [tilespmem:s26+$0xC500]  }
0x45c: {  	v8 =	vld [tilespmem:s26+$0xC510]  }
0x45d: {  	v9 =	vld [tilespmem:s26+$0xC520]  }
0x45e: {  	v10 =	vld [tilespmem:s26+$0xC530]  }
0x45f: {  	v11 =	vld [tilespmem:s26+$0xC540]  }
0x460: {  	v12 =	vld [tilespmem:s26+$0xC550]  }
0x461: {  	v13 =	vld [tilespmem:s26+$0xC560]  }
0x462: {  	v14 =	vld [tilespmem:s26+$0xC570]  }
0x463: {  	v15 =	vld [tilespmem:s26+$0xC900]  }
0x464: {  	v16 =	vld [tilespmem:s26+$0xC910]  }
0x465: {  	v17 =	vld [tilespmem:s26+$0xC920]  }
0x466: {  	v18 =	vld [tilespmem:s26+$0xC930]  }
0x467: {  	v19 =	vld [tilespmem:s26+$0xC940]  }
0x468: {  	v20 =	vld [tilespmem:s26+$0xC950]  }
0x469: {  	v21 =	vld [tilespmem:s26+$0xC960]  }
0x46a: {  	v22 =	vld [tilespmem:s26+$0xC970]  }
0x46b: {  	v23 =	vld [tilespmem:s26+$0xCD00]  }
0x46c: {  	v24 =	vld [tilespmem:s26+$0xCD10]  }
0x46d: {  	v25 =	vld [tilespmem:s26+$0xCD20]  }
0x46e: {  	v26 =	vld [tilespmem:s26+$0xCD30]  }
0x46f: {  	v27 =	vld [tilespmem:s26+$0xCD40]  }
0x470: {  	v28 =	vld [tilespmem:s26+$0xCD50]  }
0x471: {  	v29 =	vld [tilespmem:s26+$0xCD60]  }
0x472: {  	v30 =	vld [tilespmem:s26+$0xCD70]  }
0x473: {  	v31 =	vld [tilespmem:s26+$0xD100]  }
0x474: {  	v32 =	vld [tilespmem:s26+$0xD110]  }
0x475: {  	v33 =	vld [tilespmem:s26+$0xD120]  }
0x476: {  	v34 =	vld [tilespmem:s26+$0xD130]  }
0x477: {  	v35 =	vld [tilespmem:s26+$0xD140]  }
0x478: {  	v36 =	vld [tilespmem:s26+$0xD150]  }
0x479: {  	v37 =	vld [tilespmem:s26+$0xD160]  }
0x47a: {  	v38 =	vld [tilespmem:s26+$0xD170]  }
0x47b: {  	v52 =	vld [tilespmem:s26+$0xD500]  }
0x47c: {  	v53 =	vld [tilespmem:s26+$0xD510]  }
0x47d: {  	v54 =	vld [tilespmem:s26+$0xD520]  }
0x47e: {  	v55 =	vld [tilespmem:s26+$0xD530]  }
0x47f: {  	v56 =	vld [tilespmem:s26+$0xD540]  }
0x480: {  	v57 =	vld [tilespmem:s26+$0xD550]  }
0x481: {  	v58 =	vld [tilespmem:s26+$0xD560]  }
0x482: {  	v59 =	vld [tilespmem:s26+$0xD570]  }
0x483: {  	v60 =	vld [tilespmem:s26+$0xD900]  }
0x484: {  	v61 =	vld [tilespmem:s26+$0xD910]  }
0x485: {  	v62 =	vld [tilespmem:s26+$0xD920]  }
0x486: {  	v63 =	vld [tilespmem:s26+$0xD930]  }
0x487: {  	v6 =	vld [tilespmem:s26+$0xD940]  }
0x488: {  	v5 =	vld [tilespmem:s26+$0xD950]  }
0x489: {  	[tilespmem:s26+$0x1970] =	vst.add.f32.msk $0xffff, v4  }
0x48a: {  	v4 =	vld [tilespmem:s26+$0xD960]  }
0x48b: {  	[tilespmem:s26+$0x500] =	vst.add.f32.msk $0xffff, v7  }
0x48c: {  	[tilespmem:s26+$0x510] =	vst.add.f32.msk $0xffff, v8  }
0x48d: {  	[tilespmem:s26+$0x520] =	vst.add.f32.msk $0xffff, v9  }
0x48e: {  	[tilespmem:s26+$0x530] =	vst.add.f32.msk $0xffff, v10  }
0x48f: {  	[tilespmem:s26+$0x540] =	vst.add.f32.msk $0xffff, v11  }
0x490: {  	[tilespmem:s26+$0x550] =	vst.add.f32.msk $0xffff, v12  }
0x491: {  	[tilespmem:s26+$0x560] =	vst.add.f32.msk $0xffff, v13  }
0x492: {  	[tilespmem:s26+$0x570] =	vst.add.f32.msk $0xffff, v14  }
0x493: {  	[tilespmem:s26+$0x900] =	vst.add.f32.msk $0xffff, v15  }
0x494: {  	[tilespmem:s26+$0x910] =	vst.add.f32.msk $0xffff, v16  }
0x495: {  	[tilespmem:s26+$0x920] =	vst.add.f32.msk $0xffff, v17  }
0x496: {  	[tilespmem:s26+$0x930] =	vst.add.f32.msk $0xffff, v18  }
0x497: {  	[tilespmem:s26+$0x940] =	vst.add.f32.msk $0xffff, v19  }
0x498: {  	[tilespmem:s26+$0x950] =	vst.add.f32.msk $0xffff, v20  }
0x499: {  	[tilespmem:s26+$0x960] =	vst.add.f32.msk $0xffff, v21  }
0x49a: {  	[tilespmem:s26+$0x970] =	vst.add.f32.msk $0xffff, v22  }
0x49b: {  	[tilespmem:s26+$0xD00] =	vst.add.f32.msk $0xffff, v23  }
0x49c: {  	[tilespmem:s26+$0xD10] =	vst.add.f32.msk $0xffff, v24  }
0x49d: {  	[tilespmem:s26+$0xD20] =	vst.add.f32.msk $0xffff, v25  }
0x49e: {  	[tilespmem:s26+$0xD30] =	vst.add.f32.msk $0xffff, v26  }
0x49f: {  	[tilespmem:s26+$0xD40] =	vst.add.f32.msk $0xffff, v27  }
0x4a0: {  	[tilespmem:s26+$0xD50] =	vst.add.f32.msk $0xffff, v28  }
0x4a1: {  	[tilespmem:s26+$0xD60] =	vst.add.f32.msk $0xffff, v29  }
0x4a2: {  	[tilespmem:s26+$0xD70] =	vst.add.f32.msk $0xffff, v30  }
0x4a3: {  	[tilespmem:s26+$0x1100] =	vst.add.f32.msk $0xffff, v31  }
0x4a4: {  	[tilespmem:s26+$0x1110] =	vst.add.f32.msk $0xffff, v32  }
0x4a5: {  	[tilespmem:s26+$0x1120] =	vst.add.f32.msk $0xffff, v33  }
0x4a6: {  	[tilespmem:s26+$0x1130] =	vst.add.f32.msk $0xffff, v34  }
0x4a7: {  	[tilespmem:s26+$0x1140] =	vst.add.f32.msk $0xffff, v35  }
0x4a8: {  	[tilespmem:s26+$0x1150] =	vst.add.f32.msk $0xffff, v36  }
0x4a9: {  	[tilespmem:s26+$0x1160] =	vst.add.f32.msk $0xffff, v37  }
0x4aa: {  	[tilespmem:s26+$0x1170] =	vst.add.f32.msk $0xffff, v38  }
0x4ab: {  	[tilespmem:s26+$0x1500] =	vst.add.f32.msk $0xffff, v52  }
0x4ac: {  	[tilespmem:s26+$0x1510] =	vst.add.f32.msk $0xffff, v53  }
0x4ad: {  	[tilespmem:s26+$0x1520] =	vst.add.f32.msk $0xffff, v54  }
0x4ae: {  	[tilespmem:s26+$0x1530] =	vst.add.f32.msk $0xffff, v55  }
0x4af: {  	[tilespmem:s26+$0x1540] =	vst.add.f32.msk $0xffff, v56  }
0x4b0: {  	[tilespmem:s26+$0x1550] =	vst.add.f32.msk $0xffff, v57  }
0x4b1: {  	[tilespmem:s26+$0x1560] =	vst.add.f32.msk $0xffff, v58  }
0x4b2: {  	[tilespmem:s26+$0x1570] =	vst.add.f32.msk $0xffff, v59  }
0x4b3: {  	[tilespmem:s26+$0x1900] =	vst.add.f32.msk $0xffff, v60  }
0x4b4: {  	[tilespmem:s26+$0x1910] =	vst.add.f32.msk $0xffff, v61  }
0x4b5: {  	[tilespmem:s26+$0x1920] =	vst.add.f32.msk $0xffff, v62  }
0x4b6: {  	s29 =	simm.s32 $0x0;
	s28 =	simm.s32 $0x2;
	[tilespmem:s26+$0x1930] =	vst.add.f32.msk $0xffff, v63  }
.LBB2_6:
0x4b7: {  	p0 =	sne.s32 s28, $0x3F;
	s29 =	smul.u32 $0x1800, s29;
	[tilespmem:s26+$0x1940] =	vst.add.f32.msk $0xffff, v6;
	s25 =	sadd.s32 $0x80, s25  }
0x4b8: {  	s30 =	sand.u32 $0x380, s25;
	[tilespmem:s26+$0x1950] =	vst.add.f32.msk $0xffff, v5  }
0x4b9: {  	[tilespmem:s26+$0x1960] =	vst.add.f32.msk $0xffff, v4;
	s26 =	sor.u32 s30, s29  }
0x4ba: {  	v4 =	vld [tilespmem:s26+$0xD970]  }
0x4bb: {  	v7 =	vld [tilespmem:s26+$0xC500]  }
0x4bc: {  	v8 =	vld [tilespmem:s26+$0xC510]  }
0x4bd: {  	v9 =	vld [tilespmem:s26+$0xC520]  }
0x4be: {  	v10 =	vld [tilespmem:s26+$0xC530]  }
0x4bf: {  	[tilespmem:s26+$0x1970] =	vst.add.f32.msk $0xffff, v4  }
0x4c0: {  	v11 =	vld [tilespmem:s26+$0xC540]  }
0x4c1: {  	v12 =	vld [tilespmem:s26+$0xC550]  }
0x4c2: {  	v13 =	vld [tilespmem:s26+$0xC560]  }
0x4c3: {  	v14 =	vld [tilespmem:s26+$0xC570]  }
0x4c4: {  	v15 =	vld [tilespmem:s26+$0xC900]  }
0x4c5: {  	v16 =	vld [tilespmem:s26+$0xC910]  }
0x4c6: {  	v17 =	vld [tilespmem:s26+$0xC920]  }
0x4c7: {  	v18 =	vld [tilespmem:s26+$0xC930]  }
0x4c8: {  	v19 =	vld [tilespmem:s26+$0xC940]  }
0x4c9: {  	v20 =	vld [tilespmem:s26+$0xC950]  }
0x4ca: {  	v21 =	vld [tilespmem:s26+$0xC960]  }
0x4cb: {  	v22 =	vld [tilespmem:s26+$0xC970]  }
0x4cc: {  	v23 =	vld [tilespmem:s26+$0xCD00]  }
0x4cd: {  	v24 =	vld [tilespmem:s26+$0xCD10]  }
0x4ce: {  	v25 =	vld [tilespmem:s26+$0xCD20]  }
0x4cf: {  	v26 =	vld [tilespmem:s26+$0xCD30]  }
0x4d0: {  	v27 =	vld [tilespmem:s26+$0xCD40]  }
0x4d1: {  	v28 =	vld [tilespmem:s26+$0xCD50]  }
0x4d2: {  	v29 =	vld [tilespmem:s26+$0xCD60]  }
0x4d3: {  	v30 =	vld [tilespmem:s26+$0xCD70]  }
0x4d4: {  	v31 =	vld [tilespmem:s26+$0xD100]  }
0x4d5: {  	v32 =	vld [tilespmem:s26+$0xD110]  }
0x4d6: {  	v33 =	vld [tilespmem:s26+$0xD120]  }
0x4d7: {  	v34 =	vld [tilespmem:s26+$0xD130]  }
0x4d8: {  	v35 =	vld [tilespmem:s26+$0xD140]  }
0x4d9: {  	v36 =	vld [tilespmem:s26+$0xD150]  }
0x4da: {  	v37 =	vld [tilespmem:s26+$0xD160]  }
0x4db: {  	v38 =	vld [tilespmem:s26+$0xD170]  }
0x4dc: {  	v39 =	vld [tilespmem:s26+$0xD500]  }
0x4dd: {  	v40 =	vld [tilespmem:s26+$0xD510]  }
0x4de: {  	v41 =	vld [tilespmem:s26+$0xD520]  }
0x4df: {  	v42 =	vld [tilespmem:s26+$0xD530]  }
0x4e0: {  	v43 =	vld [tilespmem:s26+$0xD540]  }
0x4e1: {  	v44 =	vld [tilespmem:s26+$0xD550]  }
0x4e2: {  	v45 =	vld [tilespmem:s26+$0xD560]  }
0x4e3: {  	v46 =	vld [tilespmem:s26+$0xD570]  }
0x4e4: {  	v47 =	vld [tilespmem:s26+$0xD900]  }
0x4e5: {  	v48 =	vld [tilespmem:s26+$0xD910]  }
0x4e6: {  	v49 =	vld [tilespmem:s26+$0xD920]  }
0x4e7: {  	v50 =	vld [tilespmem:s26+$0xD930]  }
0x4e8: {  	v6 =	vld [tilespmem:s26+$0xD940]  }
0x4e9: {  	v5 =	vld [tilespmem:s26+$0xD950]  }
0x4ea: {  	v4 =	vld [tilespmem:s26+$0xD960]  }
0x4eb: {  	[tilespmem:s26+$0x500] =	vst.add.f32.msk $0xffff, v7  }
0x4ec: {  	[tilespmem:s26+$0x510] =	vst.add.f32.msk $0xffff, v8  }
0x4ed: {  	[tilespmem:s26+$0x520] =	vst.add.f32.msk $0xffff, v9  }
0x4ee: {  	[tilespmem:s26+$0x530] =	vst.add.f32.msk $0xffff, v10  }
0x4ef: {  	[tilespmem:s26+$0x540] =	vst.add.f32.msk $0xffff, v11  }
0x4f0: {  	[tilespmem:s26+$0x550] =	vst.add.f32.msk $0xffff, v12  }
0x4f1: {  	[tilespmem:s26+$0x560] =	vst.add.f32.msk $0xffff, v13  }
0x4f2: {  	[tilespmem:s26+$0x570] =	vst.add.f32.msk $0xffff, v14  }
0x4f3: {  	[tilespmem:s26+$0x900] =	vst.add.f32.msk $0xffff, v15  }
0x4f4: {  	[tilespmem:s26+$0x910] =	vst.add.f32.msk $0xffff, v16  }
0x4f5: {  	[tilespmem:s26+$0x920] =	vst.add.f32.msk $0xffff, v17  }
0x4f6: {  	[tilespmem:s26+$0x930] =	vst.add.f32.msk $0xffff, v18  }
0x4f7: {  	[tilespmem:s26+$0x940] =	vst.add.f32.msk $0xffff, v19  }
0x4f8: {  	[tilespmem:s26+$0x950] =	vst.add.f32.msk $0xffff, v20  }
0x4f9: {  	[tilespmem:s26+$0x960] =	vst.add.f32.msk $0xffff, v21  }
0x4fa: {  	[tilespmem:s26+$0x970] =	vst.add.f32.msk $0xffff, v22  }
0x4fb: {  	[tilespmem:s26+$0xD00] =	vst.add.f32.msk $0xffff, v23  }
0x4fc: {  	[tilespmem:s26+$0xD10] =	vst.add.f32.msk $0xffff, v24  }
0x4fd: {  	[tilespmem:s26+$0xD20] =	vst.add.f32.msk $0xffff, v25  }
0x4fe: {  	[tilespmem:s26+$0xD30] =	vst.add.f32.msk $0xffff, v26  }
0x4ff: {  	[tilespmem:s26+$0xD40] =	vst.add.f32.msk $0xffff, v27  }
0x500: {  	[tilespmem:s26+$0xD50] =	vst.add.f32.msk $0xffff, v28  }
0x501: {  	[tilespmem:s26+$0xD60] =	vst.add.f32.msk $0xffff, v29  }
0x502: {  	[tilespmem:s26+$0xD70] =	vst.add.f32.msk $0xffff, v30  }
0x503: {  	[tilespmem:s26+$0x1100] =	vst.add.f32.msk $0xffff, v31  }
0x504: {  	[tilespmem:s26+$0x1110] =	vst.add.f32.msk $0xffff, v32  }
0x505: {  	[tilespmem:s26+$0x1120] =	vst.add.f32.msk $0xffff, v33  }
0x506: {  	[tilespmem:s26+$0x1130] =	vst.add.f32.msk $0xffff, v34  }
0x507: {  	[tilespmem:s26+$0x1140] =	vst.add.f32.msk $0xffff, v35  }
0x508: {  	[tilespmem:s26+$0x1150] =	vst.add.f32.msk $0xffff, v36  }
0x509: {  	[tilespmem:s26+$0x1160] =	vst.add.f32.msk $0xffff, v37  }
0x50a: {  	[tilespmem:s26+$0x1170] =	vst.add.f32.msk $0xffff, v38  }
0x50b: {  	[tilespmem:s26+$0x1500] =	vst.add.f32.msk $0xffff, v39  }
0x50c: {  	[tilespmem:s26+$0x1510] =	vst.add.f32.msk $0xffff, v40  }
0x50d: {  	[tilespmem:s26+$0x1520] =	vst.add.f32.msk $0xffff, v41  }
0x50e: {  	[tilespmem:s26+$0x1530] =	vst.add.f32.msk $0xffff, v42  }
0x50f: {  	[tilespmem:s26+$0x1540] =	vst.add.f32.msk $0xffff, v43  }
0x510: {  	[tilespmem:s26+$0x1550] =	vst.add.f32.msk $0xffff, v44  }
0x511: {  	[tilespmem:s26+$0x1560] =	vst.add.f32.msk $0xffff, v45  }
.Ltmp2:
0x512: {  	[tilespmem:s26+$0x1570] =	vst.add.f32.msk $0xffff, v46;
	(pc) =	sbr.rel @p0 .LBB2_6-.Ltmp2, $4  }
0x513: {  	[tilespmem:s26+$0x1900] =	vst.add.f32.msk $0xffff, v47  }
0x514: {  	[tilespmem:s26+$0x1910] =	vst.add.f32.msk $0xffff, v48  }
0x515: {  	[tilespmem:s26+$0x1920] =	vst.add.f32.msk $0xffff, v49  }
0x516: {  	s29 =	sshrl.u32 s28, $0x3;
	s28 =	sadd.s32 $0x1, s28;
	[tilespmem:s26+$0x1930] =	vst.add.f32.msk $0xffff, v50  }
0x517: {  	s28 =	smul.u32 $0x1800, s29;
	[tilespmem:s26+$0x1940] =	vst.add.f32.msk $0xffff, v6;
	s25 =	sadd.s32 $0x80, s25  }
0x518: {  	[tilespmem:s26+$0x1950] =	vst.add.f32.msk $0xffff, v5;
	s25 =	sand.u32 $0x380, s25  }
0x519: {  	[tilespmem:s26+$0x1960] =	vst.add.f32.msk $0xffff, v4;
	s25 =	sor.u32 s25, s28  }
0x51a: {  	v4 =	vld [tilespmem:s25+$0xD970]  }
0x51b: {  	v5 =	vld [tilespmem:s25+$0xC500]  }
0x51c: {  	v6 =	vld [tilespmem:s25+$0xC510]  }
0x51d: {  	v7 =	vld [tilespmem:s25+$0xC520]  }
0x51e: {  	v8 =	vld [tilespmem:s25+$0xC530]  }
0x51f: {  	v9 =	vld [tilespmem:s25+$0xC550]  }
0x520: {  	v10 =	vld [tilespmem:s25+$0xC560]  }
0x521: {  	v11 =	vld [tilespmem:s25+$0xC570]  }
0x522: {  	v12 =	vld [tilespmem:s25+$0xC900]  }
0x523: {  	v13 =	vld [tilespmem:s25+$0xC910]  }
0x524: {  	v14 =	vld [tilespmem:s25+$0xC920]  }
0x525: {  	v15 =	vld [tilespmem:s25+$0xC930]  }
0x526: {  	v16 =	vld [tilespmem:s25+$0xC940]  }
0x527: {  	v17 =	vld [tilespmem:s25+$0xC950]  }
0x528: {  	v18 =	vld [tilespmem:s25+$0xC960]  }
0x529: {  	v19 =	vld [tilespmem:s25+$0xC970]  }
0x52a: {  	v20 =	vld [tilespmem:s25+$0xCD00]  }
0x52b: {  	v21 =	vld [tilespmem:s25+$0xCD10]  }
0x52c: {  	v22 =	vld [tilespmem:s25+$0xCD20]  }
0x52d: {  	v23 =	vld [tilespmem:s25+$0xCD30]  }
0x52e: {  	v24 =	vld [tilespmem:s25+$0xCD40]  }
0x52f: {  	v25 =	vld [tilespmem:s25+$0xCD50]  }
0x530: {  	v26 =	vld [tilespmem:s25+$0xCD60]  }
0x531: {  	v27 =	vld [tilespmem:s25+$0xCD70]  }
0x532: {  	v28 =	vld [tilespmem:s25+$0xD100]  }
0x533: {  	v29 =	vld [tilespmem:s25+$0xD110]  }
0x534: {  	v30 =	vld [tilespmem:s25+$0xD120]  }
0x535: {  	v31 =	vld [tilespmem:s25+$0xD130]  }
0x536: {  	v32 =	vld [tilespmem:s25+$0xD140]  }
0x537: {  	v33 =	vld [tilespmem:s25+$0xD150]  }
0x538: {  	v34 =	vld [tilespmem:s25+$0xD160]  }
0x539: {  	v35 =	vld [tilespmem:s25+$0xD170]  }
0x53a: {  	v36 =	vld [tilespmem:s25+$0xD500]  }
0x53b: {  	v37 =	vld [tilespmem:s25+$0xD510]  }
0x53c: {  	v38 =	vld [tilespmem:s25+$0xD520]  }
0x53d: {  	v39 =	vld [tilespmem:s25+$0xD530]  }
0x53e: {  	v40 =	vld [tilespmem:s25+$0xD540]  }
0x53f: {  	v41 =	vld [tilespmem:s25+$0xD550]  }
0x540: {  	v42 =	vld [tilespmem:s25+$0xD560]  }
0x541: {  	v43 =	vld [tilespmem:s25+$0xD570]  }
0x542: {  	v44 =	vld [tilespmem:s25+$0xD900]  }
0x543: {  	v45 =	vld [tilespmem:s25+$0xD910]  }
0x544: {  	v46 =	vld [tilespmem:s25+$0xD920]  }
0x545: {  	v47 =	vld [tilespmem:s25+$0xD930]  }
0x546: {  	v48 =	vld [tilespmem:s25+$0xD940]  }
0x547: {  	v49 =	vld [tilespmem:s25+$0xD950]  }
0x548: {  	v50 =	vld [tilespmem:s25+$0xD960]  }
0x549: {  	[tilespmem:s25+$0x1970] =	vst.add.f32.msk $0xffff, v4  }
0x54a: {  	v4 =	vld [tilespmem:s25+$0xC540]  }
0x54b: {  	[tilespmem:s25+$0x500] =	vst.add.f32.msk $0xffff, v5  }
0x54c: {  	[tilespmem:s25+$0x510] =	vst.add.f32.msk $0xffff, v6  }
0x54d: {  	[tilespmem:s25+$0x520] =	vst.add.f32.msk $0xffff, v7  }
0x54e: {  	[tilespmem:s25+$0x530] =	vst.add.f32.msk $0xffff, v8  }
0x54f: {  	[tilespmem:s25+$0x550] =	vst.add.f32.msk $0xffff, v9  }
0x550: {  	[tilespmem:s25+$0x560] =	vst.add.f32.msk $0xffff, v10  }
0x551: {  	[tilespmem:s25+$0x570] =	vst.add.f32.msk $0xffff, v11  }
0x552: {  	[tilespmem:s25+$0x900] =	vst.add.f32.msk $0xffff, v12  }
0x553: {  	[tilespmem:s25+$0x910] =	vst.add.f32.msk $0xffff, v13  }
0x554: {  	[tilespmem:s25+$0x920] =	vst.add.f32.msk $0xffff, v14  }
0x555: {  	[tilespmem:s25+$0x930] =	vst.add.f32.msk $0xffff, v15  }
0x556: {  	[tilespmem:s25+$0x940] =	vst.add.f32.msk $0xffff, v16  }
0x557: {  	[tilespmem:s25+$0x950] =	vst.add.f32.msk $0xffff, v17  }
0x558: {  	[tilespmem:s25+$0x960] =	vst.add.f32.msk $0xffff, v18  }
0x559: {  	[tilespmem:s25+$0x970] =	vst.add.f32.msk $0xffff, v19  }
0x55a: {  	[tilespmem:s25+$0xD00] =	vst.add.f32.msk $0xffff, v20  }
0x55b: {  	[tilespmem:s25+$0xD10] =	vst.add.f32.msk $0xffff, v21  }
0x55c: {  	[tilespmem:s25+$0xD20] =	vst.add.f32.msk $0xffff, v22  }
0x55d: {  	[tilespmem:s25+$0xD30] =	vst.add.f32.msk $0xffff, v23  }
0x55e: {  	[tilespmem:s25+$0xD40] =	vst.add.f32.msk $0xffff, v24  }
0x55f: {  	[tilespmem:s25+$0xD50] =	vst.add.f32.msk $0xffff, v25  }
0x560: {  	[tilespmem:s25+$0xD60] =	vst.add.f32.msk $0xffff, v26  }
0x561: {  	[tilespmem:s25+$0xD70] =	vst.add.f32.msk $0xffff, v27  }
0x562: {  	[tilespmem:s25+$0x1100] =	vst.add.f32.msk $0xffff, v28  }
0x563: {  	[tilespmem:s25+$0x1110] =	vst.add.f32.msk $0xffff, v29  }
0x564: {  	[tilespmem:s25+$0x1120] =	vst.add.f32.msk $0xffff, v30  }
0x565: {  	[tilespmem:s25+$0x1130] =	vst.add.f32.msk $0xffff, v31  }
0x566: {  	[tilespmem:s25+$0x1140] =	vst.add.f32.msk $0xffff, v32  }
0x567: {  	[tilespmem:s25+$0x1150] =	vst.add.f32.msk $0xffff, v33  }
0x568: {  	[tilespmem:s25+$0x1160] =	vst.add.f32.msk $0xffff, v34  }
0x569: {  	[tilespmem:s25+$0x1170] =	vst.add.f32.msk $0xffff, v35  }
0x56a: {  	[tilespmem:s25+$0x1500] =	vst.add.f32.msk $0xffff, v36  }
0x56b: {  	[tilespmem:s25+$0x1510] =	vst.add.f32.msk $0xffff, v37  }
0x56c: {  	[tilespmem:s25+$0x1520] =	vst.add.f32.msk $0xffff, v38  }
0x56d: {  	[tilespmem:s25+$0x1530] =	vst.add.f32.msk $0xffff, v39  }
0x56e: {  	[tilespmem:s25+$0x1540] =	vst.add.f32.msk $0xffff, v40  }
0x56f: {  	[tilespmem:s25+$0x1550] =	vst.add.f32.msk $0xffff, v41  }
0x570: {  	[tilespmem:s25+$0x1560] =	vst.add.f32.msk $0xffff, v42  }
0x571: {  	[tilespmem:s25+$0x1570] =	vst.add.f32.msk $0xffff, v43  }
0x572: {  	[tilespmem:s25+$0x1900] =	vst.add.f32.msk $0xffff, v44  }
0x573: {  	[tilespmem:s25+$0x1910] =	vst.add.f32.msk $0xffff, v45  }
0x574: {  	[tilespmem:s25+$0x1920] =	vst.add.f32.msk $0xffff, v46  }
0x575: {  	[tilespmem:s25+$0x1930] =	vst.add.f32.msk $0xffff, v47  }
0x576: {  	[tilespmem:s25+$0x1940] =	vst.add.f32.msk $0xffff, v48  }
0x577: {  	[tilespmem:s25+$0x1950] =	vst.add.f32.msk $0xffff, v49  }
0x578: {  	[tilespmem:s25+$0x1960] =	vst.add.f32.msk $0xffff, v50  }
0x579: {  	s30 =	rddreg [dreg:$0x7];
	[tilespmem:s25+$0x540] =	vst.add.f32.msk $0xffff, v4;
	s25 =	simm.s32 $0x0  }
0x57a: {  	[hbm4b:s30+s25] =	stream.linear.scatter [tilespmem:s18], [sflag:$0x3], $0xC000, $0x38;
	[tilespmem:$0x18500] =	vst v63  }
0x57b: {  	_ =	swait.ge [sflag:s17], $0xC000  }
0x57c: {  	[sflag:s17] =	ssyncset.done $0x0  }
0x57d: {  	[sflag:s17] =	ssyncadd.s32 $0xFFFF4000  }
0x57e: {  	v4 =	vld [tilespmem:$0x280];
	_ =	sdelay $0x4  }
0x57f: {  	v5 =	vshrl.u32 v4, $0x3  }
0x580: {  	v5 =	vmul.u32 $0x30, v5  }
0x581: {  	v4 =	vand.u32 $0x7, v4  }
0x582: {  	v4 =	vor.u32 v4, v5  }
0x583: {  	v5 =	vperm.xlane v4, v1;
	_ =	sdelay $0x1  }
0x584: {  	v5 =	vadd.s32 v2, v5;
	_ =	sdelay $0x3  }
0x585: {  	v4 =	vperm.xlane v4, v3  }
0x586: {  	[tilespmem:s18], [sflag:$0x1] =	stream.indirect_vreg.gather [hbm4b:s2+s25], $0x80, v5, vm0, $0xb8;
	[tilespmem:$0x18500] =	vst v63  }
0x587: {  	s30 =	simm.s32 $0xD00;
	v4 =	vadd.s32 v2, v4  }
0x588: {  	[tilespmem:s30], [sflag:$0x1] =	stream.indirect_vreg.gather [hbm4b:s6+s25], $0x80, v5, vm0, $0xb8;
	[tilespmem:$0x18500] =	vst v63  }
0x589: {  	s30 =	simm.s32 $0x1500  }
0x58a: {  	[tilespmem:s30], [sflag:$0x1] =	stream.indirect_vreg.gather [hbm4b:s7+s25], $0x80, v5, vm0, $0xb8;
	[tilespmem:$0x18500] =	vst v63  }
0x58b: {  	s30 =	simm.s32 $0x1D00  }
0x58c: {  	[tilespmem:s30], [sflag:$0x1] =	stream.indirect_vreg.gather [hbm4b:s2+s25], $0x80, v4, vm0, $0xb8;
	[tilespmem:$0x18500] =	vst v63  }
0x58d: {  	s30 =	simm.s32 $0x2500  }
0x58e: {  	[tilespmem:s30], [sflag:$0x1] =	stream.indirect_vreg.gather [hbm4b:s6+s25], $0x80, v4, vm0, $0xb8;
	[tilespmem:$0x18500] =	vst v63  }
0x58f: {  	s30 =	simm.s32 $0x2D00  }
0x590: {  	[tilespmem:s30], [sflag:$0x1] =	stream.indirect_vreg.gather [hbm4b:s7+s25], $0x80, v4, vm0, $0xb8;
	[tilespmem:$0x18500] =	vst v63  }
0x591: {  	v4 =	vld [tilespmem:$0x290];
	_ =	sdelay $0x4  }
0x592: {  	v5 =	vshrl.u32 v4, $0x3  }
0x593: {  	v5 =	vmul.u32 $0x30, v5  }
0x594: {  	v4 =	vand.u32 $0x7, v4  }
0x595: {  	v4 =	vor.u32 v4, v5  }
0x596: {  	v5 =	vperm.xlane v4, v1;
	_ =	sdelay $0x1  }
0x597: {  	v5 =	vadd.s32 v2, v5;
	_ =	sdelay $0x3  }
0x598: {  	s30 =	simm.s32 $0x3500;
	v4 =	vperm.xlane v4, v3  }
0x599: {  	[tilespmem:s30], [sflag:$0x1] =	stream.indirect_vreg.gather [hbm4b:s2+s25], $0x80, v5, vm0, $0xb8;
	[tilespmem:$0x18500] =	vst v63  }
0x59a: {  	v4 =	vadd.s32 v2, v4;
	s30 =	simm.s32 $0x3D00  }
0x59b: {  	[tilespmem:s30], [sflag:$0x1] =	stream.indirect_vreg.gather [hbm4b:s6+s25], $0x80, v5, vm0, $0xb8;
	[tilespmem:$0x18500] =	vst v63  }
0x59c: {  	s30 =	simm.s32 $0x4500  }
0x59d: {  	[tilespmem:s30], [sflag:$0x1] =	stream.indirect_vreg.gather [hbm4b:s7+s25], $0x80, v5, vm0, $0xb8;
	[tilespmem:$0x18500] =	vst v63  }
0x59e: {  	s30 =	simm.s32 $0x4D00  }
0x59f: {  	[tilespmem:s30], [sflag:$0x1] =	stream.indirect_vreg.gather [hbm4b:s2+s25], $0x80, v4, vm0, $0xb8;
	[tilespmem:$0x18500] =	vst v63  }
0x5a0: {  	s30 =	simm.s32 $0x5500  }
0x5a1: {  	[tilespmem:s30], [sflag:$0x1] =	stream.indirect_vreg.gather [hbm4b:s6+s25], $0x80, v4, vm0, $0xb8;
	[tilespmem:$0x18500] =	vst v63  }
0x5a2: {  	s30 =	simm.s32 $0x5D00  }
0x5a3: {  	[tilespmem:s30], [sflag:$0x1] =	stream.indirect_vreg.gather [hbm4b:s7+s25], $0x80, v4, vm0, $0xb8;
	[tilespmem:$0x18500] =	vst v63  }
0x5a4: {  	v4 =	vld [tilespmem:$0x2A0];
	_ =	sdelay $0x4  }
0x5a5: {  	v5 =	vshrl.u32 v4, $0x3  }
0x5a6: {  	v5 =	vmul.u32 $0x30, v5  }
0x5a7: {  	v4 =	vand.u32 $0x7, v4  }
0x5a8: {  	v4 =	vor.u32 v4, v5  }
0x5a9: {  	v5 =	vperm.xlane v4, v1;
	_ =	sdelay $0x1  }
0x5aa: {  	v5 =	vadd.s32 v2, v5;
	_ =	sdelay $0x3  }
0x5ab: {  	s30 =	simm.s32 $0x6500;
	v4 =	vperm.xlane v4, v3  }
0x5ac: {  	[tilespmem:s30], [sflag:$0x1] =	stream.indirect_vreg.gather [hbm4b:s2+s25], $0x80, v5, vm0, $0xb8;
	[tilespmem:$0x18500] =	vst v63  }
0x5ad: {  	v4 =	vadd.s32 v2, v4;
	s30 =	simm.s32 $0x6D00  }
0x5ae: {  	[tilespmem:s30], [sflag:$0x1] =	stream.indirect_vreg.gather [hbm4b:s6+s25], $0x80, v5, vm0, $0xb8;
	[tilespmem:$0x18500] =	vst v63  }
0x5af: {  	s30 =	simm.s32 $0x7500  }
0x5b0: {  	[tilespmem:s30], [sflag:$0x1] =	stream.indirect_vreg.gather [hbm4b:s7+s25], $0x80, v5, vm0, $0xb8;
	[tilespmem:$0x18500] =	vst v63  }
0x5b1: {  	s30 =	simm.s32 $0x7D00  }
0x5b2: {  	[tilespmem:s30], [sflag:$0x1] =	stream.indirect_vreg.gather [hbm4b:s2+s25], $0x80, v4, vm0, $0xb8;
	[tilespmem:$0x18500] =	vst v63  }
0x5b3: {  	s30 =	simm.s32 $0x8500  }
0x5b4: {  	[tilespmem:s30], [sflag:$0x1] =	stream.indirect_vreg.gather [hbm4b:s6+s25], $0x80, v4, vm0, $0xb8;
	[tilespmem:$0x18500] =	vst v63  }
0x5b5: {  	s30 =	simm.s32 $0x8D00  }
0x5b6: {  	[tilespmem:s30], [sflag:$0x1] =	stream.indirect_vreg.gather [hbm4b:s7+s25], $0x80, v4, vm0, $0xb8;
	[tilespmem:$0x18500] =	vst v63  }
0x5b7: {  	v4 =	vld [tilespmem:$0x2B0];
	_ =	sdelay $0x4  }
0x5b8: {  	v5 =	vshrl.u32 v4, $0x3  }
0x5b9: {  	v5 =	vmul.u32 $0x30, v5  }
0x5ba: {  	v4 =	vand.u32 $0x7, v4  }
0x5bb: {  	v4 =	vor.u32 v4, v5  }
0x5bc: {  	v5 =	vperm.xlane v4, v1;
	_ =	sdelay $0x1  }
0x5bd: {  	v5 =	vadd.s32 v2, v5;
	_ =	sdelay $0x3  }
0x5be: {  	s30 =	simm.s32 $0x9500;
	v4 =	vperm.xlane v4, v3  }
0x5bf: {  	[tilespmem:s30], [sflag:$0x1] =	stream.indirect_vreg.gather [hbm4b:s2+s25], $0x80, v5, vm0, $0xb8;
	[tilespmem:$0x18500] =	vst v63  }
0x5c0: {  	v4 =	vadd.s32 v2, v4;
	s30 =	simm.s32 $0x9D00  }
0x5c1: {  	[tilespmem:s30], [sflag:$0x1] =	stream.indirect_vreg.gather [hbm4b:s6+s25], $0x80, v5, vm0, $0xb8;
	[tilespmem:$0x18500] =	vst v63  }
0x5c2: {  	s30 =	simm.s32 $0xA500  }
0x5c3: {  	[tilespmem:s30], [sflag:$0x1] =	stream.indirect_vreg.gather [hbm4b:s7+s25], $0x80, v5, vm0, $0xb8;
	[tilespmem:$0x18500] =	vst v63  }
0x5c4: {  	s30 =	simm.s32 $0xAD00  }
0x5c5: {  	[tilespmem:s30], [sflag:$0x1] =	stream.indirect_vreg.gather [hbm4b:s2+s25], $0x80, v4, vm0, $0xb8;
	[tilespmem:$0x18500] =	vst v63  }
0x5c6: {  	s30 =	simm.s32 $0xB500  }
0x5c7: {  	[tilespmem:s30], [sflag:$0x1] =	stream.indirect_vreg.gather [hbm4b:s6+s25], $0x80, v4, vm0, $0xb8;
	[tilespmem:$0x18500] =	vst v63  }
0x5c8: {  	s30 =	simm.s32 $0xBD00  }
0x5c9: {  	[tilespmem:s30], [sflag:$0x1] =	stream.indirect_vreg.gather [hbm4b:s7+s25], $0x80, v4, vm0, $0xb8;
	[tilespmem:$0x18500] =	vst v63  }
0x5ca: {  	v4 =	vld [tilespmem:$0x480];
	_ =	sdelay $0x4  }
0x5cb: {  	v5 =	vshrl.u32 v4, $0x3  }
0x5cc: {  	v5 =	vmul.u32 $0x30, v5  }
0x5cd: {  	v4 =	vand.u32 $0x7, v4  }
0x5ce: {  	v4 =	vor.u32 v4, v5  }
0x5cf: {  	v5 =	vperm.xlane v4, v1;
	_ =	sdelay $0x1  }
0x5d0: {  	v5 =	vadd.s32 v2, v5;
	_ =	sdelay $0x3  }
0x5d1: {  	s30 =	simm.s32 $0xC500;
	v4 =	vperm.xlane v4, v3  }
0x5d2: {  	[tilespmem:s30], [sflag:$0x2] =	stream.indirect_vreg.gather [hbm4b:s4+s25], $0x80, v5, vm0, $0xb8;
	[tilespmem:$0x18500] =	vst v63  }
0x5d3: {  	v4 =	vadd.s32 v2, v4;
	s30 =	simm.s32 $0xCD00  }
0x5d4: {  	[tilespmem:s30], [sflag:$0x2] =	stream.indirect_vreg.gather [hbm4b:s8+s25], $0x80, v5, vm0, $0xb8;
	[tilespmem:$0x18500] =	vst v63  }
0x5d5: {  	s30 =	simm.s32 $0xD500  }
0x5d6: {  	[tilespmem:s30], [sflag:$0x2] =	stream.indirect_vreg.gather [hbm4b:s10+s25], $0x80, v5, vm0, $0xb8;
	[tilespmem:$0x18500] =	vst v63  }
0x5d7: {  	s30 =	simm.s32 $0xDD00  }
0x5d8: {  	[tilespmem:s30], [sflag:$0x2] =	stream.indirect_vreg.gather [hbm4b:s4+s25], $0x80, v4, vm0, $0xb8;
	[tilespmem:$0x18500] =	vst v63  }
0x5d9: {  	s30 =	simm.s32 $0xE500  }
0x5da: {  	[tilespmem:s30], [sflag:$0x2] =	stream.indirect_vreg.gather [hbm4b:s8+s25], $0x80, v4, vm0, $0xb8;
	[tilespmem:$0x18500] =	vst v63  }
0x5db: {  	s30 =	simm.s32 $0xED00  }
0x5dc: {  	[tilespmem:s30], [sflag:$0x2] =	stream.indirect_vreg.gather [hbm4b:s10+s25], $0x80, v4, vm0, $0xb8;
	[tilespmem:$0x18500] =	vst v63  }
0x5dd: {  	v4 =	vld [tilespmem:$0x490];
	_ =	sdelay $0x4  }
0x5de: {  	v5 =	vshrl.u32 v4, $0x3  }
0x5df: {  	v5 =	vmul.u32 $0x30, v5  }
0x5e0: {  	v4 =	vand.u32 $0x7, v4  }
0x5e1: {  	v4 =	vor.u32 v4, v5  }
0x5e2: {  	v5 =	vperm.xlane v4, v1;
	_ =	sdelay $0x1  }
0x5e3: {  	v5 =	vadd.s32 v2, v5;
	_ =	sdelay $0x3  }
0x5e4: {  	s30 =	simm.s32 $0xF500;
	v4 =	vperm.xlane v4, v3  }
0x5e5: {  	[tilespmem:s30], [sflag:$0x2] =	stream.indirect_vreg.gather [hbm4b:s4+s25], $0x80, v5, vm0, $0xb8;
	[tilespmem:$0x18500] =	vst v63  }
0x5e6: {  	v4 =	vadd.s32 v2, v4;
	s30 =	simm.s32 $0xFD00  }
0x5e7: {  	[tilespmem:s30], [sflag:$0x2] =	stream.indirect_vreg.gather [hbm4b:s8+s25], $0x80, v5, vm0, $0xb8;
	[tilespmem:$0x18500] =	vst v63  }
0x5e8: {  	s30 =	simm.s32 $0x10500  }
0x5e9: {  	[tilespmem:s30], [sflag:$0x2] =	stream.indirect_vreg.gather [hbm4b:s10+s25], $0x80, v5, vm0, $0xb8;
	[tilespmem:$0x18500] =	vst v63  }
0x5ea: {  	s30 =	simm.s32 $0x10D00  }
0x5eb: {  	[tilespmem:s30], [sflag:$0x2] =	stream.indirect_vreg.gather [hbm4b:s4+s25], $0x80, v4, vm0, $0xb8;
	[tilespmem:$0x18500] =	vst v63  }
0x5ec: {  	_ = 	snop  }
0x5ed: {  	[tilespmem:s31], [sflag:$0x2] =	stream.indirect_vreg.gather [hbm4b:s8+s25], $0x80, v4, vm0, $0xb8;
	[tilespmem:$0x18500] =	vst v63  }
0x5ee: {  	_ = 	snop  }
0x5ef: {  	[tilespmem:s0], [sflag:$0x2] =	stream.indirect_vreg.gather [hbm4b:s10+s25], $0x80, v4, vm0, $0xb8;
	[tilespmem:$0x18500] =	vst v63  }
0x5f0: {  	v4 =	vld [tilespmem:$0x4A0];
	_ =	sdelay $0x4  }
0x5f1: {  	v5 =	vshrl.u32 v4, $0x3  }
0x5f2: {  	v5 =	vmul.u32 $0x30, v5  }
0x5f3: {  	v4 =	vand.u32 $0x7, v4  }
0x5f4: {  	v4 =	vor.u32 v4, v5  }
0x5f5: {  	v5 =	vperm.xlane v4, v1;
	_ =	sdelay $0x1  }
0x5f6: {  	v5 =	vadd.s32 v2, v5;
	_ =	sdelay $0x3  }
0x5f7: {  	v4 =	vperm.xlane v4, v3  }
0x5f8: {  	[tilespmem:s1], [sflag:$0x2] =	stream.indirect_vreg.gather [hbm4b:s4+s25], $0x80, v5, vm0, $0xb8;
	[tilespmem:$0x18500] =	vst v63  }
0x5f9: {  	v4 =	vadd.s32 v2, v4  }
0x5fa: {  	[tilespmem:s15], [sflag:$0x2] =	stream.indirect_vreg.gather [hbm4b:s8+s25], $0x80, v5, vm0, $0xb8;
	[tilespmem:$0x18500] =	vst v63  }
0x5fb: {  	_ = 	snop  }
0x5fc: {  	[tilespmem:s16], [sflag:$0x2] =	stream.indirect_vreg.gather [hbm4b:s10+s25], $0x80, v5, vm0, $0xb8;
	[tilespmem:$0x18500] =	vst v63  }
0x5fd: {  	_ = 	snop  }
0x5fe: {  	[tilespmem:s5], [sflag:$0x2] =	stream.indirect_vreg.gather [hbm4b:s4+s25], $0x80, v4, vm0, $0xb8;
	[tilespmem:$0x18500] =	vst v63  }
0x5ff: {  	_ = 	snop  }
0x600: {  	[tilespmem:s11], [sflag:$0x2] =	stream.indirect_vreg.gather [hbm4b:s8+s25], $0x80, v4, vm0, $0xb8;
	[tilespmem:$0x18500] =	vst v63  }
0x601: {  	_ = 	snop  }
0x602: {  	[tilespmem:s12], [sflag:$0x2] =	stream.indirect_vreg.gather [hbm4b:s10+s25], $0x80, v4, vm0, $0xb8;
	[tilespmem:$0x18500] =	vst v63  }
0x603: {  	v4 =	vld [tilespmem:$0x4B0];
	_ =	sdelay $0x4  }
0x604: {  	v5 =	vshrl.u32 v4, $0x3  }
0x605: {  	v5 =	vmul.u32 $0x30, v5  }
0x606: {  	v4 =	vand.u32 $0x7, v4  }
0x607: {  	v4 =	vor.u32 v4, v5  }
0x608: {  	v5 =	vperm.xlane v4, v1;
	_ =	sdelay $0x1  }
0x609: {  	v5 =	vadd.s32 v2, v5;
	_ =	sdelay $0x3  }
0x60a: {  	v4 =	vperm.xlane v4, v3  }
0x60b: {  	[tilespmem:s13], [sflag:$0x2] =	stream.indirect_vreg.gather [hbm4b:s4+s25], $0x80, v5, vm0, $0xb8;
	[tilespmem:$0x18500] =	vst v63  }
0x60c: {  	v4 =	vadd.s32 v2, v4  }
0x60d: {  	[tilespmem:s14], [sflag:$0x2] =	stream.indirect_vreg.gather [hbm4b:s8+s25], $0x80, v5, vm0, $0xb8;
	[tilespmem:$0x18500] =	vst v63  }
0x60e: {  	_ = 	snop  }
0x60f: {  	[tilespmem:s9], [sflag:$0x2] =	stream.indirect_vreg.gather [hbm4b:s10+s25], $0x80, v5, vm0, $0xb8;
	[tilespmem:$0x18500] =	vst v63  }
0x610: {  	_ = 	snop  }
0x611: {  	[tilespmem:s19], [sflag:$0x2] =	stream.indirect_vreg.gather [hbm4b:s4+s25], $0x80, v4, vm0, $0xb8;
	[tilespmem:$0x18500] =	vst v63  }
0x612: {  	_ = 	snop  }
0x613: {  	[tilespmem:s20], [sflag:$0x2] =	stream.indirect_vreg.gather [hbm4b:s8+s25], $0x80, v4, vm0, $0xb8;
	[tilespmem:$0x18500] =	vst v63  }
0x614: {  	_ = 	snop  }
0x615: {  	[tilespmem:s21], [sflag:$0x2] =	stream.indirect_vreg.gather [hbm4b:s10+s25], $0x80, v4, vm0, $0xb8;
	[tilespmem:$0x18500] =	vst v63  }
0x616: {  	_ =	swait.ge [sflag:s22], $0xC000  }
0x617: {  	[sflag:s22] =	ssyncset.done $0x0  }
0x618: {  	s30 =	simm.s32 $0x0;
	[sflag:s22] =	ssyncadd.s32 $0xFFFF4000  }
0x619: {  	s26 =	smul.u32 $0x1800, s30;
	_ =	swait.ge [sflag:s23], $0xC000  }
0x61a: {  	s28 =	sand.u32 $0x380, s25;
	[sflag:s23] =	ssyncset.done $0x0  }
0x61b: {  	s26 =	sor.u32 s28, s26;
	[sflag:s23] =	ssyncadd.s32 $0xFFFF4000  }
0x61c: {  	v4 =	vld [tilespmem:s26+$0xD970]  }
0x61d: {  	v7 =	vld [tilespmem:s26+$0xC500]  }
0x61e: {  	v8 =	vld [tilespmem:s26+$0xC510]  }
0x61f: {  	v9 =	vld [tilespmem:s26+$0xC520]  }
0x620: {  	v10 =	vld [tilespmem:s26+$0xC530]  }
0x621: {  	v11 =	vld [tilespmem:s26+$0xC540]  }
0x622: {  	v12 =	vld [tilespmem:s26+$0xC550]  }
0x623: {  	v13 =	vld [tilespmem:s26+$0xC560]  }
0x624: {  	v14 =	vld [tilespmem:s26+$0xC570]  }
0x625: {  	v15 =	vld [tilespmem:s26+$0xC900]  }
0x626: {  	v16 =	vld [tilespmem:s26+$0xC910]  }
0x627: {  	v17 =	vld [tilespmem:s26+$0xC920]  }
0x628: {  	v18 =	vld [tilespmem:s26+$0xC930]  }
0x629: {  	v19 =	vld [tilespmem:s26+$0xC940]  }
0x62a: {  	v20 =	vld [tilespmem:s26+$0xC950]  }
0x62b: {  	v21 =	vld [tilespmem:s26+$0xC960]  }
0x62c: {  	v22 =	vld [tilespmem:s26+$0xC970]  }
0x62d: {  	v23 =	vld [tilespmem:s26+$0xCD00]  }
0x62e: {  	v24 =	vld [tilespmem:s26+$0xCD10]  }
0x62f: {  	v25 =	vld [tilespmem:s26+$0xCD20]  }
0x630: {  	v26 =	vld [tilespmem:s26+$0xCD30]  }
0x631: {  	v27 =	vld [tilespmem:s26+$0xCD40]  }
0x632: {  	v28 =	vld [tilespmem:s26+$0xCD50]  }
0x633: {  	v29 =	vld [tilespmem:s26+$0xCD60]  }
0x634: {  	v30 =	vld [tilespmem:s26+$0xCD70]  }
0x635: {  	v31 =	vld [tilespmem:s26+$0xD100]  }
0x636: {  	v32 =	vld [tilespmem:s26+$0xD110]  }
0x637: {  	v33 =	vld [tilespmem:s26+$0xD120]  }
0x638: {  	v34 =	vld [tilespmem:s26+$0xD130]  }
0x639: {  	v35 =	vld [tilespmem:s26+$0xD140]  }
0x63a: {  	v36 =	vld [tilespmem:s26+$0xD150]  }
0x63b: {  	v37 =	vld [tilespmem:s26+$0xD160]  }
0x63c: {  	v38 =	vld [tilespmem:s26+$0xD170]  }
0x63d: {  	v52 =	vld [tilespmem:s26+$0xD500]  }
0x63e: {  	v53 =	vld [tilespmem:s26+$0xD510]  }
0x63f: {  	v54 =	vld [tilespmem:s26+$0xD520]  }
0x640: {  	v55 =	vld [tilespmem:s26+$0xD530]  }
0x641: {  	v56 =	vld [tilespmem:s26+$0xD540]  }
0x642: {  	v57 =	vld [tilespmem:s26+$0xD550]  }
0x643: {  	v58 =	vld [tilespmem:s26+$0xD560]  }
0x644: {  	v59 =	vld [tilespmem:s26+$0xD570]  }
0x645: {  	v60 =	vld [tilespmem:s26+$0xD900]  }
0x646: {  	v61 =	vld [tilespmem:s26+$0xD910]  }
0x647: {  	v62 =	vld [tilespmem:s26+$0xD920]  }
0x648: {  	v63 =	vld [tilespmem:s26+$0xD930]  }
0x649: {  	v6 =	vld [tilespmem:s26+$0xD940]  }
0x64a: {  	v5 =	vld [tilespmem:s26+$0xD950]  }
0x64b: {  	[tilespmem:s26+$0x1970] =	vst.add.f32.msk $0xffff, v4  }
0x64c: {  	v4 =	vld [tilespmem:s26+$0xD960]  }
0x64d: {  	[tilespmem:s26+$0x500] =	vst.add.f32.msk $0xffff, v7  }
0x64e: {  	[tilespmem:s26+$0x510] =	vst.add.f32.msk $0xffff, v8  }
0x64f: {  	[tilespmem:s26+$0x520] =	vst.add.f32.msk $0xffff, v9  }
0x650: {  	[tilespmem:s26+$0x530] =	vst.add.f32.msk $0xffff, v10  }
0x651: {  	[tilespmem:s26+$0x540] =	vst.add.f32.msk $0xffff, v11  }
0x652: {  	[tilespmem:s26+$0x550] =	vst.add.f32.msk $0xffff, v12  }
0x653: {  	[tilespmem:s26+$0x560] =	vst.add.f32.msk $0xffff, v13  }
0x654: {  	[tilespmem:s26+$0x570] =	vst.add.f32.msk $0xffff, v14  }
0x655: {  	[tilespmem:s26+$0x900] =	vst.add.f32.msk $0xffff, v15  }
0x656: {  	[tilespmem:s26+$0x910] =	vst.add.f32.msk $0xffff, v16  }
0x657: {  	[tilespmem:s26+$0x920] =	vst.add.f32.msk $0xffff, v17  }
0x658: {  	[tilespmem:s26+$0x930] =	vst.add.f32.msk $0xffff, v18  }
0x659: {  	[tilespmem:s26+$0x940] =	vst.add.f32.msk $0xffff, v19  }
0x65a: {  	[tilespmem:s26+$0x950] =	vst.add.f32.msk $0xffff, v20  }
0x65b: {  	[tilespmem:s26+$0x960] =	vst.add.f32.msk $0xffff, v21  }
0x65c: {  	[tilespmem:s26+$0x970] =	vst.add.f32.msk $0xffff, v22  }
0x65d: {  	[tilespmem:s26+$0xD00] =	vst.add.f32.msk $0xffff, v23  }
0x65e: {  	[tilespmem:s26+$0xD10] =	vst.add.f32.msk $0xffff, v24  }
0x65f: {  	[tilespmem:s26+$0xD20] =	vst.add.f32.msk $0xffff, v25  }
0x660: {  	[tilespmem:s26+$0xD30] =	vst.add.f32.msk $0xffff, v26  }
0x661: {  	[tilespmem:s26+$0xD40] =	vst.add.f32.msk $0xffff, v27  }
0x662: {  	[tilespmem:s26+$0xD50] =	vst.add.f32.msk $0xffff, v28  }
0x663: {  	[tilespmem:s26+$0xD60] =	vst.add.f32.msk $0xffff, v29  }
0x664: {  	[tilespmem:s26+$0xD70] =	vst.add.f32.msk $0xffff, v30  }
0x665: {  	[tilespmem:s26+$0x1100] =	vst.add.f32.msk $0xffff, v31  }
0x666: {  	[tilespmem:s26+$0x1110] =	vst.add.f32.msk $0xffff, v32  }
0x667: {  	[tilespmem:s26+$0x1120] =	vst.add.f32.msk $0xffff, v33  }
0x668: {  	[tilespmem:s26+$0x1130] =	vst.add.f32.msk $0xffff, v34  }
0x669: {  	[tilespmem:s26+$0x1140] =	vst.add.f32.msk $0xffff, v35  }
0x66a: {  	[tilespmem:s26+$0x1150] =	vst.add.f32.msk $0xffff, v36  }
0x66b: {  	[tilespmem:s26+$0x1160] =	vst.add.f32.msk $0xffff, v37  }
0x66c: {  	[tilespmem:s26+$0x1170] =	vst.add.f32.msk $0xffff, v38  }
0x66d: {  	[tilespmem:s26+$0x1500] =	vst.add.f32.msk $0xffff, v52  }
0x66e: {  	[tilespmem:s26+$0x1510] =	vst.add.f32.msk $0xffff, v53  }
0x66f: {  	[tilespmem:s26+$0x1520] =	vst.add.f32.msk $0xffff, v54  }
0x670: {  	[tilespmem:s26+$0x1530] =	vst.add.f32.msk $0xffff, v55  }
0x671: {  	[tilespmem:s26+$0x1540] =	vst.add.f32.msk $0xffff, v56  }
0x672: {  	[tilespmem:s26+$0x1550] =	vst.add.f32.msk $0xffff, v57  }
0x673: {  	[tilespmem:s26+$0x1560] =	vst.add.f32.msk $0xffff, v58  }
0x674: {  	[tilespmem:s26+$0x1570] =	vst.add.f32.msk $0xffff, v59  }
0x675: {  	[tilespmem:s26+$0x1900] =	vst.add.f32.msk $0xffff, v60  }
0x676: {  	[tilespmem:s26+$0x1910] =	vst.add.f32.msk $0xffff, v61  }
0x677: {  	[tilespmem:s26+$0x1920] =	vst.add.f32.msk $0xffff, v62  }
0x678: {  	s29 =	simm.s32 $0x0;
	s28 =	simm.s32 $0x2;
	[tilespmem:s26+$0x1930] =	vst.add.f32.msk $0xffff, v63  }
.LBB2_8:
0x679: {  	p0 =	sne.s32 s28, $0x3F;
	s29 =	smul.u32 $0x1800, s29;
	[tilespmem:s26+$0x1940] =	vst.add.f32.msk $0xffff, v6;
	s25 =	sadd.s32 $0x80, s25  }
0x67a: {  	s30 =	sand.u32 $0x380, s25;
	[tilespmem:s26+$0x1950] =	vst.add.f32.msk $0xffff, v5  }
0x67b: {  	[tilespmem:s26+$0x1960] =	vst.add.f32.msk $0xffff, v4;
	s26 =	sor.u32 s30, s29  }
0x67c: {  	v4 =	vld [tilespmem:s26+$0xD970]  }
0x67d: {  	v7 =	vld [tilespmem:s26+$0xC500]  }
0x67e: {  	v8 =	vld [tilespmem:s26+$0xC510]  }
0x67f: {  	v9 =	vld [tilespmem:s26+$0xC520]  }
0x680: {  	v10 =	vld [tilespmem:s26+$0xC530]  }
0x681: {  	[tilespmem:s26+$0x1970] =	vst.add.f32.msk $0xffff, v4  }
0x682: {  	v11 =	vld [tilespmem:s26+$0xC540]  }
0x683: {  	v12 =	vld [tilespmem:s26+$0xC550]  }
0x684: {  	v13 =	vld [tilespmem:s26+$0xC560]  }
0x685: {  	v14 =	vld [tilespmem:s26+$0xC570]  }
0x686: {  	v15 =	vld [tilespmem:s26+$0xC900]  }
0x687: {  	v16 =	vld [tilespmem:s26+$0xC910]  }
0x688: {  	v17 =	vld [tilespmem:s26+$0xC920]  }
0x689: {  	v18 =	vld [tilespmem:s26+$0xC930]  }
0x68a: {  	v19 =	vld [tilespmem:s26+$0xC940]  }
0x68b: {  	v20 =	vld [tilespmem:s26+$0xC950]  }
0x68c: {  	v21 =	vld [tilespmem:s26+$0xC960]  }
0x68d: {  	v22 =	vld [tilespmem:s26+$0xC970]  }
0x68e: {  	v23 =	vld [tilespmem:s26+$0xCD00]  }
0x68f: {  	v24 =	vld [tilespmem:s26+$0xCD10]  }
0x690: {  	v25 =	vld [tilespmem:s26+$0xCD20]  }
0x691: {  	v26 =	vld [tilespmem:s26+$0xCD30]  }
0x692: {  	v27 =	vld [tilespmem:s26+$0xCD40]  }
0x693: {  	v28 =	vld [tilespmem:s26+$0xCD50]  }
0x694: {  	v29 =	vld [tilespmem:s26+$0xCD60]  }
0x695: {  	v30 =	vld [tilespmem:s26+$0xCD70]  }
0x696: {  	v31 =	vld [tilespmem:s26+$0xD100]  }
0x697: {  	v32 =	vld [tilespmem:s26+$0xD110]  }
0x698: {  	v33 =	vld [tilespmem:s26+$0xD120]  }
0x699: {  	v34 =	vld [tilespmem:s26+$0xD130]  }
0x69a: {  	v35 =	vld [tilespmem:s26+$0xD140]  }
0x69b: {  	v36 =	vld [tilespmem:s26+$0xD150]  }
0x69c: {  	v37 =	vld [tilespmem:s26+$0xD160]  }
0x69d: {  	v38 =	vld [tilespmem:s26+$0xD170]  }
0x69e: {  	v39 =	vld [tilespmem:s26+$0xD500]  }
0x69f: {  	v40 =	vld [tilespmem:s26+$0xD510]  }
0x6a0: {  	v41 =	vld [tilespmem:s26+$0xD520]  }
0x6a1: {  	v42 =	vld [tilespmem:s26+$0xD530]  }
0x6a2: {  	v43 =	vld [tilespmem:s26+$0xD540]  }
0x6a3: {  	v44 =	vld [tilespmem:s26+$0xD550]  }
0x6a4: {  	v45 =	vld [tilespmem:s26+$0xD560]  }
0x6a5: {  	v46 =	vld [tilespmem:s26+$0xD570]  }
0x6a6: {  	v47 =	vld [tilespmem:s26+$0xD900]  }
0x6a7: {  	v48 =	vld [tilespmem:s26+$0xD910]  }
0x6a8: {  	v49 =	vld [tilespmem:s26+$0xD920]  }
0x6a9: {  	v50 =	vld [tilespmem:s26+$0xD930]  }
0x6aa: {  	v6 =	vld [tilespmem:s26+$0xD940]  }
0x6ab: {  	v5 =	vld [tilespmem:s26+$0xD950]  }
0x6ac: {  	v4 =	vld [tilespmem:s26+$0xD960]  }
0x6ad: {  	[tilespmem:s26+$0x500] =	vst.add.f32.msk $0xffff, v7  }
0x6ae: {  	[tilespmem:s26+$0x510] =	vst.add.f32.msk $0xffff, v8  }
0x6af: {  	[tilespmem:s26+$0x520] =	vst.add.f32.msk $0xffff, v9  }
0x6b0: {  	[tilespmem:s26+$0x530] =	vst.add.f32.msk $0xffff, v10  }
0x6b1: {  	[tilespmem:s26+$0x540] =	vst.add.f32.msk $0xffff, v11  }
0x6b2: {  	[tilespmem:s26+$0x550] =	vst.add.f32.msk $0xffff, v12  }
0x6b3: {  	[tilespmem:s26+$0x560] =	vst.add.f32.msk $0xffff, v13  }
0x6b4: {  	[tilespmem:s26+$0x570] =	vst.add.f32.msk $0xffff, v14  }
0x6b5: {  	[tilespmem:s26+$0x900] =	vst.add.f32.msk $0xffff, v15  }
0x6b6: {  	[tilespmem:s26+$0x910] =	vst.add.f32.msk $0xffff, v16  }
0x6b7: {  	[tilespmem:s26+$0x920] =	vst.add.f32.msk $0xffff, v17  }
0x6b8: {  	[tilespmem:s26+$0x930] =	vst.add.f32.msk $0xffff, v18  }
0x6b9: {  	[tilespmem:s26+$0x940] =	vst.add.f32.msk $0xffff, v19  }
0x6ba: {  	[tilespmem:s26+$0x950] =	vst.add.f32.msk $0xffff, v20  }
0x6bb: {  	[tilespmem:s26+$0x960] =	vst.add.f32.msk $0xffff, v21  }
0x6bc: {  	[tilespmem:s26+$0x970] =	vst.add.f32.msk $0xffff, v22  }
0x6bd: {  	[tilespmem:s26+$0xD00] =	vst.add.f32.msk $0xffff, v23  }
0x6be: {  	[tilespmem:s26+$0xD10] =	vst.add.f32.msk $0xffff, v24  }
0x6bf: {  	[tilespmem:s26+$0xD20] =	vst.add.f32.msk $0xffff, v25  }
0x6c0: {  	[tilespmem:s26+$0xD30] =	vst.add.f32.msk $0xffff, v26  }
0x6c1: {  	[tilespmem:s26+$0xD40] =	vst.add.f32.msk $0xffff, v27  }
0x6c2: {  	[tilespmem:s26+$0xD50] =	vst.add.f32.msk $0xffff, v28  }
0x6c3: {  	[tilespmem:s26+$0xD60] =	vst.add.f32.msk $0xffff, v29  }
0x6c4: {  	[tilespmem:s26+$0xD70] =	vst.add.f32.msk $0xffff, v30  }
0x6c5: {  	[tilespmem:s26+$0x1100] =	vst.add.f32.msk $0xffff, v31  }
0x6c6: {  	[tilespmem:s26+$0x1110] =	vst.add.f32.msk $0xffff, v32  }
0x6c7: {  	[tilespmem:s26+$0x1120] =	vst.add.f32.msk $0xffff, v33  }
0x6c8: {  	[tilespmem:s26+$0x1130] =	vst.add.f32.msk $0xffff, v34  }
0x6c9: {  	[tilespmem:s26+$0x1140] =	vst.add.f32.msk $0xffff, v35  }
0x6ca: {  	[tilespmem:s26+$0x1150] =	vst.add.f32.msk $0xffff, v36  }
0x6cb: {  	[tilespmem:s26+$0x1160] =	vst.add.f32.msk $0xffff, v37  }
0x6cc: {  	[tilespmem:s26+$0x1170] =	vst.add.f32.msk $0xffff, v38  }
0x6cd: {  	[tilespmem:s26+$0x1500] =	vst.add.f32.msk $0xffff, v39  }
0x6ce: {  	[tilespmem:s26+$0x1510] =	vst.add.f32.msk $0xffff, v40  }
0x6cf: {  	[tilespmem:s26+$0x1520] =	vst.add.f32.msk $0xffff, v41  }
0x6d0: {  	[tilespmem:s26+$0x1530] =	vst.add.f32.msk $0xffff, v42  }
0x6d1: {  	[tilespmem:s26+$0x1540] =	vst.add.f32.msk $0xffff, v43  }
0x6d2: {  	[tilespmem:s26+$0x1550] =	vst.add.f32.msk $0xffff, v44  }
0x6d3: {  	[tilespmem:s26+$0x1560] =	vst.add.f32.msk $0xffff, v45  }
.Ltmp3:
0x6d4: {  	[tilespmem:s26+$0x1570] =	vst.add.f32.msk $0xffff, v46;
	(pc) =	sbr.rel @p0 .LBB2_8-.Ltmp3, $4  }
0x6d5: {  	[tilespmem:s26+$0x1900] =	vst.add.f32.msk $0xffff, v47  }
0x6d6: {  	[tilespmem:s26+$0x1910] =	vst.add.f32.msk $0xffff, v48  }
0x6d7: {  	[tilespmem:s26+$0x1920] =	vst.add.f32.msk $0xffff, v49  }
0x6d8: {  	s29 =	sshrl.u32 s28, $0x3;
	s28 =	sadd.s32 $0x1, s28;
	[tilespmem:s26+$0x1930] =	vst.add.f32.msk $0xffff, v50  }
0x6d9: {  	s28 =	smul.u32 $0x1800, s29;
	[tilespmem:s26+$0x1940] =	vst.add.f32.msk $0xffff, v6;
	s25 =	sadd.s32 $0x80, s25  }
0x6da: {  	[tilespmem:s26+$0x1950] =	vst.add.f32.msk $0xffff, v5;
	s25 =	sand.u32 $0x380, s25  }
0x6db: {  	[tilespmem:s26+$0x1960] =	vst.add.f32.msk $0xffff, v4;
	s25 =	sor.u32 s25, s28  }
0x6dc: {  	v4 =	vld [tilespmem:s25+$0xD970]  }
0x6dd: {  	v5 =	vld [tilespmem:s25+$0xC500]  }
0x6de: {  	v6 =	vld [tilespmem:s25+$0xC510]  }
0x6df: {  	v7 =	vld [tilespmem:s25+$0xC520]  }
0x6e0: {  	v8 =	vld [tilespmem:s25+$0xC530]  }
0x6e1: {  	v9 =	vld [tilespmem:s25+$0xC550]  }
0x6e2: {  	v10 =	vld [tilespmem:s25+$0xC560]  }
0x6e3: {  	v11 =	vld [tilespmem:s25+$0xC570]  }
0x6e4: {  	v12 =	vld [tilespmem:s25+$0xC900]  }
0x6e5: {  	v13 =	vld [tilespmem:s25+$0xC910]  }
0x6e6: {  	v14 =	vld [tilespmem:s25+$0xC920]  }
0x6e7: {  	v15 =	vld [tilespmem:s25+$0xC930]  }
0x6e8: {  	v16 =	vld [tilespmem:s25+$0xC940]  }
0x6e9: {  	v17 =	vld [tilespmem:s25+$0xC950]  }
0x6ea: {  	v18 =	vld [tilespmem:s25+$0xC960]  }
0x6eb: {  	v19 =	vld [tilespmem:s25+$0xC970]  }
0x6ec: {  	v20 =	vld [tilespmem:s25+$0xCD00]  }
0x6ed: {  	v21 =	vld [tilespmem:s25+$0xCD10]  }
0x6ee: {  	v22 =	vld [tilespmem:s25+$0xCD20]  }
0x6ef: {  	v23 =	vld [tilespmem:s25+$0xCD30]  }
0x6f0: {  	v24 =	vld [tilespmem:s25+$0xCD40]  }
0x6f1: {  	v25 =	vld [tilespmem:s25+$0xCD50]  }
0x6f2: {  	v26 =	vld [tilespmem:s25+$0xCD60]  }
0x6f3: {  	v27 =	vld [tilespmem:s25+$0xCD70]  }
0x6f4: {  	v28 =	vld [tilespmem:s25+$0xD100]  }
0x6f5: {  	v29 =	vld [tilespmem:s25+$0xD110]  }
0x6f6: {  	v30 =	vld [tilespmem:s25+$0xD120]  }
0x6f7: {  	v31 =	vld [tilespmem:s25+$0xD130]  }
0x6f8: {  	v32 =	vld [tilespmem:s25+$0xD140]  }
0x6f9: {  	v33 =	vld [tilespmem:s25+$0xD150]  }
0x6fa: {  	v34 =	vld [tilespmem:s25+$0xD160]  }
0x6fb: {  	v35 =	vld [tilespmem:s25+$0xD170]  }
0x6fc: {  	v36 =	vld [tilespmem:s25+$0xD500]  }
0x6fd: {  	v37 =	vld [tilespmem:s25+$0xD510]  }
0x6fe: {  	v38 =	vld [tilespmem:s25+$0xD520]  }
0x6ff: {  	v39 =	vld [tilespmem:s25+$0xD530]  }
0x700: {  	v40 =	vld [tilespmem:s25+$0xD540]  }
0x701: {  	v41 =	vld [tilespmem:s25+$0xD550]  }
0x702: {  	v42 =	vld [tilespmem:s25+$0xD560]  }
0x703: {  	v43 =	vld [tilespmem:s25+$0xD570]  }
0x704: {  	v44 =	vld [tilespmem:s25+$0xD900]  }
0x705: {  	v45 =	vld [tilespmem:s25+$0xD910]  }
0x706: {  	v46 =	vld [tilespmem:s25+$0xD920]  }
0x707: {  	v47 =	vld [tilespmem:s25+$0xD930]  }
0x708: {  	v48 =	vld [tilespmem:s25+$0xD940]  }
0x709: {  	v49 =	vld [tilespmem:s25+$0xD950]  }
0x70a: {  	v50 =	vld [tilespmem:s25+$0xD960]  }
0x70b: {  	[tilespmem:s25+$0x1970] =	vst.add.f32.msk $0xffff, v4  }
0x70c: {  	v4 =	vld [tilespmem:s25+$0xC540]  }
0x70d: {  	[tilespmem:s25+$0x500] =	vst.add.f32.msk $0xffff, v5  }
0x70e: {  	[tilespmem:s25+$0x510] =	vst.add.f32.msk $0xffff, v6  }
0x70f: {  	[tilespmem:s25+$0x520] =	vst.add.f32.msk $0xffff, v7  }
0x710: {  	[tilespmem:s25+$0x530] =	vst.add.f32.msk $0xffff, v8  }
0x711: {  	[tilespmem:s25+$0x550] =	vst.add.f32.msk $0xffff, v9  }
0x712: {  	[tilespmem:s25+$0x560] =	vst.add.f32.msk $0xffff, v10  }
0x713: {  	[tilespmem:s25+$0x570] =	vst.add.f32.msk $0xffff, v11  }
0x714: {  	[tilespmem:s25+$0x900] =	vst.add.f32.msk $0xffff, v12  }
0x715: {  	[tilespmem:s25+$0x910] =	vst.add.f32.msk $0xffff, v13  }
0x716: {  	[tilespmem:s25+$0x920] =	vst.add.f32.msk $0xffff, v14  }
0x717: {  	[tilespmem:s25+$0x930] =	vst.add.f32.msk $0xffff, v15  }
0x718: {  	[tilespmem:s25+$0x940] =	vst.add.f32.msk $0xffff, v16  }
0x719: {  	[tilespmem:s25+$0x950] =	vst.add.f32.msk $0xffff, v17  }
0x71a: {  	[tilespmem:s25+$0x960] =	vst.add.f32.msk $0xffff, v18  }
0x71b: {  	[tilespmem:s25+$0x970] =	vst.add.f32.msk $0xffff, v19  }
0x71c: {  	[tilespmem:s25+$0xD00] =	vst.add.f32.msk $0xffff, v20  }
0x71d: {  	[tilespmem:s25+$0xD10] =	vst.add.f32.msk $0xffff, v21  }
0x71e: {  	[tilespmem:s25+$0xD20] =	vst.add.f32.msk $0xffff, v22  }
0x71f: {  	[tilespmem:s25+$0xD30] =	vst.add.f32.msk $0xffff, v23  }
0x720: {  	[tilespmem:s25+$0xD40] =	vst.add.f32.msk $0xffff, v24  }
0x721: {  	[tilespmem:s25+$0xD50] =	vst.add.f32.msk $0xffff, v25  }
0x722: {  	[tilespmem:s25+$0xD60] =	vst.add.f32.msk $0xffff, v26  }
0x723: {  	[tilespmem:s25+$0xD70] =	vst.add.f32.msk $0xffff, v27  }
0x724: {  	[tilespmem:s25+$0x1100] =	vst.add.f32.msk $0xffff, v28  }
0x725: {  	[tilespmem:s25+$0x1110] =	vst.add.f32.msk $0xffff, v29  }
0x726: {  	[tilespmem:s25+$0x1120] =	vst.add.f32.msk $0xffff, v30  }
0x727: {  	[tilespmem:s25+$0x1130] =	vst.add.f32.msk $0xffff, v31  }
0x728: {  	[tilespmem:s25+$0x1140] =	vst.add.f32.msk $0xffff, v32  }
0x729: {  	[tilespmem:s25+$0x1150] =	vst.add.f32.msk $0xffff, v33  }
0x72a: {  	[tilespmem:s25+$0x1160] =	vst.add.f32.msk $0xffff, v34  }
0x72b: {  	[tilespmem:s25+$0x1170] =	vst.add.f32.msk $0xffff, v35  }
0x72c: {  	[tilespmem:s25+$0x1500] =	vst.add.f32.msk $0xffff, v36  }
0x72d: {  	[tilespmem:s25+$0x1510] =	vst.add.f32.msk $0xffff, v37  }
0x72e: {  	[tilespmem:s25+$0x1520] =	vst.add.f32.msk $0xffff, v38  }
0x72f: {  	[tilespmem:s25+$0x1530] =	vst.add.f32.msk $0xffff, v39  }
0x730: {  	[tilespmem:s25+$0x1540] =	vst.add.f32.msk $0xffff, v40  }
0x731: {  	[tilespmem:s25+$0x1550] =	vst.add.f32.msk $0xffff, v41  }
0x732: {  	[tilespmem:s25+$0x1560] =	vst.add.f32.msk $0xffff, v42  }
0x733: {  	[tilespmem:s25+$0x1570] =	vst.add.f32.msk $0xffff, v43  }
0x734: {  	[tilespmem:s25+$0x1900] =	vst.add.f32.msk $0xffff, v44  }
0x735: {  	[tilespmem:s25+$0x1910] =	vst.add.f32.msk $0xffff, v45  }
0x736: {  	[tilespmem:s25+$0x1920] =	vst.add.f32.msk $0xffff, v46  }
0x737: {  	[tilespmem:s25+$0x1930] =	vst.add.f32.msk $0xffff, v47  }
0x738: {  	[tilespmem:s25+$0x1940] =	vst.add.f32.msk $0xffff, v48  }
0x739: {  	[tilespmem:s25+$0x1950] =	vst.add.f32.msk $0xffff, v49  }
0x73a: {  	[tilespmem:s25+$0x1960] =	vst.add.f32.msk $0xffff, v50  }
0x73b: {  	s29 =	rddreg [dreg:$0x8];
	[tilespmem:s25+$0x540] =	vst.add.f32.msk $0xffff, v4  }
0x73c: {  	[hbm4b:s29+s3] =	stream.linear.scatter [tilespmem:s18], [sflag:$0x3], $0xC000, $0x38;
	[tilespmem:$0x18500] =	vst v63  }
0x73d: {  	_ =	swait.ge [sflag:s17], $0xC000  }
0x73e: {  	s24 =	sadd.s32 $0x1, s24;
	s30 =	rddreg [dreg:$0x9]  }
0x73f: {  	p0 =	sne.s32 s24, s30  }
.Ltmp4:
0x740: {  	_ = 	snop;
	(pc) =	sbr.rel @p0 .LBB2_1-.Ltmp4, $3  }
0x741: {  	_ =	sdelay $0x1  }
0x742: {  	[sflag:s17] =	ssyncset.done $0x0  }
0x743: {  	[sflag:s17] =	ssyncadd.s32 $0xFFFF4000  }
0x744: {  	_ =	sfence.sel $0x180000  }
0x745: {  	[bflag:$0x0] =	sbarrier.arrive $0xFFFF  }
0x746: {  	_ =	strace $0x90000047  }
0x747: {  	s0 =	stileid.u32;
	[bflag:$0x2] =	sbarrier.arrive $0xFFFF  }
0x748: {  	p0 =	sne.s32 s0, $0x0;
	s0 =	rddreg [dreg:$0x3]  }
0x749: {  	s0 =	sadd.s32 @!p0 $0x100000, s0  }
0x74a: {  	[sflag:s0] =	ssyncadd.tile.s32 @!p0 $0x1;
	_ =	shalt  }
.Lfunc_end2:
_tile_overlayer_lowered:
.L_overlay_start_2:
0x74b: {  	(tag) =	ssettag $0x2  }
0x74c: {  	s0 =	rddreg [dreg:$0x0];
	s2 =	stileid.u32  }
0x74d: {  	s1 =	rddreg [dreg:$0x1];
	p0 =	sne.s32 s2, $0x0  }
0x74e: {  	s3 =	rddreg [dreg:$0x2];
	[bflag:$0x3] =	sbarrier.arrive $0xFFFF;
	s2 =	simm.s32 @!p0 $0x1C03  }
0x74f: {  	[timem:s3], [sflag:s2] =	dma.local @!p0 [hbm:s0], s1  }
0x750: {  	s0 =	simm.s32 @!p0 $0x3  }
0x751: {  	_ =	swait.ge @!p0 [sflag:s0], s1  }
0x752: {  	s1 =	ssub.s32 @!p0 $0x0, s1;
	[sflag:s0] =	ssyncset.done @!p0 $0x0  }
0x753: {  	[sflag:s0] =	ssyncadd.s32 @!p0 s1  }
0x754: {  	[bflag:$0x3] =	sbarrier.arrive $0xFFFF  }
0x755: {  	_ =	shalt  }

</sc_bundles>
